<compile_context>
chip_gen: v7x
topology: tpu7x:2x2x1
jax: 0.10.2.dev20260603
libtpu: 0.0.44.dev20260713+nightly
codegen_flags: <defaults>
</compile_context>

<pallas_src>
import functools

import jax
import jax.numpy as jnp
from jax import lax
from jax.experimental import pallas as pl
from jax.experimental.pallas import tpu as pltpu
from jax.experimental.pallas import tpu_sc as plsc

VOC_SIZ = 100000
EMB_DIM = 64
NUM_POS = 2048
B, T = 64, 2048

_NC, _NS, _L = 2, 16, 16
_NW = _NC * _NS
_DPW = EMB_DIM // _NW
_NIB = 4
_NOB = 4


def _emb_body(idx_hbm, table_hbm, pos_hbm, emb_out, tok_out, pos_out,
              row_v, pos_v, idx_bufs, tok_bufs, emb_bufs,
              s_row, s_pos, s_idx, s_tok, s_emb):
    wid = lax.axis_index("s") * _NC + lax.axis_index("c")

    def compute(b, jj, d):
        ob = jj % _NOB

        @plsc.parallel_loop(0, T, step=_L, unroll=8)
        def _grp(t):
            sl = pl.ds(t, _L)
            iv = idx_bufs[jj][sl]
            tv = plsc.load_gather(row_v, [iv])
            tok_bufs[ob][sl] = tv
            emb_bufs[ob][sl] = tv + pos_v[sl]

        pltpu.async_copy(tok_bufs[ob], tok_out.at[b, d], s_tok[ob])
        pltpu.async_copy(emb_bufs[ob], emb_out.at[b, d], s_emb[ob])

    def wait_writes(b, jj, d):
        ob = jj % _NOB
        pltpu.make_async_copy(tok_bufs[ob], tok_out.at[b, d], s_tok[ob]).wait()
        pltpu.make_async_copy(emb_bufs[ob], emb_out.at[b, d], s_emb[ob]).wait()

    for u in range(_DPW):
        d = wid + u * _NW
        cp_row = pltpu.async_copy(table_hbm.at[d], row_v, s_row)
        cp_pos = pltpu.async_copy(pos_hbm.at[d], pos_v, s_pos)
        for j in range(_NIB):
            pltpu.async_copy(idx_hbm.at[j], idx_bufs[j], s_idx[j])
        cp_pos.wait()
        pltpu.sync_copy(pos_v, pos_out.at[d])
        cp_row.wait()

        for jj in range(_NIB):
            b = jj
            pltpu.make_async_copy(idx_hbm.at[b], idx_bufs[jj], s_idx[jj]).wait()
            if b >= _NOB:
                wait_writes(b - _NOB, jj, d)
            elif u > 0:
                wait_writes(B - _NOB + b, jj, d - _NW)
            compute(b, jj, d)
            if b + _NIB < B:
                pltpu.async_copy(idx_hbm.at[b + _NIB], idx_bufs[jj], s_idx[jj])

        def blk(g, c, d=d):
            for jj in range(_NIB):
                b = g * _NIB + jj
                pltpu.make_async_copy(
                    idx_hbm.at[b], idx_bufs[jj], s_idx[jj]).wait()
                wait_writes(b - _NOB, jj, d)
                compute(b, jj, d)

                @pl.when(b + _NIB < B)
                def _():
                    pltpu.async_copy(
                        idx_hbm.at[b + _NIB], idx_bufs[jj], s_idx[jj])
            return c
        lax.fori_loop(1, B // _NIB, blk, 0)

    d_last = wid + (_DPW - 1) * _NW
    for b in range(B - _NOB, B):
        wait_writes(b, b % _NIB, d_last)


@jax.jit
def _emb_call(idx2d, table_t, pos_t):
    mesh = plsc.VectorSubcoreMesh(core_axis_name="c", subcore_axis_name="s")
    out_type = (
        jax.ShapeDtypeStruct((B, EMB_DIM, T), jnp.float32),
        jax.ShapeDtypeStruct((B, EMB_DIM, T), jnp.float32),
        jax.ShapeDtypeStruct((EMB_DIM, NUM_POS), jnp.float32),
    )
    scratch = [
        pltpu.VMEM((VOC_SIZ,), jnp.float32),
        pltpu.VMEM((T,), jnp.float32),
        [pltpu.VMEM((T,), jnp.int32)] * _NIB,
        [pltpu.VMEM((T,), jnp.float32)] * _NOB,
        [pltpu.VMEM((T,), jnp.float32)] * _NOB,
        pltpu.SemaphoreType.DMA,
        pltpu.SemaphoreType.DMA,
        [pltpu.SemaphoreType.DMA] * _NIB,
        [pltpu.SemaphoreType.DMA] * _NOB,
        [pltpu.SemaphoreType.DMA] * _NOB,
    ]
    fn = functools.partial(
        pl.kernel, mesh=mesh, out_type=out_type, scratch_types=scratch,
        compiler_params=pltpu.CompilerParams(
            needs_layout_passes=False,
            disable_bounds_checks=True,
            disable_semaphore_checks=True,
        ),
    )(_emb_body)
    return fn(idx2d, table_t, pos_t)


def kernel(batInpTokSeq, token_table, pos_table):
    idx2d = batInpTokSeq.astype(jnp.int32)
    emb, tok, pos = _emb_call(idx2d, token_table.T, pos_table.T)
    return (
        emb.transpose(0, 2, 1),
        tok.transpose(0, 2, 1),
        pos.T,
    )

# --- scband reference (transcript-rebuilt; emitter-appended) ---
"""Pipeline reference for scband-embedding-80410377715735 (READ-ONLY COPY).

The authoritative reference and input builder live on the scoring server;
editing this copy changes nothing except your own understanding.
"""

import jax, jax.numpy as jnp
import numpy as np

VOC_SIZ = 100000
EMB_DIM = 64
NUM_POS = 2048
B, T = 64, 2048

def setup_inputs(seed: int = 0) -> dict:
    key = jax.random.key(seed)
    k1, k2, k3 = jax.random.split(key, 3)
    batInpTokSeq = jax.random.randint(k1, (B, T), 0, VOC_SIZ, dtype=jnp.int64 if jax.config.jax_enable_x64 else jnp.int32)
    token_table = jax.random.normal(k2, (VOC_SIZ, EMB_DIM), dtype=jnp.float32)
    pos_table = jax.random.normal(k3, (NUM_POS, EMB_DIM), dtype=jnp.float32)
    return {"batInpTokSeq": batInpTokSeq, "token_table": token_table, "pos_table": pos_table}

def reference(batInpTokSeq, token_table, pos_table):
    Bq, Tq = batInpTokSeq.shape
    batPosEmb = jnp.take(pos_table, jnp.arange(Tq), axis=0)
    batInpTokEmb = jnp.take(token_table, batInpTokSeq, axis=0)
    batInpEmb = batInpTokEmb + batPosEmb[None, :, :]
    return (batInpEmb, batInpTokEmb, batPosEmb)

if __name__ == "__main__":
    import jax
    _d = setup_inputs()
    print(jax.jit(kernel)(*tuple(_d.values())))

</pallas_src>

<mosaic_0001>
#map = affine_map<(d0, d1) -> (0, 0)>
#map1 = affine_map<(d0, d1) -> (0, 0, 0)>
module attributes {stable_mosaic.version = 14 : i64} {
  func.func @_emb_body(%arg0: i32, %arg1: i32, %arg2: memref<64x2048xi32, #tpu.memory_space<hbm>>, %arg3: memref<64x100000xf32, #tpu.memory_space<hbm>>, %arg4: memref<64x2048xf32, #tpu.memory_space<hbm>>, %arg5: memref<64x64x2048xf32, #tpu.memory_space<hbm>>, %arg6: memref<64x64x2048xf32, #tpu.memory_space<hbm>>, %arg7: memref<64x2048xf32, #tpu.memory_space<hbm>>, %arg8: memref<100000xf32, #tpu.memory_space<vmem>>, %arg9: memref<2048xf32, #tpu.memory_space<vmem>>, %arg10: memref<2048xi32, #tpu.memory_space<vmem>>, %arg11: memref<2048xi32, #tpu.memory_space<vmem>>, %arg12: memref<2048xi32, #tpu.memory_space<vmem>>, %arg13: memref<2048xi32, #tpu.memory_space<vmem>>, %arg14: memref<2048xf32, #tpu.memory_space<vmem>>, %arg15: memref<2048xf32, #tpu.memory_space<vmem>>, %arg16: memref<2048xf32, #tpu.memory_space<vmem>>, %arg17: memref<2048xf32, #tpu.memory_space<vmem>>, %arg18: memref<2048xf32, #tpu.memory_space<vmem>>, %arg19: memref<2048xf32, #tpu.memory_space<vmem>>, %arg20: memref<2048xf32, #tpu.memory_space<vmem>>, %arg21: memref<2048xf32, #tpu.memory_space<vmem>>, %arg22: memref<!tpu.dma_semaphore, #tpu.memory_space<semaphore_mem>>, %arg23: memref<!tpu.dma_semaphore, #tpu.memory_space<semaphore_mem>>, %arg24: memref<!tpu.dma_semaphore, #tpu.memory_space<semaphore_mem>>, %arg25: memref<!tpu.dma_semaphore, #tpu.memory_space<semaphore_mem>>, %arg26: memref<!tpu.dma_semaphore, #tpu.memory_space<semaphore_mem>>, %arg27: memref<!tpu.dma_semaphore, #tpu.memory_space<semaphore_mem>>, %arg28: memref<!tpu.dma_semaphore, #tpu.memory_space<semaphore_mem>>, %arg29: memref<!tpu.dma_semaphore, #tpu.memory_space<semaphore_mem>>, %arg30: memref<!tpu.dma_semaphore, #tpu.memory_space<semaphore_mem>>, %arg31: memref<!tpu.dma_semaphore, #tpu.memory_space<semaphore_mem>>, %arg32: memref<!tpu.dma_semaphore, #tpu.memory_space<semaphore_mem>>, %arg33: memref<!tpu.dma_semaphore, #tpu.memory_space<semaphore_mem>>, %arg34: memref<!tpu.dma_semaphore, #tpu.memory_space<semaphore_mem>>, %arg35: memref<!tpu.dma_semaphore, #tpu.memory_space<semaphore_mem>>) attributes {dimension_semantics = [#tpu.dimension_semantics<core_parallel>, #tpu.dimension_semantics<subcore_parallel>], iteration_bounds = array<i64: 2, 16>, scalar_prefetch = 0 : i64, scratch_operands = 28 : i64, tpu.core_type = #tpu.core_type<sc_vector_subcore>, window_params = [{transform_indices = #map}, {transform_indices = #map}, {transform_indices = #map}, {transform_indices = #map1}, {transform_indices = #map1}, {transform_indices = #map}]} {
    %mul3A = arith.constant 2 : i32
    %mul3A_0 = arith.muli %arg1, %mul3A : i32
    %add3A = arith.addi %mul3A_0, %arg0 : i32
    %add3A_1 = arith.constant 0 : i32
    %add3A_2 = arith.addi %add3A, %add3A_1 : i32
    %dma_start3A = arith.constant 0 : i32
    %dma_start3A_3 = tpu.memref_slice %arg3[%add3A_2, %dma_start3A] : memref<64x100000xf32, #tpu.memory_space<hbm>> -> memref<1x100000xf32, #tpu.memory_space<hbm>>
    %dma_start3A_4 = tpu.memref_squeeze %dma_start3A_3 : memref<1x100000xf32, #tpu.memory_space<hbm>> -> memref<100000xf32, #tpu.memory_space<hbm>>
    %dma_start3A_5 = arith.constant 0 : i32
    %dma_start3A_6 = tpu.memref_slice %arg3[%add3A_2, %dma_start3A_5] : memref<64x100000xf32, #tpu.memory_space<hbm>> -> memref<1x100000xf32, #tpu.memory_space<hbm>>
    %dma_start3A_7 = tpu.memref_squeeze %dma_start3A_6 : memref<1x100000xf32, #tpu.memory_space<hbm>> -> memref<100000xf32, #tpu.memory_space<hbm>>
    tpu.enqueue_dma source(%dma_start3A_7 : memref<100000xf32, #tpu.memory_space<hbm>>) target(%arg8 : memref<100000xf32, #tpu.memory_space<vmem>>) target_semaphore(%arg22 : memref<!tpu.dma_semaphore, #tpu.memory_space<semaphore_mem>>)
    %dma_start3A_8 = arith.constant 0 : i32
    %dma_start3A_9 = tpu.memref_slice %arg4[%add3A_2, %dma_start3A_8] : memref<64x2048xf32, #tpu.memory_space<hbm>> -> memref<1x2048xf32, #tpu.memory_space<hbm>>
    %dma_start3A_10 = tpu.memref_squeeze %dma_start3A_9 : memref<1x2048xf32, #tpu.memory_space<hbm>> -> memref<2048xf32, #tpu.memory_space<hbm>>
    %dma_start3A_11 = arith.constant 0 : i32
    %dma_start3A_12 = tpu.memref_slice %arg4[%add3A_2, %dma_start3A_11] : memref<64x2048xf32, #tpu.memory_space<hbm>> -> memref<1x2048xf32, #tpu.memory_space<hbm>>
    %dma_start3A_13 = tpu.memref_squeeze %dma_start3A_12 : memref<1x2048xf32, #tpu.memory_space<hbm>> -> memref<2048xf32, #tpu.memory_space<hbm>>
    tpu.enqueue_dma source(%dma_start3A_13 : memref<2048xf32, #tpu.memory_space<hbm>>) target(%arg9 : memref<2048xf32, #tpu.memory_space<vmem>>) target_semaphore(%arg23 : memref<!tpu.dma_semaphore, #tpu.memory_space<semaphore_mem>>)
    %dma_start3A_14 = arith.constant 0 : i32
    %dma_start3A_15 = arith.constant 0 : i32
    %dma_start3A_16 = tpu.memref_slice %arg2[%dma_start3A_14, %dma_start3A_15] : memref<64x2048xi32, #tpu.memory_space<hbm>> -> memref<1x2048xi32, #tpu.memory_space<hbm>>
    %dma_start3A_17 = tpu.memref_squeeze %dma_start3A_16 : memref<1x2048xi32, #tpu.memory_space<hbm>> -> memref<2048xi32, #tpu.memory_space<hbm>>
    %dma_start3A_18 = arith.constant 0 : i32
    %dma_start3A_19 = tpu.memref_slice %arg2[%dma_start3A_14, %dma_start3A_18] : memref<64x2048xi32, #tpu.memory_space<hbm>> -> memref<1x2048xi32, #tpu.memory_space<hbm>>
    %dma_start3A_20 = tpu.memref_squeeze %dma_start3A_19 : memref<1x2048xi32, #tpu.memory_space<hbm>> -> memref<2048xi32, #tpu.memory_space<hbm>>
    tpu.enqueue_dma source(%dma_start3A_20 : memref<2048xi32, #tpu.memory_space<hbm>>) target(%arg10 : memref<2048xi32, #tpu.memory_space<vmem>>) target_semaphore(%arg24 : memref<!tpu.dma_semaphore, #tpu.memory_space<semaphore_mem>>)
    %dma_start3A_21 = arith.constant 1 : i32
    %dma_start3A_22 = arith.constant 0 : i32
    %dma_start3A_23 = tpu.memref_slice %arg2[%dma_start3A_21, %dma_start3A_22] : memref<64x2048xi32, #tpu.memory_space<hbm>> -> memref<1x2048xi32, #tpu.memory_space<hbm>>
    %dma_start3A_24 = tpu.memref_squeeze %dma_start3A_23 : memref<1x2048xi32, #tpu.memory_space<hbm>> -> memref<2048xi32, #tpu.memory_space<hbm>>
    %dma_start3A_25 = arith.constant 0 : i32
    %dma_start3A_26 = tpu.memref_slice %arg2[%dma_start3A_21, %dma_start3A_25] : memref<64x2048xi32, #tpu.memory_space<hbm>> -> memref<1x2048xi32, #tpu.memory_space<hbm>>
    %dma_start3A_27 = tpu.memref_squeeze %dma_start3A_26 : memref<1x2048xi32, #tpu.memory_space<hbm>> -> memref<2048xi32, #tpu.memory_space<hbm>>
    tpu.enqueue_dma source(%dma_start3A_27 : memref<2048xi32, #tpu.memory_space<hbm>>) target(%arg11 : memref<2048xi32, #tpu.memory_space<vmem>>) target_semaphore(%arg25 : memref<!tpu.dma_semaphore, #tpu.memory_space<semaphore_mem>>)
    %dma_start3A_28 = arith.constant 2 : i32
    %dma_start3A_29 = arith.constant 0 : i32
    %dma_start3A_30 = tpu.memref_slice %arg2[%dma_start3A_28, %dma_start3A_29] : memref<64x2048xi32, #tpu.memory_space<hbm>> -> memref<1x2048xi32, #tpu.memory_space<hbm>>
    %dma_start3A_31 = tpu.memref_squeeze %dma_start3A_30 : memref<1x2048xi32, #tpu.memory_space<hbm>> -> memref<2048xi32, #tpu.memory_space<hbm>>
    %dma_start3A_32 = arith.constant 0 : i32
    %dma_start3A_33 = tpu.memref_slice %arg2[%dma_start3A_28, %dma_start3A_32] : memref<64x2048xi32, #tpu.memory_space<hbm>> -> memref<1x2048xi32, #tpu.memory_space<hbm>>
    %dma_start3A_34 = tpu.memref_squeeze %dma_start3A_33 : memref<1x2048xi32, #tpu.memory_space<hbm>> -> memref<2048xi32, #tpu.memory_space<hbm>>
    tpu.enqueue_dma source(%dma_start3A_34 : memref<2048xi32, #tpu.memory_space<hbm>>) target(%arg12 : memref<2048xi32, #tpu.memory_space<vmem>>) target_semaphore(%arg26 : memref<!tpu.dma_semaphore, #tpu.memory_space<semaphore_mem>>)
    %dma_start3A_35 = arith.constant 3 : i32
    %dma_start3A_36 = arith.constant 0 : i32
    %dma_start3A_37 = tpu.memref_slice %arg2[%dma_start3A_35, %dma_start3A_36] : memref<64x2048xi32, #tpu.memory_space<hbm>> -> memref<1x2048xi32, #tpu.memory_space<hbm>>
    %dma_start3A_38 = tpu.memref_squeeze %dma_start3A_37 : memref<1x2048xi32, #tpu.memory_space<hbm>> -> memref<2048xi32, #tpu.memory_space<hbm>>
    %dma_start3A_39 = arith.constant 0 : i32
    %dma_start3A_40 = tpu.memref_slice %arg2[%dma_start3A_35, %dma_start3A_39] : memref<64x2048xi32, #tpu.memory_space<hbm>> -> memref<1x2048xi32, #tpu.memory_space<hbm>>
    %dma_start3A_41 = tpu.memref_squeeze %dma_start3A_40 : memref<1x2048xi32, #tpu.memory_space<hbm>> -> memref<2048xi32, #tpu.memory_space<hbm>>
    tpu.enqueue_dma source(%dma_start3A_41 : memref<2048xi32, #tpu.memory_space<hbm>>) target(%arg13 : memref<2048xi32, #tpu.memory_space<vmem>>) target_semaphore(%arg27 : memref<!tpu.dma_semaphore, #tpu.memory_space<semaphore_mem>>)
    %dma_wait3A = arith.constant 0 : i32
    %dma_wait3A_42 = tpu.memref_slice %arg4[%add3A_2, %dma_wait3A] : memref<64x2048xf32, #tpu.memory_space<hbm>> -> memref<1x2048xf32, #tpu.memory_space<hbm>>
    %dma_wait3A_43 = tpu.memref_squeeze %dma_wait3A_42 : memref<1x2048xf32, #tpu.memory_space<hbm>> -> memref<2048xf32, #tpu.memory_space<hbm>>
    %dma_wait3A_44 = arith.constant 0 : i32
    %dma_wait3A_45 = tpu.memref_slice %arg4[%add3A_2, %dma_wait3A_44] : memref<64x2048xf32, #tpu.memory_space<hbm>> -> memref<1x2048xf32, #tpu.memory_space<hbm>>
    %dma_wait3A_46 = tpu.memref_squeeze %dma_wait3A_45 : memref<1x2048xf32, #tpu.memory_space<hbm>> -> memref<2048xf32, #tpu.memory_space<hbm>>
    tpu.wait_dma2 semaphore(%arg23 : memref<!tpu.dma_semaphore, #tpu.memory_space<semaphore_mem>>) src(%dma_wait3A_46 : memref<2048xf32, #tpu.memory_space<hbm>>) dst(%arg9 : memref<2048xf32, #tpu.memory_space<vmem>>)
    "tpu.region"() ({
      %run_scoped3A = tpu.sem_alloc : memref<!tpu.dma_semaphore, #tpu.memory_space<semaphore_mem>>
      %dma_start3A_486 = arith.constant 0 : i32
      %dma_start3A_487 = tpu.memref_slice %arg7[%add3A_2, %dma_start3A_486] : memref<64x2048xf32, #tpu.memory_space<hbm>> -> memref<1x2048xf32, #tpu.memory_space<hbm>>
      %dma_start3A_488 = tpu.memref_squeeze %dma_start3A_487 : memref<1x2048xf32, #tpu.memory_space<hbm>> -> memref<2048xf32, #tpu.memory_space<hbm>>
      %dma_start3A_489 = arith.constant 0 : i32
      %dma_start3A_490 = tpu.memref_slice %arg7[%add3A_2, %dma_start3A_489] : memref<64x2048xf32, #tpu.memory_space<hbm>> -> memref<1x2048xf32, #tpu.memory_space<hbm>>
      %dma_start3A_491 = tpu.memref_squeeze %dma_start3A_490 : memref<1x2048xf32, #tpu.memory_space<hbm>> -> memref<2048xf32, #tpu.memory_space<hbm>>
      tpu.enqueue_dma source(%arg9 : memref<2048xf32, #tpu.memory_space<vmem>>) target(%dma_start3A_491 : memref<2048xf32, #tpu.memory_space<hbm>>) target_semaphore(%run_scoped3A : memref<!tpu.dma_semaphore, #tpu.memory_space<semaphore_mem>>)
      %dma_wait3A_492 = arith.constant 0 : i32
      %dma_wait3A_493 = tpu.memref_slice %arg7[%add3A_2, %dma_wait3A_492] : memref<64x2048xf32, #tpu.memory_space<hbm>> -> memref<1x2048xf32, #tpu.memory_space<hbm>>
      %dma_wait3A_494 = tpu.memref_squeeze %dma_wait3A_493 : memref<1x2048xf32, #tpu.memory_space<hbm>> -> memref<2048xf32, #tpu.memory_space<hbm>>
      %dma_wait3A_495 = arith.constant 0 : i32
      %dma_wait3A_496 = tpu.memref_slice %arg7[%add3A_2, %dma_wait3A_495] : memref<64x2048xf32, #tpu.memory_space<hbm>> -> memref<1x2048xf32, #tpu.memory_space<hbm>>
      %dma_wait3A_497 = tpu.memref_squeeze %dma_wait3A_496 : memref<1x2048xf32, #tpu.memory_space<hbm>> -> memref<2048xf32, #tpu.memory_space<hbm>>
      tpu.wait_dma2 semaphore(%run_scoped3A : memref<!tpu.dma_semaphore, #tpu.memory_space<semaphore_mem>>) src(%arg9 : memref<2048xf32, #tpu.memory_space<vmem>>) dst(%dma_wait3A_497 : memref<2048xf32, #tpu.memory_space<hbm>>)
      tpu.yield
    }) : () -> ()
    %dma_wait3A_47 = arith.constant 0 : i32
    %dma_wait3A_48 = tpu.memref_slice %arg3[%add3A_2, %dma_wait3A_47] : memref<64x100000xf32, #tpu.memory_space<hbm>> -> memref<1x100000xf32, #tpu.memory_space<hbm>>
    %dma_wait3A_49 = tpu.memref_squeeze %dma_wait3A_48 : memref<1x100000xf32, #tpu.memory_space<hbm>> -> memref<100000xf32, #tpu.memory_space<hbm>>
    %dma_wait3A_50 = arith.constant 0 : i32
    %dma_wait3A_51 = tpu.memref_slice %arg3[%add3A_2, %dma_wait3A_50] : memref<64x100000xf32, #tpu.memory_space<hbm>> -> memref<1x100000xf32, #tpu.memory_space<hbm>>
    %dma_wait3A_52 = tpu.memref_squeeze %dma_wait3A_51 : memref<1x100000xf32, #tpu.memory_space<hbm>> -> memref<100000xf32, #tpu.memory_space<hbm>>
    tpu.wait_dma2 semaphore(%arg22 : memref<!tpu.dma_semaphore, #tpu.memory_space<semaphore_mem>>) src(%dma_wait3A_52 : memref<100000xf32, #tpu.memory_space<hbm>>) dst(%arg8 : memref<100000xf32, #tpu.memory_space<vmem>>)
    %dma_wait3A_53 = arith.constant 0 : i32
    %dma_wait3A_54 = arith.constant 0 : i32
    %dma_wait3A_55 = tpu.memref_slice %arg2[%dma_wait3A_53, %dma_wait3A_54] : memref<64x2048xi32, #tpu.memory_space<hbm>> -> memref<1x2048xi32, #tpu.memory_space<hbm>>
    %dma_wait3A_56 = tpu.memref_squeeze %dma_wait3A_55 : memref<1x2048xi32, #tpu.memory_space<hbm>> -> memref<2048xi32, #tpu.memory_space<hbm>>
    %dma_wait3A_57 = arith.constant 0 : i32
    %dma_wait3A_58 = tpu.memref_slice %arg2[%dma_wait3A_53, %dma_wait3A_57] : memref<64x2048xi32, #tpu.memory_space<hbm>> -> memref<1x2048xi32, #tpu.memory_space<hbm>>
    %dma_wait3A_59 = tpu.memref_squeeze %dma_wait3A_58 : memref<1x2048xi32, #tpu.memory_space<hbm>> -> memref<2048xi32, #tpu.memory_space<hbm>>
    tpu.wait_dma2 semaphore(%arg24 : memref<!tpu.dma_semaphore, #tpu.memory_space<semaphore_mem>>) src(%dma_wait3A_59 : memref<2048xi32, #tpu.memory_space<hbm>>) dst(%arg10 : memref<2048xi32, #tpu.memory_space<vmem>>)
    %parallel_loop3A = arith.constant 0 : i32
    %parallel_loop3A_60 = arith.constant 2048 : i32
    %parallel_loop3A_61 = arith.constant 16 : i32
    scf.for %parallel_loop3A_486 = %parallel_loop3A to %parallel_loop3A_60 step %parallel_loop3A_61  : i32 {
      %parallel_loop3A_487 = arith.index_cast %parallel_loop3A_486 : i32 to index
      %parallel_loop3A_488 = tpu.vector_load %arg10[%parallel_loop3A_487] {strides = array<i32>} : memref<2048xi32, #tpu.memory_space<vmem>>, vector<16xi32>,
      %parallel_loop3A_489 = tpu.vector_load_idx %arg8[%parallel_loop3A_488] : memref<100000xf32, #tpu.memory_space<vmem>>[vector<16xi32>], vector<16xf32>,
      %parallel_loop3A_490 = arith.index_cast %parallel_loop3A_486 : i32 to index
      %parallel_loop3A_491 = tpu.vector_load %arg14[%parallel_loop3A_490] {strides = array<i32>} : memref<2048xf32, #tpu.memory_space<vmem>>, vector<16xf32>,
      tpu.vector_store %arg14[%parallel_loop3A_490], %parallel_loop3A_489 {strides = array<i32>} : memref<2048xf32, #tpu.memory_space<vmem>>, vector<16xf32>,
      %parallel_loop3A_492 = arith.index_cast %parallel_loop3A_486 : i32 to index
      %parallel_loop3A_493 = tpu.vector_load %arg9[%parallel_loop3A_492] {strides = array<i32>} : memref<2048xf32, #tpu.memory_space<vmem>>, vector<16xf32>,
      %parallel_loop3A_494 = arith.addf %parallel_loop3A_489, %parallel_loop3A_493 : vector<16xf32>
      %parallel_loop3A_495 = arith.index_cast %parallel_loop3A_486 : i32 to index
      %parallel_loop3A_496 = tpu.vector_load %arg18[%parallel_loop3A_495] {strides = array<i32>} : memref<2048xf32, #tpu.memory_space<vmem>>, vector<16xf32>,
      tpu.vector_store %arg18[%parallel_loop3A_495], %parallel_loop3A_494 {strides = array<i32>} : memref<2048xf32, #tpu.memory_space<vmem>>, vector<16xf32>,
    } {sc.loop_unroll_factor = 8 : i64, sc.parallel_access}
    %dma_start3A_62 = arith.constant 0 : i32
    %dma_start3A_63 = arith.constant 0 : i32
    %dma_start3A_64 = tpu.memref_slice %arg6[%dma_start3A_62, %add3A_2, %dma_start3A_63] : memref<64x64x2048xf32, #tpu.memory_space<hbm>> -> memref<1x1x2048xf32, #tpu.memory_space<hbm>>
    %dma_start3A_65 = tpu.memref_squeeze %dma_start3A_64 : memref<1x1x2048xf32, #tpu.memory_space<hbm>> -> memref<2048xf32, #tpu.memory_space<hbm>>
    %dma_start3A_66 = arith.constant 0 : i32
    %dma_start3A_67 = tpu.memref_slice %arg6[%dma_start3A_62, %add3A_2, %dma_start3A_66] : memref<64x64x2048xf32, #tpu.memory_space<hbm>> -> memref<1x1x2048xf32, #tpu.memory_space<hbm>>
    %dma_start3A_68 = tpu.memref_squeeze %dma_start3A_67 : memref<1x1x2048xf32, #tpu.memory_space<hbm>> -> memref<2048xf32, #tpu.memory_space<hbm>>
    tpu.enqueue_dma source(%arg14 : memref<2048xf32, #tpu.memory_space<vmem>>) target(%dma_start3A_68 : memref<2048xf32, #tpu.memory_space<hbm>>) target_semaphore(%arg28 : memref<!tpu.dma_semaphore, #tpu.memory_space<semaphore_mem>>)
    %dma_start3A_69 = arith.constant 0 : i32
    %dma_start3A_70 = arith.constant 0 : i32
    %dma_start3A_71 = tpu.memref_slice %arg5[%dma_start3A_69, %add3A_2, %dma_start3A_70] : memref<64x64x2048xf32, #tpu.memory_space<hbm>> -> memref<1x1x2048xf32, #tpu.memory_space<hbm>>
    %dma_start3A_72 = tpu.memref_squeeze %dma_start3A_71 : memref<1x1x2048xf32, #tpu.memory_space<hbm>> -> memref<2048xf32, #tpu.memory_space<hbm>>
    %dma_start3A_73 = arith.constant 0 : i32
    %dma_start3A_74 = tpu.memref_slice %arg5[%dma_start3A_69, %add3A_2, %dma_start3A_73] : memref<64x64x2048xf32, #tpu.memory_space<hbm>> -> memref<1x1x2048xf32, #tpu.memory_space<hbm>>
    %dma_start3A_75 = tpu.memref_squeeze %dma_start3A_74 : memref<1x1x2048xf32, #tpu.memory_space<hbm>> -> memref<2048xf32, #tpu.memory_space<hbm>>
    tpu.enqueue_dma source(%arg18 : memref<2048xf32, #tpu.memory_space<vmem>>) target(%dma_start3A_75 : memref<2048xf32, #tpu.memory_space<hbm>>) target_semaphore(%arg32 : memref<!tpu.dma_semaphore, #tpu.memory_space<semaphore_mem>>)
    %dma_start3A_76 = arith.constant 4 : i32
    %dma_start3A_77 = arith.constant 0 : i32
    %dma_start3A_78 = tpu.memref_slice %arg2[%dma_start3A_76, %dma_start3A_77] : memref<64x2048xi32, #tpu.memory_space<hbm>> -> memref<1x2048xi32, #tpu.memory_space<hbm>>
    %dma_start3A_79 = tpu.memref_squeeze %dma_start3A_78 : memref<1x2048xi32, #tpu.memory_space<hbm>> -> memref<2048xi32, #tpu.memory_space<hbm>>
    %dma_start3A_80 = arith.constant 0 : i32
    %dma_start3A_81 = tpu.memref_slice %arg2[%dma_start3A_76, %dma_start3A_80] : memref<64x2048xi32, #tpu.memory_space<hbm>> -> memref<1x2048xi32, #tpu.memory_space<hbm>>
    %dma_start3A_82 = tpu.memref_squeeze %dma_start3A_81 : memref<1x2048xi32, #tpu.memory_space<hbm>> -> memref<2048xi32, #tpu.memory_space<hbm>>
    tpu.enqueue_dma source(%dma_start3A_82 : memref<2048xi32, #tpu.memory_space<hbm>>) target(%arg10 : memref<2048xi32, #tpu.memory_space<vmem>>) target_semaphore(%arg24 : memref<!tpu.dma_semaphore, #tpu.memory_space<semaphore_mem>>)
    %dma_wait3A_83 = arith.constant 1 : i32
    %dma_wait3A_84 = arith.constant 0 : i32
    %dma_wait3A_85 = tpu.memref_slice %arg2[%dma_wait3A_83, %dma_wait3A_84] : memref<64x2048xi32, #tpu.memory_space<hbm>> -> memref<1x2048xi32, #tpu.memory_space<hbm>>
    %dma_wait3A_86 = tpu.memref_squeeze %dma_wait3A_85 : memref<1x2048xi32, #tpu.memory_space<hbm>> -> memref<2048xi32, #tpu.memory_space<hbm>>
    %dma_wait3A_87 = arith.constant 0 : i32
    %dma_wait3A_88 = tpu.memref_slice %arg2[%dma_wait3A_83, %dma_wait3A_87] : memref<64x2048xi32, #tpu.memory_space<hbm>> -> memref<1x2048xi32, #tpu.memory_space<hbm>>
    %dma_wait3A_89 = tpu.memref_squeeze %dma_wait3A_88 : memref<1x2048xi32, #tpu.memory_space<hbm>> -> memref<2048xi32, #tpu.memory_space<hbm>>
    tpu.wait_dma2 semaphore(%arg25 : memref<!tpu.dma_semaphore, #tpu.memory_space<semaphore_mem>>) src(%dma_wait3A_89 : memref<2048xi32, #tpu.memory_space<hbm>>) dst(%arg11 : memref<2048xi32, #tpu.memory_space<vmem>>)
    %parallel_loop3A_90 = arith.constant 0 : i32
    %parallel_loop3A_91 = arith.constant 2048 : i32
    %parallel_loop3A_92 = arith.constant 16 : i32
    scf.for %parallel_loop3A_486 = %parallel_loop3A_90 to %parallel_loop3A_91 step %parallel_loop3A_92  : i32 {
      %parallel_loop3A_487 = arith.index_cast %parallel_loop3A_486 : i32 to index
      %parallel_loop3A_488 = tpu.vector_load %arg11[%parallel_loop3A_487] {strides = array<i32>} : memref<2048xi32, #tpu.memory_space<vmem>>, vector<16xi32>,
      %parallel_loop3A_489 = tpu.vector_load_idx %arg8[%parallel_loop3A_488] : memref<100000xf32, #tpu.memory_space<vmem>>[vector<16xi32>], vector<16xf32>,
      %parallel_loop3A_490 = arith.index_cast %parallel_loop3A_486 : i32 to index
      %parallel_loop3A_491 = tpu.vector_load %arg15[%parallel_loop3A_490] {strides = array<i32>} : memref<2048xf32, #tpu.memory_space<vmem>>, vector<16xf32>,
      tpu.vector_store %arg15[%parallel_loop3A_490], %parallel_loop3A_489 {strides = array<i32>} : memref<2048xf32, #tpu.memory_space<vmem>>, vector<16xf32>,
      %parallel_loop3A_492 = arith.index_cast %parallel_loop3A_486 : i32 to index
      %parallel_loop3A_493 = tpu.vector_load %arg9[%parallel_loop3A_492] {strides = array<i32>} : memref<2048xf32, #tpu.memory_space<vmem>>, vector<16xf32>,
      %parallel_loop3A_494 = arith.addf %parallel_loop3A_489, %parallel_loop3A_493 : vector<16xf32>
      %parallel_loop3A_495 = arith.index_cast %parallel_loop3A_486 : i32 to index
      %parallel_loop3A_496 = tpu.vector_load %arg19[%parallel_loop3A_495] {strides = array<i32>} : memref<2048xf32, #tpu.memory_space<vmem>>, vector<16xf32>,
      tpu.vector_store %arg19[%parallel_loop3A_495], %parallel_loop3A_494 {strides = array<i32>} : memref<2048xf32, #tpu.memory_space<vmem>>, vector<16xf32>,
    } {sc.loop_unroll_factor = 8 : i64, sc.parallel_access}
    %dma_start3A_93 = arith.constant 1 : i32
    %dma_start3A_94 = arith.constant 0 : i32
    %dma_start3A_95 = tpu.memref_slice %arg6[%dma_start3A_93, %add3A_2, %dma_start3A_94] : memref<64x64x2048xf32, #tpu.memory_space<hbm>> -> memref<1x1x2048xf32, #tpu.memory_space<hbm>>
    %dma_start3A_96 = tpu.memref_squeeze %dma_start3A_95 : memref<1x1x2048xf32, #tpu.memory_space<hbm>> -> memref<2048xf32, #tpu.memory_space<hbm>>
    %dma_start3A_97 = arith.constant 0 : i32
    %dma_start3A_98 = tpu.memref_slice %arg6[%dma_start3A_93, %add3A_2, %dma_start3A_97] : memref<64x64x2048xf32, #tpu.memory_space<hbm>> -> memref<1x1x2048xf32, #tpu.memory_space<hbm>>
    %dma_start3A_99 = tpu.memref_squeeze %dma_start3A_98 : memref<1x1x2048xf32, #tpu.memory_space<hbm>> -> memref<2048xf32, #tpu.memory_space<hbm>>
    tpu.enqueue_dma source(%arg15 : memref<2048xf32, #tpu.memory_space<vmem>>) target(%dma_start3A_99 : memref<2048xf32, #tpu.memory_space<hbm>>) target_semaphore(%arg29 : memref<!tpu.dma_semaphore, #tpu.memory_space<semaphore_mem>>)
    %dma_start3A_100 = arith.constant 1 : i32
    %dma_start3A_101 = arith.constant 0 : i32
    %dma_start3A_102 = tpu.memref_slice %arg5[%dma_start3A_100, %add3A_2, %dma_start3A_101] : memref<64x64x2048xf32, #tpu.memory_space<hbm>> -> memref<1x1x2048xf32, #tpu.memory_space<hbm>>
    %dma_start3A_103 = tpu.memref_squeeze %dma_start3A_102 : memref<1x1x2048xf32, #tpu.memory_space<hbm>> -> memref<2048xf32, #tpu.memory_space<hbm>>
    %dma_start3A_104 = arith.constant 0 : i32
    %dma_start3A_105 = tpu.memref_slice %arg5[%dma_start3A_100, %add3A_2, %dma_start3A_104] : memref<64x64x2048xf32, #tpu.memory_space<hbm>> -> memref<1x1x2048xf32, #tpu.memory_space<hbm>>
    %dma_start3A_106 = tpu.memref_squeeze %dma_start3A_105 : memref<1x1x2048xf32, #tpu.memory_space<hbm>> -> memref<2048xf32, #tpu.memory_space<hbm>>
    tpu.enqueue_dma source(%arg19 : memref<2048xf32, #tpu.memory_space<vmem>>) target(%dma_start3A_106 : memref<2048xf32, #tpu.memory_space<hbm>>) target_semaphore(%arg33 : memref<!tpu.dma_semaphore, #tpu.memory_space<semaphore_mem>>)
    %dma_start3A_107 = arith.constant 5 : i32
    %dma_start3A_108 = arith.constant 0 : i32
    %dma_start3A_109 = tpu.memref_slice %arg2[%dma_start3A_107, %dma_start3A_108] : memref<64x2048xi32, #tpu.memory_space<hbm>> -> memref<1x2048xi32, #tpu.memory_space<hbm>>
    %dma_start3A_110 = tpu.memref_squeeze %dma_start3A_109 : memref<1x2048xi32, #tpu.memory_space<hbm>> -> memref<2048xi32, #tpu.memory_space<hbm>>
    %dma_start3A_111 = arith.constant 0 : i32
    %dma_start3A_112 = tpu.memref_slice %arg2[%dma_start3A_107, %dma_start3A_111] : memref<64x2048xi32, #tpu.memory_space<hbm>> -> memref<1x2048xi32, #tpu.memory_space<hbm>>
    %dma_start3A_113 = tpu.memref_squeeze %dma_start3A_112 : memref<1x2048xi32, #tpu.memory_space<hbm>> -> memref<2048xi32, #tpu.memory_space<hbm>>
    tpu.enqueue_dma source(%dma_start3A_113 : memref<2048xi32, #tpu.memory_space<hbm>>) target(%arg11 : memref<2048xi32, #tpu.memory_space<vmem>>) target_semaphore(%arg25 : memref<!tpu.dma_semaphore, #tpu.memory_space<semaphore_mem>>)
    %dma_wait3A_114 = arith.constant 2 : i32
    %dma_wait3A_115 = arith.constant 0 : i32
    %dma_wait3A_116 = tpu.memref_slice %arg2[%dma_wait3A_114, %dma_wait3A_115] : memref<64x2048xi32, #tpu.memory_space<hbm>> -> memref<1x2048xi32, #tpu.memory_space<hbm>>
    %dma_wait3A_117 = tpu.memref_squeeze %dma_wait3A_116 : memref<1x2048xi32, #tpu.memory_space<hbm>> -> memref<2048xi32, #tpu.memory_space<hbm>>
    %dma_wait3A_118 = arith.constant 0 : i32
    %dma_wait3A_119 = tpu.memref_slice %arg2[%dma_wait3A_114, %dma_wait3A_118] : memref<64x2048xi32, #tpu.memory_space<hbm>> -> memref<1x2048xi32, #tpu.memory_space<hbm>>
    %dma_wait3A_120 = tpu.memref_squeeze %dma_wait3A_119 : memref<1x2048xi32, #tpu.memory_space<hbm>> -> memref<2048xi32, #tpu.memory_space<hbm>>
    tpu.wait_dma2 semaphore(%arg26 : memref<!tpu.dma_semaphore, #tpu.memory_space<semaphore_mem>>) src(%dma_wait3A_120 : memref<2048xi32, #tpu.memory_space<hbm>>) dst(%arg12 : memref<2048xi32, #tpu.memory_space<vmem>>)
    %parallel_loop3A_121 = arith.constant 0 : i32
    %parallel_loop3A_122 = arith.constant 2048 : i32
    %parallel_loop3A_123 = arith.constant 16 : i32
    scf.for %parallel_loop3A_486 = %parallel_loop3A_121 to %parallel_loop3A_122 step %parallel_loop3A_123  : i32 {
      %parallel_loop3A_487 = arith.index_cast %parallel_loop3A_486 : i32 to index
      %parallel_loop3A_488 = tpu.vector_load %arg12[%parallel_loop3A_487] {strides = array<i32>} : memref<2048xi32, #tpu.memory_space<vmem>>, vector<16xi32>,
      %parallel_loop3A_489 = tpu.vector_load_idx %arg8[%parallel_loop3A_488] : memref<100000xf32, #tpu.memory_space<vmem>>[vector<16xi32>], vector<16xf32>,
      %parallel_loop3A_490 = arith.index_cast %parallel_loop3A_486 : i32 to index
      %parallel_loop3A_491 = tpu.vector_load %arg16[%parallel_loop3A_490] {strides = array<i32>} : memref<2048xf32, #tpu.memory_space<vmem>>, vector<16xf32>,
      tpu.vector_store %arg16[%parallel_loop3A_490], %parallel_loop3A_489 {strides = array<i32>} : memref<2048xf32, #tpu.memory_space<vmem>>, vector<16xf32>,
      %parallel_loop3A_492 = arith.index_cast %parallel_loop3A_486 : i32 to index
      %parallel_loop3A_493 = tpu.vector_load %arg9[%parallel_loop3A_492] {strides = array<i32>} : memref<2048xf32, #tpu.memory_space<vmem>>, vector<16xf32>,
      %parallel_loop3A_494 = arith.addf %parallel_loop3A_489, %parallel_loop3A_493 : vector<16xf32>
      %parallel_loop3A_495 = arith.index_cast %parallel_loop3A_486 : i32 to index
      %parallel_loop3A_496 = tpu.vector_load %arg20[%parallel_loop3A_495] {strides = array<i32>} : memref<2048xf32, #tpu.memory_space<vmem>>, vector<16xf32>,
      tpu.vector_store %arg20[%parallel_loop3A_495], %parallel_loop3A_494 {strides = array<i32>} : memref<2048xf32, #tpu.memory_space<vmem>>, vector<16xf32>,
    } {sc.loop_unroll_factor = 8 : i64, sc.parallel_access}
    %dma_start3A_124 = arith.constant 2 : i32
    %dma_start3A_125 = arith.constant 0 : i32
    %dma_start3A_126 = tpu.memref_slice %arg6[%dma_start3A_124, %add3A_2, %dma_start3A_125] : memref<64x64x2048xf32, #tpu.memory_space<hbm>> -> memref<1x1x2048xf32, #tpu.memory_space<hbm>>
    %dma_start3A_127 = tpu.memref_squeeze %dma_start3A_126 : memref<1x1x2048xf32, #tpu.memory_space<hbm>> -> memref<2048xf32, #tpu.memory_space<hbm>>
    %dma_start3A_128 = arith.constant 0 : i32
    %dma_start3A_129 = tpu.memref_slice %arg6[%dma_start3A_124, %add3A_2, %dma_start3A_128] : memref<64x64x2048xf32, #tpu.memory_space<hbm>> -> memref<1x1x2048xf32, #tpu.memory_space<hbm>>
    %dma_start3A_130 = tpu.memref_squeeze %dma_start3A_129 : memref<1x1x2048xf32, #tpu.memory_space<hbm>> -> memref<2048xf32, #tpu.memory_space<hbm>>
    tpu.enqueue_dma source(%arg16 : memref<2048xf32, #tpu.memory_space<vmem>>) target(%dma_start3A_130 : memref<2048xf32, #tpu.memory_space<hbm>>) target_semaphore(%arg30 : memref<!tpu.dma_semaphore, #tpu.memory_space<semaphore_mem>>)
    %dma_start3A_131 = arith.constant 2 : i32
    %dma_start3A_132 = arith.constant 0 : i32
    %dma_start3A_133 = tpu.memref_slice %arg5[%dma_start3A_131, %add3A_2, %dma_start3A_132] : memref<64x64x2048xf32, #tpu.memory_space<hbm>> -> memref<1x1x2048xf32, #tpu.memory_space<hbm>>
    %dma_start3A_134 = tpu.memref_squeeze %dma_start3A_133 : memref<1x1x2048xf32, #tpu.memory_space<hbm>> -> memref<2048xf32, #tpu.memory_space<hbm>>
    %dma_start3A_135 = arith.constant 0 : i32
    %dma_start3A_136 = tpu.memref_slice %arg5[%dma_start3A_131, %add3A_2, %dma_start3A_135] : memref<64x64x2048xf32, #tpu.memory_space<hbm>> -> memref<1x1x2048xf32, #tpu.memory_space<hbm>>
    %dma_start3A_137 = tpu.memref_squeeze %dma_start3A_136 : memref<1x1x2048xf32, #tpu.memory_space<hbm>> -> memref<2048xf32, #tpu.memory_space<hbm>>
    tpu.enqueue_dma source(%arg20 : memref<2048xf32, #tpu.memory_space<vmem>>) target(%dma_start3A_137 : memref<2048xf32, #tpu.memory_space<hbm>>) target_semaphore(%arg34 : memref<!tpu.dma_semaphore, #tpu.memory_space<semaphore_mem>>)
    %dma_start3A_138 = arith.constant 6 : i32
    %dma_start3A_139 = arith.constant 0 : i32
    %dma_start3A_140 = tpu.memref_slice %arg2[%dma_start3A_138, %dma_start3A_139] : memref<64x2048xi32, #tpu.memory_space<hbm>> -> memref<1x2048xi32, #tpu.memory_space<hbm>>
    %dma_start3A_141 = tpu.memref_squeeze %dma_start3A_140 : memref<1x2048xi32, #tpu.memory_space<hbm>> -> memref<2048xi32, #tpu.memory_space<hbm>>
    %dma_start3A_142 = arith.constant 0 : i32
    %dma_start3A_143 = tpu.memref_slice %arg2[%dma_start3A_138, %dma_start3A_142] : memref<64x2048xi32, #tpu.memory_space<hbm>> -> memref<1x2048xi32, #tpu.memory_space<hbm>>
    %dma_start3A_144 = tpu.memref_squeeze %dma_start3A_143 : memref<1x2048xi32, #tpu.memory_space<hbm>> -> memref<2048xi32, #tpu.memory_space<hbm>>
    tpu.enqueue_dma source(%dma_start3A_144 : memref<2048xi32, #tpu.memory_space<hbm>>) target(%arg12 : memref<2048xi32, #tpu.memory_space<vmem>>) target_semaphore(%arg26 : memref<!tpu.dma_semaphore, #tpu.memory_space<semaphore_mem>>)
    %dma_wait3A_145 = arith.constant 3 : i32
    %dma_wait3A_146 = arith.constant 0 : i32
    %dma_wait3A_147 = tpu.memref_slice %arg2[%dma_wait3A_145, %dma_wait3A_146] : memref<64x2048xi32, #tpu.memory_space<hbm>> -> memref<1x2048xi32, #tpu.memory_space<hbm>>
    %dma_wait3A_148 = tpu.memref_squeeze %dma_wait3A_147 : memref<1x2048xi32, #tpu.memory_space<hbm>> -> memref<2048xi32, #tpu.memory_space<hbm>>
    %dma_wait3A_149 = arith.constant 0 : i32
    %dma_wait3A_150 = tpu.memref_slice %arg2[%dma_wait3A_145, %dma_wait3A_149] : memref<64x2048xi32, #tpu.memory_space<hbm>> -> memref<1x2048xi32, #tpu.memory_space<hbm>>
    %dma_wait3A_151 = tpu.memref_squeeze %dma_wait3A_150 : memref<1x2048xi32, #tpu.memory_space<hbm>> -> memref<2048xi32, #tpu.memory_space<hbm>>
    tpu.wait_dma2 semaphore(%arg27 : memref<!tpu.dma_semaphore, #tpu.memory_space<semaphore_mem>>) src(%dma_wait3A_151 : memref<2048xi32, #tpu.memory_space<hbm>>) dst(%arg13 : memref<2048xi32, #tpu.memory_space<vmem>>)
    %parallel_loop3A_152 = arith.constant 0 : i32
    %parallel_loop3A_153 = arith.constant 2048 : i32
    %parallel_loop3A_154 = arith.constant 16 : i32
    scf.for %parallel_loop3A_486 = %parallel_loop3A_152 to %parallel_loop3A_153 step %parallel_loop3A_154  : i32 {
      %parallel_loop3A_487 = arith.index_cast %parallel_loop3A_486 : i32 to index
      %parallel_loop3A_488 = tpu.vector_load %arg13[%parallel_loop3A_487] {strides = array<i32>} : memref<2048xi32, #tpu.memory_space<vmem>>, vector<16xi32>,
      %parallel_loop3A_489 = tpu.vector_load_idx %arg8[%parallel_loop3A_488] : memref<100000xf32, #tpu.memory_space<vmem>>[vector<16xi32>], vector<16xf32>,
      %parallel_loop3A_490 = arith.index_cast %parallel_loop3A_486 : i32 to index
      %parallel_loop3A_491 = tpu.vector_load %arg17[%parallel_loop3A_490] {strides = array<i32>} : memref<2048xf32, #tpu.memory_space<vmem>>, vector<16xf32>,
      tpu.vector_store %arg17[%parallel_loop3A_490], %parallel_loop3A_489 {strides = array<i32>} : memref<2048xf32, #tpu.memory_space<vmem>>, vector<16xf32>,
      %parallel_loop3A_492 = arith.index_cast %parallel_loop3A_486 : i32 to index
      %parallel_loop3A_493 = tpu.vector_load %arg9[%parallel_loop3A_492] {strides = array<i32>} : memref<2048xf32, #tpu.memory_space<vmem>>, vector<16xf32>,
      %parallel_loop3A_494 = arith.addf %parallel_loop3A_489, %parallel_loop3A_493 : vector<16xf32>
      %parallel_loop3A_495 = arith.index_cast %parallel_loop3A_486 : i32 to index
      %parallel_loop3A_496 = tpu.vector_load %arg21[%parallel_loop3A_495] {strides = array<i32>} : memref<2048xf32, #tpu.memory_space<vmem>>, vector<16xf32>,
      tpu.vector_store %arg21[%parallel_loop3A_495], %parallel_loop3A_494 {strides = array<i32>} : memref<2048xf32, #tpu.memory_space<vmem>>, vector<16xf32>,
    } {sc.loop_unroll_factor = 8 : i64, sc.parallel_access}
    %dma_start3A_155 = arith.constant 3 : i32
    %dma_start3A_156 = arith.constant 0 : i32
    %dma_start3A_157 = tpu.memref_slice %arg6[%dma_start3A_155, %add3A_2, %dma_start3A_156] : memref<64x64x2048xf32, #tpu.memory_space<hbm>> -> memref<1x1x2048xf32, #tpu.memory_space<hbm>>
    %dma_start3A_158 = tpu.memref_squeeze %dma_start3A_157 : memref<1x1x2048xf32, #tpu.memory_space<hbm>> -> memref<2048xf32, #tpu.memory_space<hbm>>
    %dma_start3A_159 = arith.constant 0 : i32
    %dma_start3A_160 = tpu.memref_slice %arg6[%dma_start3A_155, %add3A_2, %dma_start3A_159] : memref<64x64x2048xf32, #tpu.memory_space<hbm>> -> memref<1x1x2048xf32, #tpu.memory_space<hbm>>
    %dma_start3A_161 = tpu.memref_squeeze %dma_start3A_160 : memref<1x1x2048xf32, #tpu.memory_space<hbm>> -> memref<2048xf32, #tpu.memory_space<hbm>>
    tpu.enqueue_dma source(%arg17 : memref<2048xf32, #tpu.memory_space<vmem>>) target(%dma_start3A_161 : memref<2048xf32, #tpu.memory_space<hbm>>) target_semaphore(%arg31 : memref<!tpu.dma_semaphore, #tpu.memory_space<semaphore_mem>>)
    %dma_start3A_162 = arith.constant 3 : i32
    %dma_start3A_163 = arith.constant 0 : i32
    %dma_start3A_164 = tpu.memref_slice %arg5[%dma_start3A_162, %add3A_2, %dma_start3A_163] : memref<64x64x2048xf32, #tpu.memory_space<hbm>> -> memref<1x1x2048xf32, #tpu.memory_space<hbm>>
    %dma_start3A_165 = tpu.memref_squeeze %dma_start3A_164 : memref<1x1x2048xf32, #tpu.memory_space<hbm>> -> memref<2048xf32, #tpu.memory_space<hbm>>
    %dma_start3A_166 = arith.constant 0 : i32
    %dma_start3A_167 = tpu.memref_slice %arg5[%dma_start3A_162, %add3A_2, %dma_start3A_166] : memref<64x64x2048xf32, #tpu.memory_space<hbm>> -> memref<1x1x2048xf32, #tpu.memory_space<hbm>>
    %dma_start3A_168 = tpu.memref_squeeze %dma_start3A_167 : memref<1x1x2048xf32, #tpu.memory_space<hbm>> -> memref<2048xf32, #tpu.memory_space<hbm>>
    tpu.enqueue_dma source(%arg21 : memref<2048xf32, #tpu.memory_space<vmem>>) target(%dma_start3A_168 : memref<2048xf32, #tpu.memory_space<hbm>>) target_semaphore(%arg35 : memref<!tpu.dma_semaphore, #tpu.memory_space<semaphore_mem>>)
    %dma_start3A_169 = arith.constant 7 : i32
    %dma_start3A_170 = arith.constant 0 : i32
    %dma_start3A_171 = tpu.memref_slice %arg2[%dma_start3A_169, %dma_start3A_170] : memref<64x2048xi32, #tpu.memory_space<hbm>> -> memref<1x2048xi32, #tpu.memory_space<hbm>>
    %dma_start3A_172 = tpu.memref_squeeze %dma_start3A_171 : memref<1x2048xi32, #tpu.memory_space<hbm>> -> memref<2048xi32, #tpu.memory_space<hbm>>
    %dma_start3A_173 = arith.constant 0 : i32
    %dma_start3A_174 = tpu.memref_slice %arg2[%dma_start3A_169, %dma_start3A_173] : memref<64x2048xi32, #tpu.memory_space<hbm>> -> memref<1x2048xi32, #tpu.memory_space<hbm>>
    %dma_start3A_175 = tpu.memref_squeeze %dma_start3A_174 : memref<1x2048xi32, #tpu.memory_space<hbm>> -> memref<2048xi32, #tpu.memory_space<hbm>>
    tpu.enqueue_dma source(%dma_start3A_175 : memref<2048xi32, #tpu.memory_space<hbm>>) target(%arg13 : memref<2048xi32, #tpu.memory_space<vmem>>) target_semaphore(%arg27 : memref<!tpu.dma_semaphore, #tpu.memory_space<semaphore_mem>>)
    %scan3A = arith.constant 0 : i32
    %scan3A_176 = arith.constant 1 : i32
    %scan3A_177 = arith.constant 15 : i32
    %scan3A_178 = arith.addi %scan3A_176, %scan3A_177 : i32
    %scan3A_179 = arith.constant 1 : i32
    scf.for %scan3A_486 = %scan3A_176 to %scan3A_178 step %scan3A_179  : i32 {
      %mul3A_487 = arith.constant 4 : i32
      %mul3A_488 = arith.muli %scan3A_486, %mul3A_487 : i32
      %add3A_489 = arith.constant 0 : i32
      %add3A_490 = arith.addi %mul3A_488, %add3A_489 : i32
      %dma_wait3A_491 = arith.constant 0 : i32
      %dma_wait3A_492 = tpu.memref_slice %arg2[%add3A_490, %dma_wait3A_491] : memref<64x2048xi32, #tpu.memory_space<hbm>> -> memref<1x2048xi32, #tpu.memory_space<hbm>>
      %dma_wait3A_493 = tpu.memref_squeeze %dma_wait3A_492 : memref<1x2048xi32, #tpu.memory_space<hbm>> -> memref<2048xi32, #tpu.memory_space<hbm>>
      %dma_wait3A_494 = arith.constant 0 : i32
      %dma_wait3A_495 = tpu.memref_slice %arg2[%add3A_490, %dma_wait3A_494] : memref<64x2048xi32, #tpu.memory_space<hbm>> -> memref<1x2048xi32, #tpu.memory_space<hbm>>
      %dma_wait3A_496 = tpu.memref_squeeze %dma_wait3A_495 : memref<1x2048xi32, #tpu.memory_space<hbm>> -> memref<2048xi32, #tpu.memory_space<hbm>>
      tpu.wait_dma2 semaphore(%arg24 : memref<!tpu.dma_semaphore, #tpu.memory_space<semaphore_mem>>) src(%dma_wait3A_496 : memref<2048xi32, #tpu.memory_space<hbm>>) dst(%arg10 : memref<2048xi32, #tpu.memory_space<vmem>>)
      %sub3A_497 = arith.constant 4 : i32
      %sub3A_498 = arith.subi %add3A_490, %sub3A_497 : i32
      %dma_wait3A_499 = arith.constant 0 : i32
      %dma_wait3A_500 = tpu.memref_slice %arg6[%sub3A_498, %add3A_2, %dma_wait3A_499] : memref<64x64x2048xf32, #tpu.memory_space<hbm>> -> memref<1x1x2048xf32, #tpu.memory_space<hbm>>
      %dma_wait3A_501 = tpu.memref_squeeze %dma_wait3A_500 : memref<1x1x2048xf32, #tpu.memory_space<hbm>> -> memref<2048xf32, #tpu.memory_space<hbm>>
      %dma_wait3A_502 = arith.constant 0 : i32
      %dma_wait3A_503 = tpu.memref_slice %arg6[%sub3A_498, %add3A_2, %dma_wait3A_502] : memref<64x64x2048xf32, #tpu.memory_space<hbm>> -> memref<1x1x2048xf32, #tpu.memory_space<hbm>>
      %dma_wait3A_504 = tpu.memref_squeeze %dma_wait3A_503 : memref<1x1x2048xf32, #tpu.memory_space<hbm>> -> memref<2048xf32, #tpu.memory_space<hbm>>
      tpu.wait_dma2 semaphore(%arg28 : memref<!tpu.dma_semaphore, #tpu.memory_space<semaphore_mem>>) src(%arg14 : memref<2048xf32, #tpu.memory_space<vmem>>) dst(%dma_wait3A_504 : memref<2048xf32, #tpu.memory_space<hbm>>)
      %dma_wait3A_505 = arith.constant 0 : i32
      %dma_wait3A_506 = tpu.memref_slice %arg5[%sub3A_498, %add3A_2, %dma_wait3A_505] : memref<64x64x2048xf32, #tpu.memory_space<hbm>> -> memref<1x1x2048xf32, #tpu.memory_space<hbm>>
      %dma_wait3A_507 = tpu.memref_squeeze %dma_wait3A_506 : memref<1x1x2048xf32, #tpu.memory_space<hbm>> -> memref<2048xf32, #tpu.memory_space<hbm>>
      %dma_wait3A_508 = arith.constant 0 : i32
      %dma_wait3A_509 = tpu.memref_slice %arg5[%sub3A_498, %add3A_2, %dma_wait3A_508] : memref<64x64x2048xf32, #tpu.memory_space<hbm>> -> memref<1x1x2048xf32, #tpu.memory_space<hbm>>
      %dma_wait3A_510 = tpu.memref_squeeze %dma_wait3A_509 : memref<1x1x2048xf32, #tpu.memory_space<hbm>> -> memref<2048xf32, #tpu.memory_space<hbm>>
      tpu.wait_dma2 semaphore(%arg32 : memref<!tpu.dma_semaphore, #tpu.memory_space<semaphore_mem>>) src(%arg18 : memref<2048xf32, #tpu.memory_space<vmem>>) dst(%dma_wait3A_510 : memref<2048xf32, #tpu.memory_space<hbm>>)
      %parallel_loop3A_511 = arith.constant 0 : i32
      %parallel_loop3A_512 = arith.constant 2048 : i32
      %parallel_loop3A_513 = arith.constant 16 : i32
      scf.for %parallel_loop3A_668 = %parallel_loop3A_511 to %parallel_loop3A_512 step %parallel_loop3A_513  : i32 {
        %parallel_loop3A_669 = arith.index_cast %parallel_loop3A_668 : i32 to index
        %parallel_loop3A_670 = tpu.vector_load %arg10[%parallel_loop3A_669] {strides = array<i32>} : memref<2048xi32, #tpu.memory_space<vmem>>, vector<16xi32>,
        %parallel_loop3A_671 = tpu.vector_load_idx %arg8[%parallel_loop3A_670] : memref<100000xf32, #tpu.memory_space<vmem>>[vector<16xi32>], vector<16xf32>,
        %parallel_loop3A_672 = arith.index_cast %parallel_loop3A_668 : i32 to index
        %parallel_loop3A_673 = tpu.vector_load %arg14[%parallel_loop3A_672] {strides = array<i32>} : memref<2048xf32, #tpu.memory_space<vmem>>, vector<16xf32>,
        tpu.vector_store %arg14[%parallel_loop3A_672], %parallel_loop3A_671 {strides = array<i32>} : memref<2048xf32, #tpu.memory_space<vmem>>, vector<16xf32>,
        %parallel_loop3A_674 = arith.index_cast %parallel_loop3A_668 : i32 to index
        %parallel_loop3A_675 = tpu.vector_load %arg9[%parallel_loop3A_674] {strides = array<i32>} : memref<2048xf32, #tpu.memory_space<vmem>>, vector<16xf32>,
        %parallel_loop3A_676 = arith.addf %parallel_loop3A_671, %parallel_loop3A_675 : vector<16xf32>
        %parallel_loop3A_677 = arith.index_cast %parallel_loop3A_668 : i32 to index
        %parallel_loop3A_678 = tpu.vector_load %arg18[%parallel_loop3A_677] {strides = array<i32>} : memref<2048xf32, #tpu.memory_space<vmem>>, vector<16xf32>,
        tpu.vector_store %arg18[%parallel_loop3A_677], %parallel_loop3A_676 {strides = array<i32>} : memref<2048xf32, #tpu.memory_space<vmem>>, vector<16xf32>,
      } {sc.loop_unroll_factor = 8 : i64, sc.parallel_access}
      %dma_start3A_514 = arith.constant 0 : i32
      %dma_start3A_515 = tpu.memref_slice %arg6[%add3A_490, %add3A_2, %dma_start3A_514] : memref<64x64x2048xf32, #tpu.memory_space<hbm>> -> memref<1x1x2048xf32, #tpu.memory_space<hbm>>
      %dma_start3A_516 = tpu.memref_squeeze %dma_start3A_515 : memref<1x1x2048xf32, #tpu.memory_space<hbm>> -> memref<2048xf32, #tpu.memory_space<hbm>>
      %dma_start3A_517 = arith.constant 0 : i32
      %dma_start3A_518 = tpu.memref_slice %arg6[%add3A_490, %add3A_2, %dma_start3A_517] : memref<64x64x2048xf32, #tpu.memory_space<hbm>> -> memref<1x1x2048xf32, #tpu.memory_space<hbm>>
      %dma_start3A_519 = tpu.memref_squeeze %dma_start3A_518 : memref<1x1x2048xf32, #tpu.memory_space<hbm>> -> memref<2048xf32, #tpu.memory_space<hbm>>
      tpu.enqueue_dma source(%arg14 : memref<2048xf32, #tpu.memory_space<vmem>>) target(%dma_start3A_519 : memref<2048xf32, #tpu.memory_space<hbm>>) target_semaphore(%arg28 : memref<!tpu.dma_semaphore, #tpu.memory_space<semaphore_mem>>)
      %dma_start3A_520 = arith.constant 0 : i32
      %dma_start3A_521 = tpu.memref_slice %arg5[%add3A_490, %add3A_2, %dma_start3A_520] : memref<64x64x2048xf32, #tpu.memory_space<hbm>> -> memref<1x1x2048xf32, #tpu.memory_space<hbm>>
      %dma_start3A_522 = tpu.memref_squeeze %dma_start3A_521 : memref<1x1x2048xf32, #tpu.memory_space<hbm>> -> memref<2048xf32, #tpu.memory_space<hbm>>
      %dma_start3A_523 = arith.constant 0 : i32
      %dma_start3A_524 = tpu.memref_slice %arg5[%add3A_490, %add3A_2, %dma_start3A_523] : memref<64x64x2048xf32, #tpu.memory_space<hbm>> -> memref<1x1x2048xf32, #tpu.memory_space<hbm>>
      %dma_start3A_525 = tpu.memref_squeeze %dma_start3A_524 : memref<1x1x2048xf32, #tpu.memory_space<hbm>> -> memref<2048xf32, #tpu.memory_space<hbm>>
      tpu.enqueue_dma source(%arg18 : memref<2048xf32, #tpu.memory_space<vmem>>) target(%dma_start3A_525 : memref<2048xf32, #tpu.memory_space<hbm>>) target_semaphore(%arg32 : memref<!tpu.dma_semaphore, #tpu.memory_space<semaphore_mem>>)
      %add3A_526 = arith.constant 4 : i32
      %add3A_527 = arith.addi %add3A_490, %add3A_526 : i32
      %lt3A = arith.constant 64 : i32
      %lt3A_528 = arith.cmpi slt, %add3A_527, %lt3A : i32
      %convert_element_type3A = arith.extui %lt3A_528 : i1 to i32
      %cond3A = arith.constant 0 : i32
      %cond3A_529 = arith.cmpi ne, %convert_element_type3A, %cond3A : i32
      scf.if %cond3A_529 {
        %add3A_668 = arith.constant 4 : i32
        %add3A_669 = arith.addi %add3A_490, %add3A_668 : i32
        %dma_start3A_670 = arith.constant 0 : i32
        %dma_start3A_671 = tpu.memref_slice %arg2[%add3A_669, %dma_start3A_670] : memref<64x2048xi32, #tpu.memory_space<hbm>> -> memref<1x2048xi32, #tpu.memory_space<hbm>>
        %dma_start3A_672 = tpu.memref_squeeze %dma_start3A_671 : memref<1x2048xi32, #tpu.memory_space<hbm>> -> memref<2048xi32, #tpu.memory_space<hbm>>
        %dma_start3A_673 = arith.constant 0 : i32
        %dma_start3A_674 = tpu.memref_slice %arg2[%add3A_669, %dma_start3A_673] : memref<64x2048xi32, #tpu.memory_space<hbm>> -> memref<1x2048xi32, #tpu.memory_space<hbm>>
        %dma_start3A_675 = tpu.memref_squeeze %dma_start3A_674 : memref<1x2048xi32, #tpu.memory_space<hbm>> -> memref<2048xi32, #tpu.memory_space<hbm>>
        tpu.enqueue_dma source(%dma_start3A_675 : memref<2048xi32, #tpu.memory_space<hbm>>) target(%arg10 : memref<2048xi32, #tpu.memory_space<vmem>>) target_semaphore(%arg24 : memref<!tpu.dma_semaphore, #tpu.memory_space<semaphore_mem>>)
      } else {
      }
      %mul3A_530 = arith.constant 4 : i32
      %mul3A_531 = arith.muli %scan3A_486, %mul3A_530 : i32
      %add3A_532 = arith.constant 1 : i32
      %add3A_533 = arith.addi %mul3A_531, %add3A_532 : i32
      %dma_wait3A_534 = arith.constant 0 : i32
      %dma_wait3A_535 = tpu.memref_slice %arg2[%add3A_533, %dma_wait3A_534] : memref<64x2048xi32, #tpu.memory_space<hbm>> -> memref<1x2048xi32, #tpu.memory_space<hbm>>
      %dma_wait3A_536 = tpu.memref_squeeze %dma_wait3A_535 : memref<1x2048xi32, #tpu.memory_space<hbm>> -> memref<2048xi32, #tpu.memory_space<hbm>>
      %dma_wait3A_537 = arith.constant 0 : i32
      %dma_wait3A_538 = tpu.memref_slice %arg2[%add3A_533, %dma_wait3A_537] : memref<64x2048xi32, #tpu.memory_space<hbm>> -> memref<1x2048xi32, #tpu.memory_space<hbm>>
      %dma_wait3A_539 = tpu.memref_squeeze %dma_wait3A_538 : memref<1x2048xi32, #tpu.memory_space<hbm>> -> memref<2048xi32, #tpu.memory_space<hbm>>
      tpu.wait_dma2 semaphore(%arg25 : memref<!tpu.dma_semaphore, #tpu.memory_space<semaphore_mem>>) src(%dma_wait3A_539 : memref<2048xi32, #tpu.memory_space<hbm>>) dst(%arg11 : memref<2048xi32, #tpu.memory_space<vmem>>)
      %sub3A_540 = arith.constant 4 : i32
      %sub3A_541 = arith.subi %add3A_533, %sub3A_540 : i32
      %dma_wait3A_542 = arith.constant 0 : i32
      %dma_wait3A_543 = tpu.memref_slice %arg6[%sub3A_541, %add3A_2, %dma_wait3A_542] : memref<64x64x2048xf32, #tpu.memory_space<hbm>> -> memref<1x1x2048xf32, #tpu.memory_space<hbm>>
      %dma_wait3A_544 = tpu.memref_squeeze %dma_wait3A_543 : memref<1x1x2048xf32, #tpu.memory_space<hbm>> -> memref<2048xf32, #tpu.memory_space<hbm>>
      %dma_wait3A_545 = arith.constant 0 : i32
      %dma_wait3A_546 = tpu.memref_slice %arg6[%sub3A_541, %add3A_2, %dma_wait3A_545] : memref<64x64x2048xf32, #tpu.memory_space<hbm>> -> memref<1x1x2048xf32, #tpu.memory_space<hbm>>
      %dma_wait3A_547 = tpu.memref_squeeze %dma_wait3A_546 : memref<1x1x2048xf32, #tpu.memory_space<hbm>> -> memref<2048xf32, #tpu.memory_space<hbm>>
      tpu.wait_dma2 semaphore(%arg29 : memref<!tpu.dma_semaphore, #tpu.memory_space<semaphore_mem>>) src(%arg15 : memref<2048xf32, #tpu.memory_space<vmem>>) dst(%dma_wait3A_547 : memref<2048xf32, #tpu.memory_space<hbm>>)
      %dma_wait3A_548 = arith.constant 0 : i32
      %dma_wait3A_549 = tpu.memref_slice %arg5[%sub3A_541, %add3A_2, %dma_wait3A_548] : memref<64x64x2048xf32, #tpu.memory_space<hbm>> -> memref<1x1x2048xf32, #tpu.memory_space<hbm>>
      %dma_wait3A_550 = tpu.memref_squeeze %dma_wait3A_549 : memref<1x1x2048xf32, #tpu.memory_space<hbm>> -> memref<2048xf32, #tpu.memory_space<hbm>>
      %dma_wait3A_551 = arith.constant 0 : i32
      %dma_wait3A_552 = tpu.memref_slice %arg5[%sub3A_541, %add3A_2, %dma_wait3A_551] : memref<64x64x2048xf32, #tpu.memory_space<hbm>> -> memref<1x1x2048xf32, #tpu.memory_space<hbm>>
      %dma_wait3A_553 = tpu.memref_squeeze %dma_wait3A_552 : memref<1x1x2048xf32, #tpu.memory_space<hbm>> -> memref<2048xf32, #tpu.memory_space<hbm>>
      tpu.wait_dma2 semaphore(%arg33 : memref<!tpu.dma_semaphore, #tpu.memory_space<semaphore_mem>>) src(%arg19 : memref<2048xf32, #tpu.memory_space<vmem>>) dst(%dma_wait3A_553 : memref<2048xf32, #tpu.memory_space<hbm>>)
      %parallel_loop3A_554 = arith.constant 0 : i32
      %parallel_loop3A_555 = arith.constant 2048 : i32
      %parallel_loop3A_556 = arith.constant 16 : i32
      scf.for %parallel_loop3A_668 = %parallel_loop3A_554 to %parallel_loop3A_555 step %parallel_loop3A_556  : i32 {
        %parallel_loop3A_669 = arith.index_cast %parallel_loop3A_668 : i32 to index
        %parallel_loop3A_670 = tpu.vector_load %arg11[%parallel_loop3A_669] {strides = array<i32>} : memref<2048xi32, #tpu.memory_space<vmem>>, vector<16xi32>,
        %parallel_loop3A_671 = tpu.vector_load_idx %arg8[%parallel_loop3A_670] : memref<100000xf32, #tpu.memory_space<vmem>>[vector<16xi32>], vector<16xf32>,
        %parallel_loop3A_672 = arith.index_cast %parallel_loop3A_668 : i32 to index
        %parallel_loop3A_673 = tpu.vector_load %arg15[%parallel_loop3A_672] {strides = array<i32>} : memref<2048xf32, #tpu.memory_space<vmem>>, vector<16xf32>,
        tpu.vector_store %arg15[%parallel_loop3A_672], %parallel_loop3A_671 {strides = array<i32>} : memref<2048xf32, #tpu.memory_space<vmem>>, vector<16xf32>,
        %parallel_loop3A_674 = arith.index_cast %parallel_loop3A_668 : i32 to index
        %parallel_loop3A_675 = tpu.vector_load %arg9[%parallel_loop3A_674] {strides = array<i32>} : memref<2048xf32, #tpu.memory_space<vmem>>, vector<16xf32>,
        %parallel_loop3A_676 = arith.addf %parallel_loop3A_671, %parallel_loop3A_675 : vector<16xf32>
        %parallel_loop3A_677 = arith.index_cast %parallel_loop3A_668 : i32 to index
        %parallel_loop3A_678 = tpu.vector_load %arg19[%parallel_loop3A_677] {strides = array<i32>} : memref<2048xf32, #tpu.memory_space<vmem>>, vector<16xf32>,
        tpu.vector_store %arg19[%parallel_loop3A_677], %parallel_loop3A_676 {strides = array<i32>} : memref<2048xf32, #tpu.memory_space<vmem>>, vector<16xf32>,
      } {sc.loop_unroll_factor = 8 : i64, sc.parallel_access}
      %dma_start3A_557 = arith.constant 0 : i32
      %dma_start3A_558 = tpu.memref_slice %arg6[%add3A_533, %add3A_2, %dma_start3A_557] : memref<64x64x2048xf32, #tpu.memory_space<hbm>> -> memref<1x1x2048xf32, #tpu.memory_space<hbm>>
      %dma_start3A_559 = tpu.memref_squeeze %dma_start3A_558 : memref<1x1x2048xf32, #tpu.memory_space<hbm>> -> memref<2048xf32, #tpu.memory_space<hbm>>
      %dma_start3A_560 = arith.constant 0 : i32
      %dma_start3A_561 = tpu.memref_slice %arg6[%add3A_533, %add3A_2, %dma_start3A_560] : memref<64x64x2048xf32, #tpu.memory_space<hbm>> -> memref<1x1x2048xf32, #tpu.memory_space<hbm>>
      %dma_start3A_562 = tpu.memref_squeeze %dma_start3A_561 : memref<1x1x2048xf32, #tpu.memory_space<hbm>> -> memref<2048xf32, #tpu.memory_space<hbm>>
      tpu.enqueue_dma source(%arg15 : memref<2048xf32, #tpu.memory_space<vmem>>) target(%dma_start3A_562 : memref<2048xf32, #tpu.memory_space<hbm>>) target_semaphore(%arg29 : memref<!tpu.dma_semaphore, #tpu.memory_space<semaphore_mem>>)
      %dma_start3A_563 = arith.constant 0 : i32
      %dma_start3A_564 = tpu.memref_slice %arg5[%add3A_533, %add3A_2, %dma_start3A_563] : memref<64x64x2048xf32, #tpu.memory_space<hbm>> -> memref<1x1x2048xf32, #tpu.memory_space<hbm>>
      %dma_start3A_565 = tpu.memref_squeeze %dma_start3A_564 : memref<1x1x2048xf32, #tpu.memory_space<hbm>> -> memref<2048xf32, #tpu.memory_space<hbm>>
      %dma_start3A_566 = arith.constant 0 : i32
      %dma_start3A_567 = tpu.memref_slice %arg5[%add3A_533, %add3A_2, %dma_start3A_566] : memref<64x64x2048xf32, #tpu.memory_space<hbm>> -> memref<1x1x2048xf32, #tpu.memory_space<hbm>>
      %dma_start3A_568 = tpu.memref_squeeze %dma_start3A_567 : memref<1x1x2048xf32, #tpu.memory_space<hbm>> -> memref<2048xf32, #tpu.memory_space<hbm>>
      tpu.enqueue_dma source(%arg19 : memref<2048xf32, #tpu.memory_space<vmem>>) target(%dma_start3A_568 : memref<2048xf32, #tpu.memory_space<hbm>>) target_semaphore(%arg33 : memref<!tpu.dma_semaphore, #tpu.memory_space<semaphore_mem>>)
      %add3A_569 = arith.constant 4 : i32
      %add3A_570 = arith.addi %add3A_533, %add3A_569 : i32
      %lt3A_571 = arith.constant 64 : i32
      %lt3A_572 = arith.cmpi slt, %add3A_570, %lt3A_571 : i32
      %convert_element_type3A_573 = arith.extui %lt3A_572 : i1 to i32
      %cond3A_574 = arith.constant 0 : i32
      %cond3A_575 = arith.cmpi ne, %convert_element_type3A_573, %cond3A_574 : i32
      scf.if %cond3A_575 {
        %add3A_668 = arith.constant 4 : i32
        %add3A_669 = arith.addi %add3A_533, %add3A_668 : i32
        %dma_start3A_670 = arith.constant 0 : i32
        %dma_start3A_671 = tpu.memref_slice %arg2[%add3A_669, %dma_start3A_670] : memref<64x2048xi32, #tpu.memory_space<hbm>> -> memref<1x2048xi32, #tpu.memory_space<hbm>>
        %dma_start3A_672 = tpu.memref_squeeze %dma_start3A_671 : memref<1x2048xi32, #tpu.memory_space<hbm>> -> memref<2048xi32, #tpu.memory_space<hbm>>
        %dma_start3A_673 = arith.constant 0 : i32
        %dma_start3A_674 = tpu.memref_slice %arg2[%add3A_669, %dma_start3A_673] : memref<64x2048xi32, #tpu.memory_space<hbm>> -> memref<1x2048xi32, #tpu.memory_space<hbm>>
        %dma_start3A_675 = tpu.memref_squeeze %dma_start3A_674 : memref<1x2048xi32, #tpu.memory_space<hbm>> -> memref<2048xi32, #tpu.memory_space<hbm>>
        tpu.enqueue_dma source(%dma_start3A_675 : memref<2048xi32, #tpu.memory_space<hbm>>) target(%arg11 : memref<2048xi32, #tpu.memory_space<vmem>>) target_semaphore(%arg25 : memref<!tpu.dma_semaphore, #tpu.memory_space<semaphore_mem>>)
      } else {
      }
      %mul3A_576 = arith.constant 4 : i32
      %mul3A_577 = arith.muli %scan3A_486, %mul3A_576 : i32
      %add3A_578 = arith.constant 2 : i32
      %add3A_579 = arith.addi %mul3A_577, %add3A_578 : i32
      %dma_wait3A_580 = arith.constant 0 : i32
      %dma_wait3A_581 = tpu.memref_slice %arg2[%add3A_579, %dma_wait3A_580] : memref<64x2048xi32, #tpu.memory_space<hbm>> -> memref<1x2048xi32, #tpu.memory_space<hbm>>
      %dma_wait3A_582 = tpu.memref_squeeze %dma_wait3A_581 : memref<1x2048xi32, #tpu.memory_space<hbm>> -> memref<2048xi32, #tpu.memory_space<hbm>>
      %dma_wait3A_583 = arith.constant 0 : i32
      %dma_wait3A_584 = tpu.memref_slice %arg2[%add3A_579, %dma_wait3A_583] : memref<64x2048xi32, #tpu.memory_space<hbm>> -> memref<1x2048xi32, #tpu.memory_space<hbm>>
      %dma_wait3A_585 = tpu.memref_squeeze %dma_wait3A_584 : memref<1x2048xi32, #tpu.memory_space<hbm>> -> memref<2048xi32, #tpu.memory_space<hbm>>
      tpu.wait_dma2 semaphore(%arg26 : memref<!tpu.dma_semaphore, #tpu.memory_space<semaphore_mem>>) src(%dma_wait3A_585 : memref<2048xi32, #tpu.memory_space<hbm>>) dst(%arg12 : memref<2048xi32, #tpu.memory_space<vmem>>)
      %sub3A_586 = arith.constant 4 : i32
      %sub3A_587 = arith.subi %add3A_579, %sub3A_586 : i32
      %dma_wait3A_588 = arith.constant 0 : i32
      %dma_wait3A_589 = tpu.memref_slice %arg6[%sub3A_587, %add3A_2, %dma_wait3A_588] : memref<64x64x2048xf32, #tpu.memory_space<hbm>> -> memref<1x1x2048xf32, #tpu.memory_space<hbm>>
      %dma_wait3A_590 = tpu.memref_squeeze %dma_wait3A_589 : memref<1x1x2048xf32, #tpu.memory_space<hbm>> -> memref<2048xf32, #tpu.memory_space<hbm>>
      %dma_wait3A_591 = arith.constant 0 : i32
      %dma_wait3A_592 = tpu.memref_slice %arg6[%sub3A_587, %add3A_2, %dma_wait3A_591] : memref<64x64x2048xf32, #tpu.memory_space<hbm>> -> memref<1x1x2048xf32, #tpu.memory_space<hbm>>
      %dma_wait3A_593 = tpu.memref_squeeze %dma_wait3A_592 : memref<1x1x2048xf32, #tpu.memory_space<hbm>> -> memref<2048xf32, #tpu.memory_space<hbm>>
      tpu.wait_dma2 semaphore(%arg30 : memref<!tpu.dma_semaphore, #tpu.memory_space<semaphore_mem>>) src(%arg16 : memref<2048xf32, #tpu.memory_space<vmem>>) dst(%dma_wait3A_593 : memref<2048xf32, #tpu.memory_space<hbm>>)
      %dma_wait3A_594 = arith.constant 0 : i32
      %dma_wait3A_595 = tpu.memref_slice %arg5[%sub3A_587, %add3A_2, %dma_wait3A_594] : memref<64x64x2048xf32, #tpu.memory_space<hbm>> -> memref<1x1x2048xf32, #tpu.memory_space<hbm>>
      %dma_wait3A_596 = tpu.memref_squeeze %dma_wait3A_595 : memref<1x1x2048xf32, #tpu.memory_space<hbm>> -> memref<2048xf32, #tpu.memory_space<hbm>>
      %dma_wait3A_597 = arith.constant 0 : i32
      %dma_wait3A_598 = tpu.memref_slice %arg5[%sub3A_587, %add3A_2, %dma_wait3A_597] : memref<64x64x2048xf32, #tpu.memory_space<hbm>> -> memref<1x1x2048xf32, #tpu.memory_space<hbm>>
      %dma_wait3A_599 = tpu.memref_squeeze %dma_wait3A_598 : memref<1x1x2048xf32, #tpu.memory_space<hbm>> -> memref<2048xf32, #tpu.memory_space<hbm>>
      tpu.wait_dma2 semaphore(%arg34 : memref<!tpu.dma_semaphore, #tpu.memory_space<semaphore_mem>>) src(%arg20 : memref<2048xf32, #tpu.memory_space<vmem>>) dst(%dma_wait3A_599 : memref<2048xf32, #tpu.memory_space<hbm>>)
      %parallel_loop3A_600 = arith.constant 0 : i32
      %parallel_loop3A_601 = arith.constant 2048 : i32
      %parallel_loop3A_602 = arith.constant 16 : i32
      scf.for %parallel_loop3A_668 = %parallel_loop3A_600 to %parallel_loop3A_601 step %parallel_loop3A_602  : i32 {
        %parallel_loop3A_669 = arith.index_cast %parallel_loop3A_668 : i32 to index
        %parallel_loop3A_670 = tpu.vector_load %arg12[%parallel_loop3A_669] {strides = array<i32>} : memref<2048xi32, #tpu.memory_space<vmem>>, vector<16xi32>,
        %parallel_loop3A_671 = tpu.vector_load_idx %arg8[%parallel_loop3A_670] : memref<100000xf32, #tpu.memory_space<vmem>>[vector<16xi32>], vector<16xf32>,
        %parallel_loop3A_672 = arith.index_cast %parallel_loop3A_668 : i32 to index
        %parallel_loop3A_673 = tpu.vector_load %arg16[%parallel_loop3A_672] {strides = array<i32>} : memref<2048xf32, #tpu.memory_space<vmem>>, vector<16xf32>,
        tpu.vector_store %arg16[%parallel_loop3A_672], %parallel_loop3A_671 {strides = array<i32>} : memref<2048xf32, #tpu.memory_space<vmem>>, vector<16xf32>,
        %parallel_loop3A_674 = arith.index_cast %parallel_loop3A_668 : i32 to index
        %parallel_loop3A_675 = tpu.vector_load %arg9[%parallel_loop3A_674] {strides = array<i32>} : memref<2048xf32, #tpu.memory_space<vmem>>, vector<16xf32>,
        %parallel_loop3A_676 = arith.addf %parallel_loop3A_671, %parallel_loop3A_675 : vector<16xf32>
        %parallel_loop3A_677 = arith.index_cast %parallel_loop3A_668 : i32 to index
        %parallel_loop3A_678 = tpu.vector_load %arg20[%parallel_loop3A_677] {strides = array<i32>} : memref<2048xf32, #tpu.memory_space<vmem>>, vector<16xf32>,
        tpu.vector_store %arg20[%parallel_loop3A_677], %parallel_loop3A_676 {strides = array<i32>} : memref<2048xf32, #tpu.memory_space<vmem>>, vector<16xf32>,
      } {sc.loop_unroll_factor = 8 : i64, sc.parallel_access}
      %dma_start3A_603 = arith.constant 0 : i32
      %dma_start3A_604 = tpu.memref_slice %arg6[%add3A_579, %add3A_2, %dma_start3A_603] : memref<64x64x2048xf32, #tpu.memory_space<hbm>> -> memref<1x1x2048xf32, #tpu.memory_space<hbm>>
      %dma_start3A_605 = tpu.memref_squeeze %dma_start3A_604 : memref<1x1x2048xf32, #tpu.memory_space<hbm>> -> memref<2048xf32, #tpu.memory_space<hbm>>
      %dma_start3A_606 = arith.constant 0 : i32
      %dma_start3A_607 = tpu.memref_slice %arg6[%add3A_579, %add3A_2, %dma_start3A_606] : memref<64x64x2048xf32, #tpu.memory_space<hbm>> -> memref<1x1x2048xf32, #tpu.memory_space<hbm>>
      %dma_start3A_608 = tpu.memref_squeeze %dma_start3A_607 : memref<1x1x2048xf32, #tpu.memory_space<hbm>> -> memref<2048xf32, #tpu.memory_space<hbm>>
      tpu.enqueue_dma source(%arg16 : memref<2048xf32, #tpu.memory_space<vmem>>) target(%dma_start3A_608 : memref<2048xf32, #tpu.memory_space<hbm>>) target_semaphore(%arg30 : memref<!tpu.dma_semaphore, #tpu.memory_space<semaphore_mem>>)
      %dma_start3A_609 = arith.constant 0 : i32
      %dma_start3A_610 = tpu.memref_slice %arg5[%add3A_579, %add3A_2, %dma_start3A_609] : memref<64x64x2048xf32, #tpu.memory_space<hbm>> -> memref<1x1x2048xf32, #tpu.memory_space<hbm>>
      %dma_start3A_611 = tpu.memref_squeeze %dma_start3A_610 : memref<1x1x2048xf32, #tpu.memory_space<hbm>> -> memref<2048xf32, #tpu.memory_space<hbm>>
      %dma_start3A_612 = arith.constant 0 : i32
      %dma_start3A_613 = tpu.memref_slice %arg5[%add3A_579, %add3A_2, %dma_start3A_612] : memref<64x64x2048xf32, #tpu.memory_space<hbm>> -> memref<1x1x2048xf32, #tpu.memory_space<hbm>>
      %dma_start3A_614 = tpu.memref_squeeze %dma_start3A_613 : memref<1x1x2048xf32, #tpu.memory_space<hbm>> -> memref<2048xf32, #tpu.memory_space<hbm>>
      tpu.enqueue_dma source(%arg20 : memref<2048xf32, #tpu.memory_space<vmem>>) target(%dma_start3A_614 : memref<2048xf32, #tpu.memory_space<hbm>>) target_semaphore(%arg34 : memref<!tpu.dma_semaphore, #tpu.memory_space<semaphore_mem>>)
      %add3A_615 = arith.constant 4 : i32
      %add3A_616 = arith.addi %add3A_579, %add3A_615 : i32
      %lt3A_617 = arith.constant 64 : i32
      %lt3A_618 = arith.cmpi slt, %add3A_616, %lt3A_617 : i32
      %convert_element_type3A_619 = arith.extui %lt3A_618 : i1 to i32
      %cond3A_620 = arith.constant 0 : i32
      %cond3A_621 = arith.cmpi ne, %convert_element_type3A_619, %cond3A_620 : i32
      scf.if %cond3A_621 {
        %add3A_668 = arith.constant 4 : i32
        %add3A_669 = arith.addi %add3A_579, %add3A_668 : i32
        %dma_start3A_670 = arith.constant 0 : i32
        %dma_start3A_671 = tpu.memref_slice %arg2[%add3A_669, %dma_start3A_670] : memref<64x2048xi32, #tpu.memory_space<hbm>> -> memref<1x2048xi32, #tpu.memory_space<hbm>>
        %dma_start3A_672 = tpu.memref_squeeze %dma_start3A_671 : memref<1x2048xi32, #tpu.memory_space<hbm>> -> memref<2048xi32, #tpu.memory_space<hbm>>
        %dma_start3A_673 = arith.constant 0 : i32
        %dma_start3A_674 = tpu.memref_slice %arg2[%add3A_669, %dma_start3A_673] : memref<64x2048xi32, #tpu.memory_space<hbm>> -> memref<1x2048xi32, #tpu.memory_space<hbm>>
        %dma_start3A_675 = tpu.memref_squeeze %dma_start3A_674 : memref<1x2048xi32, #tpu.memory_space<hbm>> -> memref<2048xi32, #tpu.memory_space<hbm>>
        tpu.enqueue_dma source(%dma_start3A_675 : memref<2048xi32, #tpu.memory_space<hbm>>) target(%arg12 : memref<2048xi32, #tpu.memory_space<vmem>>) target_semaphore(%arg26 : memref<!tpu.dma_semaphore, #tpu.memory_space<semaphore_mem>>)
      } else {
      }
      %mul3A_622 = arith.constant 4 : i32
      %mul3A_623 = arith.muli %scan3A_486, %mul3A_622 : i32
      %add3A_624 = arith.constant 3 : i32
      %add3A_625 = arith.addi %mul3A_623, %add3A_624 : i32
      %dma_wait3A_626 = arith.constant 0 : i32
      %dma_wait3A_627 = tpu.memref_slice %arg2[%add3A_625, %dma_wait3A_626] : memref<64x2048xi32, #tpu.memory_space<hbm>> -> memref<1x2048xi32, #tpu.memory_space<hbm>>
      %dma_wait3A_628 = tpu.memref_squeeze %dma_wait3A_627 : memref<1x2048xi32, #tpu.memory_space<hbm>> -> memref<2048xi32, #tpu.memory_space<hbm>>
      %dma_wait3A_629 = arith.constant 0 : i32
      %dma_wait3A_630 = tpu.memref_slice %arg2[%add3A_625, %dma_wait3A_629] : memref<64x2048xi32, #tpu.memory_space<hbm>> -> memref<1x2048xi32, #tpu.memory_space<hbm>>
      %dma_wait3A_631 = tpu.memref_squeeze %dma_wait3A_630 : memref<1x2048xi32, #tpu.memory_space<hbm>> -> memref<2048xi32, #tpu.memory_space<hbm>>
      tpu.wait_dma2 semaphore(%arg27 : memref<!tpu.dma_semaphore, #tpu.memory_space<semaphore_mem>>) src(%dma_wait3A_631 : memref<2048xi32, #tpu.memory_space<hbm>>) dst(%arg13 : memref<2048xi32, #tpu.memory_space<vmem>>)
      %sub3A_632 = arith.constant 4 : i32
      %sub3A_633 = arith.subi %add3A_625, %sub3A_632 : i32
      %dma_wait3A_634 = arith.constant 0 : i32
      %dma_wait3A_635 = tpu.memref_slice %arg6[%sub3A_633, %add3A_2, %dma_wait3A_634] : memref<64x64x2048xf32, #tpu.memory_space<hbm>> -> memref<1x1x2048xf32, #tpu.memory_space<hbm>>
      %dma_wait3A_636 = tpu.memref_squeeze %dma_wait3A_635 : memref<1x1x2048xf32, #tpu.memory_space<hbm>> -> memref<2048xf32, #tpu.memory_space<hbm>>
      %dma_wait3A_637 = arith.constant 0 : i32
      %dma_wait3A_638 = tpu.memref_slice %arg6[%sub3A_633, %add3A_2, %dma_wait3A_637] : memref<64x64x2048xf32, #tpu.memory_space<hbm>> -> memref<1x1x2048xf32, #tpu.memory_space<hbm>>
      %dma_wait3A_639 = tpu.memref_squeeze %dma_wait3A_638 : memref<1x1x2048xf32, #tpu.memory_space<hbm>> -> memref<2048xf32, #tpu.memory_space<hbm>>
      tpu.wait_dma2 semaphore(%arg31 : memref<!tpu.dma_semaphore, #tpu.memory_space<semaphore_mem>>) src(%arg17 : memref<2048xf32, #tpu.memory_space<vmem>>) dst(%dma_wait3A_639 : memref<2048xf32, #tpu.memory_space<hbm>>)
      %dma_wait3A_640 = arith.constant 0 : i32
      %dma_wait3A_641 = tpu.memref_slice %arg5[%sub3A_633, %add3A_2, %dma_wait3A_640] : memref<64x64x2048xf32, #tpu.memory_space<hbm>> -> memref<1x1x2048xf32, #tpu.memory_space<hbm>>
      %dma_wait3A_642 = tpu.memref_squeeze %dma_wait3A_641 : memref<1x1x2048xf32, #tpu.memory_space<hbm>> -> memref<2048xf32, #tpu.memory_space<hbm>>
      %dma_wait3A_643 = arith.constant 0 : i32
      %dma_wait3A_644 = tpu.memref_slice %arg5[%sub3A_633, %add3A_2, %dma_wait3A_643] : memref<64x64x2048xf32, #tpu.memory_space<hbm>> -> memref<1x1x2048xf32, #tpu.memory_space<hbm>>
      %dma_wait3A_645 = tpu.memref_squeeze %dma_wait3A_644 : memref<1x1x2048xf32, #tpu.memory_space<hbm>> -> memref<2048xf32, #tpu.memory_space<hbm>>
      tpu.wait_dma2 semaphore(%arg35 : memref<!tpu.dma_semaphore, #tpu.memory_space<semaphore_mem>>) src(%arg21 : memref<2048xf32, #tpu.memory_space<vmem>>) dst(%dma_wait3A_645 : memref<2048xf32, #tpu.memory_space<hbm>>)
      %parallel_loop3A_646 = arith.constant 0 : i32
      %parallel_loop3A_647 = arith.constant 2048 : i32
      %parallel_loop3A_648 = arith.constant 16 : i32
      scf.for %parallel_loop3A_668 = %parallel_loop3A_646 to %parallel_loop3A_647 step %parallel_loop3A_648  : i32 {
        %parallel_loop3A_669 = arith.index_cast %parallel_loop3A_668 : i32 to index
        %parallel_loop3A_670 = tpu.vector_load %arg13[%parallel_loop3A_669] {strides = array<i32>} : memref<2048xi32, #tpu.memory_space<vmem>>, vector<16xi32>,
        %parallel_loop3A_671 = tpu.vector_load_idx %arg8[%parallel_loop3A_670] : memref<100000xf32, #tpu.memory_space<vmem>>[vector<16xi32>], vector<16xf32>,
        %parallel_loop3A_672 = arith.index_cast %parallel_loop3A_668 : i32 to index
        %parallel_loop3A_673 = tpu.vector_load %arg17[%parallel_loop3A_672] {strides = array<i32>} : memref<2048xf32, #tpu.memory_space<vmem>>, vector<16xf32>,
        tpu.vector_store %arg17[%parallel_loop3A_672], %parallel_loop3A_671 {strides = array<i32>} : memref<2048xf32, #tpu.memory_space<vmem>>, vector<16xf32>,
        %parallel_loop3A_674 = arith.index_cast %parallel_loop3A_668 : i32 to index
        %parallel_loop3A_675 = tpu.vector_load %arg9[%parallel_loop3A_674] {strides = array<i32>} : memref<2048xf32, #tpu.memory_space<vmem>>, vector<16xf32>,
        %parallel_loop3A_676 = arith.addf %parallel_loop3A_671, %parallel_loop3A_675 : vector<16xf32>
        %parallel_loop3A_677 = arith.index_cast %parallel_loop3A_668 : i32 to index
        %parallel_loop3A_678 = tpu.vector_load %arg21[%parallel_loop3A_677] {strides = array<i32>} : memref<2048xf32, #tpu.memory_space<vmem>>, vector<16xf32>,
        tpu.vector_store %arg21[%parallel_loop3A_677], %parallel_loop3A_676 {strides = array<i32>} : memref<2048xf32, #tpu.memory_space<vmem>>, vector<16xf32>,
      } {sc.loop_unroll_factor = 8 : i64, sc.parallel_access}
      %dma_start3A_649 = arith.constant 0 : i32
      %dma_start3A_650 = tpu.memref_slice %arg6[%add3A_625, %add3A_2, %dma_start3A_649] : memref<64x64x2048xf32, #tpu.memory_space<hbm>> -> memref<1x1x2048xf32, #tpu.memory_space<hbm>>
      %dma_start3A_651 = tpu.memref_squeeze %dma_start3A_650 : memref<1x1x2048xf32, #tpu.memory_space<hbm>> -> memref<2048xf32, #tpu.memory_space<hbm>>
      %dma_start3A_652 = arith.constant 0 : i32
      %dma_start3A_653 = tpu.memref_slice %arg6[%add3A_625, %add3A_2, %dma_start3A_652] : memref<64x64x2048xf32, #tpu.memory_space<hbm>> -> memref<1x1x2048xf32, #tpu.memory_space<hbm>>
      %dma_start3A_654 = tpu.memref_squeeze %dma_start3A_653 : memref<1x1x2048xf32, #tpu.memory_space<hbm>> -> memref<2048xf32, #tpu.memory_space<hbm>>
      tpu.enqueue_dma source(%arg17 : memref<2048xf32, #tpu.memory_space<vmem>>) target(%dma_start3A_654 : memref<2048xf32, #tpu.memory_space<hbm>>) target_semaphore(%arg31 : memref<!tpu.dma_semaphore, #tpu.memory_space<semaphore_mem>>)
      %dma_start3A_655 = arith.constant 0 : i32
      %dma_start3A_656 = tpu.memref_slice %arg5[%add3A_625, %add3A_2, %dma_start3A_655] : memref<64x64x2048xf32, #tpu.memory_space<hbm>> -> memref<1x1x2048xf32, #tpu.memory_space<hbm>>
      %dma_start3A_657 = tpu.memref_squeeze %dma_start3A_656 : memref<1x1x2048xf32, #tpu.memory_space<hbm>> -> memref<2048xf32, #tpu.memory_space<hbm>>
      %dma_start3A_658 = arith.constant 0 : i32
      %dma_start3A_659 = tpu.memref_slice %arg5[%add3A_625, %add3A_2, %dma_start3A_658] : memref<64x64x2048xf32, #tpu.memory_space<hbm>> -> memref<1x1x2048xf32, #tpu.memory_space<hbm>>
      %dma_start3A_660 = tpu.memref_squeeze %dma_start3A_659 : memref<1x1x2048xf32, #tpu.memory_space<hbm>> -> memref<2048xf32, #tpu.memory_space<hbm>>
      tpu.enqueue_dma source(%arg21 : memref<2048xf32, #tpu.memory_space<vmem>>) target(%dma_start3A_660 : memref<2048xf32, #tpu.memory_space<hbm>>) target_semaphore(%arg35 : memref<!tpu.dma_semaphore, #tpu.memory_space<semaphore_mem>>)
      %add3A_661 = arith.constant 4 : i32
      %add3A_662 = arith.addi %add3A_625, %add3A_661 : i32
      %lt3A_663 = arith.constant 64 : i32
      %lt3A_664 = arith.cmpi slt, %add3A_662, %lt3A_663 : i32
      %convert_element_type3A_665 = arith.extui %lt3A_664 : i1 to i32
      %cond3A_666 = arith.constant 0 : i32
      %cond3A_667 = arith.cmpi ne, %convert_element_type3A_665, %cond3A_666 : i32
      scf.if %cond3A_667 {
        %add3A_668 = arith.constant 4 : i32
        %add3A_669 = arith.addi %add3A_625, %add3A_668 : i32
        %dma_start3A_670 = arith.constant 0 : i32
        %dma_start3A_671 = tpu.memref_slice %arg2[%add3A_669, %dma_start3A_670] : memref<64x2048xi32, #tpu.memory_space<hbm>> -> memref<1x2048xi32, #tpu.memory_space<hbm>>
        %dma_start3A_672 = tpu.memref_squeeze %dma_start3A_671 : memref<1x2048xi32, #tpu.memory_space<hbm>> -> memref<2048xi32, #tpu.memory_space<hbm>>
        %dma_start3A_673 = arith.constant 0 : i32
        %dma_start3A_674 = tpu.memref_slice %arg2[%add3A_669, %dma_start3A_673] : memref<64x2048xi32, #tpu.memory_space<hbm>> -> memref<1x2048xi32, #tpu.memory_space<hbm>>
        %dma_start3A_675 = tpu.memref_squeeze %dma_start3A_674 : memref<1x2048xi32, #tpu.memory_space<hbm>> -> memref<2048xi32, #tpu.memory_space<hbm>>
        tpu.enqueue_dma source(%dma_start3A_675 : memref<2048xi32, #tpu.memory_space<hbm>>) target(%arg13 : memref<2048xi32, #tpu.memory_space<vmem>>) target_semaphore(%arg27 : memref<!tpu.dma_semaphore, #tpu.memory_space<semaphore_mem>>)
      } else {
      }
    }
    %scan3A_180 = arith.constant 15 : i32
    %add3A_181 = arith.constant 32 : i32
    %add3A_182 = arith.addi %add3A, %add3A_181 : i32
    %dma_start3A_183 = arith.constant 0 : i32
    %dma_start3A_184 = tpu.memref_slice %arg3[%add3A_182, %dma_start3A_183] : memref<64x100000xf32, #tpu.memory_space<hbm>> -> memref<1x100000xf32, #tpu.memory_space<hbm>>
    %dma_start3A_185 = tpu.memref_squeeze %dma_start3A_184 : memref<1x100000xf32, #tpu.memory_space<hbm>> -> memref<100000xf32, #tpu.memory_space<hbm>>
    %dma_start3A_186 = arith.constant 0 : i32
    %dma_start3A_187 = tpu.memref_slice %arg3[%add3A_182, %dma_start3A_186] : memref<64x100000xf32, #tpu.memory_space<hbm>> -> memref<1x100000xf32, #tpu.memory_space<hbm>>
    %dma_start3A_188 = tpu.memref_squeeze %dma_start3A_187 : memref<1x100000xf32, #tpu.memory_space<hbm>> -> memref<100000xf32, #tpu.memory_space<hbm>>
    tpu.enqueue_dma source(%dma_start3A_188 : memref<100000xf32, #tpu.memory_space<hbm>>) target(%arg8 : memref<100000xf32, #tpu.memory_space<vmem>>) target_semaphore(%arg22 : memref<!tpu.dma_semaphore, #tpu.memory_space<semaphore_mem>>)
    %dma_start3A_189 = arith.constant 0 : i32
    %dma_start3A_190 = tpu.memref_slice %arg4[%add3A_182, %dma_start3A_189] : memref<64x2048xf32, #tpu.memory_space<hbm>> -> memref<1x2048xf32, #tpu.memory_space<hbm>>
    %dma_start3A_191 = tpu.memref_squeeze %dma_start3A_190 : memref<1x2048xf32, #tpu.memory_space<hbm>> -> memref<2048xf32, #tpu.memory_space<hbm>>
    %dma_start3A_192 = arith.constant 0 : i32
    %dma_start3A_193 = tpu.memref_slice %arg4[%add3A_182, %dma_start3A_192] : memref<64x2048xf32, #tpu.memory_space<hbm>> -> memref<1x2048xf32, #tpu.memory_space<hbm>>
    %dma_start3A_194 = tpu.memref_squeeze %dma_start3A_193 : memref<1x2048xf32, #tpu.memory_space<hbm>> -> memref<2048xf32, #tpu.memory_space<hbm>>
    tpu.enqueue_dma source(%dma_start3A_194 : memref<2048xf32, #tpu.memory_space<hbm>>) target(%arg9 : memref<2048xf32, #tpu.memory_space<vmem>>) target_semaphore(%arg23 : memref<!tpu.dma_semaphore, #tpu.memory_space<semaphore_mem>>)
    %dma_start3A_195 = arith.constant 0 : i32
    %dma_start3A_196 = arith.constant 0 : i32
    %dma_start3A_197 = tpu.memref_slice %arg2[%dma_start3A_195, %dma_start3A_196] : memref<64x2048xi32, #tpu.memory_space<hbm>> -> memref<1x2048xi32, #tpu.memory_space<hbm>>
    %dma_start3A_198 = tpu.memref_squeeze %dma_start3A_197 : memref<1x2048xi32, #tpu.memory_space<hbm>> -> memref<2048xi32, #tpu.memory_space<hbm>>
    %dma_start3A_199 = arith.constant 0 : i32
    %dma_start3A_200 = tpu.memref_slice %arg2[%dma_start3A_195, %dma_start3A_199] : memref<64x2048xi32, #tpu.memory_space<hbm>> -> memref<1x2048xi32, #tpu.memory_space<hbm>>
    %dma_start3A_201 = tpu.memref_squeeze %dma_start3A_200 : memref<1x2048xi32, #tpu.memory_space<hbm>> -> memref<2048xi32, #tpu.memory_space<hbm>>
    tpu.enqueue_dma source(%dma_start3A_201 : memref<2048xi32, #tpu.memory_space<hbm>>) target(%arg10 : memref<2048xi32, #tpu.memory_space<vmem>>) target_semaphore(%arg24 : memref<!tpu.dma_semaphore, #tpu.memory_space<semaphore_mem>>)
    %dma_start3A_202 = arith.constant 1 : i32
    %dma_start3A_203 = arith.constant 0 : i32
    %dma_start3A_204 = tpu.memref_slice %arg2[%dma_start3A_202, %dma_start3A_203] : memref<64x2048xi32, #tpu.memory_space<hbm>> -> memref<1x2048xi32, #tpu.memory_space<hbm>>
    %dma_start3A_205 = tpu.memref_squeeze %dma_start3A_204 : memref<1x2048xi32, #tpu.memory_space<hbm>> -> memref<2048xi32, #tpu.memory_space<hbm>>
    %dma_start3A_206 = arith.constant 0 : i32
    %dma_start3A_207 = tpu.memref_slice %arg2[%dma_start3A_202, %dma_start3A_206] : memref<64x2048xi32, #tpu.memory_space<hbm>> -> memref<1x2048xi32, #tpu.memory_space<hbm>>
    %dma_start3A_208 = tpu.memref_squeeze %dma_start3A_207 : memref<1x2048xi32, #tpu.memory_space<hbm>> -> memref<2048xi32, #tpu.memory_space<hbm>>
    tpu.enqueue_dma source(%dma_start3A_208 : memref<2048xi32, #tpu.memory_space<hbm>>) target(%arg11 : memref<2048xi32, #tpu.memory_space<vmem>>) target_semaphore(%arg25 : memref<!tpu.dma_semaphore, #tpu.memory_space<semaphore_mem>>)
    %dma_start3A_209 = arith.constant 2 : i32
    %dma_start3A_210 = arith.constant 0 : i32
    %dma_start3A_211 = tpu.memref_slice %arg2[%dma_start3A_209, %dma_start3A_210] : memref<64x2048xi32, #tpu.memory_space<hbm>> -> memref<1x2048xi32, #tpu.memory_space<hbm>>
    %dma_start3A_212 = tpu.memref_squeeze %dma_start3A_211 : memref<1x2048xi32, #tpu.memory_space<hbm>> -> memref<2048xi32, #tpu.memory_space<hbm>>
    %dma_start3A_213 = arith.constant 0 : i32
    %dma_start3A_214 = tpu.memref_slice %arg2[%dma_start3A_209, %dma_start3A_213] : memref<64x2048xi32, #tpu.memory_space<hbm>> -> memref<1x2048xi32, #tpu.memory_space<hbm>>
    %dma_start3A_215 = tpu.memref_squeeze %dma_start3A_214 : memref<1x2048xi32, #tpu.memory_space<hbm>> -> memref<2048xi32, #tpu.memory_space<hbm>>
    tpu.enqueue_dma source(%dma_start3A_215 : memref<2048xi32, #tpu.memory_space<hbm>>) target(%arg12 : memref<2048xi32, #tpu.memory_space<vmem>>) target_semaphore(%arg26 : memref<!tpu.dma_semaphore, #tpu.memory_space<semaphore_mem>>)
    %dma_start3A_216 = arith.constant 3 : i32
    %dma_start3A_217 = arith.constant 0 : i32
    %dma_start3A_218 = tpu.memref_slice %arg2[%dma_start3A_216, %dma_start3A_217] : memref<64x2048xi32, #tpu.memory_space<hbm>> -> memref<1x2048xi32, #tpu.memory_space<hbm>>
    %dma_start3A_219 = tpu.memref_squeeze %dma_start3A_218 : memref<1x2048xi32, #tpu.memory_space<hbm>> -> memref<2048xi32, #tpu.memory_space<hbm>>
    %dma_start3A_220 = arith.constant 0 : i32
    %dma_start3A_221 = tpu.memref_slice %arg2[%dma_start3A_216, %dma_start3A_220] : memref<64x2048xi32, #tpu.memory_space<hbm>> -> memref<1x2048xi32, #tpu.memory_space<hbm>>
    %dma_start3A_222 = tpu.memref_squeeze %dma_start3A_221 : memref<1x2048xi32, #tpu.memory_space<hbm>> -> memref<2048xi32, #tpu.memory_space<hbm>>
    tpu.enqueue_dma source(%dma_start3A_222 : memref<2048xi32, #tpu.memory_space<hbm>>) target(%arg13 : memref<2048xi32, #tpu.memory_space<vmem>>) target_semaphore(%arg27 : memref<!tpu.dma_semaphore, #tpu.memory_space<semaphore_mem>>)
    %dma_wait3A_223 = arith.constant 0 : i32
    %dma_wait3A_224 = tpu.memref_slice %arg4[%add3A_182, %dma_wait3A_223] : memref<64x2048xf32, #tpu.memory_space<hbm>> -> memref<1x2048xf32, #tpu.memory_space<hbm>>
    %dma_wait3A_225 = tpu.memref_squeeze %dma_wait3A_224 : memref<1x2048xf32, #tpu.memory_space<hbm>> -> memref<2048xf32, #tpu.memory_space<hbm>>
    %dma_wait3A_226 = arith.constant 0 : i32
    %dma_wait3A_227 = tpu.memref_slice %arg4[%add3A_182, %dma_wait3A_226] : memref<64x2048xf32, #tpu.memory_space<hbm>> -> memref<1x2048xf32, #tpu.memory_space<hbm>>
    %dma_wait3A_228 = tpu.memref_squeeze %dma_wait3A_227 : memref<1x2048xf32, #tpu.memory_space<hbm>> -> memref<2048xf32, #tpu.memory_space<hbm>>
    tpu.wait_dma2 semaphore(%arg23 : memref<!tpu.dma_semaphore, #tpu.memory_space<semaphore_mem>>) src(%dma_wait3A_228 : memref<2048xf32, #tpu.memory_space<hbm>>) dst(%arg9 : memref<2048xf32, #tpu.memory_space<vmem>>)
    "tpu.region"() ({
      %run_scoped3A = tpu.sem_alloc : memref<!tpu.dma_semaphore, #tpu.memory_space<semaphore_mem>>
      %dma_start3A_486 = arith.constant 0 : i32
      %dma_start3A_487 = tpu.memref_slice %arg7[%add3A_182, %dma_start3A_486] : memref<64x2048xf32, #tpu.memory_space<hbm>> -> memref<1x2048xf32, #tpu.memory_space<hbm>>
      %dma_start3A_488 = tpu.memref_squeeze %dma_start3A_487 : memref<1x2048xf32, #tpu.memory_space<hbm>> -> memref<2048xf32, #tpu.memory_space<hbm>>
      %dma_start3A_489 = arith.constant 0 : i32
      %dma_start3A_490 = tpu.memref_slice %arg7[%add3A_182, %dma_start3A_489] : memref<64x2048xf32, #tpu.memory_space<hbm>> -> memref<1x2048xf32, #tpu.memory_space<hbm>>
      %dma_start3A_491 = tpu.memref_squeeze %dma_start3A_490 : memref<1x2048xf32, #tpu.memory_space<hbm>> -> memref<2048xf32, #tpu.memory_space<hbm>>
      tpu.enqueue_dma source(%arg9 : memref<2048xf32, #tpu.memory_space<vmem>>) target(%dma_start3A_491 : memref<2048xf32, #tpu.memory_space<hbm>>) target_semaphore(%run_scoped3A : memref<!tpu.dma_semaphore, #tpu.memory_space<semaphore_mem>>)
      %dma_wait3A_492 = arith.constant 0 : i32
      %dma_wait3A_493 = tpu.memref_slice %arg7[%add3A_182, %dma_wait3A_492] : memref<64x2048xf32, #tpu.memory_space<hbm>> -> memref<1x2048xf32, #tpu.memory_space<hbm>>
      %dma_wait3A_494 = tpu.memref_squeeze %dma_wait3A_493 : memref<1x2048xf32, #tpu.memory_space<hbm>> -> memref<2048xf32, #tpu.memory_space<hbm>>
      %dma_wait3A_495 = arith.constant 0 : i32
      %dma_wait3A_496 = tpu.memref_slice %arg7[%add3A_182, %dma_wait3A_495] : memref<64x2048xf32, #tpu.memory_space<hbm>> -> memref<1x2048xf32, #tpu.memory_space<hbm>>
      %dma_wait3A_497 = tpu.memref_squeeze %dma_wait3A_496 : memref<1x2048xf32, #tpu.memory_space<hbm>> -> memref<2048xf32, #tpu.memory_space<hbm>>
      tpu.wait_dma2 semaphore(%run_scoped3A : memref<!tpu.dma_semaphore, #tpu.memory_space<semaphore_mem>>) src(%arg9 : memref<2048xf32, #tpu.memory_space<vmem>>) dst(%dma_wait3A_497 : memref<2048xf32, #tpu.memory_space<hbm>>)
      tpu.yield
    }) : () -> ()
    %dma_wait3A_229 = arith.constant 0 : i32
    %dma_wait3A_230 = tpu.memref_slice %arg3[%add3A_182, %dma_wait3A_229] : memref<64x100000xf32, #tpu.memory_space<hbm>> -> memref<1x100000xf32, #tpu.memory_space<hbm>>
    %dma_wait3A_231 = tpu.memref_squeeze %dma_wait3A_230 : memref<1x100000xf32, #tpu.memory_space<hbm>> -> memref<100000xf32, #tpu.memory_space<hbm>>
    %dma_wait3A_232 = arith.constant 0 : i32
    %dma_wait3A_233 = tpu.memref_slice %arg3[%add3A_182, %dma_wait3A_232] : memref<64x100000xf32, #tpu.memory_space<hbm>> -> memref<1x100000xf32, #tpu.memory_space<hbm>>
    %dma_wait3A_234 = tpu.memref_squeeze %dma_wait3A_233 : memref<1x100000xf32, #tpu.memory_space<hbm>> -> memref<100000xf32, #tpu.memory_space<hbm>>
    tpu.wait_dma2 semaphore(%arg22 : memref<!tpu.dma_semaphore, #tpu.memory_space<semaphore_mem>>) src(%dma_wait3A_234 : memref<100000xf32, #tpu.memory_space<hbm>>) dst(%arg8 : memref<100000xf32, #tpu.memory_space<vmem>>)
    %dma_wait3A_235 = arith.constant 0 : i32
    %dma_wait3A_236 = arith.constant 0 : i32
    %dma_wait3A_237 = tpu.memref_slice %arg2[%dma_wait3A_235, %dma_wait3A_236] : memref<64x2048xi32, #tpu.memory_space<hbm>> -> memref<1x2048xi32, #tpu.memory_space<hbm>>
    %dma_wait3A_238 = tpu.memref_squeeze %dma_wait3A_237 : memref<1x2048xi32, #tpu.memory_space<hbm>> -> memref<2048xi32, #tpu.memory_space<hbm>>
    %dma_wait3A_239 = arith.constant 0 : i32
    %dma_wait3A_240 = tpu.memref_slice %arg2[%dma_wait3A_235, %dma_wait3A_239] : memref<64x2048xi32, #tpu.memory_space<hbm>> -> memref<1x2048xi32, #tpu.memory_space<hbm>>
    %dma_wait3A_241 = tpu.memref_squeeze %dma_wait3A_240 : memref<1x2048xi32, #tpu.memory_space<hbm>> -> memref<2048xi32, #tpu.memory_space<hbm>>
    tpu.wait_dma2 semaphore(%arg24 : memref<!tpu.dma_semaphore, #tpu.memory_space<semaphore_mem>>) src(%dma_wait3A_241 : memref<2048xi32, #tpu.memory_space<hbm>>) dst(%arg10 : memref<2048xi32, #tpu.memory_space<vmem>>)
    %sub3A = arith.constant 32 : i32
    %sub3A_242 = arith.subi %add3A_182, %sub3A : i32
    %dma_wait3A_243 = arith.constant 60 : i32
    %dma_wait3A_244 = arith.constant 0 : i32
    %dma_wait3A_245 = tpu.memref_slice %arg6[%dma_wait3A_243, %sub3A_242, %dma_wait3A_244] : memref<64x64x2048xf32, #tpu.memory_space<hbm>> -> memref<1x1x2048xf32, #tpu.memory_space<hbm>>
    %dma_wait3A_246 = tpu.memref_squeeze %dma_wait3A_245 : memref<1x1x2048xf32, #tpu.memory_space<hbm>> -> memref<2048xf32, #tpu.memory_space<hbm>>
    %dma_wait3A_247 = arith.constant 0 : i32
    %dma_wait3A_248 = tpu.memref_slice %arg6[%dma_wait3A_243, %sub3A_242, %dma_wait3A_247] : memref<64x64x2048xf32, #tpu.memory_space<hbm>> -> memref<1x1x2048xf32, #tpu.memory_space<hbm>>
    %dma_wait3A_249 = tpu.memref_squeeze %dma_wait3A_248 : memref<1x1x2048xf32, #tpu.memory_space<hbm>> -> memref<2048xf32, #tpu.memory_space<hbm>>
    tpu.wait_dma2 semaphore(%arg28 : memref<!tpu.dma_semaphore, #tpu.memory_space<semaphore_mem>>) src(%arg14 : memref<2048xf32, #tpu.memory_space<vmem>>) dst(%dma_wait3A_249 : memref<2048xf32, #tpu.memory_space<hbm>>)
    %dma_wait3A_250 = arith.constant 60 : i32
    %dma_wait3A_251 = arith.constant 0 : i32
    %dma_wait3A_252 = tpu.memref_slice %arg5[%dma_wait3A_250, %sub3A_242, %dma_wait3A_251] : memref<64x64x2048xf32, #tpu.memory_space<hbm>> -> memref<1x1x2048xf32, #tpu.memory_space<hbm>>
    %dma_wait3A_253 = tpu.memref_squeeze %dma_wait3A_252 : memref<1x1x2048xf32, #tpu.memory_space<hbm>> -> memref<2048xf32, #tpu.memory_space<hbm>>
    %dma_wait3A_254 = arith.constant 0 : i32
    %dma_wait3A_255 = tpu.memref_slice %arg5[%dma_wait3A_250, %sub3A_242, %dma_wait3A_254] : memref<64x64x2048xf32, #tpu.memory_space<hbm>> -> memref<1x1x2048xf32, #tpu.memory_space<hbm>>
    %dma_wait3A_256 = tpu.memref_squeeze %dma_wait3A_255 : memref<1x1x2048xf32, #tpu.memory_space<hbm>> -> memref<2048xf32, #tpu.memory_space<hbm>>
    tpu.wait_dma2 semaphore(%arg32 : memref<!tpu.dma_semaphore, #tpu.memory_space<semaphore_mem>>) src(%arg18 : memref<2048xf32, #tpu.memory_space<vmem>>) dst(%dma_wait3A_256 : memref<2048xf32, #tpu.memory_space<hbm>>)
    %parallel_loop3A_257 = arith.constant 0 : i32
    %parallel_loop3A_258 = arith.constant 2048 : i32
    %parallel_loop3A_259 = arith.constant 16 : i32
    scf.for %parallel_loop3A_486 = %parallel_loop3A_257 to %parallel_loop3A_258 step %parallel_loop3A_259  : i32 {
      %parallel_loop3A_487 = arith.index_cast %parallel_loop3A_486 : i32 to index
      %parallel_loop3A_488 = tpu.vector_load %arg10[%parallel_loop3A_487] {strides = array<i32>} : memref<2048xi32, #tpu.memory_space<vmem>>, vector<16xi32>,
      %parallel_loop3A_489 = tpu.vector_load_idx %arg8[%parallel_loop3A_488] : memref<100000xf32, #tpu.memory_space<vmem>>[vector<16xi32>], vector<16xf32>,
      %parallel_loop3A_490 = arith.index_cast %parallel_loop3A_486 : i32 to index
      %parallel_loop3A_491 = tpu.vector_load %arg14[%parallel_loop3A_490] {strides = array<i32>} : memref<2048xf32, #tpu.memory_space<vmem>>, vector<16xf32>,
      tpu.vector_store %arg14[%parallel_loop3A_490], %parallel_loop3A_489 {strides = array<i32>} : memref<2048xf32, #tpu.memory_space<vmem>>, vector<16xf32>,
      %parallel_loop3A_492 = arith.index_cast %parallel_loop3A_486 : i32 to index
      %parallel_loop3A_493 = tpu.vector_load %arg9[%parallel_loop3A_492] {strides = array<i32>} : memref<2048xf32, #tpu.memory_space<vmem>>, vector<16xf32>,
      %parallel_loop3A_494 = arith.addf %parallel_loop3A_489, %parallel_loop3A_493 : vector<16xf32>
      %parallel_loop3A_495 = arith.index_cast %parallel_loop3A_486 : i32 to index
      %parallel_loop3A_496 = tpu.vector_load %arg18[%parallel_loop3A_495] {strides = array<i32>} : memref<2048xf32, #tpu.memory_space<vmem>>, vector<16xf32>,
      tpu.vector_store %arg18[%parallel_loop3A_495], %parallel_loop3A_494 {strides = array<i32>} : memref<2048xf32, #tpu.memory_space<vmem>>, vector<16xf32>,
    } {sc.loop_unroll_factor = 8 : i64, sc.parallel_access}
    %dma_start3A_260 = arith.constant 0 : i32
    %dma_start3A_261 = arith.constant 0 : i32
    %dma_start3A_262 = tpu.memref_slice %arg6[%dma_start3A_260, %add3A_182, %dma_start3A_261] : memref<64x64x2048xf32, #tpu.memory_space<hbm>> -> memref<1x1x2048xf32, #tpu.memory_space<hbm>>
    %dma_start3A_263 = tpu.memref_squeeze %dma_start3A_262 : memref<1x1x2048xf32, #tpu.memory_space<hbm>> -> memref<2048xf32, #tpu.memory_space<hbm>>
    %dma_start3A_264 = arith.constant 0 : i32
    %dma_start3A_265 = tpu.memref_slice %arg6[%dma_start3A_260, %add3A_182, %dma_start3A_264] : memref<64x64x2048xf32, #tpu.memory_space<hbm>> -> memref<1x1x2048xf32, #tpu.memory_space<hbm>>
    %dma_start3A_266 = tpu.memref_squeeze %dma_start3A_265 : memref<1x1x2048xf32, #tpu.memory_space<hbm>> -> memref<2048xf32, #tpu.memory_space<hbm>>
    tpu.enqueue_dma source(%arg14 : memref<2048xf32, #tpu.memory_space<vmem>>) target(%dma_start3A_266 : memref<2048xf32, #tpu.memory_space<hbm>>) target_semaphore(%arg28 : memref<!tpu.dma_semaphore, #tpu.memory_space<semaphore_mem>>)
    %dma_start3A_267 = arith.constant 0 : i32
    %dma_start3A_268 = arith.constant 0 : i32
    %dma_start3A_269 = tpu.memref_slice %arg5[%dma_start3A_267, %add3A_182, %dma_start3A_268] : memref<64x64x2048xf32, #tpu.memory_space<hbm>> -> memref<1x1x2048xf32, #tpu.memory_space<hbm>>
    %dma_start3A_270 = tpu.memref_squeeze %dma_start3A_269 : memref<1x1x2048xf32, #tpu.memory_space<hbm>> -> memref<2048xf32, #tpu.memory_space<hbm>>
    %dma_start3A_271 = arith.constant 0 : i32
    %dma_start3A_272 = tpu.memref_slice %arg5[%dma_start3A_267, %add3A_182, %dma_start3A_271] : memref<64x64x2048xf32, #tpu.memory_space<hbm>> -> memref<1x1x2048xf32, #tpu.memory_space<hbm>>
    %dma_start3A_273 = tpu.memref_squeeze %dma_start3A_272 : memref<1x1x2048xf32, #tpu.memory_space<hbm>> -> memref<2048xf32, #tpu.memory_space<hbm>>
    tpu.enqueue_dma source(%arg18 : memref<2048xf32, #tpu.memory_space<vmem>>) target(%dma_start3A_273 : memref<2048xf32, #tpu.memory_space<hbm>>) target_semaphore(%arg32 : memref<!tpu.dma_semaphore, #tpu.memory_space<semaphore_mem>>)
    %dma_start3A_274 = arith.constant 4 : i32
    %dma_start3A_275 = arith.constant 0 : i32
    %dma_start3A_276 = tpu.memref_slice %arg2[%dma_start3A_274, %dma_start3A_275] : memref<64x2048xi32, #tpu.memory_space<hbm>> -> memref<1x2048xi32, #tpu.memory_space<hbm>>
    %dma_start3A_277 = tpu.memref_squeeze %dma_start3A_276 : memref<1x2048xi32, #tpu.memory_space<hbm>> -> memref<2048xi32, #tpu.memory_space<hbm>>
    %dma_start3A_278 = arith.constant 0 : i32
    %dma_start3A_279 = tpu.memref_slice %arg2[%dma_start3A_274, %dma_start3A_278] : memref<64x2048xi32, #tpu.memory_space<hbm>> -> memref<1x2048xi32, #tpu.memory_space<hbm>>
    %dma_start3A_280 = tpu.memref_squeeze %dma_start3A_279 : memref<1x2048xi32, #tpu.memory_space<hbm>> -> memref<2048xi32, #tpu.memory_space<hbm>>
    tpu.enqueue_dma source(%dma_start3A_280 : memref<2048xi32, #tpu.memory_space<hbm>>) target(%arg10 : memref<2048xi32, #tpu.memory_space<vmem>>) target_semaphore(%arg24 : memref<!tpu.dma_semaphore, #tpu.memory_space<semaphore_mem>>)
    %dma_wait3A_281 = arith.constant 1 : i32
    %dma_wait3A_282 = arith.constant 0 : i32
    %dma_wait3A_283 = tpu.memref_slice %arg2[%dma_wait3A_281, %dma_wait3A_282] : memref<64x2048xi32, #tpu.memory_space<hbm>> -> memref<1x2048xi32, #tpu.memory_space<hbm>>
    %dma_wait3A_284 = tpu.memref_squeeze %dma_wait3A_283 : memref<1x2048xi32, #tpu.memory_space<hbm>> -> memref<2048xi32, #tpu.memory_space<hbm>>
    %dma_wait3A_285 = arith.constant 0 : i32
    %dma_wait3A_286 = tpu.memref_slice %arg2[%dma_wait3A_281, %dma_wait3A_285] : memref<64x2048xi32, #tpu.memory_space<hbm>> -> memref<1x2048xi32, #tpu.memory_space<hbm>>
    %dma_wait3A_287 = tpu.memref_squeeze %dma_wait3A_286 : memref<1x2048xi32, #tpu.memory_space<hbm>> -> memref<2048xi32, #tpu.memory_space<hbm>>
    tpu.wait_dma2 semaphore(%arg25 : memref<!tpu.dma_semaphore, #tpu.memory_space<semaphore_mem>>) src(%dma_wait3A_287 : memref<2048xi32, #tpu.memory_space<hbm>>) dst(%arg11 : memref<2048xi32, #tpu.memory_space<vmem>>)
    %sub3A_288 = arith.constant 32 : i32
    %sub3A_289 = arith.subi %add3A_182, %sub3A_288 : i32
    %dma_wait3A_290 = arith.constant 61 : i32
    %dma_wait3A_291 = arith.constant 0 : i32
    %dma_wait3A_292 = tpu.memref_slice %arg6[%dma_wait3A_290, %sub3A_289, %dma_wait3A_291] : memref<64x64x2048xf32, #tpu.memory_space<hbm>> -> memref<1x1x2048xf32, #tpu.memory_space<hbm>>
    %dma_wait3A_293 = tpu.memref_squeeze %dma_wait3A_292 : memref<1x1x2048xf32, #tpu.memory_space<hbm>> -> memref<2048xf32, #tpu.memory_space<hbm>>
    %dma_wait3A_294 = arith.constant 0 : i32
    %dma_wait3A_295 = tpu.memref_slice %arg6[%dma_wait3A_290, %sub3A_289, %dma_wait3A_294] : memref<64x64x2048xf32, #tpu.memory_space<hbm>> -> memref<1x1x2048xf32, #tpu.memory_space<hbm>>
    %dma_wait3A_296 = tpu.memref_squeeze %dma_wait3A_295 : memref<1x1x2048xf32, #tpu.memory_space<hbm>> -> memref<2048xf32, #tpu.memory_space<hbm>>
    tpu.wait_dma2 semaphore(%arg29 : memref<!tpu.dma_semaphore, #tpu.memory_space<semaphore_mem>>) src(%arg15 : memref<2048xf32, #tpu.memory_space<vmem>>) dst(%dma_wait3A_296 : memref<2048xf32, #tpu.memory_space<hbm>>)
    %dma_wait3A_297 = arith.constant 61 : i32
    %dma_wait3A_298 = arith.constant 0 : i32
    %dma_wait3A_299 = tpu.memref_slice %arg5[%dma_wait3A_297, %sub3A_289, %dma_wait3A_298] : memref<64x64x2048xf32, #tpu.memory_space<hbm>> -> memref<1x1x2048xf32, #tpu.memory_space<hbm>>
    %dma_wait3A_300 = tpu.memref_squeeze %dma_wait3A_299 : memref<1x1x2048xf32, #tpu.memory_space<hbm>> -> memref<2048xf32, #tpu.memory_space<hbm>>
    %dma_wait3A_301 = arith.constant 0 : i32
    %dma_wait3A_302 = tpu.memref_slice %arg5[%dma_wait3A_297, %sub3A_289, %dma_wait3A_301] : memref<64x64x2048xf32, #tpu.memory_space<hbm>> -> memref<1x1x2048xf32, #tpu.memory_space<hbm>>
    %dma_wait3A_303 = tpu.memref_squeeze %dma_wait3A_302 : memref<1x1x2048xf32, #tpu.memory_space<hbm>> -> memref<2048xf32, #tpu.memory_space<hbm>>
    tpu.wait_dma2 semaphore(%arg33 : memref<!tpu.dma_semaphore, #tpu.memory_space<semaphore_mem>>) src(%arg19 : memref<2048xf32, #tpu.memory_space<vmem>>) dst(%dma_wait3A_303 : memref<2048xf32, #tpu.memory_space<hbm>>)
    %parallel_loop3A_304 = arith.constant 0 : i32
    %parallel_loop3A_305 = arith.constant 2048 : i32
    %parallel_loop3A_306 = arith.constant 16 : i32
    scf.for %parallel_loop3A_486 = %parallel_loop3A_304 to %parallel_loop3A_305 step %parallel_loop3A_306  : i32 {
      %parallel_loop3A_487 = arith.index_cast %parallel_loop3A_486 : i32 to index
      %parallel_loop3A_488 = tpu.vector_load %arg11[%parallel_loop3A_487] {strides = array<i32>} : memref<2048xi32, #tpu.memory_space<vmem>>, vector<16xi32>,
      %parallel_loop3A_489 = tpu.vector_load_idx %arg8[%parallel_loop3A_488] : memref<100000xf32, #tpu.memory_space<vmem>>[vector<16xi32>], vector<16xf32>,
      %parallel_loop3A_490 = arith.index_cast %parallel_loop3A_486 : i32 to index
      %parallel_loop3A_491 = tpu.vector_load %arg15[%parallel_loop3A_490] {strides = array<i32>} : memref<2048xf32, #tpu.memory_space<vmem>>, vector<16xf32>,
      tpu.vector_store %arg15[%parallel_loop3A_490], %parallel_loop3A_489 {strides = array<i32>} : memref<2048xf32, #tpu.memory_space<vmem>>, vector<16xf32>,
      %parallel_loop3A_492 = arith.index_cast %parallel_loop3A_486 : i32 to index
      %parallel_loop3A_493 = tpu.vector_load %arg9[%parallel_loop3A_492] {strides = array<i32>} : memref<2048xf32, #tpu.memory_space<vmem>>, vector<16xf32>,
      %parallel_loop3A_494 = arith.addf %parallel_loop3A_489, %parallel_loop3A_493 : vector<16xf32>
      %parallel_loop3A_495 = arith.index_cast %parallel_loop3A_486 : i32 to index
      %parallel_loop3A_496 = tpu.vector_load %arg19[%parallel_loop3A_495] {strides = array<i32>} : memref<2048xf32, #tpu.memory_space<vmem>>, vector<16xf32>,
      tpu.vector_store %arg19[%parallel_loop3A_495], %parallel_loop3A_494 {strides = array<i32>} : memref<2048xf32, #tpu.memory_space<vmem>>, vector<16xf32>,
    } {sc.loop_unroll_factor = 8 : i64, sc.parallel_access}
    %dma_start3A_307 = arith.constant 1 : i32
    %dma_start3A_308 = arith.constant 0 : i32
    %dma_start3A_309 = tpu.memref_slice %arg6[%dma_start3A_307, %add3A_182, %dma_start3A_308] : memref<64x64x2048xf32, #tpu.memory_space<hbm>> -> memref<1x1x2048xf32, #tpu.memory_space<hbm>>
    %dma_start3A_310 = tpu.memref_squeeze %dma_start3A_309 : memref<1x1x2048xf32, #tpu.memory_space<hbm>> -> memref<2048xf32, #tpu.memory_space<hbm>>
    %dma_start3A_311 = arith.constant 0 : i32
    %dma_start3A_312 = tpu.memref_slice %arg6[%dma_start3A_307, %add3A_182, %dma_start3A_311] : memref<64x64x2048xf32, #tpu.memory_space<hbm>> -> memref<1x1x2048xf32, #tpu.memory_space<hbm>>
    %dma_start3A_313 = tpu.memref_squeeze %dma_start3A_312 : memref<1x1x2048xf32, #tpu.memory_space<hbm>> -> memref<2048xf32, #tpu.memory_space<hbm>>
    tpu.enqueue_dma source(%arg15 : memref<2048xf32, #tpu.memory_space<vmem>>) target(%dma_start3A_313 : memref<2048xf32, #tpu.memory_space<hbm>>) target_semaphore(%arg29 : memref<!tpu.dma_semaphore, #tpu.memory_space<semaphore_mem>>)
    %dma_start3A_314 = arith.constant 1 : i32
    %dma_start3A_315 = arith.constant 0 : i32
    %dma_start3A_316 = tpu.memref_slice %arg5[%dma_start3A_314, %add3A_182, %dma_start3A_315] : memref<64x64x2048xf32, #tpu.memory_space<hbm>> -> memref<1x1x2048xf32, #tpu.memory_space<hbm>>
    %dma_start3A_317 = tpu.memref_squeeze %dma_start3A_316 : memref<1x1x2048xf32, #tpu.memory_space<hbm>> -> memref<2048xf32, #tpu.memory_space<hbm>>
    %dma_start3A_318 = arith.constant 0 : i32
    %dma_start3A_319 = tpu.memref_slice %arg5[%dma_start3A_314, %add3A_182, %dma_start3A_318] : memref<64x64x2048xf32, #tpu.memory_space<hbm>> -> memref<1x1x2048xf32, #tpu.memory_space<hbm>>
    %dma_start3A_320 = tpu.memref_squeeze %dma_start3A_319 : memref<1x1x2048xf32, #tpu.memory_space<hbm>> -> memref<2048xf32, #tpu.memory_space<hbm>>
    tpu.enqueue_dma source(%arg19 : memref<2048xf32, #tpu.memory_space<vmem>>) target(%dma_start3A_320 : memref<2048xf32, #tpu.memory_space<hbm>>) target_semaphore(%arg33 : memref<!tpu.dma_semaphore, #tpu.memory_space<semaphore_mem>>)
    %dma_start3A_321 = arith.constant 5 : i32
    %dma_start3A_322 = arith.constant 0 : i32
    %dma_start3A_323 = tpu.memref_slice %arg2[%dma_start3A_321, %dma_start3A_322] : memref<64x2048xi32, #tpu.memory_space<hbm>> -> memref<1x2048xi32, #tpu.memory_space<hbm>>
    %dma_start3A_324 = tpu.memref_squeeze %dma_start3A_323 : memref<1x2048xi32, #tpu.memory_space<hbm>> -> memref<2048xi32, #tpu.memory_space<hbm>>
    %dma_start3A_325 = arith.constant 0 : i32
    %dma_start3A_326 = tpu.memref_slice %arg2[%dma_start3A_321, %dma_start3A_325] : memref<64x2048xi32, #tpu.memory_space<hbm>> -> memref<1x2048xi32, #tpu.memory_space<hbm>>
    %dma_start3A_327 = tpu.memref_squeeze %dma_start3A_326 : memref<1x2048xi32, #tpu.memory_space<hbm>> -> memref<2048xi32, #tpu.memory_space<hbm>>
    tpu.enqueue_dma source(%dma_start3A_327 : memref<2048xi32, #tpu.memory_space<hbm>>) target(%arg11 : memref<2048xi32, #tpu.memory_space<vmem>>) target_semaphore(%arg25 : memref<!tpu.dma_semaphore, #tpu.memory_space<semaphore_mem>>)
    %dma_wait3A_328 = arith.constant 2 : i32
    %dma_wait3A_329 = arith.constant 0 : i32
    %dma_wait3A_330 = tpu.memref_slice %arg2[%dma_wait3A_328, %dma_wait3A_329] : memref<64x2048xi32, #tpu.memory_space<hbm>> -> memref<1x2048xi32, #tpu.memory_space<hbm>>
    %dma_wait3A_331 = tpu.memref_squeeze %dma_wait3A_330 : memref<1x2048xi32, #tpu.memory_space<hbm>> -> memref<2048xi32, #tpu.memory_space<hbm>>
    %dma_wait3A_332 = arith.constant 0 : i32
    %dma_wait3A_333 = tpu.memref_slice %arg2[%dma_wait3A_328, %dma_wait3A_332] : memref<64x2048xi32, #tpu.memory_space<hbm>> -> memref<1x2048xi32, #tpu.memory_space<hbm>>
    %dma_wait3A_334 = tpu.memref_squeeze %dma_wait3A_333 : memref<1x2048xi32, #tpu.memory_space<hbm>> -> memref<2048xi32, #tpu.memory_space<hbm>>
    tpu.wait_dma2 semaphore(%arg26 : memref<!tpu.dma_semaphore, #tpu.memory_space<semaphore_mem>>) src(%dma_wait3A_334 : memref<2048xi32, #tpu.memory_space<hbm>>) dst(%arg12 : memref<2048xi32, #tpu.memory_space<vmem>>)
    %sub3A_335 = arith.constant 32 : i32
    %sub3A_336 = arith.subi %add3A_182, %sub3A_335 : i32
    %dma_wait3A_337 = arith.constant 62 : i32
    %dma_wait3A_338 = arith.constant 0 : i32
    %dma_wait3A_339 = tpu.memref_slice %arg6[%dma_wait3A_337, %sub3A_336, %dma_wait3A_338] : memref<64x64x2048xf32, #tpu.memory_space<hbm>> -> memref<1x1x2048xf32, #tpu.memory_space<hbm>>
    %dma_wait3A_340 = tpu.memref_squeeze %dma_wait3A_339 : memref<1x1x2048xf32, #tpu.memory_space<hbm>> -> memref<2048xf32, #tpu.memory_space<hbm>>
    %dma_wait3A_341 = arith.constant 0 : i32
    %dma_wait3A_342 = tpu.memref_slice %arg6[%dma_wait3A_337, %sub3A_336, %dma_wait3A_341] : memref<64x64x2048xf32, #tpu.memory_space<hbm>> -> memref<1x1x2048xf32, #tpu.memory_space<hbm>>
    %dma_wait3A_343 = tpu.memref_squeeze %dma_wait3A_342 : memref<1x1x2048xf32, #tpu.memory_space<hbm>> -> memref<2048xf32, #tpu.memory_space<hbm>>
    tpu.wait_dma2 semaphore(%arg30 : memref<!tpu.dma_semaphore, #tpu.memory_space<semaphore_mem>>) src(%arg16 : memref<2048xf32, #tpu.memory_space<vmem>>) dst(%dma_wait3A_343 : memref<2048xf32, #tpu.memory_space<hbm>>)
    %dma_wait3A_344 = arith.constant 62 : i32
    %dma_wait3A_345 = arith.constant 0 : i32
    %dma_wait3A_346 = tpu.memref_slice %arg5[%dma_wait3A_344, %sub3A_336, %dma_wait3A_345] : memref<64x64x2048xf32, #tpu.memory_space<hbm>> -> memref<1x1x2048xf32, #tpu.memory_space<hbm>>
    %dma_wait3A_347 = tpu.memref_squeeze %dma_wait3A_346 : memref<1x1x2048xf32, #tpu.memory_space<hbm>> -> memref<2048xf32, #tpu.memory_space<hbm>>
    %dma_wait3A_348 = arith.constant 0 : i32
    %dma_wait3A_349 = tpu.memref_slice %arg5[%dma_wait3A_344, %sub3A_336, %dma_wait3A_348] : memref<64x64x2048xf32, #tpu.memory_space<hbm>> -> memref<1x1x2048xf32, #tpu.memory_space<hbm>>
    %dma_wait3A_350 = tpu.memref_squeeze %dma_wait3A_349 : memref<1x1x2048xf32, #tpu.memory_space<hbm>> -> memref<2048xf32, #tpu.memory_space<hbm>>
    tpu.wait_dma2 semaphore(%arg34 : memref<!tpu.dma_semaphore, #tpu.memory_space<semaphore_mem>>) src(%arg20 : memref<2048xf32, #tpu.memory_space<vmem>>) dst(%dma_wait3A_350 : memref<2048xf32, #tpu.memory_space<hbm>>)
    %parallel_loop3A_351 = arith.constant 0 : i32
    %parallel_loop3A_352 = arith.constant 2048 : i32
    %parallel_loop3A_353 = arith.constant 16 : i32
    scf.for %parallel_loop3A_486 = %parallel_loop3A_351 to %parallel_loop3A_352 step %parallel_loop3A_353  : i32 {
      %parallel_loop3A_487 = arith.index_cast %parallel_loop3A_486 : i32 to index
      %parallel_loop3A_488 = tpu.vector_load %arg12[%parallel_loop3A_487] {strides = array<i32>} : memref<2048xi32, #tpu.memory_space<vmem>>, vector<16xi32>,
      %parallel_loop3A_489 = tpu.vector_load_idx %arg8[%parallel_loop3A_488] : memref<100000xf32, #tpu.memory_space<vmem>>[vector<16xi32>], vector<16xf32>,
      %parallel_loop3A_490 = arith.index_cast %parallel_loop3A_486 : i32 to index
      %parallel_loop3A_491 = tpu.vector_load %arg16[%parallel_loop3A_490] {strides = array<i32>} : memref<2048xf32, #tpu.memory_space<vmem>>, vector<16xf32>,
      tpu.vector_store %arg16[%parallel_loop3A_490], %parallel_loop3A_489 {strides = array<i32>} : memref<2048xf32, #tpu.memory_space<vmem>>, vector<16xf32>,
      %parallel_loop3A_492 = arith.index_cast %parallel_loop3A_486 : i32 to index
      %parallel_loop3A_493 = tpu.vector_load %arg9[%parallel_loop3A_492] {strides = array<i32>} : memref<2048xf32, #tpu.memory_space<vmem>>, vector<16xf32>,
      %parallel_loop3A_494 = arith.addf %parallel_loop3A_489, %parallel_loop3A_493 : vector<16xf32>
      %parallel_loop3A_495 = arith.index_cast %parallel_loop3A_486 : i32 to index
      %parallel_loop3A_496 = tpu.vector_load %arg20[%parallel_loop3A_495] {strides = array<i32>} : memref<2048xf32, #tpu.memory_space<vmem>>, vector<16xf32>,
      tpu.vector_store %arg20[%parallel_loop3A_495], %parallel_loop3A_494 {strides = array<i32>} : memref<2048xf32, #tpu.memory_space<vmem>>, vector<16xf32>,
    } {sc.loop_unroll_factor = 8 : i64, sc.parallel_access}
    %dma_start3A_354 = arith.constant 2 : i32
    %dma_start3A_355 = arith.constant 0 : i32
    %dma_start3A_356 = tpu.memref_slice %arg6[%dma_start3A_354, %add3A_182, %dma_start3A_355] : memref<64x64x2048xf32, #tpu.memory_space<hbm>> -> memref<1x1x2048xf32, #tpu.memory_space<hbm>>
    %dma_start3A_357 = tpu.memref_squeeze %dma_start3A_356 : memref<1x1x2048xf32, #tpu.memory_space<hbm>> -> memref<2048xf32, #tpu.memory_space<hbm>>
    %dma_start3A_358 = arith.constant 0 : i32
    %dma_start3A_359 = tpu.memref_slice %arg6[%dma_start3A_354, %add3A_182, %dma_start3A_358] : memref<64x64x2048xf32, #tpu.memory_space<hbm>> -> memref<1x1x2048xf32, #tpu.memory_space<hbm>>
    %dma_start3A_360 = tpu.memref_squeeze %dma_start3A_359 : memref<1x1x2048xf32, #tpu.memory_space<hbm>> -> memref<2048xf32, #tpu.memory_space<hbm>>
    tpu.enqueue_dma source(%arg16 : memref<2048xf32, #tpu.memory_space<vmem>>) target(%dma_start3A_360 : memref<2048xf32, #tpu.memory_space<hbm>>) target_semaphore(%arg30 : memref<!tpu.dma_semaphore, #tpu.memory_space<semaphore_mem>>)
    %dma_start3A_361 = arith.constant 2 : i32
    %dma_start3A_362 = arith.constant 0 : i32
    %dma_start3A_363 = tpu.memref_slice %arg5[%dma_start3A_361, %add3A_182, %dma_start3A_362] : memref<64x64x2048xf32, #tpu.memory_space<hbm>> -> memref<1x1x2048xf32, #tpu.memory_space<hbm>>
    %dma_start3A_364 = tpu.memref_squeeze %dma_start3A_363 : memref<1x1x2048xf32, #tpu.memory_space<hbm>> -> memref<2048xf32, #tpu.memory_space<hbm>>
    %dma_start3A_365 = arith.constant 0 : i32
    %dma_start3A_366 = tpu.memref_slice %arg5[%dma_start3A_361, %add3A_182, %dma_start3A_365] : memref<64x64x2048xf32, #tpu.memory_space<hbm>> -> memref<1x1x2048xf32, #tpu.memory_space<hbm>>
    %dma_start3A_367 = tpu.memref_squeeze %dma_start3A_366 : memref<1x1x2048xf32, #tpu.memory_space<hbm>> -> memref<2048xf32, #tpu.memory_space<hbm>>
    tpu.enqueue_dma source(%arg20 : memref<2048xf32, #tpu.memory_space<vmem>>) target(%dma_start3A_367 : memref<2048xf32, #tpu.memory_space<hbm>>) target_semaphore(%arg34 : memref<!tpu.dma_semaphore, #tpu.memory_space<semaphore_mem>>)
    %dma_start3A_368 = arith.constant 6 : i32
    %dma_start3A_369 = arith.constant 0 : i32
    %dma_start3A_370 = tpu.memref_slice %arg2[%dma_start3A_368, %dma_start3A_369] : memref<64x2048xi32, #tpu.memory_space<hbm>> -> memref<1x2048xi32, #tpu.memory_space<hbm>>
    %dma_start3A_371 = tpu.memref_squeeze %dma_start3A_370 : memref<1x2048xi32, #tpu.memory_space<hbm>> -> memref<2048xi32, #tpu.memory_space<hbm>>
    %dma_start3A_372 = arith.constant 0 : i32
    %dma_start3A_373 = tpu.memref_slice %arg2[%dma_start3A_368, %dma_start3A_372] : memref<64x2048xi32, #tpu.memory_space<hbm>> -> memref<1x2048xi32, #tpu.memory_space<hbm>>
    %dma_start3A_374 = tpu.memref_squeeze %dma_start3A_373 : memref<1x2048xi32, #tpu.memory_space<hbm>> -> memref<2048xi32, #tpu.memory_space<hbm>>
    tpu.enqueue_dma source(%dma_start3A_374 : memref<2048xi32, #tpu.memory_space<hbm>>) target(%arg12 : memref<2048xi32, #tpu.memory_space<vmem>>) target_semaphore(%arg26 : memref<!tpu.dma_semaphore, #tpu.memory_space<semaphore_mem>>)
    %dma_wait3A_375 = arith.constant 3 : i32
    %dma_wait3A_376 = arith.constant 0 : i32
    %dma_wait3A_377 = tpu.memref_slice %arg2[%dma_wait3A_375, %dma_wait3A_376] : memref<64x2048xi32, #tpu.memory_space<hbm>> -> memref<1x2048xi32, #tpu.memory_space<hbm>>
    %dma_wait3A_378 = tpu.memref_squeeze %dma_wait3A_377 : memref<1x2048xi32, #tpu.memory_space<hbm>> -> memref<2048xi32, #tpu.memory_space<hbm>>
    %dma_wait3A_379 = arith.constant 0 : i32
    %dma_wait3A_380 = tpu.memref_slice %arg2[%dma_wait3A_375, %dma_wait3A_379] : memref<64x2048xi32, #tpu.memory_space<hbm>> -> memref<1x2048xi32, #tpu.memory_space<hbm>>
    %dma_wait3A_381 = tpu.memref_squeeze %dma_wait3A_380 : memref<1x2048xi32, #tpu.memory_space<hbm>> -> memref<2048xi32, #tpu.memory_space<hbm>>
    tpu.wait_dma2 semaphore(%arg27 : memref<!tpu.dma_semaphore, #tpu.memory_space<semaphore_mem>>) src(%dma_wait3A_381 : memref<2048xi32, #tpu.memory_space<hbm>>) dst(%arg13 : memref<2048xi32, #tpu.memory_space<vmem>>)
    %sub3A_382 = arith.constant 32 : i32
    %sub3A_383 = arith.subi %add3A_182, %sub3A_382 : i32
    %dma_wait3A_384 = arith.constant 63 : i32
    %dma_wait3A_385 = arith.constant 0 : i32
    %dma_wait3A_386 = tpu.memref_slice %arg6[%dma_wait3A_384, %sub3A_383, %dma_wait3A_385] : memref<64x64x2048xf32, #tpu.memory_space<hbm>> -> memref<1x1x2048xf32, #tpu.memory_space<hbm>>
    %dma_wait3A_387 = tpu.memref_squeeze %dma_wait3A_386 : memref<1x1x2048xf32, #tpu.memory_space<hbm>> -> memref<2048xf32, #tpu.memory_space<hbm>>
    %dma_wait3A_388 = arith.constant 0 : i32
    %dma_wait3A_389 = tpu.memref_slice %arg6[%dma_wait3A_384, %sub3A_383, %dma_wait3A_388] : memref<64x64x2048xf32, #tpu.memory_space<hbm>> -> memref<1x1x2048xf32, #tpu.memory_space<hbm>>
    %dma_wait3A_390 = tpu.memref_squeeze %dma_wait3A_389 : memref<1x1x2048xf32, #tpu.memory_space<hbm>> -> memref<2048xf32, #tpu.memory_space<hbm>>
    tpu.wait_dma2 semaphore(%arg31 : memref<!tpu.dma_semaphore, #tpu.memory_space<semaphore_mem>>) src(%arg17 : memref<2048xf32, #tpu.memory_space<vmem>>) dst(%dma_wait3A_390 : memref<2048xf32, #tpu.memory_space<hbm>>)
    %dma_wait3A_391 = arith.constant 63 : i32
    %dma_wait3A_392 = arith.constant 0 : i32
    %dma_wait3A_393 = tpu.memref_slice %arg5[%dma_wait3A_391, %sub3A_383, %dma_wait3A_392] : memref<64x64x2048xf32, #tpu.memory_space<hbm>> -> memref<1x1x2048xf32, #tpu.memory_space<hbm>>
    %dma_wait3A_394 = tpu.memref_squeeze %dma_wait3A_393 : memref<1x1x2048xf32, #tpu.memory_space<hbm>> -> memref<2048xf32, #tpu.memory_space<hbm>>
    %dma_wait3A_395 = arith.constant 0 : i32
    %dma_wait3A_396 = tpu.memref_slice %arg5[%dma_wait3A_391, %sub3A_383, %dma_wait3A_395] : memref<64x64x2048xf32, #tpu.memory_space<hbm>> -> memref<1x1x2048xf32, #tpu.memory_space<hbm>>
    %dma_wait3A_397 = tpu.memref_squeeze %dma_wait3A_396 : memref<1x1x2048xf32, #tpu.memory_space<hbm>> -> memref<2048xf32, #tpu.memory_space<hbm>>
    tpu.wait_dma2 semaphore(%arg35 : memref<!tpu.dma_semaphore, #tpu.memory_space<semaphore_mem>>) src(%arg21 : memref<2048xf32, #tpu.memory_space<vmem>>) dst(%dma_wait3A_397 : memref<2048xf32, #tpu.memory_space<hbm>>)
    %parallel_loop3A_398 = arith.constant 0 : i32
    %parallel_loop3A_399 = arith.constant 2048 : i32
    %parallel_loop3A_400 = arith.constant 16 : i32
    scf.for %parallel_loop3A_486 = %parallel_loop3A_398 to %parallel_loop3A_399 step %parallel_loop3A_400  : i32 {
      %parallel_loop3A_487 = arith.index_cast %parallel_loop3A_486 : i32 to index
      %parallel_loop3A_488 = tpu.vector_load %arg13[%parallel_loop3A_487] {strides = array<i32>} : memref<2048xi32, #tpu.memory_space<vmem>>, vector<16xi32>,
      %parallel_loop3A_489 = tpu.vector_load_idx %arg8[%parallel_loop3A_488] : memref<100000xf32, #tpu.memory_space<vmem>>[vector<16xi32>], vector<16xf32>,
      %parallel_loop3A_490 = arith.index_cast %parallel_loop3A_486 : i32 to index
      %parallel_loop3A_491 = tpu.vector_load %arg17[%parallel_loop3A_490] {strides = array<i32>} : memref<2048xf32, #tpu.memory_space<vmem>>, vector<16xf32>,
      tpu.vector_store %arg17[%parallel_loop3A_490], %parallel_loop3A_489 {strides = array<i32>} : memref<2048xf32, #tpu.memory_space<vmem>>, vector<16xf32>,
      %parallel_loop3A_492 = arith.index_cast %parallel_loop3A_486 : i32 to index
      %parallel_loop3A_493 = tpu.vector_load %arg9[%parallel_loop3A_492] {strides = array<i32>} : memref<2048xf32, #tpu.memory_space<vmem>>, vector<16xf32>,
      %parallel_loop3A_494 = arith.addf %parallel_loop3A_489, %parallel_loop3A_493 : vector<16xf32>
      %parallel_loop3A_495 = arith.index_cast %parallel_loop3A_486 : i32 to index
      %parallel_loop3A_496 = tpu.vector_load %arg21[%parallel_loop3A_495] {strides = array<i32>} : memref<2048xf32, #tpu.memory_space<vmem>>, vector<16xf32>,
      tpu.vector_store %arg21[%parallel_loop3A_495], %parallel_loop3A_494 {strides = array<i32>} : memref<2048xf32, #tpu.memory_space<vmem>>, vector<16xf32>,
    } {sc.loop_unroll_factor = 8 : i64, sc.parallel_access}
    %dma_start3A_401 = arith.constant 3 : i32
    %dma_start3A_402 = arith.constant 0 : i32
    %dma_start3A_403 = tpu.memref_slice %arg6[%dma_start3A_401, %add3A_182, %dma_start3A_402] : memref<64x64x2048xf32, #tpu.memory_space<hbm>> -> memref<1x1x2048xf32, #tpu.memory_space<hbm>>
    %dma_start3A_404 = tpu.memref_squeeze %dma_start3A_403 : memref<1x1x2048xf32, #tpu.memory_space<hbm>> -> memref<2048xf32, #tpu.memory_space<hbm>>
    %dma_start3A_405 = arith.constant 0 : i32
    %dma_start3A_406 = tpu.memref_slice %arg6[%dma_start3A_401, %add3A_182, %dma_start3A_405] : memref<64x64x2048xf32, #tpu.memory_space<hbm>> -> memref<1x1x2048xf32, #tpu.memory_space<hbm>>
    %dma_start3A_407 = tpu.memref_squeeze %dma_start3A_406 : memref<1x1x2048xf32, #tpu.memory_space<hbm>> -> memref<2048xf32, #tpu.memory_space<hbm>>
    tpu.enqueue_dma source(%arg17 : memref<2048xf32, #tpu.memory_space<vmem>>) target(%dma_start3A_407 : memref<2048xf32, #tpu.memory_space<hbm>>) target_semaphore(%arg31 : memref<!tpu.dma_semaphore, #tpu.memory_space<semaphore_mem>>)
    %dma_start3A_408 = arith.constant 3 : i32
    %dma_start3A_409 = arith.constant 0 : i32
    %dma_start3A_410 = tpu.memref_slice %arg5[%dma_start3A_408, %add3A_182, %dma_start3A_409] : memref<64x64x2048xf32, #tpu.memory_space<hbm>> -> memref<1x1x2048xf32, #tpu.memory_space<hbm>>
    %dma_start3A_411 = tpu.memref_squeeze %dma_start3A_410 : memref<1x1x2048xf32, #tpu.memory_space<hbm>> -> memref<2048xf32, #tpu.memory_space<hbm>>
    %dma_start3A_412 = arith.constant 0 : i32
    %dma_start3A_413 = tpu.memref_slice %arg5[%dma_start3A_408, %add3A_182, %dma_start3A_412] : memref<64x64x2048xf32, #tpu.memory_space<hbm>> -> memref<1x1x2048xf32, #tpu.memory_space<hbm>>
    %dma_start3A_414 = tpu.memref_squeeze %dma_start3A_413 : memref<1x1x2048xf32, #tpu.memory_space<hbm>> -> memref<2048xf32, #tpu.memory_space<hbm>>
    tpu.enqueue_dma source(%arg21 : memref<2048xf32, #tpu.memory_space<vmem>>) target(%dma_start3A_414 : memref<2048xf32, #tpu.memory_space<hbm>>) target_semaphore(%arg35 : memref<!tpu.dma_semaphore, #tpu.memory_space<semaphore_mem>>)
    %dma_start3A_415 = arith.constant 7 : i32
    %dma_start3A_416 = arith.constant 0 : i32
    %dma_start3A_417 = tpu.memref_slice %arg2[%dma_start3A_415, %dma_start3A_416] : memref<64x2048xi32, #tpu.memory_space<hbm>> -> memref<1x2048xi32, #tpu.memory_space<hbm>>
    %dma_start3A_418 = tpu.memref_squeeze %dma_start3A_417 : memref<1x2048xi32, #tpu.memory_space<hbm>> -> memref<2048xi32, #tpu.memory_space<hbm>>
    %dma_start3A_419 = arith.constant 0 : i32
    %dma_start3A_420 = tpu.memref_slice %arg2[%dma_start3A_415, %dma_start3A_419] : memref<64x2048xi32, #tpu.memory_space<hbm>> -> memref<1x2048xi32, #tpu.memory_space<hbm>>
    %dma_start3A_421 = tpu.memref_squeeze %dma_start3A_420 : memref<1x2048xi32, #tpu.memory_space<hbm>> -> memref<2048xi32, #tpu.memory_space<hbm>>
    tpu.enqueue_dma source(%dma_start3A_421 : memref<2048xi32, #tpu.memory_space<hbm>>) target(%arg13 : memref<2048xi32, #tpu.memory_space<vmem>>) target_semaphore(%arg27 : memref<!tpu.dma_semaphore, #tpu.memory_space<semaphore_mem>>)
    %scan3A_422 = arith.constant 0 : i32
    %scan3A_423 = arith.constant 1 : i32
    %scan3A_424 = arith.constant 15 : i32
    %scan3A_425 = arith.addi %scan3A_423, %scan3A_424 : i32
    %scan3A_426 = arith.constant 1 : i32
    scf.for %scan3A_486 = %scan3A_423 to %scan3A_425 step %scan3A_426  : i32 {
      %mul3A_487 = arith.constant 4 : i32
      %mul3A_488 = arith.muli %scan3A_486, %mul3A_487 : i32
      %add3A_489 = arith.constant 0 : i32
      %add3A_490 = arith.addi %mul3A_488, %add3A_489 : i32
      %dma_wait3A_491 = arith.constant 0 : i32
      %dma_wait3A_492 = tpu.memref_slice %arg2[%add3A_490, %dma_wait3A_491] : memref<64x2048xi32, #tpu.memory_space<hbm>> -> memref<1x2048xi32, #tpu.memory_space<hbm>>
      %dma_wait3A_493 = tpu.memref_squeeze %dma_wait3A_492 : memref<1x2048xi32, #tpu.memory_space<hbm>> -> memref<2048xi32, #tpu.memory_space<hbm>>
      %dma_wait3A_494 = arith.constant 0 : i32
      %dma_wait3A_495 = tpu.memref_slice %arg2[%add3A_490, %dma_wait3A_494] : memref<64x2048xi32, #tpu.memory_space<hbm>> -> memref<1x2048xi32, #tpu.memory_space<hbm>>
      %dma_wait3A_496 = tpu.memref_squeeze %dma_wait3A_495 : memref<1x2048xi32, #tpu.memory_space<hbm>> -> memref<2048xi32, #tpu.memory_space<hbm>>
      tpu.wait_dma2 semaphore(%arg24 : memref<!tpu.dma_semaphore, #tpu.memory_space<semaphore_mem>>) src(%dma_wait3A_496 : memref<2048xi32, #tpu.memory_space<hbm>>) dst(%arg10 : memref<2048xi32, #tpu.memory_space<vmem>>)
      %sub3A_497 = arith.constant 4 : i32
      %sub3A_498 = arith.subi %add3A_490, %sub3A_497 : i32
      %dma_wait3A_499 = arith.constant 0 : i32
      %dma_wait3A_500 = tpu.memref_slice %arg6[%sub3A_498, %add3A_182, %dma_wait3A_499] : memref<64x64x2048xf32, #tpu.memory_space<hbm>> -> memref<1x1x2048xf32, #tpu.memory_space<hbm>>
      %dma_wait3A_501 = tpu.memref_squeeze %dma_wait3A_500 : memref<1x1x2048xf32, #tpu.memory_space<hbm>> -> memref<2048xf32, #tpu.memory_space<hbm>>
      %dma_wait3A_502 = arith.constant 0 : i32
      %dma_wait3A_503 = tpu.memref_slice %arg6[%sub3A_498, %add3A_182, %dma_wait3A_502] : memref<64x64x2048xf32, #tpu.memory_space<hbm>> -> memref<1x1x2048xf32, #tpu.memory_space<hbm>>
      %dma_wait3A_504 = tpu.memref_squeeze %dma_wait3A_503 : memref<1x1x2048xf32, #tpu.memory_space<hbm>> -> memref<2048xf32, #tpu.memory_space<hbm>>
      tpu.wait_dma2 semaphore(%arg28 : memref<!tpu.dma_semaphore, #tpu.memory_space<semaphore_mem>>) src(%arg14 : memref<2048xf32, #tpu.memory_space<vmem>>) dst(%dma_wait3A_504 : memref<2048xf32, #tpu.memory_space<hbm>>)
      %dma_wait3A_505 = arith.constant 0 : i32
      %dma_wait3A_506 = tpu.memref_slice %arg5[%sub3A_498, %add3A_182, %dma_wait3A_505] : memref<64x64x2048xf32, #tpu.memory_space<hbm>> -> memref<1x1x2048xf32, #tpu.memory_space<hbm>>
      %dma_wait3A_507 = tpu.memref_squeeze %dma_wait3A_506 : memref<1x1x2048xf32, #tpu.memory_space<hbm>> -> memref<2048xf32, #tpu.memory_space<hbm>>
      %dma_wait3A_508 = arith.constant 0 : i32
      %dma_wait3A_509 = tpu.memref_slice %arg5[%sub3A_498, %add3A_182, %dma_wait3A_508] : memref<64x64x2048xf32, #tpu.memory_space<hbm>> -> memref<1x1x2048xf32, #tpu.memory_space<hbm>>
      %dma_wait3A_510 = tpu.memref_squeeze %dma_wait3A_509 : memref<1x1x2048xf32, #tpu.memory_space<hbm>> -> memref<2048xf32, #tpu.memory_space<hbm>>
      tpu.wait_dma2 semaphore(%arg32 : memref<!tpu.dma_semaphore, #tpu.memory_space<semaphore_mem>>) src(%arg18 : memref<2048xf32, #tpu.memory_space<vmem>>) dst(%dma_wait3A_510 : memref<2048xf32, #tpu.memory_space<hbm>>)
      %parallel_loop3A_511 = arith.constant 0 : i32
      %parallel_loop3A_512 = arith.constant 2048 : i32
      %parallel_loop3A_513 = arith.constant 16 : i32
      scf.for %parallel_loop3A_668 = %parallel_loop3A_511 to %parallel_loop3A_512 step %parallel_loop3A_513  : i32 {
        %parallel_loop3A_669 = arith.index_cast %parallel_loop3A_668 : i32 to index
        %parallel_loop3A_670 = tpu.vector_load %arg10[%parallel_loop3A_669] {strides = array<i32>} : memref<2048xi32, #tpu.memory_space<vmem>>, vector<16xi32>,
        %parallel_loop3A_671 = tpu.vector_load_idx %arg8[%parallel_loop3A_670] : memref<100000xf32, #tpu.memory_space<vmem>>[vector<16xi32>], vector<16xf32>,
        %parallel_loop3A_672 = arith.index_cast %parallel_loop3A_668 : i32 to index
        %parallel_loop3A_673 = tpu.vector_load %arg14[%parallel_loop3A_672] {strides = array<i32>} : memref<2048xf32, #tpu.memory_space<vmem>>, vector<16xf32>,
        tpu.vector_store %arg14[%parallel_loop3A_672], %parallel_loop3A_671 {strides = array<i32>} : memref<2048xf32, #tpu.memory_space<vmem>>, vector<16xf32>,
        %parallel_loop3A_674 = arith.index_cast %parallel_loop3A_668 : i32 to index
        %parallel_loop3A_675 = tpu.vector_load %arg9[%parallel_loop3A_674] {strides = array<i32>} : memref<2048xf32, #tpu.memory_space<vmem>>, vector<16xf32>,
        %parallel_loop3A_676 = arith.addf %parallel_loop3A_671, %parallel_loop3A_675 : vector<16xf32>
        %parallel_loop3A_677 = arith.index_cast %parallel_loop3A_668 : i32 to index
        %parallel_loop3A_678 = tpu.vector_load %arg18[%parallel_loop3A_677] {strides = array<i32>} : memref<2048xf32, #tpu.memory_space<vmem>>, vector<16xf32>,
        tpu.vector_store %arg18[%parallel_loop3A_677], %parallel_loop3A_676 {strides = array<i32>} : memref<2048xf32, #tpu.memory_space<vmem>>, vector<16xf32>,
      } {sc.loop_unroll_factor = 8 : i64, sc.parallel_access}
      %dma_start3A_514 = arith.constant 0 : i32
      %dma_start3A_515 = tpu.memref_slice %arg6[%add3A_490, %add3A_182, %dma_start3A_514] : memref<64x64x2048xf32, #tpu.memory_space<hbm>> -> memref<1x1x2048xf32, #tpu.memory_space<hbm>>
      %dma_start3A_516 = tpu.memref_squeeze %dma_start3A_515 : memref<1x1x2048xf32, #tpu.memory_space<hbm>> -> memref<2048xf32, #tpu.memory_space<hbm>>
      %dma_start3A_517 = arith.constant 0 : i32
      %dma_start3A_518 = tpu.memref_slice %arg6[%add3A_490, %add3A_182, %dma_start3A_517] : memref<64x64x2048xf32, #tpu.memory_space<hbm>> -> memref<1x1x2048xf32, #tpu.memory_space<hbm>>
      %dma_start3A_519 = tpu.memref_squeeze %dma_start3A_518 : memref<1x1x2048xf32, #tpu.memory_space<hbm>> -> memref<2048xf32, #tpu.memory_space<hbm>>
      tpu.enqueue_dma source(%arg14 : memref<2048xf32, #tpu.memory_space<vmem>>) target(%dma_start3A_519 : memref<2048xf32, #tpu.memory_space<hbm>>) target_semaphore(%arg28 : memref<!tpu.dma_semaphore, #tpu.memory_space<semaphore_mem>>)
      %dma_start3A_520 = arith.constant 0 : i32
      %dma_start3A_521 = tpu.memref_slice %arg5[%add3A_490, %add3A_182, %dma_start3A_520] : memref<64x64x2048xf32, #tpu.memory_space<hbm>> -> memref<1x1x2048xf32, #tpu.memory_space<hbm>>
      %dma_start3A_522 = tpu.memref_squeeze %dma_start3A_521 : memref<1x1x2048xf32, #tpu.memory_space<hbm>> -> memref<2048xf32, #tpu.memory_space<hbm>>
      %dma_start3A_523 = arith.constant 0 : i32
      %dma_start3A_524 = tpu.memref_slice %arg5[%add3A_490, %add3A_182, %dma_start3A_523] : memref<64x64x2048xf32, #tpu.memory_space<hbm>> -> memref<1x1x2048xf32, #tpu.memory_space<hbm>>
      %dma_start3A_525 = tpu.memref_squeeze %dma_start3A_524 : memref<1x1x2048xf32, #tpu.memory_space<hbm>> -> memref<2048xf32, #tpu.memory_space<hbm>>
      tpu.enqueue_dma source(%arg18 : memref<2048xf32, #tpu.memory_space<vmem>>) target(%dma_start3A_525 : memref<2048xf32, #tpu.memory_space<hbm>>) target_semaphore(%arg32 : memref<!tpu.dma_semaphore, #tpu.memory_space<semaphore_mem>>)
      %add3A_526 = arith.constant 4 : i32
      %add3A_527 = arith.addi %add3A_490, %add3A_526 : i32
      %lt3A = arith.constant 64 : i32
      %lt3A_528 = arith.cmpi slt, %add3A_527, %lt3A : i32
      %convert_element_type3A = arith.extui %lt3A_528 : i1 to i32
      %cond3A = arith.constant 0 : i32
      %cond3A_529 = arith.cmpi ne, %convert_element_type3A, %cond3A : i32
      scf.if %cond3A_529 {
        %add3A_668 = arith.constant 4 : i32
        %add3A_669 = arith.addi %add3A_490, %add3A_668 : i32
        %dma_start3A_670 = arith.constant 0 : i32
        %dma_start3A_671 = tpu.memref_slice %arg2[%add3A_669, %dma_start3A_670] : memref<64x2048xi32, #tpu.memory_space<hbm>> -> memref<1x2048xi32, #tpu.memory_space<hbm>>
        %dma_start3A_672 = tpu.memref_squeeze %dma_start3A_671 : memref<1x2048xi32, #tpu.memory_space<hbm>> -> memref<2048xi32, #tpu.memory_space<hbm>>
        %dma_start3A_673 = arith.constant 0 : i32
        %dma_start3A_674 = tpu.memref_slice %arg2[%add3A_669, %dma_start3A_673] : memref<64x2048xi32, #tpu.memory_space<hbm>> -> memref<1x2048xi32, #tpu.memory_space<hbm>>
        %dma_start3A_675 = tpu.memref_squeeze %dma_start3A_674 : memref<1x2048xi32, #tpu.memory_space<hbm>> -> memref<2048xi32, #tpu.memory_space<hbm>>
        tpu.enqueue_dma source(%dma_start3A_675 : memref<2048xi32, #tpu.memory_space<hbm>>) target(%arg10 : memref<2048xi32, #tpu.memory_space<vmem>>) target_semaphore(%arg24 : memref<!tpu.dma_semaphore, #tpu.memory_space<semaphore_mem>>)
      } else {
      }
      %mul3A_530 = arith.constant 4 : i32
      %mul3A_531 = arith.muli %scan3A_486, %mul3A_530 : i32
      %add3A_532 = arith.constant 1 : i32
      %add3A_533 = arith.addi %mul3A_531, %add3A_532 : i32
      %dma_wait3A_534 = arith.constant 0 : i32
      %dma_wait3A_535 = tpu.memref_slice %arg2[%add3A_533, %dma_wait3A_534] : memref<64x2048xi32, #tpu.memory_space<hbm>> -> memref<1x2048xi32, #tpu.memory_space<hbm>>
      %dma_wait3A_536 = tpu.memref_squeeze %dma_wait3A_535 : memref<1x2048xi32, #tpu.memory_space<hbm>> -> memref<2048xi32, #tpu.memory_space<hbm>>
      %dma_wait3A_537 = arith.constant 0 : i32
      %dma_wait3A_538 = tpu.memref_slice %arg2[%add3A_533, %dma_wait3A_537] : memref<64x2048xi32, #tpu.memory_space<hbm>> -> memref<1x2048xi32, #tpu.memory_space<hbm>>
      %dma_wait3A_539 = tpu.memref_squeeze %dma_wait3A_538 : memref<1x2048xi32, #tpu.memory_space<hbm>> -> memref<2048xi32, #tpu.memory_space<hbm>>
      tpu.wait_dma2 semaphore(%arg25 : memref<!tpu.dma_semaphore, #tpu.memory_space<semaphore_mem>>) src(%dma_wait3A_539 : memref<2048xi32, #tpu.memory_space<hbm>>) dst(%arg11 : memref<2048xi32, #tpu.memory_space<vmem>>)
      %sub3A_540 = arith.constant 4 : i32
      %sub3A_541 = arith.subi %add3A_533, %sub3A_540 : i32
      %dma_wait3A_542 = arith.constant 0 : i32
      %dma_wait3A_543 = tpu.memref_slice %arg6[%sub3A_541, %add3A_182, %dma_wait3A_542] : memref<64x64x2048xf32, #tpu.memory_space<hbm>> -> memref<1x1x2048xf32, #tpu.memory_space<hbm>>
      %dma_wait3A_544 = tpu.memref_squeeze %dma_wait3A_543 : memref<1x1x2048xf32, #tpu.memory_space<hbm>> -> memref<2048xf32, #tpu.memory_space<hbm>>
      %dma_wait3A_545 = arith.constant 0 : i32
      %dma_wait3A_546 = tpu.memref_slice %arg6[%sub3A_541, %add3A_182, %dma_wait3A_545] : memref<64x64x2048xf32, #tpu.memory_space<hbm>> -> memref<1x1x2048xf32, #tpu.memory_space<hbm>>
      %dma_wait3A_547 = tpu.memref_squeeze %dma_wait3A_546 : memref<1x1x2048xf32, #tpu.memory_space<hbm>> -> memref<2048xf32, #tpu.memory_space<hbm>>
      tpu.wait_dma2 semaphore(%arg29 : memref<!tpu.dma_semaphore, #tpu.memory_space<semaphore_mem>>) src(%arg15 : memref<2048xf32, #tpu.memory_space<vmem>>) dst(%dma_wait3A_547 : memref<2048xf32, #tpu.memory_space<hbm>>)
      %dma_wait3A_548 = arith.constant 0 : i32
      %dma_wait3A_549 = tpu.memref_slice %arg5[%sub3A_541, %add3A_182, %dma_wait3A_548] : memref<64x64x2048xf32, #tpu.memory_space<hbm>> -> memref<1x1x2048xf32, #tpu.memory_space<hbm>>
      %dma_wait3A_550 = tpu.memref_squeeze %dma_wait3A_549 : memref<1x1x2048xf32, #tpu.memory_space<hbm>> -> memref<2048xf32, #tpu.memory_space<hbm>>
      %dma_wait3A_551 = arith.constant 0 : i32
      %dma_wait3A_552 = tpu.memref_slice %arg5[%sub3A_541, %add3A_182, %dma_wait3A_551] : memref<64x64x2048xf32, #tpu.memory_space<hbm>> -> memref<1x1x2048xf32, #tpu.memory_space<hbm>>
      %dma_wait3A_553 = tpu.memref_squeeze %dma_wait3A_552 : memref<1x1x2048xf32, #tpu.memory_space<hbm>> -> memref<2048xf32, #tpu.memory_space<hbm>>
      tpu.wait_dma2 semaphore(%arg33 : memref<!tpu.dma_semaphore, #tpu.memory_space<semaphore_mem>>) src(%arg19 : memref<2048xf32, #tpu.memory_space<vmem>>) dst(%dma_wait3A_553 : memref<2048xf32, #tpu.memory_space<hbm>>)
      %parallel_loop3A_554 = arith.constant 0 : i32
      %parallel_loop3A_555 = arith.constant 2048 : i32
      %parallel_loop3A_556 = arith.constant 16 : i32
      scf.for %parallel_loop3A_668 = %parallel_loop3A_554 to %parallel_loop3A_555 step %parallel_loop3A_556  : i32 {
        %parallel_loop3A_669 = arith.index_cast %parallel_loop3A_668 : i32 to index
        %parallel_loop3A_670 = tpu.vector_load %arg11[%parallel_loop3A_669] {strides = array<i32>} : memref<2048xi32, #tpu.memory_space<vmem>>, vector<16xi32>,
        %parallel_loop3A_671 = tpu.vector_load_idx %arg8[%parallel_loop3A_670] : memref<100000xf32, #tpu.memory_space<vmem>>[vector<16xi32>], vector<16xf32>,
        %parallel_loop3A_672 = arith.index_cast %parallel_loop3A_668 : i32 to index
        %parallel_loop3A_673 = tpu.vector_load %arg15[%parallel_loop3A_672] {strides = array<i32>} : memref<2048xf32, #tpu.memory_space<vmem>>, vector<16xf32>,
        tpu.vector_store %arg15[%parallel_loop3A_672], %parallel_loop3A_671 {strides = array<i32>} : memref<2048xf32, #tpu.memory_space<vmem>>, vector<16xf32>,
        %parallel_loop3A_674 = arith.index_cast %parallel_loop3A_668 : i32 to index
        %parallel_loop3A_675 = tpu.vector_load %arg9[%parallel_loop3A_674] {strides = array<i32>} : memref<2048xf32, #tpu.memory_space<vmem>>, vector<16xf32>,
        %parallel_loop3A_676 = arith.addf %parallel_loop3A_671, %parallel_loop3A_675 : vector<16xf32>
        %parallel_loop3A_677 = arith.index_cast %parallel_loop3A_668 : i32 to index
        %parallel_loop3A_678 = tpu.vector_load %arg19[%parallel_loop3A_677] {strides = array<i32>} : memref<2048xf32, #tpu.memory_space<vmem>>, vector<16xf32>,
        tpu.vector_store %arg19[%parallel_loop3A_677], %parallel_loop3A_676 {strides = array<i32>} : memref<2048xf32, #tpu.memory_space<vmem>>, vector<16xf32>,
      } {sc.loop_unroll_factor = 8 : i64, sc.parallel_access}
      %dma_start3A_557 = arith.constant 0 : i32
      %dma_start3A_558 = tpu.memref_slice %arg6[%add3A_533, %add3A_182, %dma_start3A_557] : memref<64x64x2048xf32, #tpu.memory_space<hbm>> -> memref<1x1x2048xf32, #tpu.memory_space<hbm>>
      %dma_start3A_559 = tpu.memref_squeeze %dma_start3A_558 : memref<1x1x2048xf32, #tpu.memory_space<hbm>> -> memref<2048xf32, #tpu.memory_space<hbm>>
      %dma_start3A_560 = arith.constant 0 : i32
      %dma_start3A_561 = tpu.memref_slice %arg6[%add3A_533, %add3A_182, %dma_start3A_560] : memref<64x64x2048xf32, #tpu.memory_space<hbm>> -> memref<1x1x2048xf32, #tpu.memory_space<hbm>>
      %dma_start3A_562 = tpu.memref_squeeze %dma_start3A_561 : memref<1x1x2048xf32, #tpu.memory_space<hbm>> -> memref<2048xf32, #tpu.memory_space<hbm>>
      tpu.enqueue_dma source(%arg15 : memref<2048xf32, #tpu.memory_space<vmem>>) target(%dma_start3A_562 : memref<2048xf32, #tpu.memory_space<hbm>>) target_semaphore(%arg29 : memref<!tpu.dma_semaphore, #tpu.memory_space<semaphore_mem>>)
      %dma_start3A_563 = arith.constant 0 : i32
      %dma_start3A_564 = tpu.memref_slice %arg5[%add3A_533, %add3A_182, %dma_start3A_563] : memref<64x64x2048xf32, #tpu.memory_space<hbm>> -> memref<1x1x2048xf32, #tpu.memory_space<hbm>>
      %dma_start3A_565 = tpu.memref_squeeze %dma_start3A_564 : memref<1x1x2048xf32, #tpu.memory_space<hbm>> -> memref<2048xf32, #tpu.memory_space<hbm>>
      %dma_start3A_566 = arith.constant 0 : i32
      %dma_start3A_567 = tpu.memref_slice %arg5[%add3A_533, %add3A_182, %dma_start3A_566] : memref<64x64x2048xf32, #tpu.memory_space<hbm>> -> memref<1x1x2048xf32, #tpu.memory_space<hbm>>
      %dma_start3A_568 = tpu.memref_squeeze %dma_start3A_567 : memref<1x1x2048xf32, #tpu.memory_space<hbm>> -> memref<2048xf32, #tpu.memory_space<hbm>>
      tpu.enqueue_dma source(%arg19 : memref<2048xf32, #tpu.memory_space<vmem>>) target(%dma_start3A_568 : memref<2048xf32, #tpu.memory_space<hbm>>) target_semaphore(%arg33 : memref<!tpu.dma_semaphore, #tpu.memory_space<semaphore_mem>>)
      %add3A_569 = arith.constant 4 : i32
      %add3A_570 = arith.addi %add3A_533, %add3A_569 : i32
      %lt3A_571 = arith.constant 64 : i32
      %lt3A_572 = arith.cmpi slt, %add3A_570, %lt3A_571 : i32
      %convert_element_type3A_573 = arith.extui %lt3A_572 : i1 to i32
      %cond3A_574 = arith.constant 0 : i32
      %cond3A_575 = arith.cmpi ne, %convert_element_type3A_573, %cond3A_574 : i32
      scf.if %cond3A_575 {
        %add3A_668 = arith.constant 4 : i32
        %add3A_669 = arith.addi %add3A_533, %add3A_668 : i32
        %dma_start3A_670 = arith.constant 0 : i32
        %dma_start3A_671 = tpu.memref_slice %arg2[%add3A_669, %dma_start3A_670] : memref<64x2048xi32, #tpu.memory_space<hbm>> -> memref<1x2048xi32, #tpu.memory_space<hbm>>
        %dma_start3A_672 = tpu.memref_squeeze %dma_start3A_671 : memref<1x2048xi32, #tpu.memory_space<hbm>> -> memref<2048xi32, #tpu.memory_space<hbm>>
        %dma_start3A_673 = arith.constant 0 : i32
        %dma_start3A_674 = tpu.memref_slice %arg2[%add3A_669, %dma_start3A_673] : memref<64x2048xi32, #tpu.memory_space<hbm>> -> memref<1x2048xi32, #tpu.memory_space<hbm>>
        %dma_start3A_675 = tpu.memref_squeeze %dma_start3A_674 : memref<1x2048xi32, #tpu.memory_space<hbm>> -> memref<2048xi32, #tpu.memory_space<hbm>>
        tpu.enqueue_dma source(%dma_start3A_675 : memref<2048xi32, #tpu.memory_space<hbm>>) target(%arg11 : memref<2048xi32, #tpu.memory_space<vmem>>) target_semaphore(%arg25 : memref<!tpu.dma_semaphore, #tpu.memory_space<semaphore_mem>>)
      } else {
      }
      %mul3A_576 = arith.constant 4 : i32
      %mul3A_577 = arith.muli %scan3A_486, %mul3A_576 : i32
      %add3A_578 = arith.constant 2 : i32
      %add3A_579 = arith.addi %mul3A_577, %add3A_578 : i32
      %dma_wait3A_580 = arith.constant 0 : i32
      %dma_wait3A_581 = tpu.memref_slice %arg2[%add3A_579, %dma_wait3A_580] : memref<64x2048xi32, #tpu.memory_space<hbm>> -> memref<1x2048xi32, #tpu.memory_space<hbm>>
      %dma_wait3A_582 = tpu.memref_squeeze %dma_wait3A_581 : memref<1x2048xi32, #tpu.memory_space<hbm>> -> memref<2048xi32, #tpu.memory_space<hbm>>
      %dma_wait3A_583 = arith.constant 0 : i32
      %dma_wait3A_584 = tpu.memref_slice %arg2[%add3A_579, %dma_wait3A_583] : memref<64x2048xi32, #tpu.memory_space<hbm>> -> memref<1x2048xi32, #tpu.memory_space<hbm>>
      %dma_wait3A_585 = tpu.memref_squeeze %dma_wait3A_584 : memref<1x2048xi32, #tpu.memory_space<hbm>> -> memref<2048xi32, #tpu.memory_space<hbm>>
      tpu.wait_dma2 semaphore(%arg26 : memref<!tpu.dma_semaphore, #tpu.memory_space<semaphore_mem>>) src(%dma_wait3A_585 : memref<2048xi32, #tpu.memory_space<hbm>>) dst(%arg12 : memref<2048xi32, #tpu.memory_space<vmem>>)
      %sub3A_586 = arith.constant 4 : i32
      %sub3A_587 = arith.subi %add3A_579, %sub3A_586 : i32
      %dma_wait3A_588 = arith.constant 0 : i32
      %dma_wait3A_589 = tpu.memref_slice %arg6[%sub3A_587, %add3A_182, %dma_wait3A_588] : memref<64x64x2048xf32, #tpu.memory_space<hbm>> -> memref<1x1x2048xf32, #tpu.memory_space<hbm>>
      %dma_wait3A_590 = tpu.memref_squeeze %dma_wait3A_589 : memref<1x1x2048xf32, #tpu.memory_space<hbm>> -> memref<2048xf32, #tpu.memory_space<hbm>>
      %dma_wait3A_591 = arith.constant 0 : i32
      %dma_wait3A_592 = tpu.memref_slice %arg6[%sub3A_587, %add3A_182, %dma_wait3A_591] : memref<64x64x2048xf32, #tpu.memory_space<hbm>> -> memref<1x1x2048xf32, #tpu.memory_space<hbm>>
      %dma_wait3A_593 = tpu.memref_squeeze %dma_wait3A_592 : memref<1x1x2048xf32, #tpu.memory_space<hbm>> -> memref<2048xf32, #tpu.memory_space<hbm>>
      tpu.wait_dma2 semaphore(%arg30 : memref<!tpu.dma_semaphore, #tpu.memory_space<semaphore_mem>>) src(%arg16 : memref<2048xf32, #tpu.memory_space<vmem>>) dst(%dma_wait3A_593 : memref<2048xf32, #tpu.memory_space<hbm>>)
      %dma_wait3A_594 = arith.constant 0 : i32
      %dma_wait3A_595 = tpu.memref_slice %arg5[%sub3A_587, %add3A_182, %dma_wait3A_594] : memref<64x64x2048xf32, #tpu.memory_space<hbm>> -> memref<1x1x2048xf32, #tpu.memory_space<hbm>>
      %dma_wait3A_596 = tpu.memref_squeeze %dma_wait3A_595 : memref<1x1x2048xf32, #tpu.memory_space<hbm>> -> memref<2048xf32, #tpu.memory_space<hbm>>
      %dma_wait3A_597 = arith.constant 0 : i32
      %dma_wait3A_598 = tpu.memref_slice %arg5[%sub3A_587, %add3A_182, %dma_wait3A_597] : memref<64x64x2048xf32, #tpu.memory_space<hbm>> -> memref<1x1x2048xf32, #tpu.memory_space<hbm>>
      %dma_wait3A_599 = tpu.memref_squeeze %dma_wait3A_598 : memref<1x1x2048xf32, #tpu.memory_space<hbm>> -> memref<2048xf32, #tpu.memory_space<hbm>>
      tpu.wait_dma2 semaphore(%arg34 : memref<!tpu.dma_semaphore, #tpu.memory_space<semaphore_mem>>) src(%arg20 : memref<2048xf32, #tpu.memory_space<vmem>>) dst(%dma_wait3A_599 : memref<2048xf32, #tpu.memory_space<hbm>>)
      %parallel_loop3A_600 = arith.constant 0 : i32
      %parallel_loop3A_601 = arith.constant 2048 : i32
      %parallel_loop3A_602 = arith.constant 16 : i32
      scf.for %parallel_loop3A_668 = %parallel_loop3A_600 to %parallel_loop3A_601 step %parallel_loop3A_602  : i32 {
        %parallel_loop3A_669 = arith.index_cast %parallel_loop3A_668 : i32 to index
        %parallel_loop3A_670 = tpu.vector_load %arg12[%parallel_loop3A_669] {strides = array<i32>} : memref<2048xi32, #tpu.memory_space<vmem>>, vector<16xi32>,
        %parallel_loop3A_671 = tpu.vector_load_idx %arg8[%parallel_loop3A_670] : memref<100000xf32, #tpu.memory_space<vmem>>[vector<16xi32>], vector<16xf32>,
        %parallel_loop3A_672 = arith.index_cast %parallel_loop3A_668 : i32 to index
        %parallel_loop3A_673 = tpu.vector_load %arg16[%parallel_loop3A_672] {strides = array<i32>} : memref<2048xf32, #tpu.memory_space<vmem>>, vector<16xf32>,
        tpu.vector_store %arg16[%parallel_loop3A_672], %parallel_loop3A_671 {strides = array<i32>} : memref<2048xf32, #tpu.memory_space<vmem>>, vector<16xf32>,
        %parallel_loop3A_674 = arith.index_cast %parallel_loop3A_668 : i32 to index
        %parallel_loop3A_675 = tpu.vector_load %arg9[%parallel_loop3A_674] {strides = array<i32>} : memref<2048xf32, #tpu.memory_space<vmem>>, vector<16xf32>,
        %parallel_loop3A_676 = arith.addf %parallel_loop3A_671, %parallel_loop3A_675 : vector<16xf32>
        %parallel_loop3A_677 = arith.index_cast %parallel_loop3A_668 : i32 to index
        %parallel_loop3A_678 = tpu.vector_load %arg20[%parallel_loop3A_677] {strides = array<i32>} : memref<2048xf32, #tpu.memory_space<vmem>>, vector<16xf32>,
        tpu.vector_store %arg20[%parallel_loop3A_677], %parallel_loop3A_676 {strides = array<i32>} : memref<2048xf32, #tpu.memory_space<vmem>>, vector<16xf32>,
      } {sc.loop_unroll_factor = 8 : i64, sc.parallel_access}
      %dma_start3A_603 = arith.constant 0 : i32
      %dma_start3A_604 = tpu.memref_slice %arg6[%add3A_579, %add3A_182, %dma_start3A_603] : memref<64x64x2048xf32, #tpu.memory_space<hbm>> -> memref<1x1x2048xf32, #tpu.memory_space<hbm>>
      %dma_start3A_605 = tpu.memref_squeeze %dma_start3A_604 : memref<1x1x2048xf32, #tpu.memory_space<hbm>> -> memref<2048xf32, #tpu.memory_space<hbm>>
      %dma_start3A_606 = arith.constant 0 : i32
      %dma_start3A_607 = tpu.memref_slice %arg6[%add3A_579, %add3A_182, %dma_start3A_606] : memref<64x64x2048xf32, #tpu.memory_space<hbm>> -> memref<1x1x2048xf32, #tpu.memory_space<hbm>>
      %dma_start3A_608 = tpu.memref_squeeze %dma_start3A_607 : memref<1x1x2048xf32, #tpu.memory_space<hbm>> -> memref<2048xf32, #tpu.memory_space<hbm>>
      tpu.enqueue_dma source(%arg16 : memref<2048xf32, #tpu.memory_space<vmem>>) target(%dma_start3A_608 : memref<2048xf32, #tpu.memory_space<hbm>>) target_semaphore(%arg30 : memref<!tpu.dma_semaphore, #tpu.memory_space<semaphore_mem>>)
      %dma_start3A_609 = arith.constant 0 : i32
      %dma_start3A_610 = tpu.memref_slice %arg5[%add3A_579, %add3A_182, %dma_start3A_609] : memref<64x64x2048xf32, #tpu.memory_space<hbm>> -> memref<1x1x2048xf32, #tpu.memory_space<hbm>>
      %dma_start3A_611 = tpu.memref_squeeze %dma_start3A_610 : memref<1x1x2048xf32, #tpu.memory_space<hbm>> -> memref<2048xf32, #tpu.memory_space<hbm>>
      %dma_start3A_612 = arith.constant 0 : i32
      %dma_start3A_613 = tpu.memref_slice %arg5[%add3A_579, %add3A_182, %dma_start3A_612] : memref<64x64x2048xf32, #tpu.memory_space<hbm>> -> memref<1x1x2048xf32, #tpu.memory_space<hbm>>
      %dma_start3A_614 = tpu.memref_squeeze %dma_start3A_613 : memref<1x1x2048xf32, #tpu.memory_space<hbm>> -> memref<2048xf32, #tpu.memory_space<hbm>>
      tpu.enqueue_dma source(%arg20 : memref<2048xf32, #tpu.memory_space<vmem>>) target(%dma_start3A_614 : memref<2048xf32, #tpu.memory_space<hbm>>) target_semaphore(%arg34 : memref<!tpu.dma_semaphore, #tpu.memory_space<semaphore_mem>>)
      %add3A_615 = arith.constant 4 : i32
      %add3A_616 = arith.addi %add3A_579, %add3A_615 : i32
      %lt3A_617 = arith.constant 64 : i32
      %lt3A_618 = arith.cmpi slt, %add3A_616, %lt3A_617 : i32
      %convert_element_type3A_619 = arith.extui %lt3A_618 : i1 to i32
      %cond3A_620 = arith.constant 0 : i32
      %cond3A_621 = arith.cmpi ne, %convert_element_type3A_619, %cond3A_620 : i32
      scf.if %cond3A_621 {
        %add3A_668 = arith.constant 4 : i32
        %add3A_669 = arith.addi %add3A_579, %add3A_668 : i32
        %dma_start3A_670 = arith.constant 0 : i32
        %dma_start3A_671 = tpu.memref_slice %arg2[%add3A_669, %dma_start3A_670] : memref<64x2048xi32, #tpu.memory_space<hbm>> -> memref<1x2048xi32, #tpu.memory_space<hbm>>
        %dma_start3A_672 = tpu.memref_squeeze %dma_start3A_671 : memref<1x2048xi32, #tpu.memory_space<hbm>> -> memref<2048xi32, #tpu.memory_space<hbm>>
        %dma_start3A_673 = arith.constant 0 : i32
        %dma_start3A_674 = tpu.memref_slice %arg2[%add3A_669, %dma_start3A_673] : memref<64x2048xi32, #tpu.memory_space<hbm>> -> memref<1x2048xi32, #tpu.memory_space<hbm>>
        %dma_start3A_675 = tpu.memref_squeeze %dma_start3A_674 : memref<1x2048xi32, #tpu.memory_space<hbm>> -> memref<2048xi32, #tpu.memory_space<hbm>>
        tpu.enqueue_dma source(%dma_start3A_675 : memref<2048xi32, #tpu.memory_space<hbm>>) target(%arg12 : memref<2048xi32, #tpu.memory_space<vmem>>) target_semaphore(%arg26 : memref<!tpu.dma_semaphore, #tpu.memory_space<semaphore_mem>>)
      } else {
      }
      %mul3A_622 = arith.constant 4 : i32
      %mul3A_623 = arith.muli %scan3A_486, %mul3A_622 : i32
      %add3A_624 = arith.constant 3 : i32
      %add3A_625 = arith.addi %mul3A_623, %add3A_624 : i32
      %dma_wait3A_626 = arith.constant 0 : i32
      %dma_wait3A_627 = tpu.memref_slice %arg2[%add3A_625, %dma_wait3A_626] : memref<64x2048xi32, #tpu.memory_space<hbm>> -> memref<1x2048xi32, #tpu.memory_space<hbm>>
      %dma_wait3A_628 = tpu.memref_squeeze %dma_wait3A_627 : memref<1x2048xi32, #tpu.memory_space<hbm>> -> memref<2048xi32, #tpu.memory_space<hbm>>
      %dma_wait3A_629 = arith.constant 0 : i32
      %dma_wait3A_630 = tpu.memref_slice %arg2[%add3A_625, %dma_wait3A_629] : memref<64x2048xi32, #tpu.memory_space<hbm>> -> memref<1x2048xi32, #tpu.memory_space<hbm>>
      %dma_wait3A_631 = tpu.memref_squeeze %dma_wait3A_630 : memref<1x2048xi32, #tpu.memory_space<hbm>> -> memref<2048xi32, #tpu.memory_space<hbm>>
      tpu.wait_dma2 semaphore(%arg27 : memref<!tpu.dma_semaphore, #tpu.memory_space<semaphore_mem>>) src(%dma_wait3A_631 : memref<2048xi32, #tpu.memory_space<hbm>>) dst(%arg13 : memref<2048xi32, #tpu.memory_space<vmem>>)
      %sub3A_632 = arith.constant 4 : i32
      %sub3A_633 = arith.subi %add3A_625, %sub3A_632 : i32
      %dma_wait3A_634 = arith.constant 0 : i32
      %dma_wait3A_635 = tpu.memref_slice %arg6[%sub3A_633, %add3A_182, %dma_wait3A_634] : memref<64x64x2048xf32, #tpu.memory_space<hbm>> -> memref<1x1x2048xf32, #tpu.memory_space<hbm>>
      %dma_wait3A_636 = tpu.memref_squeeze %dma_wait3A_635 : memref<1x1x2048xf32, #tpu.memory_space<hbm>> -> memref<2048xf32, #tpu.memory_space<hbm>>
      %dma_wait3A_637 = arith.constant 0 : i32
      %dma_wait3A_638 = tpu.memref_slice %arg6[%sub3A_633, %add3A_182, %dma_wait3A_637] : memref<64x64x2048xf32, #tpu.memory_space<hbm>> -> memref<1x1x2048xf32, #tpu.memory_space<hbm>>
      %dma_wait3A_639 = tpu.memref_squeeze %dma_wait3A_638 : memref<1x1x2048xf32, #tpu.memory_space<hbm>> -> memref<2048xf32, #tpu.memory_space<hbm>>
      tpu.wait_dma2 semaphore(%arg31 : memref<!tpu.dma_semaphore, #tpu.memory_space<semaphore_mem>>) src(%arg17 : memref<2048xf32, #tpu.memory_space<vmem>>) dst(%dma_wait3A_639 : memref<2048xf32, #tpu.memory_space<hbm>>)
      %dma_wait3A_640 = arith.constant 0 : i32
      %dma_wait3A_641 = tpu.memref_slice %arg5[%sub3A_633, %add3A_182, %dma_wait3A_640] : memref<64x64x2048xf32, #tpu.memory_space<hbm>> -> memref<1x1x2048xf32, #tpu.memory_space<hbm>>
      %dma_wait3A_642 = tpu.memref_squeeze %dma_wait3A_641 : memref<1x1x2048xf32, #tpu.memory_space<hbm>> -> memref<2048xf32, #tpu.memory_space<hbm>>
      %dma_wait3A_643 = arith.constant 0 : i32
      %dma_wait3A_644 = tpu.memref_slice %arg5[%sub3A_633, %add3A_182, %dma_wait3A_643] : memref<64x64x2048xf32, #tpu.memory_space<hbm>> -> memref<1x1x2048xf32, #tpu.memory_space<hbm>>
      %dma_wait3A_645 = tpu.memref_squeeze %dma_wait3A_644 : memref<1x1x2048xf32, #tpu.memory_space<hbm>> -> memref<2048xf32, #tpu.memory_space<hbm>>
      tpu.wait_dma2 semaphore(%arg35 : memref<!tpu.dma_semaphore, #tpu.memory_space<semaphore_mem>>) src(%arg21 : memref<2048xf32, #tpu.memory_space<vmem>>) dst(%dma_wait3A_645 : memref<2048xf32, #tpu.memory_space<hbm>>)
      %parallel_loop3A_646 = arith.constant 0 : i32
      %parallel_loop3A_647 = arith.constant 2048 : i32
      %parallel_loop3A_648 = arith.constant 16 : i32
      scf.for %parallel_loop3A_668 = %parallel_loop3A_646 to %parallel_loop3A_647 step %parallel_loop3A_648  : i32 {
        %parallel_loop3A_669 = arith.index_cast %parallel_loop3A_668 : i32 to index
        %parallel_loop3A_670 = tpu.vector_load %arg13[%parallel_loop3A_669] {strides = array<i32>} : memref<2048xi32, #tpu.memory_space<vmem>>, vector<16xi32>,
        %parallel_loop3A_671 = tpu.vector_load_idx %arg8[%parallel_loop3A_670] : memref<100000xf32, #tpu.memory_space<vmem>>[vector<16xi32>], vector<16xf32>,
        %parallel_loop3A_672 = arith.index_cast %parallel_loop3A_668 : i32 to index
        %parallel_loop3A_673 = tpu.vector_load %arg17[%parallel_loop3A_672] {strides = array<i32>} : memref<2048xf32, #tpu.memory_space<vmem>>, vector<16xf32>,
        tpu.vector_store %arg17[%parallel_loop3A_672], %parallel_loop3A_671 {strides = array<i32>} : memref<2048xf32, #tpu.memory_space<vmem>>, vector<16xf32>,
        %parallel_loop3A_674 = arith.index_cast %parallel_loop3A_668 : i32 to index
        %parallel_loop3A_675 = tpu.vector_load %arg9[%parallel_loop3A_674] {strides = array<i32>} : memref<2048xf32, #tpu.memory_space<vmem>>, vector<16xf32>,
        %parallel_loop3A_676 = arith.addf %parallel_loop3A_671, %parallel_loop3A_675 : vector<16xf32>
        %parallel_loop3A_677 = arith.index_cast %parallel_loop3A_668 : i32 to index
        %parallel_loop3A_678 = tpu.vector_load %arg21[%parallel_loop3A_677] {strides = array<i32>} : memref<2048xf32, #tpu.memory_space<vmem>>, vector<16xf32>,
        tpu.vector_store %arg21[%parallel_loop3A_677], %parallel_loop3A_676 {strides = array<i32>} : memref<2048xf32, #tpu.memory_space<vmem>>, vector<16xf32>,
      } {sc.loop_unroll_factor = 8 : i64, sc.parallel_access}
      %dma_start3A_649 = arith.constant 0 : i32
      %dma_start3A_650 = tpu.memref_slice %arg6[%add3A_625, %add3A_182, %dma_start3A_649] : memref<64x64x2048xf32, #tpu.memory_space<hbm>> -> memref<1x1x2048xf32, #tpu.memory_space<hbm>>
      %dma_start3A_651 = tpu.memref_squeeze %dma_start3A_650 : memref<1x1x2048xf32, #tpu.memory_space<hbm>> -> memref<2048xf32, #tpu.memory_space<hbm>>
      %dma_start3A_652 = arith.constant 0 : i32
      %dma_start3A_653 = tpu.memref_slice %arg6[%add3A_625, %add3A_182, %dma_start3A_652] : memref<64x64x2048xf32, #tpu.memory_space<hbm>> -> memref<1x1x2048xf32, #tpu.memory_space<hbm>>
      %dma_start3A_654 = tpu.memref_squeeze %dma_start3A_653 : memref<1x1x2048xf32, #tpu.memory_space<hbm>> -> memref<2048xf32, #tpu.memory_space<hbm>>
      tpu.enqueue_dma source(%arg17 : memref<2048xf32, #tpu.memory_space<vmem>>) target(%dma_start3A_654 : memref<2048xf32, #tpu.memory_space<hbm>>) target_semaphore(%arg31 : memref<!tpu.dma_semaphore, #tpu.memory_space<semaphore_mem>>)
      %dma_start3A_655 = arith.constant 0 : i32
      %dma_start3A_656 = tpu.memref_slice %arg5[%add3A_625, %add3A_182, %dma_start3A_655] : memref<64x64x2048xf32, #tpu.memory_space<hbm>> -> memref<1x1x2048xf32, #tpu.memory_space<hbm>>
      %dma_start3A_657 = tpu.memref_squeeze %dma_start3A_656 : memref<1x1x2048xf32, #tpu.memory_space<hbm>> -> memref<2048xf32, #tpu.memory_space<hbm>>
      %dma_start3A_658 = arith.constant 0 : i32
      %dma_start3A_659 = tpu.memref_slice %arg5[%add3A_625, %add3A_182, %dma_start3A_658] : memref<64x64x2048xf32, #tpu.memory_space<hbm>> -> memref<1x1x2048xf32, #tpu.memory_space<hbm>>
      %dma_start3A_660 = tpu.memref_squeeze %dma_start3A_659 : memref<1x1x2048xf32, #tpu.memory_space<hbm>> -> memref<2048xf32, #tpu.memory_space<hbm>>
      tpu.enqueue_dma source(%arg21 : memref<2048xf32, #tpu.memory_space<vmem>>) target(%dma_start3A_660 : memref<2048xf32, #tpu.memory_space<hbm>>) target_semaphore(%arg35 : memref<!tpu.dma_semaphore, #tpu.memory_space<semaphore_mem>>)
      %add3A_661 = arith.constant 4 : i32
      %add3A_662 = arith.addi %add3A_625, %add3A_661 : i32
      %lt3A_663 = arith.constant 64 : i32
      %lt3A_664 = arith.cmpi slt, %add3A_662, %lt3A_663 : i32
      %convert_element_type3A_665 = arith.extui %lt3A_664 : i1 to i32
      %cond3A_666 = arith.constant 0 : i32
      %cond3A_667 = arith.cmpi ne, %convert_element_type3A_665, %cond3A_666 : i32
      scf.if %cond3A_667 {
        %add3A_668 = arith.constant 4 : i32
        %add3A_669 = arith.addi %add3A_625, %add3A_668 : i32
        %dma_start3A_670 = arith.constant 0 : i32
        %dma_start3A_671 = tpu.memref_slice %arg2[%add3A_669, %dma_start3A_670] : memref<64x2048xi32, #tpu.memory_space<hbm>> -> memref<1x2048xi32, #tpu.memory_space<hbm>>
        %dma_start3A_672 = tpu.memref_squeeze %dma_start3A_671 : memref<1x2048xi32, #tpu.memory_space<hbm>> -> memref<2048xi32, #tpu.memory_space<hbm>>
        %dma_start3A_673 = arith.constant 0 : i32
        %dma_start3A_674 = tpu.memref_slice %arg2[%add3A_669, %dma_start3A_673] : memref<64x2048xi32, #tpu.memory_space<hbm>> -> memref<1x2048xi32, #tpu.memory_space<hbm>>
        %dma_start3A_675 = tpu.memref_squeeze %dma_start3A_674 : memref<1x2048xi32, #tpu.memory_space<hbm>> -> memref<2048xi32, #tpu.memory_space<hbm>>
        tpu.enqueue_dma source(%dma_start3A_675 : memref<2048xi32, #tpu.memory_space<hbm>>) target(%arg13 : memref<2048xi32, #tpu.memory_space<vmem>>) target_semaphore(%arg27 : memref<!tpu.dma_semaphore, #tpu.memory_space<semaphore_mem>>)
      } else {
      }
    }
    %scan3A_427 = arith.constant 15 : i32
    %add3A_428 = arith.constant 32 : i32
    %add3A_429 = arith.addi %add3A, %add3A_428 : i32
    %dma_wait3A_430 = arith.constant 60 : i32
    %dma_wait3A_431 = arith.constant 0 : i32
    %dma_wait3A_432 = tpu.memref_slice %arg6[%dma_wait3A_430, %add3A_429, %dma_wait3A_431] : memref<64x64x2048xf32, #tpu.memory_space<hbm>> -> memref<1x1x2048xf32, #tpu.memory_space<hbm>>
    %dma_wait3A_433 = tpu.memref_squeeze %dma_wait3A_432 : memref<1x1x2048xf32, #tpu.memory_space<hbm>> -> memref<2048xf32, #tpu.memory_space<hbm>>
    %dma_wait3A_434 = arith.constant 0 : i32
    %dma_wait3A_435 = tpu.memref_slice %arg6[%dma_wait3A_430, %add3A_429, %dma_wait3A_434] : memref<64x64x2048xf32, #tpu.memory_space<hbm>> -> memref<1x1x2048xf32, #tpu.memory_space<hbm>>
    %dma_wait3A_436 = tpu.memref_squeeze %dma_wait3A_435 : memref<1x1x2048xf32, #tpu.memory_space<hbm>> -> memref<2048xf32, #tpu.memory_space<hbm>>
    tpu.wait_dma2 semaphore(%arg28 : memref<!tpu.dma_semaphore, #tpu.memory_space<semaphore_mem>>) src(%arg14 : memref<2048xf32, #tpu.memory_space<vmem>>) dst(%dma_wait3A_436 : memref<2048xf32, #tpu.memory_space<hbm>>)
    %dma_wait3A_437 = arith.constant 60 : i32
    %dma_wait3A_438 = arith.constant 0 : i32
    %dma_wait3A_439 = tpu.memref_slice %arg5[%dma_wait3A_437, %add3A_429, %dma_wait3A_438] : memref<64x64x2048xf32, #tpu.memory_space<hbm>> -> memref<1x1x2048xf32, #tpu.memory_space<hbm>>
    %dma_wait3A_440 = tpu.memref_squeeze %dma_wait3A_439 : memref<1x1x2048xf32, #tpu.memory_space<hbm>> -> memref<2048xf32, #tpu.memory_space<hbm>>
    %dma_wait3A_441 = arith.constant 0 : i32
    %dma_wait3A_442 = tpu.memref_slice %arg5[%dma_wait3A_437, %add3A_429, %dma_wait3A_441] : memref<64x64x2048xf32, #tpu.memory_space<hbm>> -> memref<1x1x2048xf32, #tpu.memory_space<hbm>>
    %dma_wait3A_443 = tpu.memref_squeeze %dma_wait3A_442 : memref<1x1x2048xf32, #tpu.memory_space<hbm>> -> memref<2048xf32, #tpu.memory_space<hbm>>
    tpu.wait_dma2 semaphore(%arg32 : memref<!tpu.dma_semaphore, #tpu.memory_space<semaphore_mem>>) src(%arg18 : memref<2048xf32, #tpu.memory_space<vmem>>) dst(%dma_wait3A_443 : memref<2048xf32, #tpu.memory_space<hbm>>)
    %dma_wait3A_444 = arith.constant 61 : i32
    %dma_wait3A_445 = arith.constant 0 : i32
    %dma_wait3A_446 = tpu.memref_slice %arg6[%dma_wait3A_444, %add3A_429, %dma_wait3A_445] : memref<64x64x2048xf32, #tpu.memory_space<hbm>> -> memref<1x1x2048xf32, #tpu.memory_space<hbm>>
    %dma_wait3A_447 = tpu.memref_squeeze %dma_wait3A_446 : memref<1x1x2048xf32, #tpu.memory_space<hbm>> -> memref<2048xf32, #tpu.memory_space<hbm>>
    %dma_wait3A_448 = arith.constant 0 : i32
    %dma_wait3A_449 = tpu.memref_slice %arg6[%dma_wait3A_444, %add3A_429, %dma_wait3A_448] : memref<64x64x2048xf32, #tpu.memory_space<hbm>> -> memref<1x1x2048xf32, #tpu.memory_space<hbm>>
    %dma_wait3A_450 = tpu.memref_squeeze %dma_wait3A_449 : memref<1x1x2048xf32, #tpu.memory_space<hbm>> -> memref<2048xf32, #tpu.memory_space<hbm>>
    tpu.wait_dma2 semaphore(%arg29 : memref<!tpu.dma_semaphore, #tpu.memory_space<semaphore_mem>>) src(%arg15 : memref<2048xf32, #tpu.memory_space<vmem>>) dst(%dma_wait3A_450 : memref<2048xf32, #tpu.memory_space<hbm>>)
    %dma_wait3A_451 = arith.constant 61 : i32
    %dma_wait3A_452 = arith.constant 0 : i32
    %dma_wait3A_453 = tpu.memref_slice %arg5[%dma_wait3A_451, %add3A_429, %dma_wait3A_452] : memref<64x64x2048xf32, #tpu.memory_space<hbm>> -> memref<1x1x2048xf32, #tpu.memory_space<hbm>>
    %dma_wait3A_454 = tpu.memref_squeeze %dma_wait3A_453 : memref<1x1x2048xf32, #tpu.memory_space<hbm>> -> memref<2048xf32, #tpu.memory_space<hbm>>
    %dma_wait3A_455 = arith.constant 0 : i32
    %dma_wait3A_456 = tpu.memref_slice %arg5[%dma_wait3A_451, %add3A_429, %dma_wait3A_455] : memref<64x64x2048xf32, #tpu.memory_space<hbm>> -> memref<1x1x2048xf32, #tpu.memory_space<hbm>>
    %dma_wait3A_457 = tpu.memref_squeeze %dma_wait3A_456 : memref<1x1x2048xf32, #tpu.memory_space<hbm>> -> memref<2048xf32, #tpu.memory_space<hbm>>
    tpu.wait_dma2 semaphore(%arg33 : memref<!tpu.dma_semaphore, #tpu.memory_space<semaphore_mem>>) src(%arg19 : memref<2048xf32, #tpu.memory_space<vmem>>) dst(%dma_wait3A_457 : memref<2048xf32, #tpu.memory_space<hbm>>)
    %dma_wait3A_458 = arith.constant 62 : i32
    %dma_wait3A_459 = arith.constant 0 : i32
    %dma_wait3A_460 = tpu.memref_slice %arg6[%dma_wait3A_458, %add3A_429, %dma_wait3A_459] : memref<64x64x2048xf32, #tpu.memory_space<hbm>> -> memref<1x1x2048xf32, #tpu.memory_space<hbm>>
    %dma_wait3A_461 = tpu.memref_squeeze %dma_wait3A_460 : memref<1x1x2048xf32, #tpu.memory_space<hbm>> -> memref<2048xf32, #tpu.memory_space<hbm>>
    %dma_wait3A_462 = arith.constant 0 : i32
    %dma_wait3A_463 = tpu.memref_slice %arg6[%dma_wait3A_458, %add3A_429, %dma_wait3A_462] : memref<64x64x2048xf32, #tpu.memory_space<hbm>> -> memref<1x1x2048xf32, #tpu.memory_space<hbm>>
    %dma_wait3A_464 = tpu.memref_squeeze %dma_wait3A_463 : memref<1x1x2048xf32, #tpu.memory_space<hbm>> -> memref<2048xf32, #tpu.memory_space<hbm>>
    tpu.wait_dma2 semaphore(%arg30 : memref<!tpu.dma_semaphore, #tpu.memory_space<semaphore_mem>>) src(%arg16 : memref<2048xf32, #tpu.memory_space<vmem>>) dst(%dma_wait3A_464 : memref<2048xf32, #tpu.memory_space<hbm>>)
    %dma_wait3A_465 = arith.constant 62 : i32
    %dma_wait3A_466 = arith.constant 0 : i32
    %dma_wait3A_467 = tpu.memref_slice %arg5[%dma_wait3A_465, %add3A_429, %dma_wait3A_466] : memref<64x64x2048xf32, #tpu.memory_space<hbm>> -> memref<1x1x2048xf32, #tpu.memory_space<hbm>>
    %dma_wait3A_468 = tpu.memref_squeeze %dma_wait3A_467 : memref<1x1x2048xf32, #tpu.memory_space<hbm>> -> memref<2048xf32, #tpu.memory_space<hbm>>
    %dma_wait3A_469 = arith.constant 0 : i32
    %dma_wait3A_470 = tpu.memref_slice %arg5[%dma_wait3A_465, %add3A_429, %dma_wait3A_469] : memref<64x64x2048xf32, #tpu.memory_space<hbm>> -> memref<1x1x2048xf32, #tpu.memory_space<hbm>>
    %dma_wait3A_471 = tpu.memref_squeeze %dma_wait3A_470 : memref<1x1x2048xf32, #tpu.memory_space<hbm>> -> memref<2048xf32, #tpu.memory_space<hbm>>
    tpu.wait_dma2 semaphore(%arg34 : memref<!tpu.dma_semaphore, #tpu.memory_space<semaphore_mem>>) src(%arg20 : memref<2048xf32, #tpu.memory_space<vmem>>) dst(%dma_wait3A_471 : memref<2048xf32, #tpu.memory_space<hbm>>)
    %dma_wait3A_472 = arith.constant 63 : i32
    %dma_wait3A_473 = arith.constant 0 : i32
    %dma_wait3A_474 = tpu.memref_slice %arg6[%dma_wait3A_472, %add3A_429, %dma_wait3A_473] : memref<64x64x2048xf32, #tpu.memory_space<hbm>> -> memref<1x1x2048xf32, #tpu.memory_space<hbm>>
    %dma_wait3A_475 = tpu.memref_squeeze %dma_wait3A_474 : memref<1x1x2048xf32, #tpu.memory_space<hbm>> -> memref<2048xf32, #tpu.memory_space<hbm>>
    %dma_wait3A_476 = arith.constant 0 : i32
    %dma_wait3A_477 = tpu.memref_slice %arg6[%dma_wait3A_472, %add3A_429, %dma_wait3A_476] : memref<64x64x2048xf32, #tpu.memory_space<hbm>> -> memref<1x1x2048xf32, #tpu.memory_space<hbm>>
    %dma_wait3A_478 = tpu.memref_squeeze %dma_wait3A_477 : memref<1x1x2048xf32, #tpu.memory_space<hbm>> -> memref<2048xf32, #tpu.memory_space<hbm>>
    tpu.wait_dma2 semaphore(%arg31 : memref<!tpu.dma_semaphore, #tpu.memory_space<semaphore_mem>>) src(%arg17 : memref<2048xf32, #tpu.memory_space<vmem>>) dst(%dma_wait3A_478 : memref<2048xf32, #tpu.memory_space<hbm>>)
    %dma_wait3A_479 = arith.constant 63 : i32
    %dma_wait3A_480 = arith.constant 0 : i32
    %dma_wait3A_481 = tpu.memref_slice %arg5[%dma_wait3A_479, %add3A_429, %dma_wait3A_480] : memref<64x64x2048xf32, #tpu.memory_space<hbm>> -> memref<1x1x2048xf32, #tpu.memory_space<hbm>>
    %dma_wait3A_482 = tpu.memref_squeeze %dma_wait3A_481 : memref<1x1x2048xf32, #tpu.memory_space<hbm>> -> memref<2048xf32, #tpu.memory_space<hbm>>
    %dma_wait3A_483 = arith.constant 0 : i32
    %dma_wait3A_484 = tpu.memref_slice %arg5[%dma_wait3A_479, %add3A_429, %dma_wait3A_483] : memref<64x64x2048xf32, #tpu.memory_space<hbm>> -> memref<1x1x2048xf32, #tpu.memory_space<hbm>>
    %dma_wait3A_485 = tpu.memref_squeeze %dma_wait3A_484 : memref<1x1x2048xf32, #tpu.memory_space<hbm>> -> memref<2048xf32, #tpu.memory_space<hbm>>
    tpu.wait_dma2 semaphore(%arg35 : memref<!tpu.dma_semaphore, #tpu.memory_space<semaphore_mem>>) src(%arg21 : memref<2048xf32, #tpu.memory_space<vmem>>) dst(%dma_wait3A_485 : memref<2048xf32, #tpu.memory_space<hbm>>)
    return
  }
}

</mosaic_0001>

<sc_bundles>
// kernel: _emb_call.3.cloned.1.call-start
scs
__scs_entry_jumppad:
0x0: {  	(pc) =	sbr.rel $0x88, $3  }
0x1: {  	(tag) =	ssettag $0x0;
	lr =	simm.s32 $0x1  }
0x2: {  	[smem:$0x3F9E] =	sst lr;
	_ =	strace $0xD0000000  }
0x3: {  	_ = 	snop  }
0x4: {  	_ = 	snop  }
0x5: {  	_ = 	snop  }
0x6: {  	_ = 	snop  }
0x7: {  	_ = 	snop  }
__scs_overlays_trampoline_lowered:
0x8: {  	[smem:$0x3FAD] =	sst s0  }
0x9: {  	[smem:$0x3FAE] =	sst s1  }
0xa: {  	[smem:$0x3FAF] =	sst s2  }
0xb: {  	[smem:$0x3FB0] =	sst s3  }
0xc: {  	[smem:$0x3FB1] =	sst s4  }
0xd: {  	[smem:$0x3FB2] =	sst s5  }
0xe: {  	[smem:$0x3FB3] =	sst s6  }
0xf: {  	[smem:$0x3FB4] =	sst s7  }
0x10: {  	[smem:$0x3FB5] =	sst s8  }
0x11: {  	[smem:$0x3FB6] =	sst s9;
	s0 =	simm.s32 @!p0 $0x0  }
0x12: {  	s1 =	sld [smem:$0x3F9C];
	s0 =	simm.s32 @p0 $0x1  }
0x13: {  	[smem:$0x3FB7] =	sst s0;
	s0 =	simm.s32 @!p1 $0x0  }
0x14: {  	s2 =	sld [smem:$0x3F9B];
	s0 =	simm.s32 @p1 $0x1  }
0x15: {  	[smem:$0x3FB8] =	sst s0;
	s0 =	simm.s32 @!p2 $0x0  }
0x16: {  	s3 =	sld [smem:$0x3FDB];
	s0 =	simm.s32 @p2 $0x1  }
0x17: {  	s4 =	simm.s32 $0x1BF5;
	[smem:$0x3FBA] =	sst s0  }
0x18: {  	s0 =	sld [smem:$0x3F9D];
	_ =	swait.ge [sflag:s4], $0x0  }
0x19: {  	s7 =	sld [smem:$0x3F9E]  }
0x1a: {  	s8 =	sadd.s32 $0xFFFFE003, lr  }
0x1b: {  	s9 =	sadd.s32 $0xFFFFFEF7, lr;
	s5 =	simm.s32 $0xFFFFFFFF;
	p2 =	slt.u32 s8, $0xFFFFF086  }
0x1c: {  	p1 =	slt.u32 s9, $0xF7A;
	s5 =	simm.s32 @!p2 $0x0  }
0x1d: {  	s5 =	simm.s32 @p1 $0x1;
	p0 =	seq.s32 s7, s2  }
0x1e: {  	s7 =	smul.u32 @!p0 $0xF7A, s2;
	p2 =	seq.s32 @!p0 s5, $0x0  }
0x1f: {  	s9 =	smul.u32 $0xF7A, s1;
	s8 =	simm.s32 @!p0 $0x1BF5;
	p2 =	por !p2, p0  }
0x20: {  	[sflag:s8] =	ssyncset.s32 @!p0 $0xFFFFF086;
	s6 =	sadd.s32 @!p0 s3, s7;
	s7 =	simm.s32 @!p0 $0x108  }
0x21: {  	s3 =	sadd.s32 s3, s9;
	s6 =	sadd.s32 @!p0 $0x88, s6;
	s7 =	simm.s32 @p2 $0x1082  }
0x22: {  	[simem:s7], [sflag:s8] =	dma.local @!p0 [hbm:s6], $0xF7A  }
0x23: {  	s9 =	sor.u32 $0xD0000000, s2;
	s6 =	simm.s32 $0x108;
	_ =	swait.ge @!p0 [sflag:s8], $0x0  }
0x24: {  	s3 =	sadd.s32 $0x88, s3;
	s6 =	simm.s32 @!p1 $0x1082;
	[sflag:s4] =	ssyncset.s32 $0xFFFFF086  }
0x25: {  	[simem:s6], [sflag:s4] =	dma.local [hbm:s3], $0xF7A  }
0x26: {  	[smem:$0x3F9E] =	sst s1;
	(tag) =	ssettag s2;
	_ =	strace s9  }
0x27: {  	s1 =	sld [smem:$0x3FAE]  }
0x28: {  	s2 =	sld [smem:$0x3FAF]  }
0x29: {  	s4 =	sld [smem:$0x3FB1]  }
0x2a: {  	p0 =	seq.s32 s5, $0x0;
	s5 =	sld [smem:$0x3FB2]  }
0x2b: {  	s6 =	sld [smem:$0x3FB3]  }
0x2c: {  	s7 =	sld [smem:$0x3FB4]  }
0x2d: {  	s3 =	simm.s32 $0x108;
	s8 =	sld [smem:$0x3FB5]  }
0x2e: {  	s3 =	simm.s32 @!p0 $0x1082;
	s9 =	sld [smem:$0x3FB6]  }
0x2f: {  	lr =	sadd.s32 s0, s3;
	s0 =	sld [smem:$0x3FAD]  }
0x30: {  	s3 =	sld [smem:$0x3FB0]  }
0x31: {  	[smem:$0x3FB9] =	sst s10  }
0x32: {  	s10 =	sld [smem:$0x3FB7];
	_ =	sdelay $0x3  }
0x33: {  	p0 =	seq.s32 s10, $0x1;
	s10 =	sld [smem:$0x3FB9];
	_ =	sdelay $0x3  }
0x34: {  	[smem:$0x3FB9] =	sst s10  }
0x35: {  	s10 =	sld [smem:$0x3FB8];
	_ =	sdelay $0x3  }
0x36: {  	p1 =	seq.s32 s10, $0x1;
	s10 =	sld [smem:$0x3FB9];
	_ =	sdelay $0x3  }
0x37: {  	[smem:$0x3FB9] =	sst s10  }
0x38: {  	s10 =	sld [smem:$0x3FBA]  }
0x39: {  	_ = 	snop;
	(pc) =	sbr.ind lr, $3  }
0x3a: {  	_ = 	snop  }
0x3b: {  	_ = 	snop  }
0x3c: {  	p2 =	seq.s32 s10, $0x1;
	s10 =	sld [smem:$0x3FB9]  }
0x3d: {  	_ =	shalt  }
0x3e: {  	_ =	shalt  }
0x3f: {  	_ =	shalt  }
0x40: {  	_ =	shalt  }
0x41: {  	_ =	shalt  }
0x42: {  	_ =	shalt  }
0x43: {  	_ =	shalt  }
0x44: {  	_ =	shalt  }
0x45: {  	_ =	shalt  }
0x46: {  	_ =	shalt  }
0x47: {  	_ =	shalt  }
0x48: {  	_ =	shalt  }
0x49: {  	_ =	shalt  }
0x4a: {  	_ =	shalt  }
0x4b: {  	_ =	shalt  }
0x4c: {  	_ =	shalt  }
0x4d: {  	_ =	shalt  }
0x4e: {  	_ =	shalt  }
0x4f: {  	_ =	shalt  }
0x50: {  	_ =	shalt  }
0x51: {  	_ =	shalt  }
0x52: {  	_ =	shalt  }
0x53: {  	_ =	shalt  }
0x54: {  	_ =	shalt  }
0x55: {  	_ =	shalt  }
0x56: {  	_ =	shalt  }
0x57: {  	_ =	shalt  }
0x58: {  	_ =	shalt  }
0x59: {  	_ =	shalt  }
0x5a: {  	_ =	shalt  }
0x5b: {  	_ =	shalt  }
0x5c: {  	_ =	shalt  }
0x5d: {  	_ =	shalt  }
0x5e: {  	_ =	shalt  }
0x5f: {  	_ =	shalt  }
0x60: {  	_ =	shalt  }
0x61: {  	_ =	shalt  }
0x62: {  	_ =	shalt  }
0x63: {  	_ =	shalt  }
0x64: {  	_ =	shalt  }
0x65: {  	_ =	shalt  }
0x66: {  	_ =	shalt  }
0x67: {  	_ =	shalt  }
0x68: {  	_ =	shalt  }
0x69: {  	_ =	shalt  }
0x6a: {  	_ =	shalt  }
0x6b: {  	_ =	shalt  }
0x6c: {  	_ =	shalt  }
0x6d: {  	_ =	shalt  }
0x6e: {  	_ =	shalt  }
0x6f: {  	_ =	shalt  }
0x70: {  	_ =	shalt  }
0x71: {  	_ =	shalt  }
0x72: {  	_ =	shalt  }
0x73: {  	_ =	shalt  }
0x74: {  	_ =	shalt  }
0x75: {  	_ =	shalt  }
0x76: {  	_ =	shalt  }
0x77: {  	_ =	shalt  }
0x78: {  	_ =	shalt  }
0x79: {  	_ =	shalt  }
0x7a: {  	_ =	shalt  }
0x7b: {  	_ =	shalt  }
0x7c: {  	_ =	shalt  }
0x7d: {  	_ =	shalt  }
0x7e: {  	_ =	shalt  }
0x7f: {  	_ =	shalt  }
0x80: {  	_ =	shalt  }
0x81: {  	_ =	shalt  }
0x82: {  	_ =	shalt  }
0x83: {  	_ =	shalt  }
0x84: {  	_ =	shalt  }
0x85: {  	_ =	shalt  }
0x86: {  	_ =	shalt  }
0x87: {  	_ =	shalt  }
.Lfunc_end0:
.L_simem_size_0:
called_computation_lowered:
.L_overlay_start_0:
0x88: {  	s2 =	sld [smem:$0x3FD9]  }
0x89: {  	s3 =	sld [smem:$0x3FFE];
	_ =	sdelay $0x1  }
0x8a: {  	s1 =	srdreg.scid  }
0x8b: {  	s0 =	sand.u32 $0x1, s1  }
0x8c: {  	s15 =	sshll.u32 s0, $0xA;
	s2 =	sadd.s32 s3, s2  }
0x8d: {  	s2 =	sadd.s32 s2, s15  }
0x8e: {  	[smem:$0x3FC5] =	sst s2  }
0x8f: {  	_ = 	snop  }
0x90: {  	s2 =	sld [smem:$0x3FD0]  }
0x91: {  	s16 =	sld [smem:$0x3FC9]  }
0x92: {  	s4 =	sld [smem:$0x3FC8]  }
0x93: {  	s6 =	simm.s32 $0xA;
	s7 =	simm.s32 $0x10;
	s5 =	sld [smem:$0x3FC7]  }
0x94: {  	[smem:s7], [sflag:s6] =	dma.local [hbm:s2], $0x1  }
0x95: {  	_ =	swait.eq [sflag:s6], $0x1  }
0x96: {  	s17 =	sld [smem:$0x10];
	[sflag:s6] =	ssyncset.done $0x0  }
0x97: {  	s18 =	sld [smem:$0x11];
	[sflag:s6] =	ssyncadd.s32 $0xFFFFFFFF  }
0x98: {  	s19 =	sld [smem:$0x12];
	(tm) =	ssettm $0x1  }
0x99: {  	s8 =	sld [smem:$0x3FFB];
	_ =	sdelay $0x3  }
0x9a: {  	_ =	strace s8  }
0x9b: {  	s8 =	sld [smem:$0x3FFC];
	_ =	sdelay $0x3  }
0x9c: {  	_ =	strace s8  }
0x9d: {  	s8 =	sld [smem:$0x3FFD];
	_ =	sdelay $0x3  }
0x9e: {  	_ =	strace s8  }
0x9f: {  	_ =	strace $0x8FFFFFFF  }
0xa0: {  	s20 =	sld [smem:$0x3FDB];
	_ =	sdelay $0x1  }
0xa1: {  	s9 =	simm.s32 $_scs_section_size  }
0xa2: {  	s10 =	simm.s32 $_size__tile_overlayer_lowered;
	s11 =	simm.s32 $_tile_overlayer_lowered  }
0xa3: {  	s23 =	simm.s32 $0x1BFF;
	s22 =	sshll.u32 s11, $0x1;
	s8 =	sadd.s32 s9, s20  }
0xa4: {  	s12 =	simm.s32 $0x0;
	s21 =	sshll.u32 s10, $0x1;
	s10 =	sadd.s32 s22, s8  }
0xa5: {  	[timem:s12], [sflag:s23] =	dma.local [hbm:s10], s21  }
0xa6: {  	_ =	swait.ge [sflag:s23], s21  }
0xa7: {  	s9 =	ssub.s32 $0x0, s21;
	[sflag:s23] =	ssyncset.done $0x0  }
0xa8: {  	[sflag:s23] =	ssyncadd.s32 s9;
	_ =	sdelay $0x1  }
0xa9: {  	s24 =	simm.s32 $0x1B8B  }
0xaa: {  	_ =	swait.ge [sflag:s24], $0x1  }
0xab: {  	[sflag:s24] =	ssyncset.done $0x0  }
0xac: {  	s25 =	simm.s32 $0x1B8E;
	[sflag:s24] =	ssyncadd.s32 $0xFFFFFFFF  }
0xad: {  	s26 =	simm.s32 $execute0_lowered;
	[smem:$0x3FD2] =	sst s25  }
0xae: {  	s9 =	sshll.u32 s26, $0x1;
	_ =	strace $0x80000046;
	[dreg:$0x1] =	wrdreg $0xFFFFFFFF  }
0xaf: {  	s28 =	simm.s32 $_size_execute0_lowered;
	s8 =	sadd.s32 s8, s9;
	[dreg:$0x0] =	wrdreg $0x0  }
0xb0: {  	s9 =	sshll.u32 s28, $0x1;
	[dreg:$0x2] =	wrdreg s8  }
0xb1: {  	[dreg:$0x3] =	wrdreg s9  }
0xb2: {  	[dreg:$0x4] =	wrdreg $0xC0  }
0xb3: {  	_ =	task [dreg:s12], $0x5FFFF  }
0xb4: {  	[dreg:$0x1] =	wrdreg $0xFFFFFFFF  }
0xb5: {  	[dreg:$0x0] =	wrdreg $0x60  }
0xb6: {  	[dreg:$0x2] =	wrdreg s16  }
0xb7: {  	[dreg:$0x3] =	wrdreg s4  }
0xb8: {  	[dreg:$0x4] =	wrdreg s5  }
0xb9: {  	[dreg:$0x5] =	wrdreg s17  }
0xba: {  	[dreg:$0x6] =	wrdreg s18  }
0xbb: {  	[dreg:$0x7] =	wrdreg s19  }
0xbc: {  	[dreg:$0x8] =	wrdreg $0x9  }
0xbd: {  	_ =	task.clear_ibuf [dreg:s12], $0x9FFFF;
	_ =	strace $0x90000046  }
0xbe: {  	s29 =	simm.s32 $0x9;
	_ =	strace $0x80000048  }
0xbf: {  	_ =	swait.ge [sflag:s29], $0x1  }
0xc0: {  	[sflag:s29] =	ssyncadd.s32 $0xFFFFFFFF  }
0xc1: {  	_ =	strace $0x90000048  }
0xc2: {  	_ =	sfence  }
0xc3: {  	s30 =	sld [smem:$0x0];
	_ =	sdelay $0x2  }
0xc4: {  	s31 =	sshll.u32 s1, $0xD;
	s1 =	sshrl.u32 s1, $0x2  }
0xc5: {  	s3 =	sand.u32 $0x4000, s31;
	s1 =	sadd.s32 s1, s30  }
0xc6: {  	s0 =	sor.u32 s3, s0;
	s1 =	sshll.u32 s1, $0x11  }
0xc7: {  	s0 =	sor.u32 s1, s0  }
0xc8: {  	s0 =	sadd.s32 $0x8F2B, s0  }
0xc9: {  	[sflag:s0] =	ssyncadd.remote.s32 $0x1  }
0xca: {  	_ =	sfence.sel $0xFFFF  }
0xcb: {  	[dreg:$0x0] =	wrdreg $0xFFFFFFFF;
	(pc) =	sbr.abs _section_cstart, $3  }
0xcc: {  	[dreg:$0x1] =	wrdreg $0xFFFFFFFF  }
0xcd: {  	_ =	task.clear_ibuf [dreg:s12], $0x2FFFF;
	_ =	strace $0x9FFFFFFF  }
0xce: {  	(tm) =	ssettm $0x7FFFFFFF  }
0xcf: {  	_ =	shalt  }
tec
execute0_lowered:
.L_overlay_start_1:
0x0: {  	(tag) =	ssettag $0x1  }
0x1: {  	s1 =	rddreg [dreg:$0x0]  }
0x2: {  	s0 =	rddreg [dreg:$0x1]  }
0x3: {  	s4 =	rddreg [dreg:$0x2]  }
0x4: {  	s2 =	rddreg [dreg:$0x3]  }
0x5: {  	s3 =	rddreg [dreg:$0x4]  }
0x6: {  	s6 =	rddreg [dreg:$0x5];
	s5 =	simm.s32 $0x0  }
0x7: {  	s7 =	srdreg.scid;
	s9 =	stileid.u32;
	s28 =	simm.s32 $0x18F00  }
0x8: {  	[smem:$0x7FF] =	sst s5;
	s7 =	sand.u32 $0x1, s7;
	s8 =	sshll.u32 s9, $0x8  }
0x9: {  	s9 =	sshrl.u32 s9, $0x2;
	s10 =	sshll.u32 s7, $0x7;
	s8 =	sand.u32 $0x300, s8  }
0xa: {  	s11 =	smul.u32 $0xC3800, s9;
	s15 =	sshll.u32 s9, $0xE;
	s9 =	sor.u32 $0x4, s9  }
0xb: {  	_ =	strace $0x80000047;
	s8 =	sor.u32 s10, s8;
	s25 =	smul.u32 $0xC3800, s9  }
0xc: {  	s9 =	sshll.u32 s9, $0xE;
	s11 =	sor.u32 s11, s8;
	s12 =	sor.u32 s15, s8  }
0xd: {  	s9 =	sor.u32 s8, s9;
	s11 =	sshrl.u32 s11, $0x3;
	[dreg:$0x7] =	wrdreg s12  }
0xe: {  	s12 =	sshrl.u32 s12, $0x3;
	[dreg:$0x11] =	wrdreg s9;
	s17 =	sadd.s32 s0, s11  }
0xf: {  	s30 =	simm.s32 $0x5;
	s18 =	sadd.s32 s4, s12;
	[dreg:$0x8] =	wrdreg s17  }
0x10: {  	s7 =	ssub.s32 $0x2, s7;
	s19 =	sadd.s32 s6, s12;
	[dreg:$0x9] =	wrdreg s18  }
0x11: {  	s9 =	sshrl.u32 s9, $0x3;
	s20 =	sadd.s32 s3, s12;
	[dreg:$0xa] =	wrdreg s19  }
0x12: {  	s21 =	sor.u32 $0x4000, s12;
	s22 =	sadd.s32 s2, s12;
	[dreg:$0xb] =	wrdreg s20  }
0x13: {  	s24 =	sor.u32 $0x8000, s12;
	s4 =	sadd.s32 s4, s9;
	[dreg:$0xc] =	wrdreg s22  }
0x14: {  	s26 =	sor.u32 $0xC000, s12;
	s12 =	sadd.s32 s6, s9;
	[dreg:$0x15] =	wrdreg s4  }
0x15: {  	s16 =	sshrl.u32 s7, $0x1;
	s14 =	sadd.s32 s3, s9;
	[dreg:$0x16] =	wrdreg s12  }
0x16: {  	s7 =	ssub.s32 s7, s16;
	s16 =	sadd.s32 s2, s9;
	[dreg:$0x19] =	wrdreg s14  }
0x17: {  	s11 =	sor.u32 s8, s25;
	s25 =	sadd.s32 $0x40, s1;
	[dreg:$0x1a] =	wrdreg s16  }
0x18: {  	s15 =	sor.u32 $0x8000, s9;
	s23 =	sadd.s32 s3, s21;
	[smem:$0x7FA] =	sst s25  }
0x19: {  	s8 =	simm.s32 $0xC;
	s10 =	sadd.s32 s2, s21;
	[dreg:$0xd] =	wrdreg s23  }
0x1a: {  	s13 =	sadd.s32 s3, s24;
	s29 =	sadd.s32 s3, s26;
	[dreg:$0xe] =	wrdreg s10  }
0x1b: {  	s31 =	sshrl.u32 s11, $0x3;
	s11 =	sor.u32 $0x4000, s9;
	[dreg:$0xf] =	wrdreg s13  }
0x1c: {  	s17 =	sor.u32 $0xC000, s9;
	s18 =	sadd.s32 s3, s15;
	[dreg:$0x12] =	wrdreg s29  }
0x1d: {  	s21 =	smax.u32 s7, $0x1;
	s22 =	sadd.s32 $0x10, s1;
	[dreg:$0x1b] =	wrdreg s18  }
0x1e: {  	s12 =	simm.s32 $0x80;
	s14 =	simm.s32 $0x1DF00;
	[dreg:$0x1f] =	wrdreg s21  }
0x1f: {  	s4 =	simm.s32 $0xB;
	s10 =	sadd.s32 s2, s24;
	[smem:$0x7F7] =	sst s22  }
0x20: {  	s7 =	simm.s32 $0x8;
	s0 =	sadd.s32 s0, s31;
	[dreg:$0x10] =	wrdreg s10  }
0x21: {  	s9 =	simm.s32 $0x9;
	s13 =	sadd.s32 s3, s11;
	[dreg:$0x14] =	wrdreg s0  }
0x22: {  	s16 =	simm.s32 $0x0;
	s19 =	sadd.s32 s3, s17;
	[dreg:$0x17] =	wrdreg s13  }
0x23: {  	s20 =	sadd.s32 s2, s17;
	s23 =	sadd.s32 $0x20, s1;
	[dreg:$0x1d] =	wrdreg s19  }
0x24: {  	s24 =	sadd.s32 $0x30, s1;
	s29 =	sadd.s32 $0x60, s1;
	[dreg:$0x1e] =	wrdreg s20  }
0x25: {  	s31 =	sadd.s32 $0x70, s1;
	s17 =	simm.s32 $0x1C700;
	[smem:$0x7F8] =	sst s23  }
0x26: {  	s18 =	simm.s32 $0x1E700;
	s10 =	sadd.s32 s2, s26;
	[smem:$0x7F9] =	sst s24  }
0x27: {  	s0 =	sadd.s32 s2, s11;
	s26 =	sadd.s32 $0x50, s1;
	[smem:$0x7FC] =	sst s29  }
.Ltmp0:
0x28: {  	[smem:$0x7FD] =	sst s31;
	s13 =	simm.s32 $0x400;
	(pc) =	sbr.rel .LBB2_1-.Ltmp0, $4  }
0x29: {  	s23 =	simm.s32 $0x3;
	s11 =	simm.s32 $0xA;
	[dreg:$0x13] =	wrdreg s10  }
0x2a: {  	s20 =	simm.s32 $0xE;
	[dreg:$0x18] =	wrdreg s0;
	s0 =	sadd.s32 s2, s15  }
0x2b: {  	[smem:$0x7FB] =	sst s26;
	s26 =	simm.s32 $0x4;
	s15 =	simm.s32 $0x6  }
0x2c: {  	s10 =	simm.s32 $0xD;
	[dreg:$0x1c] =	wrdreg s0;
	s0 =	simm.s32 $0x7  }
.LBB2_39:
0x2d: {  	_ =	swait.ge [sflag:s0], $0x800  }
0x2e: {  	[sflag:s0] =	ssyncset.done $0x0  }
0x2f: {  	[sflag:s0] =	ssyncadd.s32 $0xFFFFF800  }
0x30: {  	_ =	swait.ge [sflag:s4], $0x800  }
0x31: {  	[sflag:s4] =	ssyncset.done $0x0  }
0x32: {  	[sflag:s4] =	ssyncadd.s32 $0xFFFFF800  }
0x33: {  	_ =	swait.ge [sflag:s7], $0x800  }
0x34: {  	[sflag:s7] =	ssyncset.done $0x0  }
0x35: {  	[sflag:s7] =	ssyncadd.s32 $0xFFFFF800  }
0x36: {  	_ =	swait.ge [sflag:s8], $0x800  }
0x37: {  	[sflag:s8] =	ssyncset.done $0x0  }
0x38: {  	[sflag:s8] =	ssyncadd.s32 $0xFFFFF800  }
0x39: {  	_ =	swait.ge [sflag:s9], $0x800  }
0x3a: {  	[sflag:s9] =	ssyncset.done $0x0  }
0x3b: {  	[sflag:s9] =	ssyncadd.s32 $0xFFFFF800  }
0x3c: {  	_ =	swait.ge [sflag:s10], $0x800  }
0x3d: {  	[sflag:s10] =	ssyncset.done $0x0  }
0x3e: {  	[sflag:s10] =	ssyncadd.s32 $0xFFFFF800  }
0x3f: {  	_ =	swait.ge [sflag:s11], $0x800  }
0x40: {  	[sflag:s11] =	ssyncset.done $0x0  }
0x41: {  	[sflag:s11] =	ssyncadd.s32 $0xFFFFF800  }
0x42: {  	_ =	swait.ge [sflag:s20], $0x800  }
0x43: {  	s16 =	sld [smem:$0x7F6];
	_ =	sdelay $0x2  }
0x44: {  	s6 =	rddreg [dreg:$0x1f];
	s16 =	sadd.s32 $0x1, s16  }
0x45: {  	p0 =	sne.s32 s16, s6  }
.Ltmp1:
0x46: {  	_ = 	snop;
	(pc) =	sbr.rel @!p0 .LBB2_40-.Ltmp1, $3  }
0x47: {  	_ =	sdelay $0x1  }
0x48: {  	[sflag:s20] =	ssyncset.done $0x0  }
0x49: {  	s28 =	simm.s32 $0x18F00;
	[sflag:s20] =	ssyncadd.s32 $0xFFFFF800  }
.LBB2_1:
0x4a: {  	[smem:$0x7F6] =	sst s16  }
0x4b: {  	s6 =	rddreg [dreg:$0x8]  }
0x4c: {  	[tilespmem:s5], [sflag:$0x1] =	stream.strided.gather [hbm4b:s6+s12], $0x18700, s13, s12, $0x38;
	[tilespmem:$0x1EF00] =	vst v63  }
0x4d: {  	s21 =	rddreg [dreg:$0x9];
	s16 =	simm.s32 $0x18700  }
0x4e: {  	[tilespmem:s16], [sflag:$0x2] =	stream.strided.gather [hbm4b:s21+s12], $0x800, s13, s12, $0x38;
	[tilespmem:$0x1EF00] =	vst v63  }
0x4f: {  	s22 =	sld [smem:$0x7F7]  }
0x50: {  	[tilespmem:s28], [sflag:$0x3] =	stream.strided.gather [hbm4b:s1+s12], $0x800, s13, s12, $0x38;
	[tilespmem:$0x1EF00] =	vst v63  }
0x51: {  	s19 =	simm.s32 $0x19700;
	s24 =	sld [smem:$0x7F8]  }
0x52: {  	[tilespmem:s19], [sflag:$0x4] =	stream.strided.gather [hbm4b:s22+s12], $0x800, s13, s12, $0x38;
	[tilespmem:$0x1EF00] =	vst v63  }
0x53: {  	s25 =	simm.s32 $0x19F00;
	s29 =	sld [smem:$0x7F9]  }
0x54: {  	[tilespmem:s25], [sflag:$0x5] =	stream.strided.gather [hbm4b:s24+s12], $0x800, s13, s12, $0x38;
	[tilespmem:$0x1EF00] =	vst v63  }
0x55: {  	s31 =	simm.s32 $0x1A700;
	s19 =	simm.s32 $0x2  }
0x56: {  	[tilespmem:s31], [sflag:$0x6] =	stream.strided.gather [hbm4b:s29+s12], $0x800, s13, s12, $0x38;
	[tilespmem:$0x1EF00] =	vst v63  }
0x57: {  	_ =	swait.ge [sflag:s19], $0x800  }
0x58: {  	[sflag:s19] =	ssyncset.done $0x0  }
0x59: {  	s22 =	simm.s32 $0xF;
	s21 =	rddreg [dreg:$0xa];
	[sflag:s19] =	ssyncadd.s32 $0xFFFFF800  }
0x5a: {  	[hbm4b:s21+s12] =	stream.strided.scatter [tilespmem:s16], [sflag:$0xF], $0x800, s13, s12, $0x38;
	[tilespmem:$0x1EF00] =	vst v63  }
0x5b: {  	_ =	swait.ge [sflag:s22], $0x800  }
0x5c: {  	[sflag:s22] =	ssyncset.done $0x0  }
0x5d: {  	s24 =	simm.s32 $0x1;
	[sflag:s22] =	ssyncadd.s32 $0xFFFFF800  }
0x5e: {  	_ =	swait.ge [sflag:s24], $0x18700  }
0x5f: {  	[sflag:s24] =	ssyncset.done $0x0  }
0x60: {  	[sflag:s24] =	ssyncadd.s32 $0xFFFE7900  }
0x61: {  	_ =	swait.ge [sflag:s23], $0x800  }
0x62: {  	[sflag:s23] =	ssyncset.done $0x0  }
0x63: {  	s25 =	simm.s32 $0x18F40;
	[sflag:s23] =	ssyncadd.s32 $0xFFFFF800  }
0x64: {  	v0 =	vld [tilespmem:s25+$0x30]  }
0x65: {  	v1 =	vld [tilespmem:s25+$0xFFFFFFD0]  }
0x66: {  	v2 =	vld [tilespmem:s25+$0xFFFFFFE0]  }
0x67: {  	v3 =	vld [tilespmem:s25+$0xFFFFFFF0]  }
0x68: {  	v4 =	vld [tilespmem:s25+$0x0]  }
0x69: {  	v5 =	vld [tilespmem:s25+$0x10]  }
0x6a: {  	v6 =	vld [tilespmem:s25+$0x20]  }
0x6b: {  	s31 =	simm.s32 $0x18FC0;
	v7 =	vld [tilespmem:s25+$0xFFFFFFC0]  }
0x6c: {  	v15 =	vld [tilespmem:s31+$0x30]  }
0x6d: {  	v16 =	vld [tilespmem:s31+$0xFFFFFFD0]  }
0x6e: {  	v17 =	vld [tilespmem:s31+$0xFFFFFFE0]  }
0x6f: {  	v18 =	vld [tilespmem:s31+$0xFFFFFFF0]  }
0x70: {  	v19 =	vld [tilespmem:s31+$0x0]  }
0x71: {  	v20 =	vld [tilespmem:s31+$0x10]  }
0x72: {  	v0 =	vld.idx.msk [tilespmem:v0+s5+$0x0], $0xffff  }
0x73: {  	v1 =	vld.idx.msk [tilespmem:v1+s5+$0x0], $0xffff  }
0x74: {  	v2 =	vld.idx.msk [tilespmem:v2+s5+$0x0], $0xffff  }
0x75: {  	v3 =	vld.idx.msk [tilespmem:v3+s5+$0x0], $0xffff  }
0x76: {  	v4 =	vld.idx.msk [tilespmem:v4+s5+$0x0], $0xffff  }
0x77: {  	v8 =	vld.idx.msk [tilespmem:v5+s5+$0x0], $0xffff  }
0x78: {  	v6 =	vld.idx.msk [tilespmem:v6+s5+$0x0], $0xffff  }
0x79: {  	s29 =	simm.s32 $0x1AF40;
	v10 =	vld.idx.msk [tilespmem:v7+s5+$0x0], $0xffff  }
0x7a: {  	s21 =	simm.s32 $0x18740;
	v15 =	vld.idx.msk [tilespmem:v15+s5+$0x0], $0xffff;
	[tilespmem:s29+$0x30] =	vst v0  }
0x7b: {  	[tilespmem:s29+$0xFFFFFFD0] =	vst v1;
	v5 =	vld [tilespmem:s21+$0x30]  }
0x7c: {  	[tilespmem:s29+$0xFFFFFFE0] =	vst v2;
	v7 =	vld [tilespmem:s21+$0xFFFFFFD0]  }
0x7d: {  	[tilespmem:s29+$0xFFFFFFF0] =	vst v3;
	v9 =	vld [tilespmem:s21+$0xFFFFFFE0]  }
0x7e: {  	[tilespmem:s29+$0x0] =	vst v4;
	v11 =	vld [tilespmem:s21+$0xFFFFFFF0]  }
0x7f: {  	[tilespmem:s29+$0x10] =	vst v8;
	v12 =	vld [tilespmem:s21+$0x0]  }
0x80: {  	v13 =	vld [tilespmem:s21+$0x10]  }
0x81: {  	[tilespmem:s29+$0x20] =	vst v6;
	v1 =	vadd.f32 v7, v1;
	v7 =	vld [tilespmem:s31+$0x20]  }
0x82: {  	s16 =	simm.s32 $0x1AFC0;
	[tilespmem:s29+$0xFFFFFFC0] =	vst v10;
	v14 =	vld [tilespmem:s21+$0x20];
	v0 =	vadd.f32 v5, v0  }
0x83: {  	s6 =	simm.s32 $0x1CF40;
	[tilespmem:s16+$0x30] =	vst v15;
	v5 =	vld.idx.msk [tilespmem:v17+s5+$0x0], $0xffff  }
0x84: {  	[tilespmem:s6+$0x30] =	vst v0;
	v0 =	vadd.f32 v9, v2;
	v9 =	vld [tilespmem:s31+$0xFFFFFFC0]  }
0x85: {  	[tilespmem:s6+$0xFFFFFFD0] =	vst v1;
	v1 =	vadd.f32 v11, v3;
	v11 =	vld.idx.msk [tilespmem:v16+s5+$0x0], $0xffff  }
0x86: {  	v3 =	vld.idx.msk [tilespmem:v19+s5+$0x0], $0xffff;
	[tilespmem:s6+$0xFFFFFFE0] =	vst v0  }
0x87: {  	v2 =	vld.idx.msk [tilespmem:v20+s5+$0x0], $0xffff;
	[tilespmem:s6+$0xFFFFFFF0] =	vst v1;
	v1 =	vadd.f32 v13, v8  }
0x88: {  	v0 =	vadd.f32 v12, v4;
	v4 =	vld.idx.msk [tilespmem:v18+s5+$0x0], $0xffff;
	[tilespmem:s16+$0xFFFFFFE0] =	vst v5  }
0x89: {  	s19 =	simm.s32 $0x187C0;
	[tilespmem:s6+$0x10] =	vst v1;
	v1 =	vld.idx.msk [tilespmem:v7+s5+$0x0], $0xffff  }
0x8a: {  	[tilespmem:s6+$0x0] =	vst v0;
	v7 =	vld [tilespmem:s19+$0x30]  }
0x8b: {  	v12 =	vld [tilespmem:s21+$0xFFFFFFC0];
	v0 =	vadd.f32 v14, v6;
	[tilespmem:s16+$0xFFFFFFD0] =	vst v11  }
0x8c: {  	[tilespmem:s16+$0x0] =	vst v3;
	v13 =	vld [tilespmem:s19+$0xFFFFFFD0]  }
0x8d: {  	[tilespmem:s6+$0x20] =	vst v0;
	v0 =	vld.idx.msk [tilespmem:v9+s5+$0x0], $0xffff  }
0x8e: {  	[tilespmem:s16+$0xFFFFFFF0] =	vst v4;
	v9 =	vld [tilespmem:s19+$0xFFFFFFE0]  }
0x8f: {  	[tilespmem:s16+$0x10] =	vst v2;
	v6 =	vld [tilespmem:s19+$0xFFFFFFF0];
	v14 =	vadd.f32 v7, v15  }
0x90: {  	s21 =	simm.s32 $0x1CFC0;
	v8 =	vld [tilespmem:s19+$0x0];
	[tilespmem:s16+$0x20] =	vst v1  }
0x91: {  	v12 =	vadd.f32 v12, v10;
	v7 =	vld [tilespmem:s19+$0x10];
	[tilespmem:s21+$0x30] =	vst v14  }
0x92: {  	s22 =	simm.s32 $0x80;
	s24 =	simm.s32 $0x187C0;
	s25 =	simm.s32 $0x19040;
	v11 =	vadd.f32 v13, v11;
	v10 =	vld [tilespmem:s19+$0x20];
	[tilespmem:s16+$0xFFFFFFC0] =	vst v0  }
.LBB2_2:
0x93: {  	v13 =	vld [tilespmem:s25+$0x30];
	s22 =	sadd.s32 $0x80, s22;
	v5 =	vadd.f32 v9, v5;
	[tilespmem:s6+$0xFFFFFFC0] =	vst v12;
	s6 =	smov.u32 s21  }
0x94: {  	v9 =	vld [tilespmem:s25+$0xFFFFFFD0];
	p0 =	slt.u32 s22, $0x780;
	[tilespmem:s21+$0xFFFFFFD0] =	vst v11;
	v4 =	vadd.f32 v6, v4  }
0x95: {  	v6 =	vld [tilespmem:s25+$0xFFFFFFE0];
	[tilespmem:s21+$0xFFFFFFE0] =	vst v5;
	v3 =	vadd.f32 v8, v3  }
0x96: {  	v8 =	vld [tilespmem:s25+$0xFFFFFFF0];
	[tilespmem:s21+$0xFFFFFFF0] =	vst v4;
	v2 =	vadd.f32 v7, v2  }
0x97: {  	v7 =	vld [tilespmem:s25+$0x0];
	[tilespmem:s21+$0x0] =	vst v3;
	v1 =	vadd.f32 v10, v1  }
0x98: {  	v10 =	vld [tilespmem:s25+$0x10];
	[tilespmem:s21+$0x10] =	vst v2  }
0x99: {  	v11 =	vld [tilespmem:s25+$0x20];
	[tilespmem:s21+$0x20] =	vst v1  }
0x9a: {  	v12 =	vld [tilespmem:s25+$0xFFFFFFC0]  }
0x9b: {  	v13 =	vld.idx.msk [tilespmem:v13+s5+$0x0], $0xffff  }
0x9c: {  	v14 =	vld.idx.msk [tilespmem:v9+s5+$0x0], $0xffff  }
0x9d: {  	v5 =	vld.idx.msk [tilespmem:v6+s5+$0x0], $0xffff  }
0x9e: {  	v4 =	vld.idx.msk [tilespmem:v8+s5+$0x0], $0xffff  }
0x9f: {  	v3 =	vld.idx.msk [tilespmem:v7+s5+$0x0], $0xffff  }
0xa0: {  	s16 =	sadd.s32 $0x80, s16;
	v2 =	vld.idx.msk [tilespmem:v10+s5+$0x0], $0xffff  }
0xa1: {  	s19 =	sadd.s32 $0x80, s19;
	v1 =	vld.idx.msk [tilespmem:v11+s5+$0x0], $0xffff;
	[tilespmem:s16+$0x30] =	vst v13  }
0xa2: {  	[tilespmem:s16+$0xFFFFFFD0] =	vst v14;
	v7 =	vld [tilespmem:s19+$0x30]  }
0xa3: {  	v10 =	vld.idx.msk [tilespmem:v12+s5+$0x0], $0xffff;
	[tilespmem:s16+$0xFFFFFFE0] =	vst v5  }
0xa4: {  	[tilespmem:s16+$0xFFFFFFF0] =	vst v4;
	v11 =	vld [tilespmem:s24+$0xFFFFFFC0];
	s24 =	smov.u32 s19  }
0xa5: {  	v15 =	vld [tilespmem:s19+$0xFFFFFFD0];
	[tilespmem:s16+$0x0] =	vst v3  }
.Ltmp2:
0xa6: {  	v9 =	vld [tilespmem:s19+$0xFFFFFFE0];
	[tilespmem:s16+$0x10] =	vst v2;
	(pc) =	sbr.rel @p0 .LBB2_2-.Ltmp2, $4  }
0xa7: {  	v6 =	vld [tilespmem:s19+$0xFFFFFFF0];
	[tilespmem:s16+$0x20] =	vst v1;
	v12 =	vadd.f32 v7, v13  }
0xa8: {  	s21 =	sadd.s32 $0x80, s21;
	v8 =	vld [tilespmem:s19+$0x0]  }
0xa9: {  	v7 =	vld [tilespmem:s19+$0x10];
	[tilespmem:s21+$0x30] =	vst v12;
	v12 =	vadd.f32 v11, v0;
	v0 =	vmov v10  }
0xaa: {  	s25 =	sadd.s32 $0x80, s25;
	[tilespmem:s16+$0xFFFFFFC0] =	vst v0;
	v11 =	vadd.f32 v15, v14;
	v10 =	vld [tilespmem:s19+$0x20]  }
0xab: {  	v5 =	vadd.f32 v9, v5;
	[tilespmem:s6+$0xFFFFFFC0] =	vst v12;
	v9 =	vld [tilespmem:s24+$0xFFFFFFC0]  }
0xac: {  	[tilespmem:s21+$0xFFFFFFD0] =	vst v11;
	v4 =	vadd.f32 v6, v4  }
0xad: {  	[tilespmem:s21+$0xFFFFFFE0] =	vst v5;
	v3 =	vadd.f32 v8, v3  }
0xae: {  	[tilespmem:s21+$0xFFFFFFF0] =	vst v4;
	v2 =	vadd.f32 v7, v2  }
0xaf: {  	[tilespmem:s21+$0x0] =	vst v3;
	v1 =	vadd.f32 v10, v1  }
0xb0: {  	[tilespmem:s21+$0x10] =	vst v2;
	v0 =	vadd.f32 v9, v0  }
0xb1: {  	[tilespmem:s21+$0x20] =	vst v1  }
0xb2: {  	[tilespmem:s21+$0xFFFFFFC0] =	vst v0  }
0xb3: {  	s6 =	rddreg [dreg:$0xb]  }
0xb4: {  	s16 =	simm.s32 $0x1AF00;
	s22 =	rddreg [dreg:$0xc]  }
0xb5: {  	[hbm4b:s6+s12] =	stream.strided.scatter [tilespmem:s16], [sflag:$0x7], $0x800, s13, s12, $0x38;
	[tilespmem:$0x1EF00] =	vst v63  }
0xb6: {  	s24 =	simm.s32 $0x1CF00;
	s25 =	sld [smem:$0x7FA]  }
0xb7: {  	[hbm4b:s22+s12] =	stream.strided.scatter [tilespmem:s24], [sflag:$0xB], $0x800, s13, s12, $0x38;
	[tilespmem:$0x1EF00] =	vst v63  }
0xb8: {  	_ = 	snop  }
0xb9: {  	[tilespmem:s28], [sflag:$0x3] =	stream.strided.gather [hbm4b:s25+s12], $0x800, s13, s12, $0x38;
	[tilespmem:$0x1EF00] =	vst v63  }
0xba: {  	_ =	swait.ge [sflag:s26], $0x800  }
0xbb: {  	[sflag:s26] =	ssyncset.done $0x0  }
0xbc: {  	s28 =	simm.s32 $0x19740;
	[sflag:s26] =	ssyncadd.s32 $0xFFFFF800  }
0xbd: {  	v0 =	vld [tilespmem:s28+$0x30]  }
0xbe: {  	v1 =	vld [tilespmem:s28+$0xFFFFFFD0]  }
0xbf: {  	v2 =	vld [tilespmem:s28+$0xFFFFFFE0]  }
0xc0: {  	v3 =	vld [tilespmem:s28+$0xFFFFFFF0]  }
0xc1: {  	v4 =	vld [tilespmem:s28+$0x0]  }
0xc2: {  	v5 =	vld [tilespmem:s28+$0x10]  }
0xc3: {  	v6 =	vld [tilespmem:s28+$0x20]  }
0xc4: {  	s19 =	simm.s32 $0x197C0;
	v7 =	vld [tilespmem:s28+$0xFFFFFFC0]  }
0xc5: {  	v15 =	vld [tilespmem:s19+$0x30]  }
0xc6: {  	v16 =	vld [tilespmem:s19+$0xFFFFFFD0]  }
0xc7: {  	v17 =	vld [tilespmem:s19+$0xFFFFFFE0]  }
0xc8: {  	v18 =	vld [tilespmem:s19+$0xFFFFFFF0]  }
0xc9: {  	v19 =	vld [tilespmem:s19+$0x0]  }
0xca: {  	v20 =	vld [tilespmem:s19+$0x10]  }
0xcb: {  	v0 =	vld.idx.msk [tilespmem:v0+s5+$0x0], $0xffff  }
0xcc: {  	v1 =	vld.idx.msk [tilespmem:v1+s5+$0x0], $0xffff  }
0xcd: {  	v2 =	vld.idx.msk [tilespmem:v2+s5+$0x0], $0xffff  }
0xce: {  	v3 =	vld.idx.msk [tilespmem:v3+s5+$0x0], $0xffff  }
0xcf: {  	v4 =	vld.idx.msk [tilespmem:v4+s5+$0x0], $0xffff  }
0xd0: {  	v8 =	vld.idx.msk [tilespmem:v5+s5+$0x0], $0xffff  }
0xd1: {  	v6 =	vld.idx.msk [tilespmem:v6+s5+$0x0], $0xffff  }
0xd2: {  	s29 =	simm.s32 $0x1B740;
	v10 =	vld.idx.msk [tilespmem:v7+s5+$0x0], $0xffff  }
0xd3: {  	s31 =	simm.s32 $0x18740;
	v15 =	vld.idx.msk [tilespmem:v15+s5+$0x0], $0xffff;
	[tilespmem:s29+$0x30] =	vst v0  }
0xd4: {  	[tilespmem:s29+$0xFFFFFFD0] =	vst v1;
	v5 =	vld [tilespmem:s31+$0x30]  }
0xd5: {  	[tilespmem:s29+$0xFFFFFFE0] =	vst v2;
	v7 =	vld [tilespmem:s31+$0xFFFFFFD0]  }
0xd6: {  	[tilespmem:s29+$0xFFFFFFF0] =	vst v3;
	v9 =	vld [tilespmem:s31+$0xFFFFFFE0]  }
0xd7: {  	[tilespmem:s29+$0x0] =	vst v4;
	v11 =	vld [tilespmem:s31+$0xFFFFFFF0]  }
0xd8: {  	[tilespmem:s29+$0x10] =	vst v8;
	v12 =	vld [tilespmem:s31+$0x0]  }
0xd9: {  	v13 =	vld [tilespmem:s31+$0x10]  }
0xda: {  	[tilespmem:s29+$0x20] =	vst v6;
	v1 =	vadd.f32 v7, v1;
	v7 =	vld [tilespmem:s19+$0x20]  }
0xdb: {  	s16 =	simm.s32 $0x1B7C0;
	[tilespmem:s29+$0xFFFFFFC0] =	vst v10;
	v14 =	vld [tilespmem:s31+$0x20];
	v0 =	vadd.f32 v5, v0  }
0xdc: {  	s6 =	simm.s32 $0x1D740;
	[tilespmem:s16+$0x30] =	vst v15;
	v5 =	vld.idx.msk [tilespmem:v17+s5+$0x0], $0xffff  }
0xdd: {  	[tilespmem:s6+$0x30] =	vst v0;
	v0 =	vadd.f32 v9, v2;
	v9 =	vld [tilespmem:s19+$0xFFFFFFC0]  }
0xde: {  	[tilespmem:s6+$0xFFFFFFD0] =	vst v1;
	v1 =	vadd.f32 v11, v3;
	v11 =	vld.idx.msk [tilespmem:v16+s5+$0x0], $0xffff  }
0xdf: {  	v3 =	vld.idx.msk [tilespmem:v19+s5+$0x0], $0xffff;
	[tilespmem:s6+$0xFFFFFFE0] =	vst v0  }
0xe0: {  	v2 =	vld.idx.msk [tilespmem:v20+s5+$0x0], $0xffff;
	[tilespmem:s6+$0xFFFFFFF0] =	vst v1;
	v1 =	vadd.f32 v13, v8  }
0xe1: {  	v0 =	vadd.f32 v12, v4;
	v4 =	vld.idx.msk [tilespmem:v18+s5+$0x0], $0xffff;
	[tilespmem:s16+$0xFFFFFFE0] =	vst v5  }
0xe2: {  	s19 =	simm.s32 $0x187C0;
	[tilespmem:s6+$0x10] =	vst v1;
	v1 =	vld.idx.msk [tilespmem:v7+s5+$0x0], $0xffff  }
0xe3: {  	[tilespmem:s6+$0x0] =	vst v0;
	v7 =	vld [tilespmem:s19+$0x30]  }
0xe4: {  	v12 =	vld [tilespmem:s31+$0xFFFFFFC0];
	v0 =	vadd.f32 v14, v6;
	[tilespmem:s16+$0xFFFFFFD0] =	vst v11  }
0xe5: {  	[tilespmem:s16+$0x0] =	vst v3;
	v13 =	vld [tilespmem:s19+$0xFFFFFFD0]  }
0xe6: {  	[tilespmem:s6+$0x20] =	vst v0;
	v0 =	vld.idx.msk [tilespmem:v9+s5+$0x0], $0xffff  }
0xe7: {  	[tilespmem:s16+$0xFFFFFFF0] =	vst v4;
	v9 =	vld [tilespmem:s19+$0xFFFFFFE0]  }
0xe8: {  	[tilespmem:s16+$0x10] =	vst v2;
	v6 =	vld [tilespmem:s19+$0xFFFFFFF0];
	v14 =	vadd.f32 v7, v15  }
0xe9: {  	s21 =	simm.s32 $0x1D7C0;
	v8 =	vld [tilespmem:s19+$0x0];
	[tilespmem:s16+$0x20] =	vst v1  }
0xea: {  	v12 =	vadd.f32 v12, v10;
	v7 =	vld [tilespmem:s19+$0x10];
	[tilespmem:s21+$0x30] =	vst v14  }
0xeb: {  	s22 =	simm.s32 $0x80;
	s24 =	simm.s32 $0x187C0;
	s25 =	simm.s32 $0x19840;
	v11 =	vadd.f32 v13, v11;
	v10 =	vld [tilespmem:s19+$0x20];
	[tilespmem:s16+$0xFFFFFFC0] =	vst v0  }
.LBB2_4:
0xec: {  	v13 =	vld [tilespmem:s25+$0x30];
	s22 =	sadd.s32 $0x80, s22;
	v5 =	vadd.f32 v9, v5;
	[tilespmem:s6+$0xFFFFFFC0] =	vst v12;
	s6 =	smov.u32 s21  }
0xed: {  	v9 =	vld [tilespmem:s25+$0xFFFFFFD0];
	p0 =	slt.u32 s22, $0x780;
	[tilespmem:s21+$0xFFFFFFD0] =	vst v11;
	v4 =	vadd.f32 v6, v4  }
0xee: {  	v6 =	vld [tilespmem:s25+$0xFFFFFFE0];
	[tilespmem:s21+$0xFFFFFFE0] =	vst v5;
	v3 =	vadd.f32 v8, v3  }
0xef: {  	v8 =	vld [tilespmem:s25+$0xFFFFFFF0];
	[tilespmem:s21+$0xFFFFFFF0] =	vst v4;
	v2 =	vadd.f32 v7, v2  }
0xf0: {  	v7 =	vld [tilespmem:s25+$0x0];
	[tilespmem:s21+$0x0] =	vst v3;
	v1 =	vadd.f32 v10, v1  }
0xf1: {  	v10 =	vld [tilespmem:s25+$0x10];
	[tilespmem:s21+$0x10] =	vst v2  }
0xf2: {  	v11 =	vld [tilespmem:s25+$0x20];
	[tilespmem:s21+$0x20] =	vst v1  }
0xf3: {  	v12 =	vld [tilespmem:s25+$0xFFFFFFC0]  }
0xf4: {  	v13 =	vld.idx.msk [tilespmem:v13+s5+$0x0], $0xffff  }
0xf5: {  	v14 =	vld.idx.msk [tilespmem:v9+s5+$0x0], $0xffff  }
0xf6: {  	v5 =	vld.idx.msk [tilespmem:v6+s5+$0x0], $0xffff  }
0xf7: {  	v4 =	vld.idx.msk [tilespmem:v8+s5+$0x0], $0xffff  }
0xf8: {  	v3 =	vld.idx.msk [tilespmem:v7+s5+$0x0], $0xffff  }
0xf9: {  	s16 =	sadd.s32 $0x80, s16;
	v2 =	vld.idx.msk [tilespmem:v10+s5+$0x0], $0xffff  }
0xfa: {  	s19 =	sadd.s32 $0x80, s19;
	v1 =	vld.idx.msk [tilespmem:v11+s5+$0x0], $0xffff;
	[tilespmem:s16+$0x30] =	vst v13  }
0xfb: {  	[tilespmem:s16+$0xFFFFFFD0] =	vst v14;
	v7 =	vld [tilespmem:s19+$0x30]  }
0xfc: {  	v10 =	vld.idx.msk [tilespmem:v12+s5+$0x0], $0xffff;
	[tilespmem:s16+$0xFFFFFFE0] =	vst v5  }
0xfd: {  	[tilespmem:s16+$0xFFFFFFF0] =	vst v4;
	v11 =	vld [tilespmem:s24+$0xFFFFFFC0];
	s24 =	smov.u32 s19  }
0xfe: {  	v15 =	vld [tilespmem:s19+$0xFFFFFFD0];
	[tilespmem:s16+$0x0] =	vst v3  }
.Ltmp3:
0xff: {  	v9 =	vld [tilespmem:s19+$0xFFFFFFE0];
	[tilespmem:s16+$0x10] =	vst v2;
	(pc) =	sbr.rel @p0 .LBB2_4-.Ltmp3, $4  }
0x100: {  	v6 =	vld [tilespmem:s19+$0xFFFFFFF0];
	[tilespmem:s16+$0x20] =	vst v1;
	v12 =	vadd.f32 v7, v13  }
0x101: {  	s21 =	sadd.s32 $0x80, s21;
	v8 =	vld [tilespmem:s19+$0x0]  }
0x102: {  	v7 =	vld [tilespmem:s19+$0x10];
	[tilespmem:s21+$0x30] =	vst v12;
	v12 =	vadd.f32 v11, v0;
	v0 =	vmov v10  }
0x103: {  	s25 =	sadd.s32 $0x80, s25;
	[tilespmem:s16+$0xFFFFFFC0] =	vst v0;
	v11 =	vadd.f32 v15, v14;
	v10 =	vld [tilespmem:s19+$0x20]  }
0x104: {  	v5 =	vadd.f32 v9, v5;
	[tilespmem:s6+$0xFFFFFFC0] =	vst v12;
	v9 =	vld [tilespmem:s24+$0xFFFFFFC0]  }
0x105: {  	[tilespmem:s21+$0xFFFFFFD0] =	vst v11;
	v4 =	vadd.f32 v6, v4  }
0x106: {  	[tilespmem:s21+$0xFFFFFFE0] =	vst v5;
	v3 =	vadd.f32 v8, v3  }
0x107: {  	[tilespmem:s21+$0xFFFFFFF0] =	vst v4;
	v2 =	vadd.f32 v7, v2  }
0x108: {  	[tilespmem:s21+$0x0] =	vst v3;
	v1 =	vadd.f32 v10, v1  }
0x109: {  	[tilespmem:s21+$0x10] =	vst v2;
	v0 =	vadd.f32 v9, v0  }
0x10a: {  	[tilespmem:s21+$0x20] =	vst v1  }
0x10b: {  	[tilespmem:s21+$0xFFFFFFC0] =	vst v0  }
0x10c: {  	s6 =	rddreg [dreg:$0xd]  }
0x10d: {  	s16 =	simm.s32 $0x1B700;
	s21 =	rddreg [dreg:$0xe]  }
0x10e: {  	[hbm4b:s6+s12] =	stream.strided.scatter [tilespmem:s16], [sflag:$0x8], $0x800, s13, s12, $0x38;
	[tilespmem:$0x1EF00] =	vst v63  }
0x10f: {  	s22 =	simm.s32 $0x1D700;
	s24 =	sld [smem:$0x7FB]  }
0x110: {  	[hbm4b:s21+s12] =	stream.strided.scatter [tilespmem:s22], [sflag:$0xC], $0x800, s13, s12, $0x38;
	[tilespmem:$0x1EF00] =	vst v63  }
0x111: {  	s25 =	simm.s32 $0x19700  }
0x112: {  	[tilespmem:s25], [sflag:$0x4] =	stream.strided.gather [hbm4b:s24+s12], $0x800, s13, s12, $0x38;
	[tilespmem:$0x1EF00] =	vst v63  }
0x113: {  	_ =	swait.ge [sflag:s30], $0x800  }
0x114: {  	[sflag:s30] =	ssyncset.done $0x0  }
0x115: {  	s28 =	simm.s32 $0x19F40;
	[sflag:s30] =	ssyncadd.s32 $0xFFFFF800  }
0x116: {  	v0 =	vld [tilespmem:s28+$0x30]  }
0x117: {  	v1 =	vld [tilespmem:s28+$0xFFFFFFD0]  }
0x118: {  	v2 =	vld [tilespmem:s28+$0xFFFFFFE0]  }
0x119: {  	v3 =	vld [tilespmem:s28+$0xFFFFFFF0]  }
0x11a: {  	v4 =	vld [tilespmem:s28+$0x0]  }
0x11b: {  	v5 =	vld [tilespmem:s28+$0x10]  }
0x11c: {  	v6 =	vld [tilespmem:s28+$0x20]  }
0x11d: {  	s19 =	simm.s32 $0x19FC0;
	v7 =	vld [tilespmem:s28+$0xFFFFFFC0]  }
0x11e: {  	v15 =	vld [tilespmem:s19+$0x30]  }
0x11f: {  	v16 =	vld [tilespmem:s19+$0xFFFFFFD0]  }
0x120: {  	v17 =	vld [tilespmem:s19+$0xFFFFFFE0]  }
0x121: {  	v18 =	vld [tilespmem:s19+$0xFFFFFFF0]  }
0x122: {  	v19 =	vld [tilespmem:s19+$0x0]  }
0x123: {  	v20 =	vld [tilespmem:s19+$0x10]  }
0x124: {  	v0 =	vld.idx.msk [tilespmem:v0+s5+$0x0], $0xffff  }
0x125: {  	v1 =	vld.idx.msk [tilespmem:v1+s5+$0x0], $0xffff  }
0x126: {  	v2 =	vld.idx.msk [tilespmem:v2+s5+$0x0], $0xffff  }
0x127: {  	v3 =	vld.idx.msk [tilespmem:v3+s5+$0x0], $0xffff  }
0x128: {  	v4 =	vld.idx.msk [tilespmem:v4+s5+$0x0], $0xffff  }
0x129: {  	v8 =	vld.idx.msk [tilespmem:v5+s5+$0x0], $0xffff  }
0x12a: {  	v6 =	vld.idx.msk [tilespmem:v6+s5+$0x0], $0xffff  }
0x12b: {  	s29 =	simm.s32 $0x1BF40;
	v10 =	vld.idx.msk [tilespmem:v7+s5+$0x0], $0xffff  }
0x12c: {  	s31 =	simm.s32 $0x18740;
	v15 =	vld.idx.msk [tilespmem:v15+s5+$0x0], $0xffff;
	[tilespmem:s29+$0x30] =	vst v0  }
0x12d: {  	[tilespmem:s29+$0xFFFFFFD0] =	vst v1;
	v5 =	vld [tilespmem:s31+$0x30]  }
0x12e: {  	[tilespmem:s29+$0xFFFFFFE0] =	vst v2;
	v7 =	vld [tilespmem:s31+$0xFFFFFFD0]  }
0x12f: {  	[tilespmem:s29+$0xFFFFFFF0] =	vst v3;
	v9 =	vld [tilespmem:s31+$0xFFFFFFE0]  }
0x130: {  	[tilespmem:s29+$0x0] =	vst v4;
	v11 =	vld [tilespmem:s31+$0xFFFFFFF0]  }
0x131: {  	[tilespmem:s29+$0x10] =	vst v8;
	v12 =	vld [tilespmem:s31+$0x0]  }
0x132: {  	v13 =	vld [tilespmem:s31+$0x10]  }
0x133: {  	[tilespmem:s29+$0x20] =	vst v6;
	v1 =	vadd.f32 v7, v1;
	v7 =	vld [tilespmem:s19+$0x20]  }
0x134: {  	s16 =	simm.s32 $0x1BFC0;
	[tilespmem:s29+$0xFFFFFFC0] =	vst v10;
	v14 =	vld [tilespmem:s31+$0x20];
	v0 =	vadd.f32 v5, v0  }
0x135: {  	s6 =	simm.s32 $0x1DF40;
	[tilespmem:s16+$0x30] =	vst v15;
	v5 =	vld.idx.msk [tilespmem:v17+s5+$0x0], $0xffff  }
0x136: {  	[tilespmem:s6+$0x30] =	vst v0;
	v0 =	vadd.f32 v9, v2;
	v9 =	vld [tilespmem:s19+$0xFFFFFFC0]  }
0x137: {  	[tilespmem:s6+$0xFFFFFFD0] =	vst v1;
	v1 =	vadd.f32 v11, v3;
	v11 =	vld.idx.msk [tilespmem:v16+s5+$0x0], $0xffff  }
0x138: {  	v3 =	vld.idx.msk [tilespmem:v19+s5+$0x0], $0xffff;
	[tilespmem:s6+$0xFFFFFFE0] =	vst v0  }
0x139: {  	v2 =	vld.idx.msk [tilespmem:v20+s5+$0x0], $0xffff;
	[tilespmem:s6+$0xFFFFFFF0] =	vst v1;
	v1 =	vadd.f32 v13, v8  }
0x13a: {  	v0 =	vadd.f32 v12, v4;
	v4 =	vld.idx.msk [tilespmem:v18+s5+$0x0], $0xffff;
	[tilespmem:s16+$0xFFFFFFE0] =	vst v5  }
0x13b: {  	s19 =	simm.s32 $0x187C0;
	[tilespmem:s6+$0x10] =	vst v1;
	v1 =	vld.idx.msk [tilespmem:v7+s5+$0x0], $0xffff  }
0x13c: {  	[tilespmem:s6+$0x0] =	vst v0;
	v7 =	vld [tilespmem:s19+$0x30]  }
0x13d: {  	v12 =	vld [tilespmem:s31+$0xFFFFFFC0];
	v0 =	vadd.f32 v14, v6;
	[tilespmem:s16+$0xFFFFFFD0] =	vst v11  }
0x13e: {  	[tilespmem:s16+$0x0] =	vst v3;
	v13 =	vld [tilespmem:s19+$0xFFFFFFD0]  }
0x13f: {  	[tilespmem:s6+$0x20] =	vst v0;
	v0 =	vld.idx.msk [tilespmem:v9+s5+$0x0], $0xffff  }
0x140: {  	[tilespmem:s16+$0xFFFFFFF0] =	vst v4;
	v9 =	vld [tilespmem:s19+$0xFFFFFFE0]  }
0x141: {  	[tilespmem:s16+$0x10] =	vst v2;
	v6 =	vld [tilespmem:s19+$0xFFFFFFF0];
	v14 =	vadd.f32 v7, v15  }
0x142: {  	s21 =	simm.s32 $0x1DFC0;
	v8 =	vld [tilespmem:s19+$0x0];
	[tilespmem:s16+$0x20] =	vst v1  }
0x143: {  	v12 =	vadd.f32 v12, v10;
	v7 =	vld [tilespmem:s19+$0x10];
	[tilespmem:s21+$0x30] =	vst v14  }
0x144: {  	s22 =	simm.s32 $0x80;
	s25 =	simm.s32 $0x1A040;
	s24 =	simm.s32 $0x187C0;
	v11 =	vadd.f32 v13, v11;
	v10 =	vld [tilespmem:s19+$0x20];
	[tilespmem:s16+$0xFFFFFFC0] =	vst v0  }
.LBB2_6:
0x145: {  	v13 =	vld [tilespmem:s25+$0x30];
	s22 =	sadd.s32 $0x80, s22;
	v5 =	vadd.f32 v9, v5;
	[tilespmem:s6+$0xFFFFFFC0] =	vst v12;
	s6 =	smov.u32 s21  }
0x146: {  	v9 =	vld [tilespmem:s25+$0xFFFFFFD0];
	p0 =	slt.u32 s22, $0x780;
	[tilespmem:s21+$0xFFFFFFD0] =	vst v11;
	v4 =	vadd.f32 v6, v4  }
0x147: {  	v6 =	vld [tilespmem:s25+$0xFFFFFFE0];
	[tilespmem:s21+$0xFFFFFFE0] =	vst v5;
	v3 =	vadd.f32 v8, v3  }
0x148: {  	v8 =	vld [tilespmem:s25+$0xFFFFFFF0];
	[tilespmem:s21+$0xFFFFFFF0] =	vst v4;
	v2 =	vadd.f32 v7, v2  }
0x149: {  	v7 =	vld [tilespmem:s25+$0x0];
	[tilespmem:s21+$0x0] =	vst v3;
	v1 =	vadd.f32 v10, v1  }
0x14a: {  	v10 =	vld [tilespmem:s25+$0x10];
	[tilespmem:s21+$0x10] =	vst v2  }
0x14b: {  	v11 =	vld [tilespmem:s25+$0x20];
	[tilespmem:s21+$0x20] =	vst v1  }
0x14c: {  	v12 =	vld [tilespmem:s25+$0xFFFFFFC0]  }
0x14d: {  	v13 =	vld.idx.msk [tilespmem:v13+s5+$0x0], $0xffff  }
0x14e: {  	v14 =	vld.idx.msk [tilespmem:v9+s5+$0x0], $0xffff  }
0x14f: {  	v5 =	vld.idx.msk [tilespmem:v6+s5+$0x0], $0xffff  }
0x150: {  	v4 =	vld.idx.msk [tilespmem:v8+s5+$0x0], $0xffff  }
0x151: {  	v3 =	vld.idx.msk [tilespmem:v7+s5+$0x0], $0xffff  }
0x152: {  	s16 =	sadd.s32 $0x80, s16;
	v2 =	vld.idx.msk [tilespmem:v10+s5+$0x0], $0xffff  }
0x153: {  	s19 =	sadd.s32 $0x80, s19;
	v1 =	vld.idx.msk [tilespmem:v11+s5+$0x0], $0xffff;
	[tilespmem:s16+$0x30] =	vst v13  }
0x154: {  	[tilespmem:s16+$0xFFFFFFD0] =	vst v14;
	v7 =	vld [tilespmem:s19+$0x30]  }
0x155: {  	v10 =	vld.idx.msk [tilespmem:v12+s5+$0x0], $0xffff;
	[tilespmem:s16+$0xFFFFFFE0] =	vst v5  }
0x156: {  	[tilespmem:s16+$0xFFFFFFF0] =	vst v4;
	v11 =	vld [tilespmem:s24+$0xFFFFFFC0];
	s24 =	smov.u32 s19  }
0x157: {  	v15 =	vld [tilespmem:s19+$0xFFFFFFD0];
	[tilespmem:s16+$0x0] =	vst v3  }
.Ltmp4:
0x158: {  	v9 =	vld [tilespmem:s19+$0xFFFFFFE0];
	[tilespmem:s16+$0x10] =	vst v2;
	(pc) =	sbr.rel @p0 .LBB2_6-.Ltmp4, $4  }
0x159: {  	v6 =	vld [tilespmem:s19+$0xFFFFFFF0];
	[tilespmem:s16+$0x20] =	vst v1;
	v12 =	vadd.f32 v7, v13  }
0x15a: {  	s21 =	sadd.s32 $0x80, s21;
	v8 =	vld [tilespmem:s19+$0x0]  }
0x15b: {  	v7 =	vld [tilespmem:s19+$0x10];
	[tilespmem:s21+$0x30] =	vst v12;
	v12 =	vadd.f32 v11, v0;
	v0 =	vmov v10  }
0x15c: {  	s25 =	sadd.s32 $0x80, s25;
	[tilespmem:s16+$0xFFFFFFC0] =	vst v0;
	v11 =	vadd.f32 v15, v14;
	v10 =	vld [tilespmem:s19+$0x20]  }
0x15d: {  	v5 =	vadd.f32 v9, v5;
	[tilespmem:s6+$0xFFFFFFC0] =	vst v12;
	v9 =	vld [tilespmem:s24+$0xFFFFFFC0]  }
0x15e: {  	[tilespmem:s21+$0xFFFFFFD0] =	vst v11;
	v4 =	vadd.f32 v6, v4  }
0x15f: {  	[tilespmem:s21+$0xFFFFFFE0] =	vst v5;
	v3 =	vadd.f32 v8, v3  }
0x160: {  	[tilespmem:s21+$0xFFFFFFF0] =	vst v4;
	v2 =	vadd.f32 v7, v2  }
0x161: {  	[tilespmem:s21+$0x0] =	vst v3;
	v1 =	vadd.f32 v10, v1  }
0x162: {  	[tilespmem:s21+$0x10] =	vst v2;
	v0 =	vadd.f32 v9, v0  }
0x163: {  	[tilespmem:s21+$0x20] =	vst v1  }
0x164: {  	[tilespmem:s21+$0xFFFFFFC0] =	vst v0  }
0x165: {  	s6 =	rddreg [dreg:$0xf]  }
0x166: {  	s16 =	simm.s32 $0x1BF00;
	s22 =	rddreg [dreg:$0x10]  }
0x167: {  	[hbm4b:s6+s12] =	stream.strided.scatter [tilespmem:s16], [sflag:$0x9], $0x800, s13, s12, $0x38;
	[tilespmem:$0x1EF00] =	vst v63  }
0x168: {  	s24 =	sld [smem:$0x7FC]  }
0x169: {  	[hbm4b:s22+s12] =	stream.strided.scatter [tilespmem:s14], [sflag:$0xD], $0x800, s13, s12, $0x38;
	[tilespmem:$0x1EF00] =	vst v63  }
0x16a: {  	s25 =	simm.s32 $0x19F00  }
0x16b: {  	[tilespmem:s25], [sflag:$0x5] =	stream.strided.gather [hbm4b:s24+s12], $0x800, s13, s12, $0x38;
	[tilespmem:$0x1EF00] =	vst v63  }
0x16c: {  	_ =	swait.ge [sflag:s15], $0x800  }
0x16d: {  	[sflag:s15] =	ssyncset.done $0x0  }
0x16e: {  	s28 =	simm.s32 $0x1A740;
	[sflag:s15] =	ssyncadd.s32 $0xFFFFF800  }
0x16f: {  	v0 =	vld [tilespmem:s28+$0x30]  }
0x170: {  	v1 =	vld [tilespmem:s28+$0xFFFFFFD0]  }
0x171: {  	v2 =	vld [tilespmem:s28+$0xFFFFFFE0]  }
0x172: {  	v3 =	vld [tilespmem:s28+$0xFFFFFFF0]  }
0x173: {  	v4 =	vld [tilespmem:s28+$0x0]  }
0x174: {  	v5 =	vld [tilespmem:s28+$0x10]  }
0x175: {  	v6 =	vld [tilespmem:s28+$0x20]  }
0x176: {  	s19 =	simm.s32 $0x1A7C0;
	v7 =	vld [tilespmem:s28+$0xFFFFFFC0]  }
0x177: {  	v15 =	vld [tilespmem:s19+$0x30]  }
0x178: {  	v16 =	vld [tilespmem:s19+$0xFFFFFFD0]  }
0x179: {  	v17 =	vld [tilespmem:s19+$0xFFFFFFE0]  }
0x17a: {  	v18 =	vld [tilespmem:s19+$0xFFFFFFF0]  }
0x17b: {  	v19 =	vld [tilespmem:s19+$0x0]  }
0x17c: {  	v20 =	vld [tilespmem:s19+$0x10]  }
0x17d: {  	v0 =	vld.idx.msk [tilespmem:v0+s5+$0x0], $0xffff  }
0x17e: {  	v1 =	vld.idx.msk [tilespmem:v1+s5+$0x0], $0xffff  }
0x17f: {  	v2 =	vld.idx.msk [tilespmem:v2+s5+$0x0], $0xffff  }
0x180: {  	v3 =	vld.idx.msk [tilespmem:v3+s5+$0x0], $0xffff  }
0x181: {  	v4 =	vld.idx.msk [tilespmem:v4+s5+$0x0], $0xffff  }
0x182: {  	v8 =	vld.idx.msk [tilespmem:v5+s5+$0x0], $0xffff  }
0x183: {  	v6 =	vld.idx.msk [tilespmem:v6+s5+$0x0], $0xffff  }
0x184: {  	s29 =	simm.s32 $0x1C740;
	v10 =	vld.idx.msk [tilespmem:v7+s5+$0x0], $0xffff  }
0x185: {  	s31 =	simm.s32 $0x18740;
	v15 =	vld.idx.msk [tilespmem:v15+s5+$0x0], $0xffff;
	[tilespmem:s29+$0x30] =	vst v0  }
0x186: {  	[tilespmem:s29+$0xFFFFFFD0] =	vst v1;
	v5 =	vld [tilespmem:s31+$0x30]  }
0x187: {  	[tilespmem:s29+$0xFFFFFFE0] =	vst v2;
	v7 =	vld [tilespmem:s31+$0xFFFFFFD0]  }
0x188: {  	[tilespmem:s29+$0xFFFFFFF0] =	vst v3;
	v9 =	vld [tilespmem:s31+$0xFFFFFFE0]  }
0x189: {  	[tilespmem:s29+$0x0] =	vst v4;
	v11 =	vld [tilespmem:s31+$0xFFFFFFF0]  }
0x18a: {  	[tilespmem:s29+$0x10] =	vst v8;
	v12 =	vld [tilespmem:s31+$0x0]  }
0x18b: {  	v13 =	vld [tilespmem:s31+$0x10]  }
0x18c: {  	[tilespmem:s29+$0x20] =	vst v6;
	v1 =	vadd.f32 v7, v1;
	v7 =	vld [tilespmem:s19+$0x20]  }
0x18d: {  	s16 =	simm.s32 $0x1C7C0;
	[tilespmem:s29+$0xFFFFFFC0] =	vst v10;
	v14 =	vld [tilespmem:s31+$0x20];
	v0 =	vadd.f32 v5, v0  }
0x18e: {  	s6 =	simm.s32 $0x1E740;
	[tilespmem:s16+$0x30] =	vst v15;
	v5 =	vld.idx.msk [tilespmem:v17+s5+$0x0], $0xffff  }
0x18f: {  	[tilespmem:s6+$0x30] =	vst v0;
	v0 =	vadd.f32 v9, v2;
	v9 =	vld [tilespmem:s19+$0xFFFFFFC0]  }
0x190: {  	[tilespmem:s6+$0xFFFFFFD0] =	vst v1;
	v1 =	vadd.f32 v11, v3;
	v11 =	vld.idx.msk [tilespmem:v16+s5+$0x0], $0xffff  }
0x191: {  	v3 =	vld.idx.msk [tilespmem:v19+s5+$0x0], $0xffff;
	[tilespmem:s6+$0xFFFFFFE0] =	vst v0  }
0x192: {  	v2 =	vld.idx.msk [tilespmem:v20+s5+$0x0], $0xffff;
	[tilespmem:s6+$0xFFFFFFF0] =	vst v1;
	v1 =	vadd.f32 v13, v8  }
0x193: {  	v0 =	vadd.f32 v12, v4;
	v4 =	vld.idx.msk [tilespmem:v18+s5+$0x0], $0xffff;
	[tilespmem:s16+$0xFFFFFFE0] =	vst v5  }
0x194: {  	s19 =	simm.s32 $0x187C0;
	[tilespmem:s6+$0x10] =	vst v1;
	v1 =	vld.idx.msk [tilespmem:v7+s5+$0x0], $0xffff  }
0x195: {  	[tilespmem:s6+$0x0] =	vst v0;
	v7 =	vld [tilespmem:s19+$0x30]  }
0x196: {  	v12 =	vld [tilespmem:s31+$0xFFFFFFC0];
	v0 =	vadd.f32 v14, v6;
	[tilespmem:s16+$0xFFFFFFD0] =	vst v11  }
0x197: {  	[tilespmem:s16+$0x0] =	vst v3;
	v13 =	vld [tilespmem:s19+$0xFFFFFFD0]  }
0x198: {  	[tilespmem:s6+$0x20] =	vst v0;
	v0 =	vld.idx.msk [tilespmem:v9+s5+$0x0], $0xffff  }
0x199: {  	[tilespmem:s16+$0xFFFFFFF0] =	vst v4;
	v9 =	vld [tilespmem:s19+$0xFFFFFFE0]  }
0x19a: {  	[tilespmem:s16+$0x10] =	vst v2;
	v6 =	vld [tilespmem:s19+$0xFFFFFFF0];
	v14 =	vadd.f32 v7, v15  }
0x19b: {  	s21 =	simm.s32 $0x1E7C0;
	v8 =	vld [tilespmem:s19+$0x0];
	[tilespmem:s16+$0x20] =	vst v1  }
0x19c: {  	v12 =	vadd.f32 v12, v10;
	v7 =	vld [tilespmem:s19+$0x10];
	[tilespmem:s21+$0x30] =	vst v14  }
0x19d: {  	s22 =	simm.s32 $0x80;
	s25 =	simm.s32 $0x1A840;
	s24 =	simm.s32 $0x187C0;
	v11 =	vadd.f32 v13, v11;
	v10 =	vld [tilespmem:s19+$0x20];
	[tilespmem:s16+$0xFFFFFFC0] =	vst v0  }
.LBB2_8:
0x19e: {  	v13 =	vld [tilespmem:s25+$0x30];
	s22 =	sadd.s32 $0x80, s22;
	v5 =	vadd.f32 v9, v5;
	[tilespmem:s6+$0xFFFFFFC0] =	vst v12;
	s6 =	smov.u32 s21  }
0x19f: {  	v9 =	vld [tilespmem:s25+$0xFFFFFFD0];
	p0 =	slt.u32 s22, $0x780;
	[tilespmem:s21+$0xFFFFFFD0] =	vst v11;
	v4 =	vadd.f32 v6, v4  }
0x1a0: {  	v6 =	vld [tilespmem:s25+$0xFFFFFFE0];
	[tilespmem:s21+$0xFFFFFFE0] =	vst v5;
	v3 =	vadd.f32 v8, v3  }
0x1a1: {  	v8 =	vld [tilespmem:s25+$0xFFFFFFF0];
	[tilespmem:s21+$0xFFFFFFF0] =	vst v4;
	v2 =	vadd.f32 v7, v2  }
0x1a2: {  	v7 =	vld [tilespmem:s25+$0x0];
	[tilespmem:s21+$0x0] =	vst v3;
	v1 =	vadd.f32 v10, v1  }
0x1a3: {  	v10 =	vld [tilespmem:s25+$0x10];
	[tilespmem:s21+$0x10] =	vst v2  }
0x1a4: {  	v11 =	vld [tilespmem:s25+$0x20];
	[tilespmem:s21+$0x20] =	vst v1  }
0x1a5: {  	v12 =	vld [tilespmem:s25+$0xFFFFFFC0]  }
0x1a6: {  	v13 =	vld.idx.msk [tilespmem:v13+s5+$0x0], $0xffff  }
0x1a7: {  	v14 =	vld.idx.msk [tilespmem:v9+s5+$0x0], $0xffff  }
0x1a8: {  	v5 =	vld.idx.msk [tilespmem:v6+s5+$0x0], $0xffff  }
0x1a9: {  	v4 =	vld.idx.msk [tilespmem:v8+s5+$0x0], $0xffff  }
0x1aa: {  	v3 =	vld.idx.msk [tilespmem:v7+s5+$0x0], $0xffff  }
0x1ab: {  	s16 =	sadd.s32 $0x80, s16;
	v2 =	vld.idx.msk [tilespmem:v10+s5+$0x0], $0xffff  }
0x1ac: {  	s19 =	sadd.s32 $0x80, s19;
	v1 =	vld.idx.msk [tilespmem:v11+s5+$0x0], $0xffff;
	[tilespmem:s16+$0x30] =	vst v13  }
0x1ad: {  	[tilespmem:s16+$0xFFFFFFD0] =	vst v14;
	v7 =	vld [tilespmem:s19+$0x30]  }
0x1ae: {  	v10 =	vld.idx.msk [tilespmem:v12+s5+$0x0], $0xffff;
	[tilespmem:s16+$0xFFFFFFE0] =	vst v5  }
0x1af: {  	[tilespmem:s16+$0xFFFFFFF0] =	vst v4;
	v11 =	vld [tilespmem:s24+$0xFFFFFFC0];
	s24 =	smov.u32 s19  }
0x1b0: {  	v15 =	vld [tilespmem:s19+$0xFFFFFFD0];
	[tilespmem:s16+$0x0] =	vst v3  }
.Ltmp5:
0x1b1: {  	v9 =	vld [tilespmem:s19+$0xFFFFFFE0];
	[tilespmem:s16+$0x10] =	vst v2;
	(pc) =	sbr.rel @p0 .LBB2_8-.Ltmp5, $4  }
0x1b2: {  	v6 =	vld [tilespmem:s19+$0xFFFFFFF0];
	[tilespmem:s16+$0x20] =	vst v1;
	v12 =	vadd.f32 v7, v13  }
0x1b3: {  	s21 =	sadd.s32 $0x80, s21;
	v8 =	vld [tilespmem:s19+$0x0]  }
0x1b4: {  	v7 =	vld [tilespmem:s19+$0x10];
	[tilespmem:s21+$0x30] =	vst v12;
	v12 =	vadd.f32 v11, v0;
	v0 =	vmov v10  }
0x1b5: {  	s25 =	sadd.s32 $0x80, s25;
	[tilespmem:s16+$0xFFFFFFC0] =	vst v0;
	v11 =	vadd.f32 v15, v14;
	v10 =	vld [tilespmem:s19+$0x20]  }
0x1b6: {  	v5 =	vadd.f32 v9, v5;
	[tilespmem:s6+$0xFFFFFFC0] =	vst v12;
	v63 =	vld [tilespmem:s24+$0xFFFFFFC0]  }
0x1b7: {  	[tilespmem:s21+$0xFFFFFFD0] =	vst v11;
	v4 =	vadd.f32 v6, v4  }
0x1b8: {  	[tilespmem:s21+$0xFFFFFFE0] =	vst v5;
	v3 =	vadd.f32 v8, v3  }
0x1b9: {  	[tilespmem:s21+$0xFFFFFFF0] =	vst v4;
	v2 =	vadd.f32 v7, v2  }
0x1ba: {  	[tilespmem:s21+$0x0] =	vst v3;
	v1 =	vadd.f32 v10, v1  }
0x1bb: {  	[tilespmem:s21+$0x10] =	vst v2;
	v0 =	vadd.f32 v63, v0  }
0x1bc: {  	[tilespmem:s21+$0x20] =	vst v1  }
0x1bd: {  	[tilespmem:s21+$0xFFFFFFC0] =	vst v0  }
0x1be: {  	s6 =	rddreg [dreg:$0x12]  }
0x1bf: {  	s29 =	rddreg [dreg:$0x13]  }
0x1c0: {  	[hbm4b:s6+s12] =	stream.strided.scatter [tilespmem:s17], [sflag:$0xA], $0x800, s13, s12, $0x38;
	[tilespmem:$0x1EF00] =	vst v63  }
0x1c1: {  	s31 =	sld [smem:$0x7FD]  }
0x1c2: {  	[hbm4b:s29+s12] =	stream.strided.scatter [tilespmem:s18], [sflag:$0xE], $0x800, s13, s12, $0x38;
	[tilespmem:$0x1EF00] =	vst v63  }
0x1c3: {  	s16 =	simm.s32 $0x1A700;
	s22 =	simm.s32 $0x1  }
0x1c4: {  	[tilespmem:s16], [sflag:$0x6] =	stream.strided.gather [hbm4b:s31+s12], $0x800, s13, s12, $0x38;
	[tilespmem:$0x1EF00] =	vst v63  }
.LBB2_10:
0x1c5: {  	_ =	swait.ge [sflag:s23], $0x800  }
0x1c6: {  	[sflag:s23] =	ssyncset.done $0x0  }
0x1c7: {  	[sflag:s23] =	ssyncadd.s32 $0xFFFFF800  }
0x1c8: {  	_ =	swait.ge [sflag:s0], $0x800  }
0x1c9: {  	[sflag:s0] =	ssyncset.done $0x0  }
0x1ca: {  	[sflag:s0] =	ssyncadd.s32 $0xFFFFF800  }
0x1cb: {  	_ =	swait.ge [sflag:s4], $0x800  }
0x1cc: {  	[sflag:s4] =	ssyncset.done $0x0  }
0x1cd: {  	s6 =	simm.s32 $0x18F40;
	[sflag:s4] =	ssyncadd.s32 $0xFFFFF800  }
0x1ce: {  	v0 =	vld [tilespmem:s6+$0x30]  }
0x1cf: {  	v1 =	vld [tilespmem:s6+$0xFFFFFFD0]  }
0x1d0: {  	v2 =	vld [tilespmem:s6+$0xFFFFFFE0]  }
0x1d1: {  	v3 =	vld [tilespmem:s6+$0xFFFFFFF0]  }
0x1d2: {  	v4 =	vld [tilespmem:s6+$0x0]  }
0x1d3: {  	v5 =	vld [tilespmem:s6+$0x10]  }
0x1d4: {  	v6 =	vld [tilespmem:s6+$0x20]  }
0x1d5: {  	s21 =	simm.s32 $0x18FC0;
	v7 =	vld [tilespmem:s6+$0xFFFFFFC0]  }
0x1d6: {  	v15 =	vld [tilespmem:s21+$0x30]  }
0x1d7: {  	v16 =	vld [tilespmem:s21+$0xFFFFFFD0]  }
0x1d8: {  	v17 =	vld [tilespmem:s21+$0xFFFFFFE0]  }
0x1d9: {  	v18 =	vld [tilespmem:s21+$0xFFFFFFF0]  }
0x1da: {  	v19 =	vld [tilespmem:s21+$0x0]  }
0x1db: {  	v20 =	vld [tilespmem:s21+$0x10]  }
0x1dc: {  	v0 =	vld.idx.msk [tilespmem:v0+s5+$0x0], $0xffff  }
0x1dd: {  	v1 =	vld.idx.msk [tilespmem:v1+s5+$0x0], $0xffff  }
0x1de: {  	v2 =	vld.idx.msk [tilespmem:v2+s5+$0x0], $0xffff  }
0x1df: {  	v3 =	vld.idx.msk [tilespmem:v3+s5+$0x0], $0xffff  }
0x1e0: {  	v4 =	vld.idx.msk [tilespmem:v4+s5+$0x0], $0xffff  }
0x1e1: {  	v8 =	vld.idx.msk [tilespmem:v5+s5+$0x0], $0xffff  }
0x1e2: {  	v6 =	vld.idx.msk [tilespmem:v6+s5+$0x0], $0xffff  }
0x1e3: {  	s16 =	simm.s32 $0x1AF40;
	v10 =	vld.idx.msk [tilespmem:v7+s5+$0x0], $0xffff  }
0x1e4: {  	s19 =	simm.s32 $0x18740;
	v15 =	vld.idx.msk [tilespmem:v15+s5+$0x0], $0xffff;
	[tilespmem:s16+$0x30] =	vst v0  }
0x1e5: {  	[tilespmem:s16+$0xFFFFFFD0] =	vst v1;
	v5 =	vld [tilespmem:s19+$0x30]  }
0x1e6: {  	[tilespmem:s16+$0xFFFFFFE0] =	vst v2;
	v7 =	vld [tilespmem:s19+$0xFFFFFFD0]  }
0x1e7: {  	[tilespmem:s16+$0xFFFFFFF0] =	vst v3;
	v9 =	vld [tilespmem:s19+$0xFFFFFFE0]  }
0x1e8: {  	[tilespmem:s16+$0x0] =	vst v4;
	v11 =	vld [tilespmem:s19+$0xFFFFFFF0]  }
0x1e9: {  	[tilespmem:s16+$0x10] =	vst v8;
	v12 =	vld [tilespmem:s19+$0x0]  }
0x1ea: {  	v13 =	vld [tilespmem:s19+$0x10]  }
0x1eb: {  	[tilespmem:s16+$0x20] =	vst v6;
	v1 =	vadd.f32 v7, v1;
	v7 =	vld [tilespmem:s21+$0x20]  }
0x1ec: {  	[tilespmem:s16+$0xFFFFFFC0] =	vst v10;
	s16 =	simm.s32 $0x1AFC0;
	v14 =	vld [tilespmem:s19+$0x20];
	v0 =	vadd.f32 v5, v0  }
0x1ed: {  	s6 =	simm.s32 $0x1CF40;
	[tilespmem:s16+$0x30] =	vst v15;
	v5 =	vld.idx.msk [tilespmem:v17+s5+$0x0], $0xffff  }
0x1ee: {  	[tilespmem:s6+$0x30] =	vst v0;
	v0 =	vadd.f32 v9, v2;
	v9 =	vld [tilespmem:s21+$0xFFFFFFC0]  }
0x1ef: {  	[tilespmem:s6+$0xFFFFFFD0] =	vst v1;
	v1 =	vadd.f32 v11, v3;
	v11 =	vld.idx.msk [tilespmem:v16+s5+$0x0], $0xffff  }
0x1f0: {  	v3 =	vld.idx.msk [tilespmem:v19+s5+$0x0], $0xffff;
	[tilespmem:s6+$0xFFFFFFE0] =	vst v0  }
0x1f1: {  	v2 =	vld.idx.msk [tilespmem:v20+s5+$0x0], $0xffff;
	[tilespmem:s6+$0xFFFFFFF0] =	vst v1;
	v1 =	vadd.f32 v13, v8  }
0x1f2: {  	v0 =	vadd.f32 v12, v4;
	v4 =	vld.idx.msk [tilespmem:v18+s5+$0x0], $0xffff;
	[tilespmem:s16+$0xFFFFFFE0] =	vst v5  }
0x1f3: {  	s21 =	simm.s32 $0x187C0;
	[tilespmem:s6+$0x10] =	vst v1;
	v1 =	vld.idx.msk [tilespmem:v7+s5+$0x0], $0xffff  }
0x1f4: {  	[tilespmem:s6+$0x0] =	vst v0;
	v7 =	vld [tilespmem:s21+$0x30]  }
0x1f5: {  	v12 =	vld [tilespmem:s19+$0xFFFFFFC0];
	v0 =	vadd.f32 v14, v6;
	[tilespmem:s16+$0xFFFFFFD0] =	vst v11  }
0x1f6: {  	[tilespmem:s16+$0x0] =	vst v3;
	v13 =	vld [tilespmem:s21+$0xFFFFFFD0]  }
0x1f7: {  	[tilespmem:s6+$0x20] =	vst v0;
	v0 =	vld.idx.msk [tilespmem:v9+s5+$0x0], $0xffff  }
0x1f8: {  	[tilespmem:s16+$0xFFFFFFF0] =	vst v4;
	v9 =	vld [tilespmem:s21+$0xFFFFFFE0]  }
0x1f9: {  	[tilespmem:s16+$0x10] =	vst v2;
	v6 =	vld [tilespmem:s21+$0xFFFFFFF0];
	v14 =	vadd.f32 v7, v15  }
0x1fa: {  	s19 =	simm.s32 $0x1CFC0;
	v8 =	vld [tilespmem:s21+$0x0];
	[tilespmem:s16+$0x20] =	vst v1  }
0x1fb: {  	v12 =	vadd.f32 v12, v10;
	v7 =	vld [tilespmem:s21+$0x10];
	[tilespmem:s19+$0x30] =	vst v14  }
0x1fc: {  	s24 =	simm.s32 $0x80;
	s28 =	simm.s32 $0x19040;
	s25 =	simm.s32 $0x187C0;
	v11 =	vadd.f32 v13, v11;
	v10 =	vld [tilespmem:s21+$0x20];
	[tilespmem:s16+$0xFFFFFFC0] =	vst v0  }
.LBB2_11:
0x1fd: {  	v13 =	vld [tilespmem:s28+$0x30];
	s24 =	sadd.s32 $0x80, s24;
	v5 =	vadd.f32 v9, v5;
	[tilespmem:s6+$0xFFFFFFC0] =	vst v12;
	s6 =	smov.u32 s19  }
0x1fe: {  	v9 =	vld [tilespmem:s28+$0xFFFFFFD0];
	p0 =	slt.u32 s24, $0x780;
	[tilespmem:s19+$0xFFFFFFD0] =	vst v11;
	v4 =	vadd.f32 v6, v4  }
0x1ff: {  	v6 =	vld [tilespmem:s28+$0xFFFFFFE0];
	[tilespmem:s19+$0xFFFFFFE0] =	vst v5;
	v3 =	vadd.f32 v8, v3  }
0x200: {  	v8 =	vld [tilespmem:s28+$0xFFFFFFF0];
	[tilespmem:s19+$0xFFFFFFF0] =	vst v4;
	v2 =	vadd.f32 v7, v2  }
0x201: {  	v7 =	vld [tilespmem:s28+$0x0];
	[tilespmem:s19+$0x0] =	vst v3;
	v1 =	vadd.f32 v10, v1  }
0x202: {  	v10 =	vld [tilespmem:s28+$0x10];
	[tilespmem:s19+$0x10] =	vst v2  }
0x203: {  	v11 =	vld [tilespmem:s28+$0x20];
	[tilespmem:s19+$0x20] =	vst v1  }
0x204: {  	v12 =	vld [tilespmem:s28+$0xFFFFFFC0]  }
0x205: {  	v13 =	vld.idx.msk [tilespmem:v13+s5+$0x0], $0xffff  }
0x206: {  	v14 =	vld.idx.msk [tilespmem:v9+s5+$0x0], $0xffff  }
0x207: {  	v5 =	vld.idx.msk [tilespmem:v6+s5+$0x0], $0xffff  }
0x208: {  	v4 =	vld.idx.msk [tilespmem:v8+s5+$0x0], $0xffff  }
0x209: {  	v3 =	vld.idx.msk [tilespmem:v7+s5+$0x0], $0xffff  }
0x20a: {  	s16 =	sadd.s32 $0x80, s16;
	v2 =	vld.idx.msk [tilespmem:v10+s5+$0x0], $0xffff  }
0x20b: {  	s21 =	sadd.s32 $0x80, s21;
	v1 =	vld.idx.msk [tilespmem:v11+s5+$0x0], $0xffff;
	[tilespmem:s16+$0x30] =	vst v13  }
0x20c: {  	[tilespmem:s16+$0xFFFFFFD0] =	vst v14;
	v7 =	vld [tilespmem:s21+$0x30]  }
0x20d: {  	v10 =	vld.idx.msk [tilespmem:v12+s5+$0x0], $0xffff;
	[tilespmem:s16+$0xFFFFFFE0] =	vst v5  }
0x20e: {  	[tilespmem:s16+$0xFFFFFFF0] =	vst v4;
	v11 =	vld [tilespmem:s25+$0xFFFFFFC0];
	s25 =	smov.u32 s21  }
0x20f: {  	v15 =	vld [tilespmem:s21+$0xFFFFFFD0];
	[tilespmem:s16+$0x0] =	vst v3  }
.Ltmp6:
0x210: {  	v9 =	vld [tilespmem:s21+$0xFFFFFFE0];
	[tilespmem:s16+$0x10] =	vst v2;
	(pc) =	sbr.rel @p0 .LBB2_11-.Ltmp6, $4  }
0x211: {  	v6 =	vld [tilespmem:s21+$0xFFFFFFF0];
	[tilespmem:s16+$0x20] =	vst v1;
	v12 =	vadd.f32 v7, v13  }
0x212: {  	s19 =	sadd.s32 $0x80, s19;
	v8 =	vld [tilespmem:s21+$0x0]  }
0x213: {  	v7 =	vld [tilespmem:s21+$0x10];
	[tilespmem:s19+$0x30] =	vst v12;
	v12 =	vadd.f32 v11, v0;
	v0 =	vmov v10  }
0x214: {  	s28 =	sadd.s32 $0x80, s28;
	[tilespmem:s16+$0xFFFFFFC0] =	vst v0;
	v11 =	vadd.f32 v15, v14;
	v10 =	vld [tilespmem:s21+$0x20]  }
0x215: {  	v5 =	vadd.f32 v9, v5;
	[tilespmem:s6+$0xFFFFFFC0] =	vst v12  }
0x216: {  	[tilespmem:s19+$0xFFFFFFD0] =	vst v11;
	v4 =	vadd.f32 v6, v4  }
0x217: {  	v9 =	vld [tilespmem:s25+$0xFFFFFFC0];
	[tilespmem:s19+$0xFFFFFFE0] =	vst v5;
	v3 =	vadd.f32 v8, v3  }
0x218: {  	[tilespmem:s19+$0xFFFFFFF0] =	vst v4;
	v2 =	vadd.f32 v7, v2  }
0x219: {  	[tilespmem:s19+$0x0] =	vst v3  }
0x21a: {  	[tilespmem:s19+$0x10] =	vst v2  }
0x21b: {  	s21 =	sshll.u32 s22, $0x13;
	v1 =	vadd.f32 v10, v1;
	s16 =	rddreg [dreg:$0x7]  }
0x21c: {  	v0 =	vadd.f32 v9, v0;
	s6 =	sor.u32 s16, s21  }
0x21d: {  	[tilespmem:s19+$0x20] =	vst v1;
	s6 =	sshrl.u32 s6, $0x3  }
0x21e: {  	s25 =	simm.s32 $0x1AF00;
	[tilespmem:s19+$0xFFFFFFC0] =	vst v0;
	s24 =	sadd.s32 s3, s6  }
0x21f: {  	[hbm4b:s24+s12] =	stream.strided.scatter [tilespmem:s25], [sflag:$0x7], $0x800, s13, s12, $0x38;
	[tilespmem:$0x1EF00] =	vst v63  }
0x220: {  	s21 =	sadd.s32 s2, s6;
	s24 =	simm.s32 $0x1CF00  }
0x221: {  	[hbm4b:s21+s12] =	stream.strided.scatter [tilespmem:s24], [sflag:$0xB], $0x800, s13, s12, $0x38;
	[tilespmem:$0x1EF00] =	vst v63  }
0x222: {  	p0 =	seq.s32 s22, $0xF;
	s21 =	sshll.u32 s22, $0x2  }
0x223: {  	s16 =	sadd.s32 @!p0 $0x4, s21  }
0x224: {  	s19 =	sshll.u32 @!p0 s16, $0x4  }
0x225: {  	s16 =	sshll.u32 @!p0 s16, $0x8;
	s19 =	sand.u32 @!p0 $0x40, s19  }
0x226: {  	s25 =	simm.s32 @!p0 $0x18F00;
	s16 =	sand.u32 @!p0 $0x7800, s16;
	s19 =	sadd.s32 @!p0 s1, s19  }
0x227: {  	s24 =	simm.s32 @!p0 $0x400;
	s16 =	sadd.s32 @!p0 s16, s19;
	s19 =	simm.s32 @!p0 $0x80  }
0x228: {  	[tilespmem:s25], [sflag:$0x3] =	stream.strided.gather @!p0 [hbm4b:s16+s19], $0x800, s24, s19, $0x38;
	[tilespmem:$0x1EF00] =	vst v63  }
0x229: {  	_ =	swait.ge [sflag:s26], $0x800  }
0x22a: {  	[sflag:s26] =	ssyncset.done $0x0  }
0x22b: {  	[sflag:s26] =	ssyncadd.s32 $0xFFFFF800  }
0x22c: {  	_ =	swait.ge [sflag:s7], $0x800  }
0x22d: {  	[sflag:s7] =	ssyncset.done $0x0  }
0x22e: {  	[sflag:s7] =	ssyncadd.s32 $0xFFFFF800  }
0x22f: {  	_ =	swait.ge [sflag:s8], $0x800  }
0x230: {  	[sflag:s8] =	ssyncset.done $0x0  }
0x231: {  	s25 =	simm.s32 $0x19740;
	[sflag:s8] =	ssyncadd.s32 $0xFFFFF800  }
0x232: {  	v0 =	vld [tilespmem:s25+$0x30]  }
0x233: {  	v1 =	vld [tilespmem:s25+$0xFFFFFFD0]  }
0x234: {  	v2 =	vld [tilespmem:s25+$0xFFFFFFE0]  }
0x235: {  	v3 =	vld [tilespmem:s25+$0xFFFFFFF0]  }
0x236: {  	v4 =	vld [tilespmem:s25+$0x0]  }
0x237: {  	v5 =	vld [tilespmem:s25+$0x10]  }
0x238: {  	v6 =	vld [tilespmem:s25+$0x20]  }
0x239: {  	v7 =	vld [tilespmem:s25+$0xFFFFFFC0];
	s25 =	simm.s32 $0x197C0  }
0x23a: {  	v15 =	vld [tilespmem:s25+$0x30]  }
0x23b: {  	v16 =	vld [tilespmem:s25+$0xFFFFFFD0]  }
0x23c: {  	v17 =	vld [tilespmem:s25+$0xFFFFFFE0]  }
0x23d: {  	v18 =	vld [tilespmem:s25+$0xFFFFFFF0]  }
0x23e: {  	v19 =	vld [tilespmem:s25+$0x0]  }
0x23f: {  	v20 =	vld [tilespmem:s25+$0x10]  }
0x240: {  	v0 =	vld.idx.msk [tilespmem:v0+s5+$0x0], $0xffff  }
0x241: {  	v1 =	vld.idx.msk [tilespmem:v1+s5+$0x0], $0xffff  }
0x242: {  	v2 =	vld.idx.msk [tilespmem:v2+s5+$0x0], $0xffff  }
0x243: {  	v3 =	vld.idx.msk [tilespmem:v3+s5+$0x0], $0xffff  }
0x244: {  	v4 =	vld.idx.msk [tilespmem:v4+s5+$0x0], $0xffff  }
0x245: {  	v8 =	vld.idx.msk [tilespmem:v5+s5+$0x0], $0xffff  }
0x246: {  	v6 =	vld.idx.msk [tilespmem:v6+s5+$0x0], $0xffff  }
0x247: {  	s19 =	simm.s32 $0x1B740;
	v10 =	vld.idx.msk [tilespmem:v7+s5+$0x0], $0xffff  }
0x248: {  	s24 =	simm.s32 $0x18740;
	v15 =	vld.idx.msk [tilespmem:v15+s5+$0x0], $0xffff;
	[tilespmem:s19+$0x30] =	vst v0  }
0x249: {  	[tilespmem:s19+$0xFFFFFFD0] =	vst v1;
	v5 =	vld [tilespmem:s24+$0x30]  }
0x24a: {  	[tilespmem:s19+$0xFFFFFFE0] =	vst v2;
	v7 =	vld [tilespmem:s24+$0xFFFFFFD0]  }
0x24b: {  	[tilespmem:s19+$0xFFFFFFF0] =	vst v3;
	v9 =	vld [tilespmem:s24+$0xFFFFFFE0]  }
0x24c: {  	[tilespmem:s19+$0x0] =	vst v4;
	v11 =	vld [tilespmem:s24+$0xFFFFFFF0]  }
0x24d: {  	[tilespmem:s19+$0x10] =	vst v8;
	v12 =	vld [tilespmem:s24+$0x0]  }
0x24e: {  	v13 =	vld [tilespmem:s24+$0x10]  }
0x24f: {  	[tilespmem:s19+$0x20] =	vst v6;
	v1 =	vadd.f32 v7, v1;
	v7 =	vld [tilespmem:s25+$0x20]  }
0x250: {  	[tilespmem:s19+$0xFFFFFFC0] =	vst v10;
	s19 =	simm.s32 $0x1B7C0;
	v14 =	vld [tilespmem:s24+$0x20];
	v0 =	vadd.f32 v5, v0  }
0x251: {  	s16 =	simm.s32 $0x1D740;
	[tilespmem:s19+$0x30] =	vst v15;
	v5 =	vld.idx.msk [tilespmem:v17+s5+$0x0], $0xffff  }
0x252: {  	[tilespmem:s16+$0x30] =	vst v0;
	v0 =	vadd.f32 v9, v2;
	v9 =	vld [tilespmem:s25+$0xFFFFFFC0]  }
0x253: {  	[tilespmem:s16+$0xFFFFFFD0] =	vst v1;
	v1 =	vadd.f32 v11, v3;
	v11 =	vld.idx.msk [tilespmem:v16+s5+$0x0], $0xffff  }
0x254: {  	v3 =	vld.idx.msk [tilespmem:v19+s5+$0x0], $0xffff;
	[tilespmem:s16+$0xFFFFFFE0] =	vst v0  }
0x255: {  	v2 =	vld.idx.msk [tilespmem:v20+s5+$0x0], $0xffff;
	[tilespmem:s16+$0xFFFFFFF0] =	vst v1;
	v1 =	vadd.f32 v13, v8  }
0x256: {  	v0 =	vadd.f32 v12, v4;
	v4 =	vld.idx.msk [tilespmem:v18+s5+$0x0], $0xffff;
	[tilespmem:s19+$0xFFFFFFE0] =	vst v5  }
0x257: {  	s25 =	simm.s32 $0x187C0;
	[tilespmem:s16+$0x10] =	vst v1;
	v1 =	vld.idx.msk [tilespmem:v7+s5+$0x0], $0xffff  }
0x258: {  	[tilespmem:s16+$0x0] =	vst v0;
	v7 =	vld [tilespmem:s25+$0x30]  }
0x259: {  	v12 =	vld [tilespmem:s24+$0xFFFFFFC0];
	v0 =	vadd.f32 v14, v6;
	[tilespmem:s19+$0xFFFFFFD0] =	vst v11  }
0x25a: {  	[tilespmem:s19+$0x0] =	vst v3;
	v13 =	vld [tilespmem:s25+$0xFFFFFFD0]  }
0x25b: {  	[tilespmem:s16+$0x20] =	vst v0;
	v0 =	vld.idx.msk [tilespmem:v9+s5+$0x0], $0xffff  }
0x25c: {  	[tilespmem:s19+$0xFFFFFFF0] =	vst v4;
	v9 =	vld [tilespmem:s25+$0xFFFFFFE0]  }
0x25d: {  	[tilespmem:s19+$0x10] =	vst v2;
	v6 =	vld [tilespmem:s25+$0xFFFFFFF0];
	v14 =	vadd.f32 v7, v15  }
0x25e: {  	s24 =	simm.s32 $0x1D7C0;
	v8 =	vld [tilespmem:s25+$0x0];
	[tilespmem:s19+$0x20] =	vst v1  }
0x25f: {  	v12 =	vadd.f32 v12, v10;
	v7 =	vld [tilespmem:s25+$0x10];
	[tilespmem:s24+$0x30] =	vst v14  }
0x260: {  	s28 =	simm.s32 $0x80;
	s31 =	simm.s32 $0x19840;
	s29 =	simm.s32 $0x187C0;
	v11 =	vadd.f32 v13, v11;
	v10 =	vld [tilespmem:s25+$0x20];
	[tilespmem:s19+$0xFFFFFFC0] =	vst v0  }
.LBB2_13:
0x261: {  	v13 =	vld [tilespmem:s31+$0x30];
	s28 =	sadd.s32 $0x80, s28;
	v5 =	vadd.f32 v9, v5;
	[tilespmem:s16+$0xFFFFFFC0] =	vst v12;
	s16 =	smov.u32 s24  }
0x262: {  	v9 =	vld [tilespmem:s31+$0xFFFFFFD0];
	p1 =	slt.u32 s28, $0x780;
	[tilespmem:s24+$0xFFFFFFD0] =	vst v11;
	v4 =	vadd.f32 v6, v4  }
0x263: {  	v6 =	vld [tilespmem:s31+$0xFFFFFFE0];
	[tilespmem:s24+$0xFFFFFFE0] =	vst v5;
	v3 =	vadd.f32 v8, v3  }
0x264: {  	v8 =	vld [tilespmem:s31+$0xFFFFFFF0];
	[tilespmem:s24+$0xFFFFFFF0] =	vst v4;
	v2 =	vadd.f32 v7, v2  }
0x265: {  	v7 =	vld [tilespmem:s31+$0x0];
	[tilespmem:s24+$0x0] =	vst v3;
	v1 =	vadd.f32 v10, v1  }
0x266: {  	v10 =	vld [tilespmem:s31+$0x10];
	[tilespmem:s24+$0x10] =	vst v2  }
0x267: {  	v11 =	vld [tilespmem:s31+$0x20];
	[tilespmem:s24+$0x20] =	vst v1  }
0x268: {  	v12 =	vld [tilespmem:s31+$0xFFFFFFC0]  }
0x269: {  	v13 =	vld.idx.msk [tilespmem:v13+s5+$0x0], $0xffff  }
0x26a: {  	v14 =	vld.idx.msk [tilespmem:v9+s5+$0x0], $0xffff  }
0x26b: {  	v5 =	vld.idx.msk [tilespmem:v6+s5+$0x0], $0xffff  }
0x26c: {  	v4 =	vld.idx.msk [tilespmem:v8+s5+$0x0], $0xffff  }
0x26d: {  	v3 =	vld.idx.msk [tilespmem:v7+s5+$0x0], $0xffff  }
0x26e: {  	s19 =	sadd.s32 $0x80, s19;
	v2 =	vld.idx.msk [tilespmem:v10+s5+$0x0], $0xffff  }
0x26f: {  	s25 =	sadd.s32 $0x80, s25;
	v1 =	vld.idx.msk [tilespmem:v11+s5+$0x0], $0xffff;
	[tilespmem:s19+$0x30] =	vst v13  }
0x270: {  	[tilespmem:s19+$0xFFFFFFD0] =	vst v14;
	v7 =	vld [tilespmem:s25+$0x30]  }
0x271: {  	v10 =	vld.idx.msk [tilespmem:v12+s5+$0x0], $0xffff;
	[tilespmem:s19+$0xFFFFFFE0] =	vst v5  }
0x272: {  	[tilespmem:s19+$0xFFFFFFF0] =	vst v4;
	v11 =	vld [tilespmem:s29+$0xFFFFFFC0];
	s29 =	smov.u32 s25  }
0x273: {  	v15 =	vld [tilespmem:s25+$0xFFFFFFD0];
	[tilespmem:s19+$0x0] =	vst v3  }
.Ltmp7:
0x274: {  	v9 =	vld [tilespmem:s25+$0xFFFFFFE0];
	[tilespmem:s19+$0x10] =	vst v2;
	(pc) =	sbr.rel @p1 .LBB2_13-.Ltmp7, $4  }
0x275: {  	v6 =	vld [tilespmem:s25+$0xFFFFFFF0];
	[tilespmem:s19+$0x20] =	vst v1;
	v12 =	vadd.f32 v7, v13  }
0x276: {  	s24 =	sadd.s32 $0x80, s24;
	v8 =	vld [tilespmem:s25+$0x0]  }
0x277: {  	v7 =	vld [tilespmem:s25+$0x10];
	[tilespmem:s24+$0x30] =	vst v12;
	v12 =	vadd.f32 v11, v0;
	v0 =	vmov v10  }
0x278: {  	s31 =	sadd.s32 $0x80, s31;
	[tilespmem:s19+$0xFFFFFFC0] =	vst v0;
	v11 =	vadd.f32 v15, v14;
	v10 =	vld [tilespmem:s25+$0x20]  }
0x279: {  	v5 =	vadd.f32 v9, v5;
	[tilespmem:s16+$0xFFFFFFC0] =	vst v12;
	v9 =	vld [tilespmem:s29+$0xFFFFFFC0]  }
0x27a: {  	[tilespmem:s24+$0xFFFFFFD0] =	vst v11;
	v4 =	vadd.f32 v6, v4  }
0x27b: {  	[tilespmem:s24+$0xFFFFFFE0] =	vst v5;
	v3 =	vadd.f32 v8, v3  }
0x27c: {  	[tilespmem:s24+$0xFFFFFFF0] =	vst v4;
	v2 =	vadd.f32 v7, v2  }
0x27d: {  	[tilespmem:s24+$0x0] =	vst v3;
	v1 =	vadd.f32 v10, v1  }
0x27e: {  	[tilespmem:s24+$0x10] =	vst v2;
	v0 =	vadd.f32 v9, v0  }
0x27f: {  	s16 =	sor.u32 $0x4000, s6;
	[tilespmem:s24+$0x20] =	vst v1  }
0x280: {  	s25 =	simm.s32 $0x1B700;
	s19 =	sadd.s32 s3, s16;
	[tilespmem:s24+$0xFFFFFFC0] =	vst v0  }
0x281: {  	[hbm4b:s19+s12] =	stream.strided.scatter [tilespmem:s25], [sflag:$0x8], $0x800, s13, s12, $0x38;
	[tilespmem:$0x1EF00] =	vst v63  }
0x282: {  	s16 =	sadd.s32 s2, s16;
	s24 =	simm.s32 $0x1D700  }
0x283: {  	[hbm4b:s16+s12] =	stream.strided.scatter [tilespmem:s24], [sflag:$0xC], $0x800, s13, s12, $0x38;
	[tilespmem:$0x1EF00] =	vst v63  }
0x284: {  	s16 =	sadd.s32 @!p0 $0x5, s21  }
0x285: {  	s19 =	sshll.u32 @!p0 s16, $0x4  }
0x286: {  	s16 =	sshll.u32 @!p0 s16, $0x8;
	s19 =	sand.u32 @!p0 $0x50, s19  }
0x287: {  	s25 =	simm.s32 @!p0 $0x19700;
	s16 =	sand.u32 @!p0 $0x7800, s16;
	s19 =	sadd.s32 @!p0 s1, s19  }
0x288: {  	s24 =	simm.s32 @!p0 $0x400;
	s16 =	sadd.s32 @!p0 s16, s19;
	s19 =	simm.s32 @!p0 $0x80  }
0x289: {  	[tilespmem:s25], [sflag:$0x4] =	stream.strided.gather @!p0 [hbm4b:s16+s19], $0x800, s24, s19, $0x38;
	[tilespmem:$0x1EF00] =	vst v63  }
0x28a: {  	_ =	swait.ge [sflag:s30], $0x800  }
0x28b: {  	[sflag:s30] =	ssyncset.done $0x0  }
0x28c: {  	[sflag:s30] =	ssyncadd.s32 $0xFFFFF800  }
0x28d: {  	_ =	swait.ge [sflag:s9], $0x800  }
0x28e: {  	[sflag:s9] =	ssyncset.done $0x0  }
0x28f: {  	[sflag:s9] =	ssyncadd.s32 $0xFFFFF800  }
0x290: {  	_ =	swait.ge [sflag:s10], $0x800  }
0x291: {  	[sflag:s10] =	ssyncset.done $0x0  }
0x292: {  	s25 =	simm.s32 $0x19F40;
	[sflag:s10] =	ssyncadd.s32 $0xFFFFF800  }
0x293: {  	v0 =	vld [tilespmem:s25+$0x30]  }
0x294: {  	v1 =	vld [tilespmem:s25+$0xFFFFFFD0]  }
0x295: {  	v2 =	vld [tilespmem:s25+$0xFFFFFFE0]  }
0x296: {  	v3 =	vld [tilespmem:s25+$0xFFFFFFF0]  }
0x297: {  	v4 =	vld [tilespmem:s25+$0x0]  }
0x298: {  	v5 =	vld [tilespmem:s25+$0x10]  }
0x299: {  	v6 =	vld [tilespmem:s25+$0x20]  }
0x29a: {  	v7 =	vld [tilespmem:s25+$0xFFFFFFC0];
	s25 =	simm.s32 $0x19FC0  }
0x29b: {  	v15 =	vld [tilespmem:s25+$0x30]  }
0x29c: {  	v16 =	vld [tilespmem:s25+$0xFFFFFFD0]  }
0x29d: {  	v17 =	vld [tilespmem:s25+$0xFFFFFFE0]  }
0x29e: {  	v18 =	vld [tilespmem:s25+$0xFFFFFFF0]  }
0x29f: {  	v19 =	vld [tilespmem:s25+$0x0]  }
0x2a0: {  	v20 =	vld [tilespmem:s25+$0x10]  }
0x2a1: {  	v0 =	vld.idx.msk [tilespmem:v0+s5+$0x0], $0xffff  }
0x2a2: {  	v1 =	vld.idx.msk [tilespmem:v1+s5+$0x0], $0xffff  }
0x2a3: {  	v2 =	vld.idx.msk [tilespmem:v2+s5+$0x0], $0xffff  }
0x2a4: {  	v3 =	vld.idx.msk [tilespmem:v3+s5+$0x0], $0xffff  }
0x2a5: {  	v4 =	vld.idx.msk [tilespmem:v4+s5+$0x0], $0xffff  }
0x2a6: {  	v8 =	vld.idx.msk [tilespmem:v5+s5+$0x0], $0xffff  }
0x2a7: {  	v6 =	vld.idx.msk [tilespmem:v6+s5+$0x0], $0xffff  }
0x2a8: {  	s19 =	simm.s32 $0x1BF40;
	v10 =	vld.idx.msk [tilespmem:v7+s5+$0x0], $0xffff  }
0x2a9: {  	s24 =	simm.s32 $0x18740;
	v15 =	vld.idx.msk [tilespmem:v15+s5+$0x0], $0xffff;
	[tilespmem:s19+$0x30] =	vst v0  }
0x2aa: {  	[tilespmem:s19+$0xFFFFFFD0] =	vst v1;
	v5 =	vld [tilespmem:s24+$0x30]  }
0x2ab: {  	[tilespmem:s19+$0xFFFFFFE0] =	vst v2;
	v7 =	vld [tilespmem:s24+$0xFFFFFFD0]  }
0x2ac: {  	[tilespmem:s19+$0xFFFFFFF0] =	vst v3;
	v9 =	vld [tilespmem:s24+$0xFFFFFFE0]  }
0x2ad: {  	[tilespmem:s19+$0x0] =	vst v4;
	v11 =	vld [tilespmem:s24+$0xFFFFFFF0]  }
0x2ae: {  	[tilespmem:s19+$0x10] =	vst v8;
	v12 =	vld [tilespmem:s24+$0x0]  }
0x2af: {  	v13 =	vld [tilespmem:s24+$0x10]  }
0x2b0: {  	[tilespmem:s19+$0x20] =	vst v6;
	v1 =	vadd.f32 v7, v1;
	v7 =	vld [tilespmem:s25+$0x20]  }
0x2b1: {  	[tilespmem:s19+$0xFFFFFFC0] =	vst v10;
	s19 =	simm.s32 $0x1BFC0;
	v14 =	vld [tilespmem:s24+$0x20];
	v0 =	vadd.f32 v5, v0  }
0x2b2: {  	s16 =	simm.s32 $0x1DF40;
	[tilespmem:s19+$0x30] =	vst v15;
	v5 =	vld.idx.msk [tilespmem:v17+s5+$0x0], $0xffff  }
0x2b3: {  	[tilespmem:s16+$0x30] =	vst v0;
	v0 =	vadd.f32 v9, v2;
	v9 =	vld [tilespmem:s25+$0xFFFFFFC0]  }
0x2b4: {  	[tilespmem:s16+$0xFFFFFFD0] =	vst v1;
	v1 =	vadd.f32 v11, v3;
	v11 =	vld.idx.msk [tilespmem:v16+s5+$0x0], $0xffff  }
0x2b5: {  	v3 =	vld.idx.msk [tilespmem:v19+s5+$0x0], $0xffff;
	[tilespmem:s16+$0xFFFFFFE0] =	vst v0  }
0x2b6: {  	v2 =	vld.idx.msk [tilespmem:v20+s5+$0x0], $0xffff;
	[tilespmem:s16+$0xFFFFFFF0] =	vst v1;
	v1 =	vadd.f32 v13, v8  }
0x2b7: {  	v0 =	vadd.f32 v12, v4;
	v4 =	vld.idx.msk [tilespmem:v18+s5+$0x0], $0xffff;
	[tilespmem:s19+$0xFFFFFFE0] =	vst v5  }
0x2b8: {  	s25 =	simm.s32 $0x187C0;
	[tilespmem:s16+$0x10] =	vst v1;
	v1 =	vld.idx.msk [tilespmem:v7+s5+$0x0], $0xffff  }
0x2b9: {  	[tilespmem:s16+$0x0] =	vst v0;
	v7 =	vld [tilespmem:s25+$0x30]  }
0x2ba: {  	v12 =	vld [tilespmem:s24+$0xFFFFFFC0];
	v0 =	vadd.f32 v14, v6;
	[tilespmem:s19+$0xFFFFFFD0] =	vst v11  }
0x2bb: {  	[tilespmem:s19+$0x0] =	vst v3;
	v13 =	vld [tilespmem:s25+$0xFFFFFFD0]  }
0x2bc: {  	[tilespmem:s16+$0x20] =	vst v0;
	v0 =	vld.idx.msk [tilespmem:v9+s5+$0x0], $0xffff  }
0x2bd: {  	[tilespmem:s19+$0xFFFFFFF0] =	vst v4;
	v9 =	vld [tilespmem:s25+$0xFFFFFFE0]  }
0x2be: {  	[tilespmem:s19+$0x10] =	vst v2;
	v6 =	vld [tilespmem:s25+$0xFFFFFFF0];
	v14 =	vadd.f32 v7, v15  }
0x2bf: {  	s24 =	simm.s32 $0x1DFC0;
	v8 =	vld [tilespmem:s25+$0x0];
	[tilespmem:s19+$0x20] =	vst v1  }
0x2c0: {  	v12 =	vadd.f32 v12, v10;
	v7 =	vld [tilespmem:s25+$0x10];
	[tilespmem:s24+$0x30] =	vst v14  }
0x2c1: {  	s28 =	simm.s32 $0x80;
	s31 =	simm.s32 $0x1A040;
	s29 =	simm.s32 $0x187C0;
	v11 =	vadd.f32 v13, v11;
	v10 =	vld [tilespmem:s25+$0x20];
	[tilespmem:s19+$0xFFFFFFC0] =	vst v0  }
.LBB2_15:
0x2c2: {  	v13 =	vld [tilespmem:s31+$0x30];
	s28 =	sadd.s32 $0x80, s28;
	v5 =	vadd.f32 v9, v5;
	[tilespmem:s16+$0xFFFFFFC0] =	vst v12;
	s16 =	smov.u32 s24  }
0x2c3: {  	v9 =	vld [tilespmem:s31+$0xFFFFFFD0];
	p1 =	slt.u32 s28, $0x780;
	[tilespmem:s24+$0xFFFFFFD0] =	vst v11;
	v4 =	vadd.f32 v6, v4  }
0x2c4: {  	v6 =	vld [tilespmem:s31+$0xFFFFFFE0];
	[tilespmem:s24+$0xFFFFFFE0] =	vst v5;
	v3 =	vadd.f32 v8, v3  }
0x2c5: {  	v8 =	vld [tilespmem:s31+$0xFFFFFFF0];
	[tilespmem:s24+$0xFFFFFFF0] =	vst v4;
	v2 =	vadd.f32 v7, v2  }
0x2c6: {  	v7 =	vld [tilespmem:s31+$0x0];
	[tilespmem:s24+$0x0] =	vst v3;
	v1 =	vadd.f32 v10, v1  }
0x2c7: {  	v10 =	vld [tilespmem:s31+$0x10];
	[tilespmem:s24+$0x10] =	vst v2  }
0x2c8: {  	v11 =	vld [tilespmem:s31+$0x20];
	[tilespmem:s24+$0x20] =	vst v1  }
0x2c9: {  	v12 =	vld [tilespmem:s31+$0xFFFFFFC0]  }
0x2ca: {  	v13 =	vld.idx.msk [tilespmem:v13+s5+$0x0], $0xffff  }
0x2cb: {  	v14 =	vld.idx.msk [tilespmem:v9+s5+$0x0], $0xffff  }
0x2cc: {  	v5 =	vld.idx.msk [tilespmem:v6+s5+$0x0], $0xffff  }
0x2cd: {  	v4 =	vld.idx.msk [tilespmem:v8+s5+$0x0], $0xffff  }
0x2ce: {  	v3 =	vld.idx.msk [tilespmem:v7+s5+$0x0], $0xffff  }
0x2cf: {  	s19 =	sadd.s32 $0x80, s19;
	v2 =	vld.idx.msk [tilespmem:v10+s5+$0x0], $0xffff  }
0x2d0: {  	s25 =	sadd.s32 $0x80, s25;
	v1 =	vld.idx.msk [tilespmem:v11+s5+$0x0], $0xffff;
	[tilespmem:s19+$0x30] =	vst v13  }
0x2d1: {  	[tilespmem:s19+$0xFFFFFFD0] =	vst v14;
	v7 =	vld [tilespmem:s25+$0x30]  }
0x2d2: {  	v10 =	vld.idx.msk [tilespmem:v12+s5+$0x0], $0xffff;
	[tilespmem:s19+$0xFFFFFFE0] =	vst v5  }
0x2d3: {  	[tilespmem:s19+$0xFFFFFFF0] =	vst v4;
	v11 =	vld [tilespmem:s29+$0xFFFFFFC0];
	s29 =	smov.u32 s25  }
0x2d4: {  	v15 =	vld [tilespmem:s25+$0xFFFFFFD0];
	[tilespmem:s19+$0x0] =	vst v3  }
.Ltmp8:
0x2d5: {  	v9 =	vld [tilespmem:s25+$0xFFFFFFE0];
	[tilespmem:s19+$0x10] =	vst v2;
	(pc) =	sbr.rel @p1 .LBB2_15-.Ltmp8, $4  }
0x2d6: {  	v6 =	vld [tilespmem:s25+$0xFFFFFFF0];
	[tilespmem:s19+$0x20] =	vst v1;
	v12 =	vadd.f32 v7, v13  }
0x2d7: {  	s24 =	sadd.s32 $0x80, s24;
	v8 =	vld [tilespmem:s25+$0x0]  }
0x2d8: {  	v7 =	vld [tilespmem:s25+$0x10];
	[tilespmem:s24+$0x30] =	vst v12;
	v12 =	vadd.f32 v11, v0;
	v0 =	vmov v10  }
0x2d9: {  	s31 =	sadd.s32 $0x80, s31;
	[tilespmem:s19+$0xFFFFFFC0] =	vst v0;
	v11 =	vadd.f32 v15, v14;
	v10 =	vld [tilespmem:s25+$0x20]  }
0x2da: {  	v5 =	vadd.f32 v9, v5;
	[tilespmem:s16+$0xFFFFFFC0] =	vst v12;
	v9 =	vld [tilespmem:s29+$0xFFFFFFC0]  }
0x2db: {  	[tilespmem:s24+$0xFFFFFFD0] =	vst v11;
	v4 =	vadd.f32 v6, v4  }
0x2dc: {  	[tilespmem:s24+$0xFFFFFFE0] =	vst v5;
	v3 =	vadd.f32 v8, v3  }
0x2dd: {  	[tilespmem:s24+$0xFFFFFFF0] =	vst v4;
	v2 =	vadd.f32 v7, v2  }
0x2de: {  	[tilespmem:s24+$0x0] =	vst v3;
	v1 =	vadd.f32 v10, v1  }
0x2df: {  	[tilespmem:s24+$0x10] =	vst v2;
	v0 =	vadd.f32 v9, v0  }
0x2e0: {  	s16 =	sor.u32 $0x8000, s6;
	[tilespmem:s24+$0x20] =	vst v1  }
0x2e1: {  	s25 =	simm.s32 $0x1BF00;
	s19 =	sadd.s32 s3, s16;
	[tilespmem:s24+$0xFFFFFFC0] =	vst v0  }
0x2e2: {  	[hbm4b:s19+s12] =	stream.strided.scatter [tilespmem:s25], [sflag:$0x9], $0x800, s13, s12, $0x38;
	[tilespmem:$0x1EF00] =	vst v63  }
0x2e3: {  	s16 =	sadd.s32 s2, s16  }
0x2e4: {  	[hbm4b:s16+s12] =	stream.strided.scatter [tilespmem:s14], [sflag:$0xD], $0x800, s13, s12, $0x38;
	[tilespmem:$0x1EF00] =	vst v63  }
0x2e5: {  	s16 =	sadd.s32 @!p0 $0x6, s21  }
0x2e6: {  	s19 =	sshll.u32 @!p0 s16, $0x4  }
0x2e7: {  	s16 =	sshll.u32 @!p0 s16, $0x8;
	s19 =	sand.u32 @!p0 $0x60, s19  }
0x2e8: {  	s24 =	simm.s32 @!p0 $0x400;
	s16 =	sand.u32 @!p0 $0x7800, s16;
	s19 =	sadd.s32 @!p0 s1, s19  }
0x2e9: {  	s25 =	simm.s32 @!p0 $0x19F00;
	s16 =	sadd.s32 @!p0 s16, s19;
	s19 =	simm.s32 @!p0 $0x80  }
0x2ea: {  	[tilespmem:s25], [sflag:$0x5] =	stream.strided.gather @!p0 [hbm4b:s16+s19], $0x800, s24, s19, $0x38;
	[tilespmem:$0x1EF00] =	vst v63  }
0x2eb: {  	_ =	swait.ge [sflag:s15], $0x800  }
0x2ec: {  	[sflag:s15] =	ssyncset.done $0x0  }
0x2ed: {  	[sflag:s15] =	ssyncadd.s32 $0xFFFFF800  }
0x2ee: {  	_ =	swait.ge [sflag:s11], $0x800  }
0x2ef: {  	[sflag:s11] =	ssyncset.done $0x0  }
0x2f0: {  	[sflag:s11] =	ssyncadd.s32 $0xFFFFF800  }
0x2f1: {  	_ =	swait.ge [sflag:s20], $0x800  }
0x2f2: {  	[sflag:s20] =	ssyncset.done $0x0  }
0x2f3: {  	s25 =	simm.s32 $0x1A740;
	[sflag:s20] =	ssyncadd.s32 $0xFFFFF800  }
0x2f4: {  	v0 =	vld [tilespmem:s25+$0x30]  }
0x2f5: {  	v1 =	vld [tilespmem:s25+$0xFFFFFFD0]  }
0x2f6: {  	v2 =	vld [tilespmem:s25+$0xFFFFFFE0]  }
0x2f7: {  	v3 =	vld [tilespmem:s25+$0xFFFFFFF0]  }
0x2f8: {  	v4 =	vld [tilespmem:s25+$0x0]  }
0x2f9: {  	v5 =	vld [tilespmem:s25+$0x10]  }
0x2fa: {  	v6 =	vld [tilespmem:s25+$0x20]  }
0x2fb: {  	v7 =	vld [tilespmem:s25+$0xFFFFFFC0];
	s25 =	simm.s32 $0x1A7C0  }
0x2fc: {  	v15 =	vld [tilespmem:s25+$0x30]  }
0x2fd: {  	v16 =	vld [tilespmem:s25+$0xFFFFFFD0]  }
0x2fe: {  	v17 =	vld [tilespmem:s25+$0xFFFFFFE0]  }
0x2ff: {  	v18 =	vld [tilespmem:s25+$0xFFFFFFF0]  }
0x300: {  	v19 =	vld [tilespmem:s25+$0x0]  }
0x301: {  	v20 =	vld [tilespmem:s25+$0x10]  }
0x302: {  	v0 =	vld.idx.msk [tilespmem:v0+s5+$0x0], $0xffff  }
0x303: {  	v1 =	vld.idx.msk [tilespmem:v1+s5+$0x0], $0xffff  }
0x304: {  	v2 =	vld.idx.msk [tilespmem:v2+s5+$0x0], $0xffff  }
0x305: {  	v3 =	vld.idx.msk [tilespmem:v3+s5+$0x0], $0xffff  }
0x306: {  	v4 =	vld.idx.msk [tilespmem:v4+s5+$0x0], $0xffff  }
0x307: {  	v8 =	vld.idx.msk [tilespmem:v5+s5+$0x0], $0xffff  }
0x308: {  	v6 =	vld.idx.msk [tilespmem:v6+s5+$0x0], $0xffff  }
0x309: {  	s19 =	simm.s32 $0x1C740;
	v10 =	vld.idx.msk [tilespmem:v7+s5+$0x0], $0xffff  }
0x30a: {  	s24 =	simm.s32 $0x18740;
	v15 =	vld.idx.msk [tilespmem:v15+s5+$0x0], $0xffff;
	[tilespmem:s19+$0x30] =	vst v0  }
0x30b: {  	[tilespmem:s19+$0xFFFFFFD0] =	vst v1;
	v5 =	vld [tilespmem:s24+$0x30]  }
0x30c: {  	[tilespmem:s19+$0xFFFFFFE0] =	vst v2;
	v7 =	vld [tilespmem:s24+$0xFFFFFFD0]  }
0x30d: {  	[tilespmem:s19+$0xFFFFFFF0] =	vst v3;
	v9 =	vld [tilespmem:s24+$0xFFFFFFE0]  }
0x30e: {  	[tilespmem:s19+$0x0] =	vst v4;
	v11 =	vld [tilespmem:s24+$0xFFFFFFF0]  }
0x30f: {  	[tilespmem:s19+$0x10] =	vst v8;
	v12 =	vld [tilespmem:s24+$0x0]  }
0x310: {  	v13 =	vld [tilespmem:s24+$0x10]  }
0x311: {  	[tilespmem:s19+$0x20] =	vst v6;
	v1 =	vadd.f32 v7, v1;
	v7 =	vld [tilespmem:s25+$0x20]  }
0x312: {  	[tilespmem:s19+$0xFFFFFFC0] =	vst v10;
	s19 =	simm.s32 $0x1C7C0;
	v14 =	vld [tilespmem:s24+$0x20];
	v0 =	vadd.f32 v5, v0  }
0x313: {  	s16 =	simm.s32 $0x1E740;
	[tilespmem:s19+$0x30] =	vst v15;
	v5 =	vld.idx.msk [tilespmem:v17+s5+$0x0], $0xffff  }
0x314: {  	[tilespmem:s16+$0x30] =	vst v0;
	v0 =	vadd.f32 v9, v2;
	v9 =	vld [tilespmem:s25+$0xFFFFFFC0]  }
0x315: {  	[tilespmem:s16+$0xFFFFFFD0] =	vst v1;
	v1 =	vadd.f32 v11, v3;
	v11 =	vld.idx.msk [tilespmem:v16+s5+$0x0], $0xffff  }
0x316: {  	v3 =	vld.idx.msk [tilespmem:v19+s5+$0x0], $0xffff;
	[tilespmem:s16+$0xFFFFFFE0] =	vst v0  }
0x317: {  	v2 =	vld.idx.msk [tilespmem:v20+s5+$0x0], $0xffff;
	[tilespmem:s16+$0xFFFFFFF0] =	vst v1;
	v1 =	vadd.f32 v13, v8  }
0x318: {  	v0 =	vadd.f32 v12, v4;
	v4 =	vld.idx.msk [tilespmem:v18+s5+$0x0], $0xffff;
	[tilespmem:s19+$0xFFFFFFE0] =	vst v5  }
0x319: {  	s25 =	simm.s32 $0x187C0;
	[tilespmem:s16+$0x10] =	vst v1;
	v1 =	vld.idx.msk [tilespmem:v7+s5+$0x0], $0xffff  }
0x31a: {  	[tilespmem:s16+$0x0] =	vst v0;
	v7 =	vld [tilespmem:s25+$0x30]  }
0x31b: {  	v12 =	vld [tilespmem:s24+$0xFFFFFFC0];
	v0 =	vadd.f32 v14, v6;
	[tilespmem:s19+$0xFFFFFFD0] =	vst v11  }
0x31c: {  	[tilespmem:s19+$0x0] =	vst v3;
	v13 =	vld [tilespmem:s25+$0xFFFFFFD0]  }
0x31d: {  	[tilespmem:s16+$0x20] =	vst v0;
	v0 =	vld.idx.msk [tilespmem:v9+s5+$0x0], $0xffff  }
0x31e: {  	[tilespmem:s19+$0xFFFFFFF0] =	vst v4;
	v9 =	vld [tilespmem:s25+$0xFFFFFFE0]  }
0x31f: {  	[tilespmem:s19+$0x10] =	vst v2;
	v6 =	vld [tilespmem:s25+$0xFFFFFFF0];
	v14 =	vadd.f32 v7, v15  }
0x320: {  	s24 =	simm.s32 $0x1E7C0;
	v8 =	vld [tilespmem:s25+$0x0];
	[tilespmem:s19+$0x20] =	vst v1  }
0x321: {  	v12 =	vadd.f32 v12, v10;
	v7 =	vld [tilespmem:s25+$0x10];
	[tilespmem:s24+$0x30] =	vst v14  }
0x322: {  	s28 =	simm.s32 $0x80;
	s31 =	simm.s32 $0x1A840;
	s29 =	simm.s32 $0x187C0;
	v11 =	vadd.f32 v13, v11;
	v10 =	vld [tilespmem:s25+$0x20];
	[tilespmem:s19+$0xFFFFFFC0] =	vst v0  }
.LBB2_17:
0x323: {  	v13 =	vld [tilespmem:s31+$0x30];
	s28 =	sadd.s32 $0x80, s28;
	v5 =	vadd.f32 v9, v5;
	[tilespmem:s16+$0xFFFFFFC0] =	vst v12;
	s16 =	smov.u32 s24  }
0x324: {  	v9 =	vld [tilespmem:s31+$0xFFFFFFD0];
	p1 =	slt.u32 s28, $0x780;
	[tilespmem:s24+$0xFFFFFFD0] =	vst v11;
	v4 =	vadd.f32 v6, v4  }
0x325: {  	v6 =	vld [tilespmem:s31+$0xFFFFFFE0];
	[tilespmem:s24+$0xFFFFFFE0] =	vst v5;
	v3 =	vadd.f32 v8, v3  }
0x326: {  	v8 =	vld [tilespmem:s31+$0xFFFFFFF0];
	[tilespmem:s24+$0xFFFFFFF0] =	vst v4;
	v2 =	vadd.f32 v7, v2  }
0x327: {  	v7 =	vld [tilespmem:s31+$0x0];
	[tilespmem:s24+$0x0] =	vst v3;
	v1 =	vadd.f32 v10, v1  }
0x328: {  	v10 =	vld [tilespmem:s31+$0x10];
	[tilespmem:s24+$0x10] =	vst v2  }
0x329: {  	v11 =	vld [tilespmem:s31+$0x20];
	[tilespmem:s24+$0x20] =	vst v1  }
0x32a: {  	v12 =	vld [tilespmem:s31+$0xFFFFFFC0]  }
0x32b: {  	v13 =	vld.idx.msk [tilespmem:v13+s5+$0x0], $0xffff  }
0x32c: {  	v14 =	vld.idx.msk [tilespmem:v9+s5+$0x0], $0xffff  }
0x32d: {  	v5 =	vld.idx.msk [tilespmem:v6+s5+$0x0], $0xffff  }
0x32e: {  	v4 =	vld.idx.msk [tilespmem:v8+s5+$0x0], $0xffff  }
0x32f: {  	v3 =	vld.idx.msk [tilespmem:v7+s5+$0x0], $0xffff  }
0x330: {  	s19 =	sadd.s32 $0x80, s19;
	v2 =	vld.idx.msk [tilespmem:v10+s5+$0x0], $0xffff  }
0x331: {  	s25 =	sadd.s32 $0x80, s25;
	v1 =	vld.idx.msk [tilespmem:v11+s5+$0x0], $0xffff;
	[tilespmem:s19+$0x30] =	vst v13  }
0x332: {  	[tilespmem:s19+$0xFFFFFFD0] =	vst v14;
	v7 =	vld [tilespmem:s25+$0x30]  }
0x333: {  	v10 =	vld.idx.msk [tilespmem:v12+s5+$0x0], $0xffff;
	[tilespmem:s19+$0xFFFFFFE0] =	vst v5  }
0x334: {  	[tilespmem:s19+$0xFFFFFFF0] =	vst v4;
	v11 =	vld [tilespmem:s29+$0xFFFFFFC0];
	s29 =	smov.u32 s25  }
0x335: {  	v15 =	vld [tilespmem:s25+$0xFFFFFFD0];
	[tilespmem:s19+$0x0] =	vst v3  }
.Ltmp9:
0x336: {  	v9 =	vld [tilespmem:s25+$0xFFFFFFE0];
	[tilespmem:s19+$0x10] =	vst v2;
	(pc) =	sbr.rel @p1 .LBB2_17-.Ltmp9, $4  }
0x337: {  	v6 =	vld [tilespmem:s25+$0xFFFFFFF0];
	[tilespmem:s19+$0x20] =	vst v1;
	v12 =	vadd.f32 v7, v13  }
0x338: {  	s24 =	sadd.s32 $0x80, s24;
	v8 =	vld [tilespmem:s25+$0x0]  }
0x339: {  	v7 =	vld [tilespmem:s25+$0x10];
	[tilespmem:s24+$0x30] =	vst v12;
	v12 =	vadd.f32 v11, v0;
	v0 =	vmov v10  }
0x33a: {  	s31 =	sadd.s32 $0x80, s31;
	[tilespmem:s19+$0xFFFFFFC0] =	vst v0;
	v11 =	vadd.f32 v15, v14;
	v10 =	vld [tilespmem:s25+$0x20]  }
0x33b: {  	v5 =	vadd.f32 v9, v5;
	[tilespmem:s16+$0xFFFFFFC0] =	vst v12;
	v63 =	vld [tilespmem:s29+$0xFFFFFFC0]  }
0x33c: {  	[tilespmem:s24+$0xFFFFFFD0] =	vst v11;
	v4 =	vadd.f32 v6, v4  }
0x33d: {  	[tilespmem:s24+$0xFFFFFFE0] =	vst v5;
	v3 =	vadd.f32 v8, v3  }
0x33e: {  	[tilespmem:s24+$0xFFFFFFF0] =	vst v4;
	v2 =	vadd.f32 v7, v2  }
0x33f: {  	[tilespmem:s24+$0x0] =	vst v3;
	v1 =	vadd.f32 v10, v1  }
0x340: {  	[tilespmem:s24+$0x10] =	vst v2;
	v0 =	vadd.f32 v63, v0  }
.Ltmp10:
0x341: {  	s6 =	sor.u32 $0xC000, s6;
	[tilespmem:s24+$0x20] =	vst v1;
	(pc) =	sbr.rel @p0 .LBB2_20-.Ltmp10, $4  }
0x342: {  	s31 =	sadd.s32 s3, s6;
	[tilespmem:s24+$0xFFFFFFC0] =	vst v0  }
0x343: {  	[hbm4b:s31+s12] =	stream.strided.scatter [tilespmem:s17], [sflag:$0xA], $0x800, s13, s12, $0x38;
	[tilespmem:$0x1EF00] =	vst v63  }
0x344: {  	s6 =	sadd.s32 s2, s6  }
0x345: {  	[hbm4b:s6+s12] =	stream.strided.scatter [tilespmem:s18], [sflag:$0xE], $0x800, s13, s12, $0x38;
	[tilespmem:$0x1EF00] =	vst v63  }
0x346: {  	s6 =	sadd.s32 $0x7, s21  }
.Ltmp11:
0x347: {  	s16 =	sshll.u32 s6, $0x4;
	(pc) =	sbr.rel .LBB2_10-.Ltmp11, $4  }
0x348: {  	s6 =	sshll.u32 s6, $0x8;
	s16 =	sand.u32 $0x70, s16  }
0x349: {  	s6 =	sand.u32 $0x7800, s6;
	s16 =	sadd.s32 s1, s16  }
0x34a: {  	s31 =	simm.s32 $0x1A700;
	s22 =	sadd.s32 $0x1, s22;
	s6 =	sadd.s32 s6, s16  }
0x34b: {  	[tilespmem:s31], [sflag:$0x6] =	stream.strided.gather [hbm4b:s6+s12], $0x800, s13, s12, $0x38;
	[tilespmem:$0x1EF00] =	vst v63  }
.LBB2_20:
0x34c: {  	s6 =	rddreg [dreg:$0x14]  }
0x34d: {  	[tilespmem:s5], [sflag:$0x1] =	stream.strided.gather [hbm4b:s6+s12], $0x18700, s13, s12, $0x38;
	[tilespmem:$0x1EF00] =	vst v63  }
0x34e: {  	s21 =	rddreg [dreg:$0x15];
	s16 =	simm.s32 $0x18700  }
0x34f: {  	[tilespmem:s16], [sflag:$0x2] =	stream.strided.gather [hbm4b:s21+s12], $0x800, s13, s12, $0x38;
	[tilespmem:$0x1EF00] =	vst v63  }
0x350: {  	s28 =	simm.s32 $0x18F00;
	s22 =	sld [smem:$0x7F7]  }
0x351: {  	[tilespmem:s28], [sflag:$0x3] =	stream.strided.gather [hbm4b:s1+s12], $0x800, s13, s12, $0x38;
	[tilespmem:$0x1EF00] =	vst v63  }
0x352: {  	s19 =	simm.s32 $0x19700;
	s24 =	sld [smem:$0x7F8]  }
0x353: {  	[tilespmem:s19], [sflag:$0x4] =	stream.strided.gather [hbm4b:s22+s12], $0x800, s13, s12, $0x38;
	[tilespmem:$0x1EF00] =	vst v63  }
0x354: {  	s25 =	simm.s32 $0x19F00;
	s29 =	sld [smem:$0x7F9]  }
0x355: {  	[tilespmem:s25], [sflag:$0x5] =	stream.strided.gather [hbm4b:s24+s12], $0x800, s13, s12, $0x38;
	[tilespmem:$0x1EF00] =	vst v63  }
0x356: {  	s31 =	simm.s32 $0x1A700;
	s19 =	simm.s32 $0x2  }
0x357: {  	[tilespmem:s31], [sflag:$0x6] =	stream.strided.gather [hbm4b:s29+s12], $0x800, s13, s12, $0x38;
	[tilespmem:$0x1EF00] =	vst v63  }
0x358: {  	_ =	swait.ge [sflag:s19], $0x800  }
0x359: {  	[sflag:s19] =	ssyncset.done $0x0  }
0x35a: {  	s22 =	simm.s32 $0xF;
	s21 =	rddreg [dreg:$0x16];
	[sflag:s19] =	ssyncadd.s32 $0xFFFFF800  }
0x35b: {  	[hbm4b:s21+s12] =	stream.strided.scatter [tilespmem:s16], [sflag:$0xF], $0x800, s13, s12, $0x38;
	[tilespmem:$0x1EF00] =	vst v63  }
0x35c: {  	_ =	swait.ge [sflag:s22], $0x800  }
0x35d: {  	[sflag:s22] =	ssyncset.done $0x0  }
0x35e: {  	s24 =	simm.s32 $0x1;
	[sflag:s22] =	ssyncadd.s32 $0xFFFFF800  }
0x35f: {  	_ =	swait.ge [sflag:s24], $0x18700  }
0x360: {  	[sflag:s24] =	ssyncset.done $0x0  }
0x361: {  	[sflag:s24] =	ssyncadd.s32 $0xFFFE7900  }
0x362: {  	_ =	swait.ge [sflag:s23], $0x800  }
0x363: {  	[sflag:s23] =	ssyncset.done $0x0  }
0x364: {  	[sflag:s23] =	ssyncadd.s32 $0xFFFFF800  }
0x365: {  	_ =	swait.ge [sflag:s0], $0x800  }
0x366: {  	[sflag:s0] =	ssyncset.done $0x0  }
0x367: {  	[sflag:s0] =	ssyncadd.s32 $0xFFFFF800  }
0x368: {  	_ =	swait.ge [sflag:s4], $0x800  }
0x369: {  	[sflag:s4] =	ssyncset.done $0x0  }
0x36a: {  	s25 =	simm.s32 $0x18F40;
	[sflag:s4] =	ssyncadd.s32 $0xFFFFF800  }
0x36b: {  	v0 =	vld [tilespmem:s25+$0x30]  }
0x36c: {  	v1 =	vld [tilespmem:s25+$0xFFFFFFD0]  }
0x36d: {  	v2 =	vld [tilespmem:s25+$0xFFFFFFE0]  }
0x36e: {  	v3 =	vld [tilespmem:s25+$0xFFFFFFF0]  }
0x36f: {  	v4 =	vld [tilespmem:s25+$0x0]  }
0x370: {  	v5 =	vld [tilespmem:s25+$0x10]  }
0x371: {  	v6 =	vld [tilespmem:s25+$0x20]  }
0x372: {  	s31 =	simm.s32 $0x18FC0;
	v7 =	vld [tilespmem:s25+$0xFFFFFFC0]  }
0x373: {  	v15 =	vld [tilespmem:s31+$0x30]  }
0x374: {  	v16 =	vld [tilespmem:s31+$0xFFFFFFD0]  }
0x375: {  	v17 =	vld [tilespmem:s31+$0xFFFFFFE0]  }
0x376: {  	v18 =	vld [tilespmem:s31+$0xFFFFFFF0]  }
0x377: {  	v19 =	vld [tilespmem:s31+$0x0]  }
0x378: {  	v20 =	vld [tilespmem:s31+$0x10]  }
0x379: {  	v0 =	vld.idx.msk [tilespmem:v0+s5+$0x0], $0xffff  }
0x37a: {  	v1 =	vld.idx.msk [tilespmem:v1+s5+$0x0], $0xffff  }
0x37b: {  	v2 =	vld.idx.msk [tilespmem:v2+s5+$0x0], $0xffff  }
0x37c: {  	v3 =	vld.idx.msk [tilespmem:v3+s5+$0x0], $0xffff  }
0x37d: {  	v4 =	vld.idx.msk [tilespmem:v4+s5+$0x0], $0xffff  }
0x37e: {  	v8 =	vld.idx.msk [tilespmem:v5+s5+$0x0], $0xffff  }
0x37f: {  	v6 =	vld.idx.msk [tilespmem:v6+s5+$0x0], $0xffff  }
0x380: {  	s29 =	simm.s32 $0x1AF40;
	v10 =	vld.idx.msk [tilespmem:v7+s5+$0x0], $0xffff  }
0x381: {  	s21 =	simm.s32 $0x18740;
	v15 =	vld.idx.msk [tilespmem:v15+s5+$0x0], $0xffff;
	[tilespmem:s29+$0x30] =	vst v0  }
0x382: {  	[tilespmem:s29+$0xFFFFFFD0] =	vst v1;
	v5 =	vld [tilespmem:s21+$0x30]  }
0x383: {  	[tilespmem:s29+$0xFFFFFFE0] =	vst v2;
	v7 =	vld [tilespmem:s21+$0xFFFFFFD0]  }
0x384: {  	[tilespmem:s29+$0xFFFFFFF0] =	vst v3;
	v9 =	vld [tilespmem:s21+$0xFFFFFFE0]  }
0x385: {  	[tilespmem:s29+$0x0] =	vst v4;
	v11 =	vld [tilespmem:s21+$0xFFFFFFF0]  }
0x386: {  	[tilespmem:s29+$0x10] =	vst v8;
	v12 =	vld [tilespmem:s21+$0x0]  }
0x387: {  	v13 =	vld [tilespmem:s21+$0x10]  }
0x388: {  	[tilespmem:s29+$0x20] =	vst v6;
	v1 =	vadd.f32 v7, v1;
	v7 =	vld [tilespmem:s31+$0x20]  }
0x389: {  	s16 =	simm.s32 $0x1AFC0;
	[tilespmem:s29+$0xFFFFFFC0] =	vst v10;
	v14 =	vld [tilespmem:s21+$0x20];
	v0 =	vadd.f32 v5, v0  }
0x38a: {  	s6 =	simm.s32 $0x1CF40;
	[tilespmem:s16+$0x30] =	vst v15;
	v5 =	vld.idx.msk [tilespmem:v17+s5+$0x0], $0xffff  }
0x38b: {  	[tilespmem:s6+$0x30] =	vst v0;
	v0 =	vadd.f32 v9, v2;
	v9 =	vld [tilespmem:s31+$0xFFFFFFC0]  }
0x38c: {  	[tilespmem:s6+$0xFFFFFFD0] =	vst v1;
	v1 =	vadd.f32 v11, v3;
	v11 =	vld.idx.msk [tilespmem:v16+s5+$0x0], $0xffff  }
0x38d: {  	v3 =	vld.idx.msk [tilespmem:v19+s5+$0x0], $0xffff;
	[tilespmem:s6+$0xFFFFFFE0] =	vst v0  }
0x38e: {  	v2 =	vld.idx.msk [tilespmem:v20+s5+$0x0], $0xffff;
	[tilespmem:s6+$0xFFFFFFF0] =	vst v1;
	v1 =	vadd.f32 v13, v8  }
0x38f: {  	v0 =	vadd.f32 v12, v4;
	v4 =	vld.idx.msk [tilespmem:v18+s5+$0x0], $0xffff;
	[tilespmem:s16+$0xFFFFFFE0] =	vst v5  }
0x390: {  	s19 =	simm.s32 $0x187C0;
	[tilespmem:s6+$0x10] =	vst v1;
	v1 =	vld.idx.msk [tilespmem:v7+s5+$0x0], $0xffff  }
0x391: {  	[tilespmem:s6+$0x0] =	vst v0;
	v7 =	vld [tilespmem:s19+$0x30]  }
0x392: {  	v12 =	vld [tilespmem:s21+$0xFFFFFFC0];
	v0 =	vadd.f32 v14, v6;
	[tilespmem:s16+$0xFFFFFFD0] =	vst v11  }
0x393: {  	[tilespmem:s16+$0x0] =	vst v3;
	v13 =	vld [tilespmem:s19+$0xFFFFFFD0]  }
0x394: {  	[tilespmem:s6+$0x20] =	vst v0;
	v0 =	vld.idx.msk [tilespmem:v9+s5+$0x0], $0xffff  }
0x395: {  	[tilespmem:s16+$0xFFFFFFF0] =	vst v4;
	v9 =	vld [tilespmem:s19+$0xFFFFFFE0]  }
0x396: {  	[tilespmem:s16+$0x10] =	vst v2;
	v6 =	vld [tilespmem:s19+$0xFFFFFFF0];
	v14 =	vadd.f32 v7, v15  }
0x397: {  	s21 =	simm.s32 $0x1CFC0;
	v8 =	vld [tilespmem:s19+$0x0];
	[tilespmem:s16+$0x20] =	vst v1  }
0x398: {  	v12 =	vadd.f32 v12, v10;
	v7 =	vld [tilespmem:s19+$0x10];
	[tilespmem:s21+$0x30] =	vst v14  }
0x399: {  	s22 =	simm.s32 $0x80;
	s24 =	simm.s32 $0x187C0;
	s25 =	simm.s32 $0x19040;
	v11 =	vadd.f32 v13, v11;
	v10 =	vld [tilespmem:s19+$0x20];
	[tilespmem:s16+$0xFFFFFFC0] =	vst v0  }
.LBB2_21:
0x39a: {  	v13 =	vld [tilespmem:s25+$0x30];
	s22 =	sadd.s32 $0x80, s22;
	v5 =	vadd.f32 v9, v5;
	[tilespmem:s6+$0xFFFFFFC0] =	vst v12;
	s6 =	smov.u32 s21  }
0x39b: {  	v9 =	vld [tilespmem:s25+$0xFFFFFFD0];
	p0 =	slt.u32 s22, $0x780;
	[tilespmem:s21+$0xFFFFFFD0] =	vst v11;
	v4 =	vadd.f32 v6, v4  }
0x39c: {  	v6 =	vld [tilespmem:s25+$0xFFFFFFE0];
	[tilespmem:s21+$0xFFFFFFE0] =	vst v5;
	v3 =	vadd.f32 v8, v3  }
0x39d: {  	v8 =	vld [tilespmem:s25+$0xFFFFFFF0];
	[tilespmem:s21+$0xFFFFFFF0] =	vst v4;
	v2 =	vadd.f32 v7, v2  }
0x39e: {  	v7 =	vld [tilespmem:s25+$0x0];
	[tilespmem:s21+$0x0] =	vst v3;
	v1 =	vadd.f32 v10, v1  }
0x39f: {  	v10 =	vld [tilespmem:s25+$0x10];
	[tilespmem:s21+$0x10] =	vst v2  }
0x3a0: {  	v11 =	vld [tilespmem:s25+$0x20];
	[tilespmem:s21+$0x20] =	vst v1  }
0x3a1: {  	v12 =	vld [tilespmem:s25+$0xFFFFFFC0]  }
0x3a2: {  	v13 =	vld.idx.msk [tilespmem:v13+s5+$0x0], $0xffff  }
0x3a3: {  	v14 =	vld.idx.msk [tilespmem:v9+s5+$0x0], $0xffff  }
0x3a4: {  	v5 =	vld.idx.msk [tilespmem:v6+s5+$0x0], $0xffff  }
0x3a5: {  	v4 =	vld.idx.msk [tilespmem:v8+s5+$0x0], $0xffff  }
0x3a6: {  	v3 =	vld.idx.msk [tilespmem:v7+s5+$0x0], $0xffff  }
0x3a7: {  	s16 =	sadd.s32 $0x80, s16;
	v2 =	vld.idx.msk [tilespmem:v10+s5+$0x0], $0xffff  }
0x3a8: {  	s19 =	sadd.s32 $0x80, s19;
	v1 =	vld.idx.msk [tilespmem:v11+s5+$0x0], $0xffff;
	[tilespmem:s16+$0x30] =	vst v13  }
0x3a9: {  	[tilespmem:s16+$0xFFFFFFD0] =	vst v14;
	v7 =	vld [tilespmem:s19+$0x30]  }
0x3aa: {  	v10 =	vld.idx.msk [tilespmem:v12+s5+$0x0], $0xffff;
	[tilespmem:s16+$0xFFFFFFE0] =	vst v5  }
0x3ab: {  	[tilespmem:s16+$0xFFFFFFF0] =	vst v4;
	v11 =	vld [tilespmem:s24+$0xFFFFFFC0];
	s24 =	smov.u32 s19  }
0x3ac: {  	v15 =	vld [tilespmem:s19+$0xFFFFFFD0];
	[tilespmem:s16+$0x0] =	vst v3  }
.Ltmp12:
0x3ad: {  	v9 =	vld [tilespmem:s19+$0xFFFFFFE0];
	[tilespmem:s16+$0x10] =	vst v2;
	(pc) =	sbr.rel @p0 .LBB2_21-.Ltmp12, $4  }
0x3ae: {  	v6 =	vld [tilespmem:s19+$0xFFFFFFF0];
	[tilespmem:s16+$0x20] =	vst v1;
	v12 =	vadd.f32 v7, v13  }
0x3af: {  	s21 =	sadd.s32 $0x80, s21;
	v8 =	vld [tilespmem:s19+$0x0]  }
0x3b0: {  	v7 =	vld [tilespmem:s19+$0x10];
	[tilespmem:s21+$0x30] =	vst v12;
	v12 =	vadd.f32 v11, v0;
	v0 =	vmov v10  }
0x3b1: {  	s25 =	sadd.s32 $0x80, s25;
	[tilespmem:s16+$0xFFFFFFC0] =	vst v0;
	v11 =	vadd.f32 v15, v14;
	v10 =	vld [tilespmem:s19+$0x20]  }
0x3b2: {  	v5 =	vadd.f32 v9, v5;
	[tilespmem:s6+$0xFFFFFFC0] =	vst v12;
	v9 =	vld [tilespmem:s24+$0xFFFFFFC0]  }
0x3b3: {  	[tilespmem:s21+$0xFFFFFFD0] =	vst v11;
	v4 =	vadd.f32 v6, v4  }
0x3b4: {  	[tilespmem:s21+$0xFFFFFFE0] =	vst v5;
	v3 =	vadd.f32 v8, v3  }
0x3b5: {  	[tilespmem:s21+$0xFFFFFFF0] =	vst v4;
	v2 =	vadd.f32 v7, v2  }
0x3b6: {  	[tilespmem:s21+$0x0] =	vst v3;
	v1 =	vadd.f32 v10, v1  }
0x3b7: {  	[tilespmem:s21+$0x10] =	vst v2;
	v0 =	vadd.f32 v9, v0  }
0x3b8: {  	[tilespmem:s21+$0x20] =	vst v1  }
0x3b9: {  	[tilespmem:s21+$0xFFFFFFC0] =	vst v0  }
0x3ba: {  	s6 =	rddreg [dreg:$0x19]  }
0x3bb: {  	s16 =	simm.s32 $0x1AF00;
	s22 =	rddreg [dreg:$0x1a]  }
0x3bc: {  	[hbm4b:s6+s12] =	stream.strided.scatter [tilespmem:s16], [sflag:$0x7], $0x800, s13, s12, $0x38;
	[tilespmem:$0x1EF00] =	vst v63  }
0x3bd: {  	s24 =	simm.s32 $0x1CF00;
	s25 =	sld [smem:$0x7FA]  }
0x3be: {  	[hbm4b:s22+s12] =	stream.strided.scatter [tilespmem:s24], [sflag:$0xB], $0x800, s13, s12, $0x38;
	[tilespmem:$0x1EF00] =	vst v63  }
0x3bf: {  	_ = 	snop  }
0x3c0: {  	[tilespmem:s28], [sflag:$0x3] =	stream.strided.gather [hbm4b:s25+s12], $0x800, s13, s12, $0x38;
	[tilespmem:$0x1EF00] =	vst v63  }
0x3c1: {  	_ =	swait.ge [sflag:s26], $0x800  }
0x3c2: {  	[sflag:s26] =	ssyncset.done $0x0  }
0x3c3: {  	[sflag:s26] =	ssyncadd.s32 $0xFFFFF800  }
0x3c4: {  	_ =	swait.ge [sflag:s7], $0x800  }
0x3c5: {  	[sflag:s7] =	ssyncset.done $0x0  }
0x3c6: {  	[sflag:s7] =	ssyncadd.s32 $0xFFFFF800  }
0x3c7: {  	_ =	swait.ge [sflag:s8], $0x800  }
0x3c8: {  	[sflag:s8] =	ssyncset.done $0x0  }
0x3c9: {  	s28 =	simm.s32 $0x19740;
	[sflag:s8] =	ssyncadd.s32 $0xFFFFF800  }
0x3ca: {  	v0 =	vld [tilespmem:s28+$0x30]  }
0x3cb: {  	v1 =	vld [tilespmem:s28+$0xFFFFFFD0]  }
0x3cc: {  	v2 =	vld [tilespmem:s28+$0xFFFFFFE0]  }
0x3cd: {  	v3 =	vld [tilespmem:s28+$0xFFFFFFF0]  }
0x3ce: {  	v4 =	vld [tilespmem:s28+$0x0]  }
0x3cf: {  	v5 =	vld [tilespmem:s28+$0x10]  }
0x3d0: {  	v6 =	vld [tilespmem:s28+$0x20]  }
0x3d1: {  	s19 =	simm.s32 $0x197C0;
	v7 =	vld [tilespmem:s28+$0xFFFFFFC0]  }
0x3d2: {  	v15 =	vld [tilespmem:s19+$0x30]  }
0x3d3: {  	v16 =	vld [tilespmem:s19+$0xFFFFFFD0]  }
0x3d4: {  	v17 =	vld [tilespmem:s19+$0xFFFFFFE0]  }
0x3d5: {  	v18 =	vld [tilespmem:s19+$0xFFFFFFF0]  }
0x3d6: {  	v19 =	vld [tilespmem:s19+$0x0]  }
0x3d7: {  	v20 =	vld [tilespmem:s19+$0x10]  }
0x3d8: {  	v0 =	vld.idx.msk [tilespmem:v0+s5+$0x0], $0xffff  }
0x3d9: {  	v1 =	vld.idx.msk [tilespmem:v1+s5+$0x0], $0xffff  }
0x3da: {  	v2 =	vld.idx.msk [tilespmem:v2+s5+$0x0], $0xffff  }
0x3db: {  	v3 =	vld.idx.msk [tilespmem:v3+s5+$0x0], $0xffff  }
0x3dc: {  	v4 =	vld.idx.msk [tilespmem:v4+s5+$0x0], $0xffff  }
0x3dd: {  	v8 =	vld.idx.msk [tilespmem:v5+s5+$0x0], $0xffff  }
0x3de: {  	v6 =	vld.idx.msk [tilespmem:v6+s5+$0x0], $0xffff  }
0x3df: {  	s29 =	simm.s32 $0x1B740;
	v10 =	vld.idx.msk [tilespmem:v7+s5+$0x0], $0xffff  }
0x3e0: {  	s31 =	simm.s32 $0x18740;
	v15 =	vld.idx.msk [tilespmem:v15+s5+$0x0], $0xffff;
	[tilespmem:s29+$0x30] =	vst v0  }
0x3e1: {  	[tilespmem:s29+$0xFFFFFFD0] =	vst v1;
	v5 =	vld [tilespmem:s31+$0x30]  }
0x3e2: {  	[tilespmem:s29+$0xFFFFFFE0] =	vst v2;
	v7 =	vld [tilespmem:s31+$0xFFFFFFD0]  }
0x3e3: {  	[tilespmem:s29+$0xFFFFFFF0] =	vst v3;
	v9 =	vld [tilespmem:s31+$0xFFFFFFE0]  }
0x3e4: {  	[tilespmem:s29+$0x0] =	vst v4;
	v11 =	vld [tilespmem:s31+$0xFFFFFFF0]  }
0x3e5: {  	[tilespmem:s29+$0x10] =	vst v8;
	v12 =	vld [tilespmem:s31+$0x0]  }
0x3e6: {  	v13 =	vld [tilespmem:s31+$0x10]  }
0x3e7: {  	[tilespmem:s29+$0x20] =	vst v6;
	v1 =	vadd.f32 v7, v1;
	v7 =	vld [tilespmem:s19+$0x20]  }
0x3e8: {  	s16 =	simm.s32 $0x1B7C0;
	[tilespmem:s29+$0xFFFFFFC0] =	vst v10;
	v14 =	vld [tilespmem:s31+$0x20];
	v0 =	vadd.f32 v5, v0  }
0x3e9: {  	s6 =	simm.s32 $0x1D740;
	[tilespmem:s16+$0x30] =	vst v15;
	v5 =	vld.idx.msk [tilespmem:v17+s5+$0x0], $0xffff  }
0x3ea: {  	[tilespmem:s6+$0x30] =	vst v0;
	v0 =	vadd.f32 v9, v2;
	v9 =	vld [tilespmem:s19+$0xFFFFFFC0]  }
0x3eb: {  	[tilespmem:s6+$0xFFFFFFD0] =	vst v1;
	v1 =	vadd.f32 v11, v3;
	v11 =	vld.idx.msk [tilespmem:v16+s5+$0x0], $0xffff  }
0x3ec: {  	v3 =	vld.idx.msk [tilespmem:v19+s5+$0x0], $0xffff;
	[tilespmem:s6+$0xFFFFFFE0] =	vst v0  }
0x3ed: {  	v2 =	vld.idx.msk [tilespmem:v20+s5+$0x0], $0xffff;
	[tilespmem:s6+$0xFFFFFFF0] =	vst v1;
	v1 =	vadd.f32 v13, v8  }
0x3ee: {  	v0 =	vadd.f32 v12, v4;
	v4 =	vld.idx.msk [tilespmem:v18+s5+$0x0], $0xffff;
	[tilespmem:s16+$0xFFFFFFE0] =	vst v5  }
0x3ef: {  	s19 =	simm.s32 $0x187C0;
	[tilespmem:s6+$0x10] =	vst v1;
	v1 =	vld.idx.msk [tilespmem:v7+s5+$0x0], $0xffff  }
0x3f0: {  	[tilespmem:s6+$0x0] =	vst v0;
	v7 =	vld [tilespmem:s19+$0x30]  }
0x3f1: {  	v12 =	vld [tilespmem:s31+$0xFFFFFFC0];
	v0 =	vadd.f32 v14, v6;
	[tilespmem:s16+$0xFFFFFFD0] =	vst v11  }
0x3f2: {  	[tilespmem:s16+$0x0] =	vst v3;
	v13 =	vld [tilespmem:s19+$0xFFFFFFD0]  }
0x3f3: {  	[tilespmem:s6+$0x20] =	vst v0;
	v0 =	vld.idx.msk [tilespmem:v9+s5+$0x0], $0xffff  }
0x3f4: {  	[tilespmem:s16+$0xFFFFFFF0] =	vst v4;
	v9 =	vld [tilespmem:s19+$0xFFFFFFE0]  }
0x3f5: {  	[tilespmem:s16+$0x10] =	vst v2;
	v6 =	vld [tilespmem:s19+$0xFFFFFFF0];
	v14 =	vadd.f32 v7, v15  }
0x3f6: {  	s21 =	simm.s32 $0x1D7C0;
	v8 =	vld [tilespmem:s19+$0x0];
	[tilespmem:s16+$0x20] =	vst v1  }
0x3f7: {  	v12 =	vadd.f32 v12, v10;
	v7 =	vld [tilespmem:s19+$0x10];
	[tilespmem:s21+$0x30] =	vst v14  }
0x3f8: {  	s22 =	simm.s32 $0x80;
	s24 =	simm.s32 $0x187C0;
	s25 =	simm.s32 $0x19840;
	v11 =	vadd.f32 v13, v11;
	v10 =	vld [tilespmem:s19+$0x20];
	[tilespmem:s16+$0xFFFFFFC0] =	vst v0  }
.LBB2_23:
0x3f9: {  	v13 =	vld [tilespmem:s25+$0x30];
	s22 =	sadd.s32 $0x80, s22;
	v5 =	vadd.f32 v9, v5;
	[tilespmem:s6+$0xFFFFFFC0] =	vst v12;
	s6 =	smov.u32 s21  }
0x3fa: {  	v9 =	vld [tilespmem:s25+$0xFFFFFFD0];
	p0 =	slt.u32 s22, $0x780;
	[tilespmem:s21+$0xFFFFFFD0] =	vst v11;
	v4 =	vadd.f32 v6, v4  }
0x3fb: {  	v6 =	vld [tilespmem:s25+$0xFFFFFFE0];
	[tilespmem:s21+$0xFFFFFFE0] =	vst v5;
	v3 =	vadd.f32 v8, v3  }
0x3fc: {  	v8 =	vld [tilespmem:s25+$0xFFFFFFF0];
	[tilespmem:s21+$0xFFFFFFF0] =	vst v4;
	v2 =	vadd.f32 v7, v2  }
0x3fd: {  	v7 =	vld [tilespmem:s25+$0x0];
	[tilespmem:s21+$0x0] =	vst v3;
	v1 =	vadd.f32 v10, v1  }
0x3fe: {  	v10 =	vld [tilespmem:s25+$0x10];
	[tilespmem:s21+$0x10] =	vst v2  }
0x3ff: {  	v11 =	vld [tilespmem:s25+$0x20];
	[tilespmem:s21+$0x20] =	vst v1  }
0x400: {  	v12 =	vld [tilespmem:s25+$0xFFFFFFC0]  }
0x401: {  	v13 =	vld.idx.msk [tilespmem:v13+s5+$0x0], $0xffff  }
0x402: {  	v14 =	vld.idx.msk [tilespmem:v9+s5+$0x0], $0xffff  }
0x403: {  	v5 =	vld.idx.msk [tilespmem:v6+s5+$0x0], $0xffff  }
0x404: {  	v4 =	vld.idx.msk [tilespmem:v8+s5+$0x0], $0xffff  }
0x405: {  	v3 =	vld.idx.msk [tilespmem:v7+s5+$0x0], $0xffff  }
0x406: {  	s16 =	sadd.s32 $0x80, s16;
	v2 =	vld.idx.msk [tilespmem:v10+s5+$0x0], $0xffff  }
0x407: {  	s19 =	sadd.s32 $0x80, s19;
	v1 =	vld.idx.msk [tilespmem:v11+s5+$0x0], $0xffff;
	[tilespmem:s16+$0x30] =	vst v13  }
0x408: {  	[tilespmem:s16+$0xFFFFFFD0] =	vst v14;
	v7 =	vld [tilespmem:s19+$0x30]  }
0x409: {  	v10 =	vld.idx.msk [tilespmem:v12+s5+$0x0], $0xffff;
	[tilespmem:s16+$0xFFFFFFE0] =	vst v5  }
0x40a: {  	[tilespmem:s16+$0xFFFFFFF0] =	vst v4;
	v11 =	vld [tilespmem:s24+$0xFFFFFFC0];
	s24 =	smov.u32 s19  }
0x40b: {  	v15 =	vld [tilespmem:s19+$0xFFFFFFD0];
	[tilespmem:s16+$0x0] =	vst v3  }
.Ltmp13:
0x40c: {  	v9 =	vld [tilespmem:s19+$0xFFFFFFE0];
	[tilespmem:s16+$0x10] =	vst v2;
	(pc) =	sbr.rel @p0 .LBB2_23-.Ltmp13, $4  }
0x40d: {  	v6 =	vld [tilespmem:s19+$0xFFFFFFF0];
	[tilespmem:s16+$0x20] =	vst v1;
	v12 =	vadd.f32 v7, v13  }
0x40e: {  	s21 =	sadd.s32 $0x80, s21;
	v8 =	vld [tilespmem:s19+$0x0]  }
0x40f: {  	v7 =	vld [tilespmem:s19+$0x10];
	[tilespmem:s21+$0x30] =	vst v12;
	v12 =	vadd.f32 v11, v0;
	v0 =	vmov v10  }
0x410: {  	s25 =	sadd.s32 $0x80, s25;
	[tilespmem:s16+$0xFFFFFFC0] =	vst v0;
	v11 =	vadd.f32 v15, v14;
	v10 =	vld [tilespmem:s19+$0x20]  }
0x411: {  	v5 =	vadd.f32 v9, v5;
	[tilespmem:s6+$0xFFFFFFC0] =	vst v12;
	v9 =	vld [tilespmem:s24+$0xFFFFFFC0]  }
0x412: {  	[tilespmem:s21+$0xFFFFFFD0] =	vst v11;
	v4 =	vadd.f32 v6, v4  }
0x413: {  	[tilespmem:s21+$0xFFFFFFE0] =	vst v5;
	v3 =	vadd.f32 v8, v3  }
0x414: {  	[tilespmem:s21+$0xFFFFFFF0] =	vst v4;
	v2 =	vadd.f32 v7, v2  }
0x415: {  	[tilespmem:s21+$0x0] =	vst v3;
	v1 =	vadd.f32 v10, v1  }
0x416: {  	[tilespmem:s21+$0x10] =	vst v2;
	v0 =	vadd.f32 v9, v0  }
0x417: {  	[tilespmem:s21+$0x20] =	vst v1  }
0x418: {  	[tilespmem:s21+$0xFFFFFFC0] =	vst v0  }
0x419: {  	s6 =	rddreg [dreg:$0x17]  }
0x41a: {  	s16 =	simm.s32 $0x1B700;
	s21 =	rddreg [dreg:$0x18]  }
0x41b: {  	[hbm4b:s6+s12] =	stream.strided.scatter [tilespmem:s16], [sflag:$0x8], $0x800, s13, s12, $0x38;
	[tilespmem:$0x1EF00] =	vst v63  }
0x41c: {  	s22 =	simm.s32 $0x1D700;
	s24 =	sld [smem:$0x7FB]  }
0x41d: {  	[hbm4b:s21+s12] =	stream.strided.scatter [tilespmem:s22], [sflag:$0xC], $0x800, s13, s12, $0x38;
	[tilespmem:$0x1EF00] =	vst v63  }
0x41e: {  	s25 =	simm.s32 $0x19700  }
0x41f: {  	[tilespmem:s25], [sflag:$0x4] =	stream.strided.gather [hbm4b:s24+s12], $0x800, s13, s12, $0x38;
	[tilespmem:$0x1EF00] =	vst v63  }
0x420: {  	_ =	swait.ge [sflag:s30], $0x800  }
0x421: {  	[sflag:s30] =	ssyncset.done $0x0  }
0x422: {  	[sflag:s30] =	ssyncadd.s32 $0xFFFFF800  }
0x423: {  	_ =	swait.ge [sflag:s9], $0x800  }
0x424: {  	[sflag:s9] =	ssyncset.done $0x0  }
0x425: {  	[sflag:s9] =	ssyncadd.s32 $0xFFFFF800  }
0x426: {  	_ =	swait.ge [sflag:s10], $0x800  }
0x427: {  	[sflag:s10] =	ssyncset.done $0x0  }
0x428: {  	s28 =	simm.s32 $0x19F40;
	[sflag:s10] =	ssyncadd.s32 $0xFFFFF800  }
0x429: {  	v0 =	vld [tilespmem:s28+$0x30]  }
0x42a: {  	v1 =	vld [tilespmem:s28+$0xFFFFFFD0]  }
0x42b: {  	v2 =	vld [tilespmem:s28+$0xFFFFFFE0]  }
0x42c: {  	v3 =	vld [tilespmem:s28+$0xFFFFFFF0]  }
0x42d: {  	v4 =	vld [tilespmem:s28+$0x0]  }
0x42e: {  	v5 =	vld [tilespmem:s28+$0x10]  }
0x42f: {  	v6 =	vld [tilespmem:s28+$0x20]  }
0x430: {  	s19 =	simm.s32 $0x19FC0;
	v7 =	vld [tilespmem:s28+$0xFFFFFFC0]  }
0x431: {  	v15 =	vld [tilespmem:s19+$0x30]  }
0x432: {  	v16 =	vld [tilespmem:s19+$0xFFFFFFD0]  }
0x433: {  	v17 =	vld [tilespmem:s19+$0xFFFFFFE0]  }
0x434: {  	v18 =	vld [tilespmem:s19+$0xFFFFFFF0]  }
0x435: {  	v19 =	vld [tilespmem:s19+$0x0]  }
0x436: {  	v20 =	vld [tilespmem:s19+$0x10]  }
0x437: {  	v0 =	vld.idx.msk [tilespmem:v0+s5+$0x0], $0xffff  }
0x438: {  	v1 =	vld.idx.msk [tilespmem:v1+s5+$0x0], $0xffff  }
0x439: {  	v2 =	vld.idx.msk [tilespmem:v2+s5+$0x0], $0xffff  }
0x43a: {  	v3 =	vld.idx.msk [tilespmem:v3+s5+$0x0], $0xffff  }
0x43b: {  	v4 =	vld.idx.msk [tilespmem:v4+s5+$0x0], $0xffff  }
0x43c: {  	v8 =	vld.idx.msk [tilespmem:v5+s5+$0x0], $0xffff  }
0x43d: {  	v6 =	vld.idx.msk [tilespmem:v6+s5+$0x0], $0xffff  }
0x43e: {  	s29 =	simm.s32 $0x1BF40;
	v10 =	vld.idx.msk [tilespmem:v7+s5+$0x0], $0xffff  }
0x43f: {  	s31 =	simm.s32 $0x18740;
	v15 =	vld.idx.msk [tilespmem:v15+s5+$0x0], $0xffff;
	[tilespmem:s29+$0x30] =	vst v0  }
0x440: {  	[tilespmem:s29+$0xFFFFFFD0] =	vst v1;
	v5 =	vld [tilespmem:s31+$0x30]  }
0x441: {  	[tilespmem:s29+$0xFFFFFFE0] =	vst v2;
	v7 =	vld [tilespmem:s31+$0xFFFFFFD0]  }
0x442: {  	[tilespmem:s29+$0xFFFFFFF0] =	vst v3;
	v9 =	vld [tilespmem:s31+$0xFFFFFFE0]  }
0x443: {  	[tilespmem:s29+$0x0] =	vst v4;
	v11 =	vld [tilespmem:s31+$0xFFFFFFF0]  }
0x444: {  	[tilespmem:s29+$0x10] =	vst v8;
	v12 =	vld [tilespmem:s31+$0x0]  }
0x445: {  	v13 =	vld [tilespmem:s31+$0x10]  }
0x446: {  	[tilespmem:s29+$0x20] =	vst v6;
	v1 =	vadd.f32 v7, v1;
	v7 =	vld [tilespmem:s19+$0x20]  }
0x447: {  	s16 =	simm.s32 $0x1BFC0;
	[tilespmem:s29+$0xFFFFFFC0] =	vst v10;
	v14 =	vld [tilespmem:s31+$0x20];
	v0 =	vadd.f32 v5, v0  }
0x448: {  	s6 =	simm.s32 $0x1DF40;
	[tilespmem:s16+$0x30] =	vst v15;
	v5 =	vld.idx.msk [tilespmem:v17+s5+$0x0], $0xffff  }
0x449: {  	[tilespmem:s6+$0x30] =	vst v0;
	v0 =	vadd.f32 v9, v2;
	v9 =	vld [tilespmem:s19+$0xFFFFFFC0]  }
0x44a: {  	[tilespmem:s6+$0xFFFFFFD0] =	vst v1;
	v1 =	vadd.f32 v11, v3;
	v11 =	vld.idx.msk [tilespmem:v16+s5+$0x0], $0xffff  }
0x44b: {  	v3 =	vld.idx.msk [tilespmem:v19+s5+$0x0], $0xffff;
	[tilespmem:s6+$0xFFFFFFE0] =	vst v0  }
0x44c: {  	v2 =	vld.idx.msk [tilespmem:v20+s5+$0x0], $0xffff;
	[tilespmem:s6+$0xFFFFFFF0] =	vst v1;
	v1 =	vadd.f32 v13, v8  }
0x44d: {  	v0 =	vadd.f32 v12, v4;
	v4 =	vld.idx.msk [tilespmem:v18+s5+$0x0], $0xffff;
	[tilespmem:s16+$0xFFFFFFE0] =	vst v5  }
0x44e: {  	s19 =	simm.s32 $0x187C0;
	[tilespmem:s6+$0x10] =	vst v1;
	v1 =	vld.idx.msk [tilespmem:v7+s5+$0x0], $0xffff  }
0x44f: {  	[tilespmem:s6+$0x0] =	vst v0;
	v7 =	vld [tilespmem:s19+$0x30]  }
0x450: {  	v12 =	vld [tilespmem:s31+$0xFFFFFFC0];
	v0 =	vadd.f32 v14, v6;
	[tilespmem:s16+$0xFFFFFFD0] =	vst v11  }
0x451: {  	[tilespmem:s16+$0x0] =	vst v3;
	v13 =	vld [tilespmem:s19+$0xFFFFFFD0]  }
0x452: {  	[tilespmem:s6+$0x20] =	vst v0;
	v0 =	vld.idx.msk [tilespmem:v9+s5+$0x0], $0xffff  }
0x453: {  	[tilespmem:s16+$0xFFFFFFF0] =	vst v4;
	v9 =	vld [tilespmem:s19+$0xFFFFFFE0]  }
0x454: {  	[tilespmem:s16+$0x10] =	vst v2;
	v6 =	vld [tilespmem:s19+$0xFFFFFFF0];
	v14 =	vadd.f32 v7, v15  }
0x455: {  	s21 =	simm.s32 $0x1DFC0;
	v8 =	vld [tilespmem:s19+$0x0];
	[tilespmem:s16+$0x20] =	vst v1  }
0x456: {  	v12 =	vadd.f32 v12, v10;
	v7 =	vld [tilespmem:s19+$0x10];
	[tilespmem:s21+$0x30] =	vst v14  }
0x457: {  	s22 =	simm.s32 $0x80;
	s25 =	simm.s32 $0x1A040;
	s24 =	simm.s32 $0x187C0;
	v11 =	vadd.f32 v13, v11;
	v10 =	vld [tilespmem:s19+$0x20];
	[tilespmem:s16+$0xFFFFFFC0] =	vst v0  }
.LBB2_25:
0x458: {  	v13 =	vld [tilespmem:s25+$0x30];
	s22 =	sadd.s32 $0x80, s22;
	v5 =	vadd.f32 v9, v5;
	[tilespmem:s6+$0xFFFFFFC0] =	vst v12;
	s6 =	smov.u32 s21  }
0x459: {  	v9 =	vld [tilespmem:s25+$0xFFFFFFD0];
	p0 =	slt.u32 s22, $0x780;
	[tilespmem:s21+$0xFFFFFFD0] =	vst v11;
	v4 =	vadd.f32 v6, v4  }
0x45a: {  	v6 =	vld [tilespmem:s25+$0xFFFFFFE0];
	[tilespmem:s21+$0xFFFFFFE0] =	vst v5;
	v3 =	vadd.f32 v8, v3  }
0x45b: {  	v8 =	vld [tilespmem:s25+$0xFFFFFFF0];
	[tilespmem:s21+$0xFFFFFFF0] =	vst v4;
	v2 =	vadd.f32 v7, v2  }
0x45c: {  	v7 =	vld [tilespmem:s25+$0x0];
	[tilespmem:s21+$0x0] =	vst v3;
	v1 =	vadd.f32 v10, v1  }
0x45d: {  	v10 =	vld [tilespmem:s25+$0x10];
	[tilespmem:s21+$0x10] =	vst v2  }
0x45e: {  	v11 =	vld [tilespmem:s25+$0x20];
	[tilespmem:s21+$0x20] =	vst v1  }
0x45f: {  	v12 =	vld [tilespmem:s25+$0xFFFFFFC0]  }
0x460: {  	v13 =	vld.idx.msk [tilespmem:v13+s5+$0x0], $0xffff  }
0x461: {  	v14 =	vld.idx.msk [tilespmem:v9+s5+$0x0], $0xffff  }
0x462: {  	v5 =	vld.idx.msk [tilespmem:v6+s5+$0x0], $0xffff  }
0x463: {  	v4 =	vld.idx.msk [tilespmem:v8+s5+$0x0], $0xffff  }
0x464: {  	v3 =	vld.idx.msk [tilespmem:v7+s5+$0x0], $0xffff  }
0x465: {  	s16 =	sadd.s32 $0x80, s16;
	v2 =	vld.idx.msk [tilespmem:v10+s5+$0x0], $0xffff  }
0x466: {  	s19 =	sadd.s32 $0x80, s19;
	v1 =	vld.idx.msk [tilespmem:v11+s5+$0x0], $0xffff;
	[tilespmem:s16+$0x30] =	vst v13  }
0x467: {  	[tilespmem:s16+$0xFFFFFFD0] =	vst v14;
	v7 =	vld [tilespmem:s19+$0x30]  }
0x468: {  	v10 =	vld.idx.msk [tilespmem:v12+s5+$0x0], $0xffff;
	[tilespmem:s16+$0xFFFFFFE0] =	vst v5  }
0x469: {  	[tilespmem:s16+$0xFFFFFFF0] =	vst v4;
	v11 =	vld [tilespmem:s24+$0xFFFFFFC0];
	s24 =	smov.u32 s19  }
0x46a: {  	v15 =	vld [tilespmem:s19+$0xFFFFFFD0];
	[tilespmem:s16+$0x0] =	vst v3  }
.Ltmp14:
0x46b: {  	v9 =	vld [tilespmem:s19+$0xFFFFFFE0];
	[tilespmem:s16+$0x10] =	vst v2;
	(pc) =	sbr.rel @p0 .LBB2_25-.Ltmp14, $4  }
0x46c: {  	v6 =	vld [tilespmem:s19+$0xFFFFFFF0];
	[tilespmem:s16+$0x20] =	vst v1;
	v12 =	vadd.f32 v7, v13  }
0x46d: {  	s21 =	sadd.s32 $0x80, s21;
	v8 =	vld [tilespmem:s19+$0x0]  }
0x46e: {  	v7 =	vld [tilespmem:s19+$0x10];
	[tilespmem:s21+$0x30] =	vst v12;
	v12 =	vadd.f32 v11, v0;
	v0 =	vmov v10  }
0x46f: {  	s25 =	sadd.s32 $0x80, s25;
	[tilespmem:s16+$0xFFFFFFC0] =	vst v0;
	v11 =	vadd.f32 v15, v14;
	v10 =	vld [tilespmem:s19+$0x20]  }
0x470: {  	v5 =	vadd.f32 v9, v5;
	[tilespmem:s6+$0xFFFFFFC0] =	vst v12;
	v9 =	vld [tilespmem:s24+$0xFFFFFFC0]  }
0x471: {  	[tilespmem:s21+$0xFFFFFFD0] =	vst v11;
	v4 =	vadd.f32 v6, v4  }
0x472: {  	[tilespmem:s21+$0xFFFFFFE0] =	vst v5;
	v3 =	vadd.f32 v8, v3  }
0x473: {  	[tilespmem:s21+$0xFFFFFFF0] =	vst v4;
	v2 =	vadd.f32 v7, v2  }
0x474: {  	[tilespmem:s21+$0x0] =	vst v3;
	v1 =	vadd.f32 v10, v1  }
0x475: {  	[tilespmem:s21+$0x10] =	vst v2;
	v0 =	vadd.f32 v9, v0  }
0x476: {  	[tilespmem:s21+$0x20] =	vst v1  }
0x477: {  	[tilespmem:s21+$0xFFFFFFC0] =	vst v0  }
0x478: {  	s6 =	rddreg [dreg:$0x1b]  }
0x479: {  	s16 =	simm.s32 $0x1BF00;
	s22 =	rddreg [dreg:$0x1c]  }
0x47a: {  	[hbm4b:s6+s12] =	stream.strided.scatter [tilespmem:s16], [sflag:$0x9], $0x800, s13, s12, $0x38;
	[tilespmem:$0x1EF00] =	vst v63  }
0x47b: {  	s24 =	sld [smem:$0x7FC]  }
0x47c: {  	[hbm4b:s22+s12] =	stream.strided.scatter [tilespmem:s14], [sflag:$0xD], $0x800, s13, s12, $0x38;
	[tilespmem:$0x1EF00] =	vst v63  }
0x47d: {  	s25 =	simm.s32 $0x19F00  }
0x47e: {  	[tilespmem:s25], [sflag:$0x5] =	stream.strided.gather [hbm4b:s24+s12], $0x800, s13, s12, $0x38;
	[tilespmem:$0x1EF00] =	vst v63  }
0x47f: {  	_ =	swait.ge [sflag:s15], $0x800  }
0x480: {  	[sflag:s15] =	ssyncset.done $0x0  }
0x481: {  	[sflag:s15] =	ssyncadd.s32 $0xFFFFF800  }
0x482: {  	_ =	swait.ge [sflag:s11], $0x800  }
0x483: {  	[sflag:s11] =	ssyncset.done $0x0  }
0x484: {  	[sflag:s11] =	ssyncadd.s32 $0xFFFFF800  }
0x485: {  	_ =	swait.ge [sflag:s20], $0x800  }
0x486: {  	[sflag:s20] =	ssyncset.done $0x0  }
0x487: {  	s28 =	simm.s32 $0x1A740;
	[sflag:s20] =	ssyncadd.s32 $0xFFFFF800  }
0x488: {  	v0 =	vld [tilespmem:s28+$0x30]  }
0x489: {  	v1 =	vld [tilespmem:s28+$0xFFFFFFD0]  }
0x48a: {  	v2 =	vld [tilespmem:s28+$0xFFFFFFE0]  }
0x48b: {  	v3 =	vld [tilespmem:s28+$0xFFFFFFF0]  }
0x48c: {  	v4 =	vld [tilespmem:s28+$0x0]  }
0x48d: {  	v5 =	vld [tilespmem:s28+$0x10]  }
0x48e: {  	v6 =	vld [tilespmem:s28+$0x20]  }
0x48f: {  	s19 =	simm.s32 $0x1A7C0;
	v7 =	vld [tilespmem:s28+$0xFFFFFFC0]  }
0x490: {  	v15 =	vld [tilespmem:s19+$0x30]  }
0x491: {  	v16 =	vld [tilespmem:s19+$0xFFFFFFD0]  }
0x492: {  	v17 =	vld [tilespmem:s19+$0xFFFFFFE0]  }
0x493: {  	v18 =	vld [tilespmem:s19+$0xFFFFFFF0]  }
0x494: {  	v19 =	vld [tilespmem:s19+$0x0]  }
0x495: {  	v20 =	vld [tilespmem:s19+$0x10]  }
0x496: {  	v0 =	vld.idx.msk [tilespmem:v0+s5+$0x0], $0xffff  }
0x497: {  	v1 =	vld.idx.msk [tilespmem:v1+s5+$0x0], $0xffff  }
0x498: {  	v2 =	vld.idx.msk [tilespmem:v2+s5+$0x0], $0xffff  }
0x499: {  	v3 =	vld.idx.msk [tilespmem:v3+s5+$0x0], $0xffff  }
0x49a: {  	v4 =	vld.idx.msk [tilespmem:v4+s5+$0x0], $0xffff  }
0x49b: {  	v8 =	vld.idx.msk [tilespmem:v5+s5+$0x0], $0xffff  }
0x49c: {  	v6 =	vld.idx.msk [tilespmem:v6+s5+$0x0], $0xffff  }
0x49d: {  	s29 =	simm.s32 $0x1C740;
	v10 =	vld.idx.msk [tilespmem:v7+s5+$0x0], $0xffff  }
0x49e: {  	s31 =	simm.s32 $0x18740;
	v15 =	vld.idx.msk [tilespmem:v15+s5+$0x0], $0xffff;
	[tilespmem:s29+$0x30] =	vst v0  }
0x49f: {  	[tilespmem:s29+$0xFFFFFFD0] =	vst v1;
	v5 =	vld [tilespmem:s31+$0x30]  }
0x4a0: {  	[tilespmem:s29+$0xFFFFFFE0] =	vst v2;
	v7 =	vld [tilespmem:s31+$0xFFFFFFD0]  }
0x4a1: {  	[tilespmem:s29+$0xFFFFFFF0] =	vst v3;
	v9 =	vld [tilespmem:s31+$0xFFFFFFE0]  }
0x4a2: {  	[tilespmem:s29+$0x0] =	vst v4;
	v11 =	vld [tilespmem:s31+$0xFFFFFFF0]  }
0x4a3: {  	[tilespmem:s29+$0x10] =	vst v8;
	v12 =	vld [tilespmem:s31+$0x0]  }
0x4a4: {  	v13 =	vld [tilespmem:s31+$0x10]  }
0x4a5: {  	[tilespmem:s29+$0x20] =	vst v6;
	v1 =	vadd.f32 v7, v1;
	v7 =	vld [tilespmem:s19+$0x20]  }
0x4a6: {  	s16 =	simm.s32 $0x1C7C0;
	[tilespmem:s29+$0xFFFFFFC0] =	vst v10;
	v14 =	vld [tilespmem:s31+$0x20];
	v0 =	vadd.f32 v5, v0  }
0x4a7: {  	s6 =	simm.s32 $0x1E740;
	[tilespmem:s16+$0x30] =	vst v15;
	v5 =	vld.idx.msk [tilespmem:v17+s5+$0x0], $0xffff  }
0x4a8: {  	[tilespmem:s6+$0x30] =	vst v0;
	v0 =	vadd.f32 v9, v2;
	v9 =	vld [tilespmem:s19+$0xFFFFFFC0]  }
0x4a9: {  	[tilespmem:s6+$0xFFFFFFD0] =	vst v1;
	v1 =	vadd.f32 v11, v3;
	v11 =	vld.idx.msk [tilespmem:v16+s5+$0x0], $0xffff  }
0x4aa: {  	v3 =	vld.idx.msk [tilespmem:v19+s5+$0x0], $0xffff;
	[tilespmem:s6+$0xFFFFFFE0] =	vst v0  }
0x4ab: {  	v2 =	vld.idx.msk [tilespmem:v20+s5+$0x0], $0xffff;
	[tilespmem:s6+$0xFFFFFFF0] =	vst v1;
	v1 =	vadd.f32 v13, v8  }
0x4ac: {  	v0 =	vadd.f32 v12, v4;
	v4 =	vld.idx.msk [tilespmem:v18+s5+$0x0], $0xffff;
	[tilespmem:s16+$0xFFFFFFE0] =	vst v5  }
0x4ad: {  	s19 =	simm.s32 $0x187C0;
	[tilespmem:s6+$0x10] =	vst v1;
	v1 =	vld.idx.msk [tilespmem:v7+s5+$0x0], $0xffff  }
0x4ae: {  	[tilespmem:s6+$0x0] =	vst v0;
	v7 =	vld [tilespmem:s19+$0x30]  }
0x4af: {  	v12 =	vld [tilespmem:s31+$0xFFFFFFC0];
	v0 =	vadd.f32 v14, v6;
	[tilespmem:s16+$0xFFFFFFD0] =	vst v11  }
0x4b0: {  	[tilespmem:s16+$0x0] =	vst v3;
	v13 =	vld [tilespmem:s19+$0xFFFFFFD0]  }
0x4b1: {  	[tilespmem:s6+$0x20] =	vst v0;
	v0 =	vld.idx.msk [tilespmem:v9+s5+$0x0], $0xffff  }
0x4b2: {  	[tilespmem:s16+$0xFFFFFFF0] =	vst v4;
	v9 =	vld [tilespmem:s19+$0xFFFFFFE0]  }
0x4b3: {  	[tilespmem:s16+$0x10] =	vst v2;
	v6 =	vld [tilespmem:s19+$0xFFFFFFF0];
	v14 =	vadd.f32 v7, v15  }
0x4b4: {  	s21 =	simm.s32 $0x1E7C0;
	v8 =	vld [tilespmem:s19+$0x0];
	[tilespmem:s16+$0x20] =	vst v1  }
0x4b5: {  	v12 =	vadd.f32 v12, v10;
	v7 =	vld [tilespmem:s19+$0x10];
	[tilespmem:s21+$0x30] =	vst v14  }
0x4b6: {  	s22 =	simm.s32 $0x80;
	s25 =	simm.s32 $0x1A840;
	s24 =	simm.s32 $0x187C0;
	v11 =	vadd.f32 v13, v11;
	v10 =	vld [tilespmem:s19+$0x20];
	[tilespmem:s16+$0xFFFFFFC0] =	vst v0  }
.LBB2_27:
0x4b7: {  	v13 =	vld [tilespmem:s25+$0x30];
	s22 =	sadd.s32 $0x80, s22;
	v5 =	vadd.f32 v9, v5;
	[tilespmem:s6+$0xFFFFFFC0] =	vst v12;
	s6 =	smov.u32 s21  }
0x4b8: {  	v9 =	vld [tilespmem:s25+$0xFFFFFFD0];
	p0 =	slt.u32 s22, $0x780;
	[tilespmem:s21+$0xFFFFFFD0] =	vst v11;
	v4 =	vadd.f32 v6, v4  }
0x4b9: {  	v6 =	vld [tilespmem:s25+$0xFFFFFFE0];
	[tilespmem:s21+$0xFFFFFFE0] =	vst v5;
	v3 =	vadd.f32 v8, v3  }
0x4ba: {  	v8 =	vld [tilespmem:s25+$0xFFFFFFF0];
	[tilespmem:s21+$0xFFFFFFF0] =	vst v4;
	v2 =	vadd.f32 v7, v2  }
0x4bb: {  	v7 =	vld [tilespmem:s25+$0x0];
	[tilespmem:s21+$0x0] =	vst v3;
	v1 =	vadd.f32 v10, v1  }
0x4bc: {  	v10 =	vld [tilespmem:s25+$0x10];
	[tilespmem:s21+$0x10] =	vst v2  }
0x4bd: {  	v11 =	vld [tilespmem:s25+$0x20];
	[tilespmem:s21+$0x20] =	vst v1  }
0x4be: {  	v12 =	vld [tilespmem:s25+$0xFFFFFFC0]  }
0x4bf: {  	v13 =	vld.idx.msk [tilespmem:v13+s5+$0x0], $0xffff  }
0x4c0: {  	v14 =	vld.idx.msk [tilespmem:v9+s5+$0x0], $0xffff  }
0x4c1: {  	v5 =	vld.idx.msk [tilespmem:v6+s5+$0x0], $0xffff  }
0x4c2: {  	v4 =	vld.idx.msk [tilespmem:v8+s5+$0x0], $0xffff  }
0x4c3: {  	v3 =	vld.idx.msk [tilespmem:v7+s5+$0x0], $0xffff  }
0x4c4: {  	s16 =	sadd.s32 $0x80, s16;
	v2 =	vld.idx.msk [tilespmem:v10+s5+$0x0], $0xffff  }
0x4c5: {  	s19 =	sadd.s32 $0x80, s19;
	v1 =	vld.idx.msk [tilespmem:v11+s5+$0x0], $0xffff;
	[tilespmem:s16+$0x30] =	vst v13  }
0x4c6: {  	[tilespmem:s16+$0xFFFFFFD0] =	vst v14;
	v7 =	vld [tilespmem:s19+$0x30]  }
0x4c7: {  	v10 =	vld.idx.msk [tilespmem:v12+s5+$0x0], $0xffff;
	[tilespmem:s16+$0xFFFFFFE0] =	vst v5  }
0x4c8: {  	[tilespmem:s16+$0xFFFFFFF0] =	vst v4;
	v11 =	vld [tilespmem:s24+$0xFFFFFFC0];
	s24 =	smov.u32 s19  }
0x4c9: {  	v15 =	vld [tilespmem:s19+$0xFFFFFFD0];
	[tilespmem:s16+$0x0] =	vst v3  }
.Ltmp15:
0x4ca: {  	v9 =	vld [tilespmem:s19+$0xFFFFFFE0];
	[tilespmem:s16+$0x10] =	vst v2;
	(pc) =	sbr.rel @p0 .LBB2_27-.Ltmp15, $4  }
0x4cb: {  	v6 =	vld [tilespmem:s19+$0xFFFFFFF0];
	[tilespmem:s16+$0x20] =	vst v1;
	v12 =	vadd.f32 v7, v13  }
0x4cc: {  	s21 =	sadd.s32 $0x80, s21;
	v8 =	vld [tilespmem:s19+$0x0]  }
0x4cd: {  	v7 =	vld [tilespmem:s19+$0x10];
	[tilespmem:s21+$0x30] =	vst v12;
	v12 =	vadd.f32 v11, v0;
	v0 =	vmov v10  }
0x4ce: {  	s25 =	sadd.s32 $0x80, s25;
	[tilespmem:s16+$0xFFFFFFC0] =	vst v0;
	v11 =	vadd.f32 v15, v14;
	v10 =	vld [tilespmem:s19+$0x20]  }
0x4cf: {  	v5 =	vadd.f32 v9, v5;
	[tilespmem:s6+$0xFFFFFFC0] =	vst v12;
	v63 =	vld [tilespmem:s24+$0xFFFFFFC0]  }
0x4d0: {  	[tilespmem:s21+$0xFFFFFFD0] =	vst v11;
	v4 =	vadd.f32 v6, v4  }
0x4d1: {  	[tilespmem:s21+$0xFFFFFFE0] =	vst v5;
	v3 =	vadd.f32 v8, v3  }
0x4d2: {  	[tilespmem:s21+$0xFFFFFFF0] =	vst v4;
	v2 =	vadd.f32 v7, v2  }
0x4d3: {  	[tilespmem:s21+$0x0] =	vst v3;
	v1 =	vadd.f32 v10, v1  }
0x4d4: {  	[tilespmem:s21+$0x10] =	vst v2;
	v0 =	vadd.f32 v63, v0  }
0x4d5: {  	[tilespmem:s21+$0x20] =	vst v1  }
0x4d6: {  	[tilespmem:s21+$0xFFFFFFC0] =	vst v0  }
0x4d7: {  	s6 =	rddreg [dreg:$0x1d]  }
0x4d8: {  	s29 =	rddreg [dreg:$0x1e]  }
0x4d9: {  	[hbm4b:s6+s12] =	stream.strided.scatter [tilespmem:s17], [sflag:$0xA], $0x800, s13, s12, $0x38;
	[tilespmem:$0x1EF00] =	vst v63  }
0x4da: {  	s31 =	sld [smem:$0x7FD]  }
0x4db: {  	[hbm4b:s29+s12] =	stream.strided.scatter [tilespmem:s18], [sflag:$0xE], $0x800, s13, s12, $0x38;
	[tilespmem:$0x1EF00] =	vst v63  }
0x4dc: {  	s16 =	simm.s32 $0x1A700;
	s22 =	simm.s32 $0x1  }
0x4dd: {  	[tilespmem:s16], [sflag:$0x6] =	stream.strided.gather [hbm4b:s31+s12], $0x800, s13, s12, $0x38;
	[tilespmem:$0x1EF00] =	vst v63  }
.LBB2_29:
0x4de: {  	_ =	swait.ge [sflag:s23], $0x800  }
0x4df: {  	[sflag:s23] =	ssyncset.done $0x0  }
0x4e0: {  	[sflag:s23] =	ssyncadd.s32 $0xFFFFF800  }
0x4e1: {  	_ =	swait.ge [sflag:s0], $0x800  }
0x4e2: {  	[sflag:s0] =	ssyncset.done $0x0  }
0x4e3: {  	[sflag:s0] =	ssyncadd.s32 $0xFFFFF800  }
0x4e4: {  	_ =	swait.ge [sflag:s4], $0x800  }
0x4e5: {  	[sflag:s4] =	ssyncset.done $0x0  }
0x4e6: {  	s6 =	simm.s32 $0x18F40;
	[sflag:s4] =	ssyncadd.s32 $0xFFFFF800  }
0x4e7: {  	v0 =	vld [tilespmem:s6+$0x30]  }
0x4e8: {  	v1 =	vld [tilespmem:s6+$0xFFFFFFD0]  }
0x4e9: {  	v2 =	vld [tilespmem:s6+$0xFFFFFFE0]  }
0x4ea: {  	v3 =	vld [tilespmem:s6+$0xFFFFFFF0]  }
0x4eb: {  	v4 =	vld [tilespmem:s6+$0x0]  }
0x4ec: {  	v5 =	vld [tilespmem:s6+$0x10]  }
0x4ed: {  	v6 =	vld [tilespmem:s6+$0x20]  }
0x4ee: {  	s21 =	simm.s32 $0x18FC0;
	v7 =	vld [tilespmem:s6+$0xFFFFFFC0]  }
0x4ef: {  	v15 =	vld [tilespmem:s21+$0x30]  }
0x4f0: {  	v16 =	vld [tilespmem:s21+$0xFFFFFFD0]  }
0x4f1: {  	v17 =	vld [tilespmem:s21+$0xFFFFFFE0]  }
0x4f2: {  	v18 =	vld [tilespmem:s21+$0xFFFFFFF0]  }
0x4f3: {  	v19 =	vld [tilespmem:s21+$0x0]  }
0x4f4: {  	v20 =	vld [tilespmem:s21+$0x10]  }
0x4f5: {  	v0 =	vld.idx.msk [tilespmem:v0+s5+$0x0], $0xffff  }
0x4f6: {  	v1 =	vld.idx.msk [tilespmem:v1+s5+$0x0], $0xffff  }
0x4f7: {  	v2 =	vld.idx.msk [tilespmem:v2+s5+$0x0], $0xffff  }
0x4f8: {  	v3 =	vld.idx.msk [tilespmem:v3+s5+$0x0], $0xffff  }
0x4f9: {  	v4 =	vld.idx.msk [tilespmem:v4+s5+$0x0], $0xffff  }
0x4fa: {  	v8 =	vld.idx.msk [tilespmem:v5+s5+$0x0], $0xffff  }
0x4fb: {  	v6 =	vld.idx.msk [tilespmem:v6+s5+$0x0], $0xffff  }
0x4fc: {  	s16 =	simm.s32 $0x1AF40;
	v10 =	vld.idx.msk [tilespmem:v7+s5+$0x0], $0xffff  }
0x4fd: {  	s19 =	simm.s32 $0x18740;
	v15 =	vld.idx.msk [tilespmem:v15+s5+$0x0], $0xffff;
	[tilespmem:s16+$0x30] =	vst v0  }
0x4fe: {  	[tilespmem:s16+$0xFFFFFFD0] =	vst v1;
	v5 =	vld [tilespmem:s19+$0x30]  }
0x4ff: {  	[tilespmem:s16+$0xFFFFFFE0] =	vst v2;
	v7 =	vld [tilespmem:s19+$0xFFFFFFD0]  }
0x500: {  	[tilespmem:s16+$0xFFFFFFF0] =	vst v3;
	v9 =	vld [tilespmem:s19+$0xFFFFFFE0]  }
0x501: {  	[tilespmem:s16+$0x0] =	vst v4;
	v11 =	vld [tilespmem:s19+$0xFFFFFFF0]  }
0x502: {  	[tilespmem:s16+$0x10] =	vst v8;
	v12 =	vld [tilespmem:s19+$0x0]  }
0x503: {  	v13 =	vld [tilespmem:s19+$0x10]  }
0x504: {  	[tilespmem:s16+$0x20] =	vst v6;
	v1 =	vadd.f32 v7, v1;
	v7 =	vld [tilespmem:s21+$0x20]  }
0x505: {  	[tilespmem:s16+$0xFFFFFFC0] =	vst v10;
	s16 =	simm.s32 $0x1AFC0;
	v14 =	vld [tilespmem:s19+$0x20];
	v0 =	vadd.f32 v5, v0  }
0x506: {  	s6 =	simm.s32 $0x1CF40;
	[tilespmem:s16+$0x30] =	vst v15;
	v5 =	vld.idx.msk [tilespmem:v17+s5+$0x0], $0xffff  }
0x507: {  	[tilespmem:s6+$0x30] =	vst v0;
	v0 =	vadd.f32 v9, v2;
	v9 =	vld [tilespmem:s21+$0xFFFFFFC0]  }
0x508: {  	[tilespmem:s6+$0xFFFFFFD0] =	vst v1;
	v1 =	vadd.f32 v11, v3;
	v11 =	vld.idx.msk [tilespmem:v16+s5+$0x0], $0xffff  }
0x509: {  	v3 =	vld.idx.msk [tilespmem:v19+s5+$0x0], $0xffff;
	[tilespmem:s6+$0xFFFFFFE0] =	vst v0  }
0x50a: {  	v2 =	vld.idx.msk [tilespmem:v20+s5+$0x0], $0xffff;
	[tilespmem:s6+$0xFFFFFFF0] =	vst v1;
	v1 =	vadd.f32 v13, v8  }
0x50b: {  	v0 =	vadd.f32 v12, v4;
	v4 =	vld.idx.msk [tilespmem:v18+s5+$0x0], $0xffff;
	[tilespmem:s16+$0xFFFFFFE0] =	vst v5  }
0x50c: {  	s21 =	simm.s32 $0x187C0;
	[tilespmem:s6+$0x10] =	vst v1;
	v1 =	vld.idx.msk [tilespmem:v7+s5+$0x0], $0xffff  }
0x50d: {  	[tilespmem:s6+$0x0] =	vst v0;
	v7 =	vld [tilespmem:s21+$0x30]  }
0x50e: {  	v12 =	vld [tilespmem:s19+$0xFFFFFFC0];
	v0 =	vadd.f32 v14, v6;
	[tilespmem:s16+$0xFFFFFFD0] =	vst v11  }
0x50f: {  	[tilespmem:s16+$0x0] =	vst v3;
	v13 =	vld [tilespmem:s21+$0xFFFFFFD0]  }
0x510: {  	[tilespmem:s6+$0x20] =	vst v0;
	v0 =	vld.idx.msk [tilespmem:v9+s5+$0x0], $0xffff  }
0x511: {  	[tilespmem:s16+$0xFFFFFFF0] =	vst v4;
	v9 =	vld [tilespmem:s21+$0xFFFFFFE0]  }
0x512: {  	[tilespmem:s16+$0x10] =	vst v2;
	v6 =	vld [tilespmem:s21+$0xFFFFFFF0];
	v14 =	vadd.f32 v7, v15  }
0x513: {  	s19 =	simm.s32 $0x1CFC0;
	v8 =	vld [tilespmem:s21+$0x0];
	[tilespmem:s16+$0x20] =	vst v1  }
0x514: {  	v12 =	vadd.f32 v12, v10;
	v7 =	vld [tilespmem:s21+$0x10];
	[tilespmem:s19+$0x30] =	vst v14  }
0x515: {  	s24 =	simm.s32 $0x80;
	s28 =	simm.s32 $0x19040;
	s25 =	simm.s32 $0x187C0;
	v11 =	vadd.f32 v13, v11;
	v10 =	vld [tilespmem:s21+$0x20];
	[tilespmem:s16+$0xFFFFFFC0] =	vst v0  }
.LBB2_30:
0x516: {  	v13 =	vld [tilespmem:s28+$0x30];
	s24 =	sadd.s32 $0x80, s24;
	v5 =	vadd.f32 v9, v5;
	[tilespmem:s6+$0xFFFFFFC0] =	vst v12;
	s6 =	smov.u32 s19  }
0x517: {  	v9 =	vld [tilespmem:s28+$0xFFFFFFD0];
	p0 =	slt.u32 s24, $0x780;
	[tilespmem:s19+$0xFFFFFFD0] =	vst v11;
	v4 =	vadd.f32 v6, v4  }
0x518: {  	v6 =	vld [tilespmem:s28+$0xFFFFFFE0];
	[tilespmem:s19+$0xFFFFFFE0] =	vst v5;
	v3 =	vadd.f32 v8, v3  }
0x519: {  	v8 =	vld [tilespmem:s28+$0xFFFFFFF0];
	[tilespmem:s19+$0xFFFFFFF0] =	vst v4;
	v2 =	vadd.f32 v7, v2  }
0x51a: {  	v7 =	vld [tilespmem:s28+$0x0];
	[tilespmem:s19+$0x0] =	vst v3;
	v1 =	vadd.f32 v10, v1  }
0x51b: {  	v10 =	vld [tilespmem:s28+$0x10];
	[tilespmem:s19+$0x10] =	vst v2  }
0x51c: {  	v11 =	vld [tilespmem:s28+$0x20];
	[tilespmem:s19+$0x20] =	vst v1  }
0x51d: {  	v12 =	vld [tilespmem:s28+$0xFFFFFFC0]  }
0x51e: {  	v13 =	vld.idx.msk [tilespmem:v13+s5+$0x0], $0xffff  }
0x51f: {  	v14 =	vld.idx.msk [tilespmem:v9+s5+$0x0], $0xffff  }
0x520: {  	v5 =	vld.idx.msk [tilespmem:v6+s5+$0x0], $0xffff  }
0x521: {  	v4 =	vld.idx.msk [tilespmem:v8+s5+$0x0], $0xffff  }
0x522: {  	v3 =	vld.idx.msk [tilespmem:v7+s5+$0x0], $0xffff  }
0x523: {  	s16 =	sadd.s32 $0x80, s16;
	v2 =	vld.idx.msk [tilespmem:v10+s5+$0x0], $0xffff  }
0x524: {  	s21 =	sadd.s32 $0x80, s21;
	v1 =	vld.idx.msk [tilespmem:v11+s5+$0x0], $0xffff;
	[tilespmem:s16+$0x30] =	vst v13  }
0x525: {  	[tilespmem:s16+$0xFFFFFFD0] =	vst v14;
	v7 =	vld [tilespmem:s21+$0x30]  }
0x526: {  	v10 =	vld.idx.msk [tilespmem:v12+s5+$0x0], $0xffff;
	[tilespmem:s16+$0xFFFFFFE0] =	vst v5  }
0x527: {  	[tilespmem:s16+$0xFFFFFFF0] =	vst v4;
	v11 =	vld [tilespmem:s25+$0xFFFFFFC0];
	s25 =	smov.u32 s21  }
0x528: {  	v15 =	vld [tilespmem:s21+$0xFFFFFFD0];
	[tilespmem:s16+$0x0] =	vst v3  }
.Ltmp16:
0x529: {  	v9 =	vld [tilespmem:s21+$0xFFFFFFE0];
	[tilespmem:s16+$0x10] =	vst v2;
	(pc) =	sbr.rel @p0 .LBB2_30-.Ltmp16, $4  }
0x52a: {  	v6 =	vld [tilespmem:s21+$0xFFFFFFF0];
	[tilespmem:s16+$0x20] =	vst v1;
	v12 =	vadd.f32 v7, v13  }
0x52b: {  	s19 =	sadd.s32 $0x80, s19;
	v8 =	vld [tilespmem:s21+$0x0]  }
0x52c: {  	v7 =	vld [tilespmem:s21+$0x10];
	[tilespmem:s19+$0x30] =	vst v12;
	v12 =	vadd.f32 v11, v0;
	v0 =	vmov v10  }
0x52d: {  	s28 =	sadd.s32 $0x80, s28;
	[tilespmem:s16+$0xFFFFFFC0] =	vst v0;
	v11 =	vadd.f32 v15, v14;
	v10 =	vld [tilespmem:s21+$0x20]  }
0x52e: {  	v5 =	vadd.f32 v9, v5;
	[tilespmem:s6+$0xFFFFFFC0] =	vst v12  }
0x52f: {  	[tilespmem:s19+$0xFFFFFFD0] =	vst v11;
	v4 =	vadd.f32 v6, v4  }
0x530: {  	v9 =	vld [tilespmem:s25+$0xFFFFFFC0];
	[tilespmem:s19+$0xFFFFFFE0] =	vst v5;
	v3 =	vadd.f32 v8, v3  }
0x531: {  	[tilespmem:s19+$0xFFFFFFF0] =	vst v4;
	v2 =	vadd.f32 v7, v2  }
0x532: {  	[tilespmem:s19+$0x0] =	vst v3  }
0x533: {  	[tilespmem:s19+$0x10] =	vst v2  }
0x534: {  	s21 =	sshll.u32 s22, $0x13;
	v1 =	vadd.f32 v10, v1;
	s16 =	rddreg [dreg:$0x11]  }
0x535: {  	v0 =	vadd.f32 v9, v0;
	s6 =	sor.u32 s16, s21  }
0x536: {  	[tilespmem:s19+$0x20] =	vst v1;
	s6 =	sshrl.u32 s6, $0x3  }
0x537: {  	s25 =	simm.s32 $0x1AF00;
	[tilespmem:s19+$0xFFFFFFC0] =	vst v0;
	s24 =	sadd.s32 s3, s6  }
0x538: {  	[hbm4b:s24+s12] =	stream.strided.scatter [tilespmem:s25], [sflag:$0x7], $0x800, s13, s12, $0x38;
	[tilespmem:$0x1EF00] =	vst v63  }
0x539: {  	s21 =	sadd.s32 s2, s6;
	s24 =	simm.s32 $0x1CF00  }
0x53a: {  	[hbm4b:s21+s12] =	stream.strided.scatter [tilespmem:s24], [sflag:$0xB], $0x800, s13, s12, $0x38;
	[tilespmem:$0x1EF00] =	vst v63  }
0x53b: {  	p0 =	seq.s32 s22, $0xF;
	s21 =	sshll.u32 s22, $0x2  }
0x53c: {  	s16 =	sadd.s32 @!p0 $0x4, s21  }
0x53d: {  	s19 =	sshll.u32 @!p0 s16, $0x4  }
0x53e: {  	s16 =	sshll.u32 @!p0 s16, $0x8;
	s19 =	sand.u32 @!p0 $0x40, s19  }
0x53f: {  	s25 =	simm.s32 @!p0 $0x18F00;
	s16 =	sand.u32 @!p0 $0x7800, s16;
	s19 =	sadd.s32 @!p0 s1, s19  }
0x540: {  	s24 =	simm.s32 @!p0 $0x400;
	s16 =	sadd.s32 @!p0 s16, s19;
	s19 =	simm.s32 @!p0 $0x80  }
0x541: {  	[tilespmem:s25], [sflag:$0x3] =	stream.strided.gather @!p0 [hbm4b:s16+s19], $0x800, s24, s19, $0x38;
	[tilespmem:$0x1EF00] =	vst v63  }
0x542: {  	_ =	swait.ge [sflag:s26], $0x800  }
0x543: {  	[sflag:s26] =	ssyncset.done $0x0  }
0x544: {  	[sflag:s26] =	ssyncadd.s32 $0xFFFFF800  }
0x545: {  	_ =	swait.ge [sflag:s7], $0x800  }
0x546: {  	[sflag:s7] =	ssyncset.done $0x0  }
0x547: {  	[sflag:s7] =	ssyncadd.s32 $0xFFFFF800  }
0x548: {  	_ =	swait.ge [sflag:s8], $0x800  }
0x549: {  	[sflag:s8] =	ssyncset.done $0x0  }
0x54a: {  	s25 =	simm.s32 $0x19740;
	[sflag:s8] =	ssyncadd.s32 $0xFFFFF800  }
0x54b: {  	v0 =	vld [tilespmem:s25+$0x30]  }
0x54c: {  	v1 =	vld [tilespmem:s25+$0xFFFFFFD0]  }
0x54d: {  	v2 =	vld [tilespmem:s25+$0xFFFFFFE0]  }
0x54e: {  	v3 =	vld [tilespmem:s25+$0xFFFFFFF0]  }
0x54f: {  	v4 =	vld [tilespmem:s25+$0x0]  }
0x550: {  	v5 =	vld [tilespmem:s25+$0x10]  }
0x551: {  	v6 =	vld [tilespmem:s25+$0x20]  }
0x552: {  	v7 =	vld [tilespmem:s25+$0xFFFFFFC0];
	s25 =	simm.s32 $0x197C0  }
0x553: {  	v15 =	vld [tilespmem:s25+$0x30]  }
0x554: {  	v16 =	vld [tilespmem:s25+$0xFFFFFFD0]  }
0x555: {  	v17 =	vld [tilespmem:s25+$0xFFFFFFE0]  }
0x556: {  	v18 =	vld [tilespmem:s25+$0xFFFFFFF0]  }
0x557: {  	v19 =	vld [tilespmem:s25+$0x0]  }
0x558: {  	v20 =	vld [tilespmem:s25+$0x10]  }
0x559: {  	v0 =	vld.idx.msk [tilespmem:v0+s5+$0x0], $0xffff  }
0x55a: {  	v1 =	vld.idx.msk [tilespmem:v1+s5+$0x0], $0xffff  }
0x55b: {  	v2 =	vld.idx.msk [tilespmem:v2+s5+$0x0], $0xffff  }
0x55c: {  	v3 =	vld.idx.msk [tilespmem:v3+s5+$0x0], $0xffff  }
0x55d: {  	v4 =	vld.idx.msk [tilespmem:v4+s5+$0x0], $0xffff  }
0x55e: {  	v8 =	vld.idx.msk [tilespmem:v5+s5+$0x0], $0xffff  }
0x55f: {  	v6 =	vld.idx.msk [tilespmem:v6+s5+$0x0], $0xffff  }
0x560: {  	s19 =	simm.s32 $0x1B740;
	v10 =	vld.idx.msk [tilespmem:v7+s5+$0x0], $0xffff  }
0x561: {  	s24 =	simm.s32 $0x18740;
	v15 =	vld.idx.msk [tilespmem:v15+s5+$0x0], $0xffff;
	[tilespmem:s19+$0x30] =	vst v0  }
0x562: {  	[tilespmem:s19+$0xFFFFFFD0] =	vst v1;
	v5 =	vld [tilespmem:s24+$0x30]  }
0x563: {  	[tilespmem:s19+$0xFFFFFFE0] =	vst v2;
	v7 =	vld [tilespmem:s24+$0xFFFFFFD0]  }
0x564: {  	[tilespmem:s19+$0xFFFFFFF0] =	vst v3;
	v9 =	vld [tilespmem:s24+$0xFFFFFFE0]  }
0x565: {  	[tilespmem:s19+$0x0] =	vst v4;
	v11 =	vld [tilespmem:s24+$0xFFFFFFF0]  }
0x566: {  	[tilespmem:s19+$0x10] =	vst v8;
	v12 =	vld [tilespmem:s24+$0x0]  }
0x567: {  	v13 =	vld [tilespmem:s24+$0x10]  }
0x568: {  	[tilespmem:s19+$0x20] =	vst v6;
	v1 =	vadd.f32 v7, v1;
	v7 =	vld [tilespmem:s25+$0x20]  }
0x569: {  	[tilespmem:s19+$0xFFFFFFC0] =	vst v10;
	s19 =	simm.s32 $0x1B7C0;
	v14 =	vld [tilespmem:s24+$0x20];
	v0 =	vadd.f32 v5, v0  }
0x56a: {  	s16 =	simm.s32 $0x1D740;
	[tilespmem:s19+$0x30] =	vst v15;
	v5 =	vld.idx.msk [tilespmem:v17+s5+$0x0], $0xffff  }
0x56b: {  	[tilespmem:s16+$0x30] =	vst v0;
	v0 =	vadd.f32 v9, v2;
	v9 =	vld [tilespmem:s25+$0xFFFFFFC0]  }
0x56c: {  	[tilespmem:s16+$0xFFFFFFD0] =	vst v1;
	v1 =	vadd.f32 v11, v3;
	v11 =	vld.idx.msk [tilespmem:v16+s5+$0x0], $0xffff  }
0x56d: {  	v3 =	vld.idx.msk [tilespmem:v19+s5+$0x0], $0xffff;
	[tilespmem:s16+$0xFFFFFFE0] =	vst v0  }
0x56e: {  	v2 =	vld.idx.msk [tilespmem:v20+s5+$0x0], $0xffff;
	[tilespmem:s16+$0xFFFFFFF0] =	vst v1;
	v1 =	vadd.f32 v13, v8  }
0x56f: {  	v0 =	vadd.f32 v12, v4;
	v4 =	vld.idx.msk [tilespmem:v18+s5+$0x0], $0xffff;
	[tilespmem:s19+$0xFFFFFFE0] =	vst v5  }
0x570: {  	s25 =	simm.s32 $0x187C0;
	[tilespmem:s16+$0x10] =	vst v1;
	v1 =	vld.idx.msk [tilespmem:v7+s5+$0x0], $0xffff  }
0x571: {  	[tilespmem:s16+$0x0] =	vst v0;
	v7 =	vld [tilespmem:s25+$0x30]  }
0x572: {  	v12 =	vld [tilespmem:s24+$0xFFFFFFC0];
	v0 =	vadd.f32 v14, v6;
	[tilespmem:s19+$0xFFFFFFD0] =	vst v11  }
0x573: {  	[tilespmem:s19+$0x0] =	vst v3;
	v13 =	vld [tilespmem:s25+$0xFFFFFFD0]  }
0x574: {  	[tilespmem:s16+$0x20] =	vst v0;
	v0 =	vld.idx.msk [tilespmem:v9+s5+$0x0], $0xffff  }
0x575: {  	[tilespmem:s19+$0xFFFFFFF0] =	vst v4;
	v9 =	vld [tilespmem:s25+$0xFFFFFFE0]  }
0x576: {  	[tilespmem:s19+$0x10] =	vst v2;
	v6 =	vld [tilespmem:s25+$0xFFFFFFF0];
	v14 =	vadd.f32 v7, v15  }
0x577: {  	s24 =	simm.s32 $0x1D7C0;
	v8 =	vld [tilespmem:s25+$0x0];
	[tilespmem:s19+$0x20] =	vst v1  }
0x578: {  	v12 =	vadd.f32 v12, v10;
	v7 =	vld [tilespmem:s25+$0x10];
	[tilespmem:s24+$0x30] =	vst v14  }
0x579: {  	s28 =	simm.s32 $0x80;
	s31 =	simm.s32 $0x19840;
	s29 =	simm.s32 $0x187C0;
	v11 =	vadd.f32 v13, v11;
	v10 =	vld [tilespmem:s25+$0x20];
	[tilespmem:s19+$0xFFFFFFC0] =	vst v0  }
.LBB2_32:
0x57a: {  	v13 =	vld [tilespmem:s31+$0x30];
	s28 =	sadd.s32 $0x80, s28;
	v5 =	vadd.f32 v9, v5;
	[tilespmem:s16+$0xFFFFFFC0] =	vst v12;
	s16 =	smov.u32 s24  }
0x57b: {  	v9 =	vld [tilespmem:s31+$0xFFFFFFD0];
	p1 =	slt.u32 s28, $0x780;
	[tilespmem:s24+$0xFFFFFFD0] =	vst v11;
	v4 =	vadd.f32 v6, v4  }
0x57c: {  	v6 =	vld [tilespmem:s31+$0xFFFFFFE0];
	[tilespmem:s24+$0xFFFFFFE0] =	vst v5;
	v3 =	vadd.f32 v8, v3  }
0x57d: {  	v8 =	vld [tilespmem:s31+$0xFFFFFFF0];
	[tilespmem:s24+$0xFFFFFFF0] =	vst v4;
	v2 =	vadd.f32 v7, v2  }
0x57e: {  	v7 =	vld [tilespmem:s31+$0x0];
	[tilespmem:s24+$0x0] =	vst v3;
	v1 =	vadd.f32 v10, v1  }
0x57f: {  	v10 =	vld [tilespmem:s31+$0x10];
	[tilespmem:s24+$0x10] =	vst v2  }
0x580: {  	v11 =	vld [tilespmem:s31+$0x20];
	[tilespmem:s24+$0x20] =	vst v1  }
0x581: {  	v12 =	vld [tilespmem:s31+$0xFFFFFFC0]  }
0x582: {  	v13 =	vld.idx.msk [tilespmem:v13+s5+$0x0], $0xffff  }
0x583: {  	v14 =	vld.idx.msk [tilespmem:v9+s5+$0x0], $0xffff  }
0x584: {  	v5 =	vld.idx.msk [tilespmem:v6+s5+$0x0], $0xffff  }
0x585: {  	v4 =	vld.idx.msk [tilespmem:v8+s5+$0x0], $0xffff  }
0x586: {  	v3 =	vld.idx.msk [tilespmem:v7+s5+$0x0], $0xffff  }
0x587: {  	s19 =	sadd.s32 $0x80, s19;
	v2 =	vld.idx.msk [tilespmem:v10+s5+$0x0], $0xffff  }
0x588: {  	s25 =	sadd.s32 $0x80, s25;
	v1 =	vld.idx.msk [tilespmem:v11+s5+$0x0], $0xffff;
	[tilespmem:s19+$0x30] =	vst v13  }
0x589: {  	[tilespmem:s19+$0xFFFFFFD0] =	vst v14;
	v7 =	vld [tilespmem:s25+$0x30]  }
0x58a: {  	v10 =	vld.idx.msk [tilespmem:v12+s5+$0x0], $0xffff;
	[tilespmem:s19+$0xFFFFFFE0] =	vst v5  }
0x58b: {  	[tilespmem:s19+$0xFFFFFFF0] =	vst v4;
	v11 =	vld [tilespmem:s29+$0xFFFFFFC0];
	s29 =	smov.u32 s25  }
0x58c: {  	v15 =	vld [tilespmem:s25+$0xFFFFFFD0];
	[tilespmem:s19+$0x0] =	vst v3  }
.Ltmp17:
0x58d: {  	v9 =	vld [tilespmem:s25+$0xFFFFFFE0];
	[tilespmem:s19+$0x10] =	vst v2;
	(pc) =	sbr.rel @p1 .LBB2_32-.Ltmp17, $4  }
0x58e: {  	v6 =	vld [tilespmem:s25+$0xFFFFFFF0];
	[tilespmem:s19+$0x20] =	vst v1;
	v12 =	vadd.f32 v7, v13  }
0x58f: {  	s24 =	sadd.s32 $0x80, s24;
	v8 =	vld [tilespmem:s25+$0x0]  }
0x590: {  	v7 =	vld [tilespmem:s25+$0x10];
	[tilespmem:s24+$0x30] =	vst v12;
	v12 =	vadd.f32 v11, v0;
	v0 =	vmov v10  }
0x591: {  	s31 =	sadd.s32 $0x80, s31;
	[tilespmem:s19+$0xFFFFFFC0] =	vst v0;
	v11 =	vadd.f32 v15, v14;
	v10 =	vld [tilespmem:s25+$0x20]  }
0x592: {  	v5 =	vadd.f32 v9, v5;
	[tilespmem:s16+$0xFFFFFFC0] =	vst v12;
	v9 =	vld [tilespmem:s29+$0xFFFFFFC0]  }
0x593: {  	[tilespmem:s24+$0xFFFFFFD0] =	vst v11;
	v4 =	vadd.f32 v6, v4  }
0x594: {  	[tilespmem:s24+$0xFFFFFFE0] =	vst v5;
	v3 =	vadd.f32 v8, v3  }
0x595: {  	[tilespmem:s24+$0xFFFFFFF0] =	vst v4;
	v2 =	vadd.f32 v7, v2  }
0x596: {  	[tilespmem:s24+$0x0] =	vst v3;
	v1 =	vadd.f32 v10, v1  }
0x597: {  	[tilespmem:s24+$0x10] =	vst v2;
	v0 =	vadd.f32 v9, v0  }
0x598: {  	s16 =	sor.u32 $0x4000, s6;
	[tilespmem:s24+$0x20] =	vst v1  }
0x599: {  	s25 =	simm.s32 $0x1B700;
	s19 =	sadd.s32 s3, s16;
	[tilespmem:s24+$0xFFFFFFC0] =	vst v0  }
0x59a: {  	[hbm4b:s19+s12] =	stream.strided.scatter [tilespmem:s25], [sflag:$0x8], $0x800, s13, s12, $0x38;
	[tilespmem:$0x1EF00] =	vst v63  }
0x59b: {  	s16 =	sadd.s32 s2, s16;
	s24 =	simm.s32 $0x1D700  }
0x59c: {  	[hbm4b:s16+s12] =	stream.strided.scatter [tilespmem:s24], [sflag:$0xC], $0x800, s13, s12, $0x38;
	[tilespmem:$0x1EF00] =	vst v63  }
0x59d: {  	s16 =	sadd.s32 @!p0 $0x5, s21  }
0x59e: {  	s19 =	sshll.u32 @!p0 s16, $0x4  }
0x59f: {  	s16 =	sshll.u32 @!p0 s16, $0x8;
	s19 =	sand.u32 @!p0 $0x50, s19  }
0x5a0: {  	s25 =	simm.s32 @!p0 $0x19700;
	s16 =	sand.u32 @!p0 $0x7800, s16;
	s19 =	sadd.s32 @!p0 s1, s19  }
0x5a1: {  	s24 =	simm.s32 @!p0 $0x400;
	s16 =	sadd.s32 @!p0 s16, s19;
	s19 =	simm.s32 @!p0 $0x80  }
0x5a2: {  	[tilespmem:s25], [sflag:$0x4] =	stream.strided.gather @!p0 [hbm4b:s16+s19], $0x800, s24, s19, $0x38;
	[tilespmem:$0x1EF00] =	vst v63  }
0x5a3: {  	_ =	swait.ge [sflag:s30], $0x800  }
0x5a4: {  	[sflag:s30] =	ssyncset.done $0x0  }
0x5a5: {  	[sflag:s30] =	ssyncadd.s32 $0xFFFFF800  }
0x5a6: {  	_ =	swait.ge [sflag:s9], $0x800  }
0x5a7: {  	[sflag:s9] =	ssyncset.done $0x0  }
0x5a8: {  	[sflag:s9] =	ssyncadd.s32 $0xFFFFF800  }
0x5a9: {  	_ =	swait.ge [sflag:s10], $0x800  }
0x5aa: {  	[sflag:s10] =	ssyncset.done $0x0  }
0x5ab: {  	s25 =	simm.s32 $0x19F40;
	[sflag:s10] =	ssyncadd.s32 $0xFFFFF800  }
0x5ac: {  	v0 =	vld [tilespmem:s25+$0x30]  }
0x5ad: {  	v1 =	vld [tilespmem:s25+$0xFFFFFFD0]  }
0x5ae: {  	v2 =	vld [tilespmem:s25+$0xFFFFFFE0]  }
0x5af: {  	v3 =	vld [tilespmem:s25+$0xFFFFFFF0]  }
0x5b0: {  	v4 =	vld [tilespmem:s25+$0x0]  }
0x5b1: {  	v5 =	vld [tilespmem:s25+$0x10]  }
0x5b2: {  	v6 =	vld [tilespmem:s25+$0x20]  }
0x5b3: {  	v7 =	vld [tilespmem:s25+$0xFFFFFFC0];
	s25 =	simm.s32 $0x19FC0  }
0x5b4: {  	v15 =	vld [tilespmem:s25+$0x30]  }
0x5b5: {  	v16 =	vld [tilespmem:s25+$0xFFFFFFD0]  }
0x5b6: {  	v17 =	vld [tilespmem:s25+$0xFFFFFFE0]  }
0x5b7: {  	v18 =	vld [tilespmem:s25+$0xFFFFFFF0]  }
0x5b8: {  	v19 =	vld [tilespmem:s25+$0x0]  }
0x5b9: {  	v20 =	vld [tilespmem:s25+$0x10]  }
0x5ba: {  	v0 =	vld.idx.msk [tilespmem:v0+s5+$0x0], $0xffff  }
0x5bb: {  	v1 =	vld.idx.msk [tilespmem:v1+s5+$0x0], $0xffff  }
0x5bc: {  	v2 =	vld.idx.msk [tilespmem:v2+s5+$0x0], $0xffff  }
0x5bd: {  	v3 =	vld.idx.msk [tilespmem:v3+s5+$0x0], $0xffff  }
0x5be: {  	v4 =	vld.idx.msk [tilespmem:v4+s5+$0x0], $0xffff  }
0x5bf: {  	v8 =	vld.idx.msk [tilespmem:v5+s5+$0x0], $0xffff  }
0x5c0: {  	v6 =	vld.idx.msk [tilespmem:v6+s5+$0x0], $0xffff  }
0x5c1: {  	s19 =	simm.s32 $0x1BF40;
	v10 =	vld.idx.msk [tilespmem:v7+s5+$0x0], $0xffff  }
0x5c2: {  	s24 =	simm.s32 $0x18740;
	v15 =	vld.idx.msk [tilespmem:v15+s5+$0x0], $0xffff;
	[tilespmem:s19+$0x30] =	vst v0  }
0x5c3: {  	[tilespmem:s19+$0xFFFFFFD0] =	vst v1;
	v5 =	vld [tilespmem:s24+$0x30]  }
0x5c4: {  	[tilespmem:s19+$0xFFFFFFE0] =	vst v2;
	v7 =	vld [tilespmem:s24+$0xFFFFFFD0]  }
0x5c5: {  	[tilespmem:s19+$0xFFFFFFF0] =	vst v3;
	v9 =	vld [tilespmem:s24+$0xFFFFFFE0]  }
0x5c6: {  	[tilespmem:s19+$0x0] =	vst v4;
	v11 =	vld [tilespmem:s24+$0xFFFFFFF0]  }
0x5c7: {  	[tilespmem:s19+$0x10] =	vst v8;
	v12 =	vld [tilespmem:s24+$0x0]  }
0x5c8: {  	v13 =	vld [tilespmem:s24+$0x10]  }
0x5c9: {  	[tilespmem:s19+$0x20] =	vst v6;
	v1 =	vadd.f32 v7, v1;
	v7 =	vld [tilespmem:s25+$0x20]  }
0x5ca: {  	[tilespmem:s19+$0xFFFFFFC0] =	vst v10;
	s19 =	simm.s32 $0x1BFC0;
	v14 =	vld [tilespmem:s24+$0x20];
	v0 =	vadd.f32 v5, v0  }
0x5cb: {  	s16 =	simm.s32 $0x1DF40;
	[tilespmem:s19+$0x30] =	vst v15;
	v5 =	vld.idx.msk [tilespmem:v17+s5+$0x0], $0xffff  }
0x5cc: {  	[tilespmem:s16+$0x30] =	vst v0;
	v0 =	vadd.f32 v9, v2;
	v9 =	vld [tilespmem:s25+$0xFFFFFFC0]  }
0x5cd: {  	[tilespmem:s16+$0xFFFFFFD0] =	vst v1;
	v1 =	vadd.f32 v11, v3;
	v11 =	vld.idx.msk [tilespmem:v16+s5+$0x0], $0xffff  }
0x5ce: {  	v3 =	vld.idx.msk [tilespmem:v19+s5+$0x0], $0xffff;
	[tilespmem:s16+$0xFFFFFFE0] =	vst v0  }
0x5cf: {  	v2 =	vld.idx.msk [tilespmem:v20+s5+$0x0], $0xffff;
	[tilespmem:s16+$0xFFFFFFF0] =	vst v1;
	v1 =	vadd.f32 v13, v8  }
0x5d0: {  	v0 =	vadd.f32 v12, v4;
	v4 =	vld.idx.msk [tilespmem:v18+s5+$0x0], $0xffff;
	[tilespmem:s19+$0xFFFFFFE0] =	vst v5  }
0x5d1: {  	s25 =	simm.s32 $0x187C0;
	[tilespmem:s16+$0x10] =	vst v1;
	v1 =	vld.idx.msk [tilespmem:v7+s5+$0x0], $0xffff  }
0x5d2: {  	[tilespmem:s16+$0x0] =	vst v0;
	v7 =	vld [tilespmem:s25+$0x30]  }
0x5d3: {  	v12 =	vld [tilespmem:s24+$0xFFFFFFC0];
	v0 =	vadd.f32 v14, v6;
	[tilespmem:s19+$0xFFFFFFD0] =	vst v11  }
0x5d4: {  	[tilespmem:s19+$0x0] =	vst v3;
	v13 =	vld [tilespmem:s25+$0xFFFFFFD0]  }
0x5d5: {  	[tilespmem:s16+$0x20] =	vst v0;
	v0 =	vld.idx.msk [tilespmem:v9+s5+$0x0], $0xffff  }
0x5d6: {  	[tilespmem:s19+$0xFFFFFFF0] =	vst v4;
	v9 =	vld [tilespmem:s25+$0xFFFFFFE0]  }
0x5d7: {  	[tilespmem:s19+$0x10] =	vst v2;
	v6 =	vld [tilespmem:s25+$0xFFFFFFF0];
	v14 =	vadd.f32 v7, v15  }
0x5d8: {  	s24 =	simm.s32 $0x1DFC0;
	v8 =	vld [tilespmem:s25+$0x0];
	[tilespmem:s19+$0x20] =	vst v1  }
0x5d9: {  	v12 =	vadd.f32 v12, v10;
	v7 =	vld [tilespmem:s25+$0x10];
	[tilespmem:s24+$0x30] =	vst v14  }
0x5da: {  	s28 =	simm.s32 $0x80;
	s31 =	simm.s32 $0x1A040;
	s29 =	simm.s32 $0x187C0;
	v11 =	vadd.f32 v13, v11;
	v10 =	vld [tilespmem:s25+$0x20];
	[tilespmem:s19+$0xFFFFFFC0] =	vst v0  }
.LBB2_34:
0x5db: {  	v13 =	vld [tilespmem:s31+$0x30];
	s28 =	sadd.s32 $0x80, s28;
	v5 =	vadd.f32 v9, v5;
	[tilespmem:s16+$0xFFFFFFC0] =	vst v12;
	s16 =	smov.u32 s24  }
0x5dc: {  	v9 =	vld [tilespmem:s31+$0xFFFFFFD0];
	p1 =	slt.u32 s28, $0x780;
	[tilespmem:s24+$0xFFFFFFD0] =	vst v11;
	v4 =	vadd.f32 v6, v4  }
0x5dd: {  	v6 =	vld [tilespmem:s31+$0xFFFFFFE0];
	[tilespmem:s24+$0xFFFFFFE0] =	vst v5;
	v3 =	vadd.f32 v8, v3  }
0x5de: {  	v8 =	vld [tilespmem:s31+$0xFFFFFFF0];
	[tilespmem:s24+$0xFFFFFFF0] =	vst v4;
	v2 =	vadd.f32 v7, v2  }
0x5df: {  	v7 =	vld [tilespmem:s31+$0x0];
	[tilespmem:s24+$0x0] =	vst v3;
	v1 =	vadd.f32 v10, v1  }
0x5e0: {  	v10 =	vld [tilespmem:s31+$0x10];
	[tilespmem:s24+$0x10] =	vst v2  }
0x5e1: {  	v11 =	vld [tilespmem:s31+$0x20];
	[tilespmem:s24+$0x20] =	vst v1  }
0x5e2: {  	v12 =	vld [tilespmem:s31+$0xFFFFFFC0]  }
0x5e3: {  	v13 =	vld.idx.msk [tilespmem:v13+s5+$0x0], $0xffff  }
0x5e4: {  	v14 =	vld.idx.msk [tilespmem:v9+s5+$0x0], $0xffff  }
0x5e5: {  	v5 =	vld.idx.msk [tilespmem:v6+s5+$0x0], $0xffff  }
0x5e6: {  	v4 =	vld.idx.msk [tilespmem:v8+s5+$0x0], $0xffff  }
0x5e7: {  	v3 =	vld.idx.msk [tilespmem:v7+s5+$0x0], $0xffff  }
0x5e8: {  	s19 =	sadd.s32 $0x80, s19;
	v2 =	vld.idx.msk [tilespmem:v10+s5+$0x0], $0xffff  }
0x5e9: {  	s25 =	sadd.s32 $0x80, s25;
	v1 =	vld.idx.msk [tilespmem:v11+s5+$0x0], $0xffff;
	[tilespmem:s19+$0x30] =	vst v13  }
0x5ea: {  	[tilespmem:s19+$0xFFFFFFD0] =	vst v14;
	v7 =	vld [tilespmem:s25+$0x30]  }
0x5eb: {  	v10 =	vld.idx.msk [tilespmem:v12+s5+$0x0], $0xffff;
	[tilespmem:s19+$0xFFFFFFE0] =	vst v5  }
0x5ec: {  	[tilespmem:s19+$0xFFFFFFF0] =	vst v4;
	v11 =	vld [tilespmem:s29+$0xFFFFFFC0];
	s29 =	smov.u32 s25  }
0x5ed: {  	v15 =	vld [tilespmem:s25+$0xFFFFFFD0];
	[tilespmem:s19+$0x0] =	vst v3  }
.Ltmp18:
0x5ee: {  	v9 =	vld [tilespmem:s25+$0xFFFFFFE0];
	[tilespmem:s19+$0x10] =	vst v2;
	(pc) =	sbr.rel @p1 .LBB2_34-.Ltmp18, $4  }
0x5ef: {  	v6 =	vld [tilespmem:s25+$0xFFFFFFF0];
	[tilespmem:s19+$0x20] =	vst v1;
	v12 =	vadd.f32 v7, v13  }
0x5f0: {  	s24 =	sadd.s32 $0x80, s24;
	v8 =	vld [tilespmem:s25+$0x0]  }
0x5f1: {  	v7 =	vld [tilespmem:s25+$0x10];
	[tilespmem:s24+$0x30] =	vst v12;
	v12 =	vadd.f32 v11, v0;
	v0 =	vmov v10  }
0x5f2: {  	s31 =	sadd.s32 $0x80, s31;
	[tilespmem:s19+$0xFFFFFFC0] =	vst v0;
	v11 =	vadd.f32 v15, v14;
	v10 =	vld [tilespmem:s25+$0x20]  }
0x5f3: {  	v5 =	vadd.f32 v9, v5;
	[tilespmem:s16+$0xFFFFFFC0] =	vst v12;
	v9 =	vld [tilespmem:s29+$0xFFFFFFC0]  }
0x5f4: {  	[tilespmem:s24+$0xFFFFFFD0] =	vst v11;
	v4 =	vadd.f32 v6, v4  }
0x5f5: {  	[tilespmem:s24+$0xFFFFFFE0] =	vst v5;
	v3 =	vadd.f32 v8, v3  }
0x5f6: {  	[tilespmem:s24+$0xFFFFFFF0] =	vst v4;
	v2 =	vadd.f32 v7, v2  }
0x5f7: {  	[tilespmem:s24+$0x0] =	vst v3;
	v1 =	vadd.f32 v10, v1  }
0x5f8: {  	[tilespmem:s24+$0x10] =	vst v2;
	v0 =	vadd.f32 v9, v0  }
0x5f9: {  	s16 =	sor.u32 $0x8000, s6;
	[tilespmem:s24+$0x20] =	vst v1  }
0x5fa: {  	s25 =	simm.s32 $0x1BF00;
	s19 =	sadd.s32 s3, s16;
	[tilespmem:s24+$0xFFFFFFC0] =	vst v0  }
0x5fb: {  	[hbm4b:s19+s12] =	stream.strided.scatter [tilespmem:s25], [sflag:$0x9], $0x800, s13, s12, $0x38;
	[tilespmem:$0x1EF00] =	vst v63  }
0x5fc: {  	s16 =	sadd.s32 s2, s16  }
0x5fd: {  	[hbm4b:s16+s12] =	stream.strided.scatter [tilespmem:s14], [sflag:$0xD], $0x800, s13, s12, $0x38;
	[tilespmem:$0x1EF00] =	vst v63  }
0x5fe: {  	s16 =	sadd.s32 @!p0 $0x6, s21  }
0x5ff: {  	s19 =	sshll.u32 @!p0 s16, $0x4  }
0x600: {  	s16 =	sshll.u32 @!p0 s16, $0x8;
	s19 =	sand.u32 @!p0 $0x60, s19  }
0x601: {  	s24 =	simm.s32 @!p0 $0x400;
	s16 =	sand.u32 @!p0 $0x7800, s16;
	s19 =	sadd.s32 @!p0 s1, s19  }
0x602: {  	s25 =	simm.s32 @!p0 $0x19F00;
	s16 =	sadd.s32 @!p0 s16, s19;
	s19 =	simm.s32 @!p0 $0x80  }
0x603: {  	[tilespmem:s25], [sflag:$0x5] =	stream.strided.gather @!p0 [hbm4b:s16+s19], $0x800, s24, s19, $0x38;
	[tilespmem:$0x1EF00] =	vst v63  }
0x604: {  	_ =	swait.ge [sflag:s15], $0x800  }
0x605: {  	[sflag:s15] =	ssyncset.done $0x0  }
0x606: {  	[sflag:s15] =	ssyncadd.s32 $0xFFFFF800  }
0x607: {  	_ =	swait.ge [sflag:s11], $0x800  }
0x608: {  	[sflag:s11] =	ssyncset.done $0x0  }
0x609: {  	[sflag:s11] =	ssyncadd.s32 $0xFFFFF800  }
0x60a: {  	_ =	swait.ge [sflag:s20], $0x800  }
0x60b: {  	[sflag:s20] =	ssyncset.done $0x0  }
0x60c: {  	s25 =	simm.s32 $0x1A740;
	[sflag:s20] =	ssyncadd.s32 $0xFFFFF800  }
0x60d: {  	v0 =	vld [tilespmem:s25+$0x30]  }
0x60e: {  	v1 =	vld [tilespmem:s25+$0xFFFFFFD0]  }
0x60f: {  	v2 =	vld [tilespmem:s25+$0xFFFFFFE0]  }
0x610: {  	v3 =	vld [tilespmem:s25+$0xFFFFFFF0]  }
0x611: {  	v4 =	vld [tilespmem:s25+$0x0]  }
0x612: {  	v5 =	vld [tilespmem:s25+$0x10]  }
0x613: {  	v6 =	vld [tilespmem:s25+$0x20]  }
0x614: {  	v7 =	vld [tilespmem:s25+$0xFFFFFFC0];
	s25 =	simm.s32 $0x1A7C0  }
0x615: {  	v15 =	vld [tilespmem:s25+$0x30]  }
0x616: {  	v16 =	vld [tilespmem:s25+$0xFFFFFFD0]  }
0x617: {  	v17 =	vld [tilespmem:s25+$0xFFFFFFE0]  }
0x618: {  	v18 =	vld [tilespmem:s25+$0xFFFFFFF0]  }
0x619: {  	v19 =	vld [tilespmem:s25+$0x0]  }
0x61a: {  	v20 =	vld [tilespmem:s25+$0x10]  }
0x61b: {  	v0 =	vld.idx.msk [tilespmem:v0+s5+$0x0], $0xffff  }
0x61c: {  	v1 =	vld.idx.msk [tilespmem:v1+s5+$0x0], $0xffff  }
0x61d: {  	v2 =	vld.idx.msk [tilespmem:v2+s5+$0x0], $0xffff  }
0x61e: {  	v3 =	vld.idx.msk [tilespmem:v3+s5+$0x0], $0xffff  }
0x61f: {  	v4 =	vld.idx.msk [tilespmem:v4+s5+$0x0], $0xffff  }
0x620: {  	v8 =	vld.idx.msk [tilespmem:v5+s5+$0x0], $0xffff  }
0x621: {  	v6 =	vld.idx.msk [tilespmem:v6+s5+$0x0], $0xffff  }
0x622: {  	s19 =	simm.s32 $0x1C740;
	v10 =	vld.idx.msk [tilespmem:v7+s5+$0x0], $0xffff  }
0x623: {  	s24 =	simm.s32 $0x18740;
	v15 =	vld.idx.msk [tilespmem:v15+s5+$0x0], $0xffff;
	[tilespmem:s19+$0x30] =	vst v0  }
0x624: {  	[tilespmem:s19+$0xFFFFFFD0] =	vst v1;
	v5 =	vld [tilespmem:s24+$0x30]  }
0x625: {  	[tilespmem:s19+$0xFFFFFFE0] =	vst v2;
	v7 =	vld [tilespmem:s24+$0xFFFFFFD0]  }
0x626: {  	[tilespmem:s19+$0xFFFFFFF0] =	vst v3;
	v9 =	vld [tilespmem:s24+$0xFFFFFFE0]  }
0x627: {  	[tilespmem:s19+$0x0] =	vst v4;
	v11 =	vld [tilespmem:s24+$0xFFFFFFF0]  }
0x628: {  	[tilespmem:s19+$0x10] =	vst v8;
	v12 =	vld [tilespmem:s24+$0x0]  }
0x629: {  	v13 =	vld [tilespmem:s24+$0x10]  }
0x62a: {  	[tilespmem:s19+$0x20] =	vst v6;
	v1 =	vadd.f32 v7, v1;
	v7 =	vld [tilespmem:s25+$0x20]  }
0x62b: {  	[tilespmem:s19+$0xFFFFFFC0] =	vst v10;
	s19 =	simm.s32 $0x1C7C0;
	v14 =	vld [tilespmem:s24+$0x20];
	v0 =	vadd.f32 v5, v0  }
0x62c: {  	s16 =	simm.s32 $0x1E740;
	[tilespmem:s19+$0x30] =	vst v15;
	v5 =	vld.idx.msk [tilespmem:v17+s5+$0x0], $0xffff  }
0x62d: {  	[tilespmem:s16+$0x30] =	vst v0;
	v0 =	vadd.f32 v9, v2;
	v9 =	vld [tilespmem:s25+$0xFFFFFFC0]  }
0x62e: {  	[tilespmem:s16+$0xFFFFFFD0] =	vst v1;
	v1 =	vadd.f32 v11, v3;
	v11 =	vld.idx.msk [tilespmem:v16+s5+$0x0], $0xffff  }
0x62f: {  	v3 =	vld.idx.msk [tilespmem:v19+s5+$0x0], $0xffff;
	[tilespmem:s16+$0xFFFFFFE0] =	vst v0  }
0x630: {  	v2 =	vld.idx.msk [tilespmem:v20+s5+$0x0], $0xffff;
	[tilespmem:s16+$0xFFFFFFF0] =	vst v1;
	v1 =	vadd.f32 v13, v8  }
0x631: {  	v0 =	vadd.f32 v12, v4;
	v4 =	vld.idx.msk [tilespmem:v18+s5+$0x0], $0xffff;
	[tilespmem:s19+$0xFFFFFFE0] =	vst v5  }
0x632: {  	s25 =	simm.s32 $0x187C0;
	[tilespmem:s16+$0x10] =	vst v1;
	v1 =	vld.idx.msk [tilespmem:v7+s5+$0x0], $0xffff  }
0x633: {  	[tilespmem:s16+$0x0] =	vst v0;
	v7 =	vld [tilespmem:s25+$0x30]  }
0x634: {  	v12 =	vld [tilespmem:s24+$0xFFFFFFC0];
	v0 =	vadd.f32 v14, v6;
	[tilespmem:s19+$0xFFFFFFD0] =	vst v11  }
0x635: {  	[tilespmem:s19+$0x0] =	vst v3;
	v13 =	vld [tilespmem:s25+$0xFFFFFFD0]  }
0x636: {  	[tilespmem:s16+$0x20] =	vst v0;
	v0 =	vld.idx.msk [tilespmem:v9+s5+$0x0], $0xffff  }
0x637: {  	[tilespmem:s19+$0xFFFFFFF0] =	vst v4;
	v9 =	vld [tilespmem:s25+$0xFFFFFFE0]  }
0x638: {  	[tilespmem:s19+$0x10] =	vst v2;
	v6 =	vld [tilespmem:s25+$0xFFFFFFF0];
	v14 =	vadd.f32 v7, v15  }
0x639: {  	s24 =	simm.s32 $0x1E7C0;
	v8 =	vld [tilespmem:s25+$0x0];
	[tilespmem:s19+$0x20] =	vst v1  }
0x63a: {  	v12 =	vadd.f32 v12, v10;
	v7 =	vld [tilespmem:s25+$0x10];
	[tilespmem:s24+$0x30] =	vst v14  }
0x63b: {  	s28 =	simm.s32 $0x80;
	s31 =	simm.s32 $0x1A840;
	s29 =	simm.s32 $0x187C0;
	v11 =	vadd.f32 v13, v11;
	v10 =	vld [tilespmem:s25+$0x20];
	[tilespmem:s19+$0xFFFFFFC0] =	vst v0  }
.LBB2_36:
0x63c: {  	v13 =	vld [tilespmem:s31+$0x30];
	s28 =	sadd.s32 $0x80, s28;
	v5 =	vadd.f32 v9, v5;
	[tilespmem:s16+$0xFFFFFFC0] =	vst v12;
	s16 =	smov.u32 s24  }
0x63d: {  	v9 =	vld [tilespmem:s31+$0xFFFFFFD0];
	p1 =	slt.u32 s28, $0x780;
	[tilespmem:s24+$0xFFFFFFD0] =	vst v11;
	v4 =	vadd.f32 v6, v4  }
0x63e: {  	v6 =	vld [tilespmem:s31+$0xFFFFFFE0];
	[tilespmem:s24+$0xFFFFFFE0] =	vst v5;
	v3 =	vadd.f32 v8, v3  }
0x63f: {  	v8 =	vld [tilespmem:s31+$0xFFFFFFF0];
	[tilespmem:s24+$0xFFFFFFF0] =	vst v4;
	v2 =	vadd.f32 v7, v2  }
0x640: {  	v7 =	vld [tilespmem:s31+$0x0];
	[tilespmem:s24+$0x0] =	vst v3;
	v1 =	vadd.f32 v10, v1  }
0x641: {  	v10 =	vld [tilespmem:s31+$0x10];
	[tilespmem:s24+$0x10] =	vst v2  }
0x642: {  	v11 =	vld [tilespmem:s31+$0x20];
	[tilespmem:s24+$0x20] =	vst v1  }
0x643: {  	v12 =	vld [tilespmem:s31+$0xFFFFFFC0]  }
0x644: {  	v13 =	vld.idx.msk [tilespmem:v13+s5+$0x0], $0xffff  }
0x645: {  	v14 =	vld.idx.msk [tilespmem:v9+s5+$0x0], $0xffff  }
0x646: {  	v5 =	vld.idx.msk [tilespmem:v6+s5+$0x0], $0xffff  }
0x647: {  	v4 =	vld.idx.msk [tilespmem:v8+s5+$0x0], $0xffff  }
0x648: {  	v3 =	vld.idx.msk [tilespmem:v7+s5+$0x0], $0xffff  }
0x649: {  	s19 =	sadd.s32 $0x80, s19;
	v2 =	vld.idx.msk [tilespmem:v10+s5+$0x0], $0xffff  }
0x64a: {  	s25 =	sadd.s32 $0x80, s25;
	v1 =	vld.idx.msk [tilespmem:v11+s5+$0x0], $0xffff;
	[tilespmem:s19+$0x30] =	vst v13  }
0x64b: {  	[tilespmem:s19+$0xFFFFFFD0] =	vst v14;
	v7 =	vld [tilespmem:s25+$0x30]  }
0x64c: {  	v10 =	vld.idx.msk [tilespmem:v12+s5+$0x0], $0xffff;
	[tilespmem:s19+$0xFFFFFFE0] =	vst v5  }
0x64d: {  	[tilespmem:s19+$0xFFFFFFF0] =	vst v4;
	v11 =	vld [tilespmem:s29+$0xFFFFFFC0];
	s29 =	smov.u32 s25  }
0x64e: {  	v15 =	vld [tilespmem:s25+$0xFFFFFFD0];
	[tilespmem:s19+$0x0] =	vst v3  }
.Ltmp19:
0x64f: {  	v9 =	vld [tilespmem:s25+$0xFFFFFFE0];
	[tilespmem:s19+$0x10] =	vst v2;
	(pc) =	sbr.rel @p1 .LBB2_36-.Ltmp19, $4  }
0x650: {  	v6 =	vld [tilespmem:s25+$0xFFFFFFF0];
	[tilespmem:s19+$0x20] =	vst v1;
	v12 =	vadd.f32 v7, v13  }
0x651: {  	s24 =	sadd.s32 $0x80, s24;
	v8 =	vld [tilespmem:s25+$0x0]  }
0x652: {  	v7 =	vld [tilespmem:s25+$0x10];
	[tilespmem:s24+$0x30] =	vst v12;
	v12 =	vadd.f32 v11, v0;
	v0 =	vmov v10  }
0x653: {  	s31 =	sadd.s32 $0x80, s31;
	[tilespmem:s19+$0xFFFFFFC0] =	vst v0;
	v11 =	vadd.f32 v15, v14;
	v10 =	vld [tilespmem:s25+$0x20]  }
0x654: {  	v5 =	vadd.f32 v9, v5;
	[tilespmem:s16+$0xFFFFFFC0] =	vst v12;
	v63 =	vld [tilespmem:s29+$0xFFFFFFC0]  }
0x655: {  	[tilespmem:s24+$0xFFFFFFD0] =	vst v11;
	v4 =	vadd.f32 v6, v4  }
0x656: {  	[tilespmem:s24+$0xFFFFFFE0] =	vst v5;
	v3 =	vadd.f32 v8, v3  }
0x657: {  	[tilespmem:s24+$0xFFFFFFF0] =	vst v4;
	v2 =	vadd.f32 v7, v2  }
0x658: {  	[tilespmem:s24+$0x0] =	vst v3;
	v1 =	vadd.f32 v10, v1  }
0x659: {  	[tilespmem:s24+$0x10] =	vst v2;
	v0 =	vadd.f32 v63, v0  }
.Ltmp20:
0x65a: {  	s6 =	sor.u32 $0xC000, s6;
	[tilespmem:s24+$0x20] =	vst v1;
	(pc) =	sbr.rel @p0 .LBB2_39-.Ltmp20, $4  }
0x65b: {  	s31 =	sadd.s32 s3, s6;
	[tilespmem:s24+$0xFFFFFFC0] =	vst v0  }
0x65c: {  	[hbm4b:s31+s12] =	stream.strided.scatter [tilespmem:s17], [sflag:$0xA], $0x800, s13, s12, $0x38;
	[tilespmem:$0x1EF00] =	vst v63  }
0x65d: {  	s6 =	sadd.s32 s2, s6  }
0x65e: {  	[hbm4b:s6+s12] =	stream.strided.scatter [tilespmem:s18], [sflag:$0xE], $0x800, s13, s12, $0x38;
	[tilespmem:$0x1EF00] =	vst v63  }
0x65f: {  	s6 =	sadd.s32 $0x7, s21  }
.Ltmp21:
0x660: {  	s16 =	sshll.u32 s6, $0x4;
	(pc) =	sbr.rel .LBB2_29-.Ltmp21, $4  }
0x661: {  	s6 =	sshll.u32 s6, $0x8;
	s16 =	sand.u32 $0x70, s16  }
0x662: {  	s6 =	sand.u32 $0x7800, s6;
	s16 =	sadd.s32 s1, s16  }
0x663: {  	s31 =	simm.s32 $0x1A700;
	s22 =	sadd.s32 $0x1, s22;
	s6 =	sadd.s32 s6, s16  }
0x664: {  	[tilespmem:s31], [sflag:$0x6] =	stream.strided.gather [hbm4b:s6+s12], $0x800, s13, s12, $0x38;
	[tilespmem:$0x1EF00] =	vst v63  }
.LBB2_40:
0x665: {  	_ =	sfence.sel $0x180000  }
0x666: {  	[bflag:$0x0] =	sbarrier.arrive $0xFFFF  }
0x667: {  	_ =	strace $0x90000047  }
0x668: {  	s0 =	stileid.u32;
	[bflag:$0x2] =	sbarrier.arrive $0xFFFF  }
0x669: {  	p0 =	sne.s32 s0, $0x0;
	s0 =	rddreg [dreg:$0x6]  }
0x66a: {  	s0 =	sadd.s32 @!p0 $0x100000, s0  }
0x66b: {  	[sflag:s0] =	ssyncadd.tile.s32 @!p0 $0x1;
	_ =	shalt  }
.Lfunc_end2:
_tile_overlayer_lowered:
.L_overlay_start_2:
0x66c: {  	(tag) =	ssettag $0x2  }
0x66d: {  	s0 =	rddreg [dreg:$0x0];
	s2 =	stileid.u32  }
0x66e: {  	s1 =	rddreg [dreg:$0x1];
	p0 =	sne.s32 s2, $0x0  }
0x66f: {  	s3 =	rddreg [dreg:$0x2];
	[bflag:$0x3] =	sbarrier.arrive $0xFFFF;
	s2 =	simm.s32 @!p0 $0x1C0F  }
0x670: {  	[timem:s3], [sflag:s2] =	dma.local @!p0 [hbm:s0], s1  }
0x671: {  	s0 =	simm.s32 @!p0 $0xF  }
0x672: {  	_ =	swait.ge @!p0 [sflag:s0], s1  }
0x673: {  	s1 =	ssub.s32 @!p0 $0x0, s1;
	[sflag:s0] =	ssyncset.done @!p0 $0x0  }
0x674: {  	[sflag:s0] =	ssyncadd.s32 @!p0 s1  }
0x675: {  	[bflag:$0x3] =	sbarrier.arrive $0xFFFF  }
0x676: {  	_ =	shalt  }

</sc_bundles>
